<compile_context>
chip_gen: v7x
topology: tpu7x:2x2x1
jax: 0.10.2.dev20260603
libtpu: 0.0.44.dev20260713+nightly
codegen_flags: <defaults>
</compile_context>

<pallas_src>
import functools

import jax
import jax.numpy as jnp
from jax import lax
from jax.experimental import pallas as pl
from jax.experimental.pallas import tpu as pltpu
from jax.experimental.pallas import tpu_sc as plsc

_L = 16
_NSUB = 16
_NCORE = 2
_NW = _NSUB * _NCORE
_CHUNK = 64
_BLK = 2000



def _dense1_body(x_ref, w_ref, asr_ref, adr_ref, we_ref, ate_ref,
                 h_ref, s_ref, d_ref, ce_ref):
    h = jnp.dot(x_ref[...], w_ref[...], preferred_element_type=jnp.float32)
    h_ref[...] = h
    s_ref[...] = jnp.dot(h, asr_ref[...], preferred_element_type=jnp.float32)
    d_ref[...] = jnp.dot(h, adr_ref[...], preferred_element_type=jnp.float32)
    ce_ref[...] = jnp.full((1, 128), jnp.sum(we_ref[...] * ate_ref[...]),
                           dtype=jnp.float32)


def _mid_body(num_ref, den_ref, b_ref, w_ref, asr_ref, adr_ref, we_ref, ate_ref,
              h_ref, s_ref, d_ref, ce_ref):
    nm = num_ref[0] + num_ref[1]
    dn = jnp.sum(den_ref[...], axis=1, keepdims=True)
    h1 = nm / (dn + 1e-16) + b_ref[...]
    h1 = jnp.maximum(h1, 0.0)
    h = jnp.dot(h1, w_ref[...], preferred_element_type=jnp.float32)
    h_ref[...] = h
    s_ref[...] = jnp.dot(h, asr_ref[...], preferred_element_type=jnp.float32)
    d_ref[...] = jnp.dot(h, adr_ref[...], preferred_element_type=jnp.float32)
    ce_ref[...] = jnp.full((1, 128), jnp.sum(we_ref[...] * ate_ref[...]),
                           dtype=jnp.float32)


def _final_body(num_ref, den_ref, b_ref, out_ref):
    nm = num_ref[0] + num_ref[1]
    dn = jnp.sum(den_ref[...], axis=1, keepdims=True)
    out_ref[...] = nm / (dn + 1e-16) + b_ref[...]


def _run_dense1(x, W, att_s, att_d, We, att_e, n):
    grid = n // _BLK
    full = lambda i: (0, 0)
    row = lambda i: (i, 0)
    return pl.pallas_call(
        _dense1_body,
        grid=(grid,),
        in_specs=[
            pl.BlockSpec((_BLK, 128), row),
            pl.BlockSpec((128, 128), full),
            pl.BlockSpec((128, 1), full),
            pl.BlockSpec((128, 1), full),
            pl.BlockSpec((1, 128), full),
            pl.BlockSpec((1, 128), full),
        ],
        out_specs=[
            pl.BlockSpec((_BLK, 128), row),
            pl.BlockSpec((_BLK, 1), row),
            pl.BlockSpec((_BLK, 1), row),
            pl.BlockSpec((1, 128), full),
        ],
        out_shape=[
            jax.ShapeDtypeStruct((n, 128), jnp.float32),
            jax.ShapeDtypeStruct((n, 1), jnp.float32),
            jax.ShapeDtypeStruct((n, 1), jnp.float32),
            jax.ShapeDtypeStruct((1, 128), jnp.float32),
        ],
    )(x, W, att_s, att_d, We, att_e)


def _run_mid(num, den_t, b, W, att_s, att_d, We, att_e, n):
    grid = n // _BLK
    full = lambda i: (0, 0)
    row = lambda i: (i, 0)
    return pl.pallas_call(
        _mid_body,
        grid=(grid,),
        in_specs=[
            pl.BlockSpec((2, _BLK, 128), lambda i: (0, i, 0)),
            pl.BlockSpec((_BLK, 32), row),
            pl.BlockSpec((1, 128), full),
            pl.BlockSpec((128, 128), full),
            pl.BlockSpec((128, 1), full),
            pl.BlockSpec((128, 1), full),
            pl.BlockSpec((1, 128), full),
            pl.BlockSpec((1, 128), full),
        ],
        out_specs=[
            pl.BlockSpec((_BLK, 128), row),
            pl.BlockSpec((_BLK, 1), row),
            pl.BlockSpec((_BLK, 1), row),
            pl.BlockSpec((1, 128), full),
        ],
        out_shape=[
            jax.ShapeDtypeStruct((n, 128), jnp.float32),
            jax.ShapeDtypeStruct((n, 1), jnp.float32),
            jax.ShapeDtypeStruct((n, 1), jnp.float32),
            jax.ShapeDtypeStruct((1, 128), jnp.float32),
        ],
    )(num, den_t, b, W, att_s, att_d, We, att_e)


def _run_final(num, den_t, b, n):
    grid = n // _BLK
    full = lambda i: (0, 0)
    row = lambda i: (i, 0)
    return pl.pallas_call(
        _final_body,
        grid=(grid,),
        in_specs=[
            pl.BlockSpec((2, _BLK, 128), lambda i: (0, i, 0)),
            pl.BlockSpec((_BLK, 32), row),
            pl.BlockSpec((1, 128), full),
        ],
        out_specs=pl.BlockSpec((_BLK, 128), row),
        out_shape=jax.ShapeDtypeStruct((n, 128), jnp.float32),
    )(num, den_t, b)



def _make_edge_kernel(n, e, m0, m1):
    npad = -(-n // (_NSUB * _CHUNK)) * (_NSUB * _CHUNK)
    rows_per_tile = npad // _NSUB
    nfull = rows_per_tile // _CHUNK

    mesh = plsc.VectorSubcoreMesh(core_axis_name="c", subcore_axis_name="s")

    @functools.partial(
        pl.kernel,
        out_type=[
            jax.ShapeDtypeStruct((_NCORE * npad, 128), jnp.float32),
            jax.ShapeDtypeStruct((_NW * n,), jnp.float32),
        ],
        mesh=mesh,
        scratch_types=[
            pltpu.VMEM((n,), jnp.float32),
            pltpu.VMEM((n,), jnp.float32),
            pltpu.VMEM((n,), jnp.float32),
            [pltpu.VMEM((_CHUNK,), jnp.int32) for _ in range(2)],
            [pltpu.VMEM((_CHUNK,), jnp.int32) for _ in range(2)],
            [pltpu.VMEM((_CHUNK,), jnp.float32) for _ in range(2)],
            [pltpu.VMEM((_CHUNK,), jnp.int32) for _ in range(2)],
            [pltpu.VMEM((_CHUNK, 128), jnp.float32) for _ in range(2)],
            [pltpu.VMEM((_CHUNK,), jnp.float32) for _ in range(2)],
            pltpu.VMEM((_L,), jnp.float32),
            pltpu.VMEM_SHARED((npad, 128), jnp.float32),
            [pltpu.SemaphoreType.DMA for _ in range(6)],
        ],
        compiler_params=pltpu.CompilerParams(needs_layout_passes=False),
    )
    def edge_kernel(h_hbm, asrc_hbm, adst_hbm, src_hbm, dst_hbm, ea_hbm, ce_hbm,
                    num_out, den_out,
                    asrc_v, adst_v, den_v, srcv, dstv, eav, scidx, rows, sv,
                    cev, num_sh, sems):
        cid = lax.axis_index("c")
        sid = lax.axis_index("s")
        wid = cid * _NSUB + sid
        semI = sems[0:2]
        semG = sems[2:4]
        semS = sems[4:6]

        pltpu.sync_copy(asrc_hbm, asrc_v)
        pltpu.sync_copy(adst_hbm, adst_v)
        pltpu.sync_copy(ce_hbm, cev)
        cv = cev[...]

        zf = jnp.zeros((_L,), jnp.float32)

        def _zden(i, carry):
            den_v[pl.ds(i * _L, _L)] = zf
            return carry
        lax.fori_loop(0, n // _L, _zden, 0)

        def _zrows(r, carry):
            for q in range(8):
                rows[0][r, pl.ds(q * _L, _L)] = zf
            return carry
        lax.fori_loop(0, _CHUNK, _zrows, 0)

        base_sh = pl.multiple_of(sid * rows_per_tile, _CHUNK)
        for t in range(nfull):
            pltpu.sync_copy(rows[0],
                            num_sh.at[pl.ds(base_sh + t * _CHUNK, _CHUNK)])
        plsc.subcore_barrier()

        my_m = jnp.where(cid == 0, m0, m1)
        ebase = jnp.where(cid == 0, sid * m0,
                          _NSUB * m0 + sid * m1) * _CHUNK

        def _start_idx(c, b):
            base = ebase + c * _CHUNK
            pltpu.async_copy(src_hbm.at[pl.ds(base, _CHUNK)], srcv[b], semI[b])
            pltpu.async_copy(dst_hbm.at[pl.ds(base, _CHUNK)], dstv[b], semI[b])
            pltpu.async_copy(ea_hbm.at[pl.ds(base, _CHUNK)], eav[b], semI[b])

        def _wait_idx(c, b):
            base = ebase + c * _CHUNK
            pltpu.make_async_copy(src_hbm.at[pl.ds(base, _CHUNK)], srcv[b],
                                  semI[b]).wait()
            pltpu.make_async_copy(dst_hbm.at[pl.ds(base, _CHUNK)], dstv[b],
                                  semI[b]).wait()
            pltpu.make_async_copy(ea_hbm.at[pl.ds(base, _CHUNK)], eav[b],
                                  semI[b]).wait()

        def _wait_scatter(b):
            pltpu.make_async_copy(rows[b], num_sh.at[scidx[b]], semS[b]).wait()

        _start_idx(0, 0)
        _start_idx(1, 1)

        def _chunk_pair(t, carry):
            c0 = 2 * t
            for b in range(2):
                _wait_idx(c0 + b, b)
                @pl.when(t > 0)
                def _():
                    _wait_scatter(b)
                pltpu.async_copy(h_hbm.at[srcv[b]], rows[b], semG[b])

            for b in range(2):
                base = ebase + (c0 + b) * _CHUNK

                @plsc.parallel_loop(0, _CHUNK // _L, unroll=4)
                def _sbody(j):
                    si = srcv[b][pl.ds(j * _L, _L)]
                    di = dstv[b][pl.ds(j * _L, _L)]
                    av = plsc.load_gather(asrc_v, [si])
                    bv = plsc.load_gather(adst_v, [di])
                    al = av + bv + eav[b][pl.ds(j * _L, _L)] * cv
                    al = jnp.maximum(al, 0.2 * al)
                    sval = jnp.exp(al)
                    gid = base + j * _L + lax.iota(jnp.int32, _L)
                    sval = jnp.where(gid < e, sval, 0.0)
                    sv[b][pl.ds(j * _L, _L)] = sval
                    plsc.addupdate_scatter(den_v, [di], sval)

                for q in range(_CHUNK // _L):
                    scidx[b][pl.ds(q * _L, _L)] = dstv[b][pl.ds(q * _L, _L)]

            for b in range(2):
                pltpu.make_async_copy(h_hbm.at[srcv[b]], rows[b],
                                      semG[b]).wait()

                @plsc.parallel_loop(0, _CHUNK, unroll=8)
                def _scale(r):
                    sb = plsc.load_gather(sv[b], [jnp.broadcast_to(r, (_L,))])
                    for q in range(8):
                        rows[b][r, pl.ds(q * _L, _L)] = (
                            rows[b][r, pl.ds(q * _L, _L)] * sb)

                pltpu.async_copy(rows[b], num_sh.at[scidx[b]], semS[b],
                                 add=True)

                @pl.when(c0 + b + 2 < my_m)
                def _():
                    _start_idx(c0 + b + 2, b)
            return carry
        lax.fori_loop(0, my_m // 2, _chunk_pair, 0)
        _wait_scatter(0)
        _wait_scatter(1)

        pltpu.sync_copy(den_v, den_out.at[pl.ds(pl.multiple_of(wid * n, 8), n)])
        plsc.subcore_barrier()

        obase = pl.multiple_of(cid * npad + base_sh, _CHUNK)
        for t in range(nfull):
            pltpu.sync_copy(num_sh.at[pl.ds(base_sh + t * _CHUNK, _CHUNK)],
                            num_out.at[pl.ds(obase + t * _CHUNK, _CHUNK)])

    return edge_kernel



def kernel(x, edge_index, edge_attr, W1, att_src1, att_dst1, W_e1, att_e1, b1,
           W2, att_src2, att_dst2, W_e2, att_e2, b2):
    n = x.shape[0]
    e = edge_index.shape[1]

    src = edge_index[0].astype(jnp.int32)
    dst = edge_index[1].astype(jnp.int32)
    ea = edge_attr[:, 0].astype(jnp.float32)

    m_tot = 2 * (-(-e // (_NSUB * _CHUNK * 2)))
    m0 = max(2, 2 * round(0.363 * m_tot / 2))
    m1 = m_tot - m0
    pad = _NSUB * m_tot * _CHUNK - e
    src_p = jnp.pad(src, (0, pad))
    dst_p = jnp.pad(dst, (0, pad))
    ea_p = jnp.pad(ea, (0, pad))

    npad = -(-n // (_NSUB * _CHUNK)) * (_NSUB * _CHUNK)
    edge_kernel = _make_edge_kernel(n, e, m0, m1)

    h1, s1, d1, ce1 = _run_dense1(
        x, W1, att_src1.reshape(128, 1), att_dst1.reshape(128, 1),
        W_e1, att_e1.reshape(1, 128), n)
    num1, den1 = edge_kernel(
        h1, s1.reshape(n), d1.reshape(n), src_p, dst_p, ea_p, ce1[0, :_L])

    h2, s2, d2, ce2 = _run_mid(
        num1.reshape(2, npad, 128), den1.reshape(_NW, n).T, b1.reshape(1, 128),
        W2, att_src2.reshape(128, 1), att_dst2.reshape(128, 1),
        W_e2, att_e2.reshape(1, 128), n)
    num2, den2 = edge_kernel(
        h2, s2.reshape(n), d2.reshape(n), src_p, dst_p, ea_p, ce2[0, :_L])

    out = _run_final(num2.reshape(2, npad, 128), den2.reshape(_NW, n).T,
                     b2.reshape(1, 128), n)
    return out

# --- scband reference (transcript-rebuilt; emitter-appended) ---
"""Pipeline reference for scband-gat-1709396984304 (READ-ONLY COPY).

The authoritative reference and input builder live on the scoring server;
editing this copy changes nothing except your own understanding.
"""

import jax, jax.numpy as jnp
import numpy as np

N = 10000
E = 320000
D_IN = 128
D_HID = 128
D_OUT = 128


def _gat_conv(x, edge_index, edge_attr, W, att_src, att_dst, W_e, att_e, bias, num_nodes):
    src = edge_index[0]
    dst = edge_index[1]
    h = x @ W  # [N, C]
    a_src = (h * att_src).sum(-1)  # [N]
    a_dst = (h * att_dst).sum(-1)  # [N]
    e = edge_attr @ W_e  # [E, C]
    a_e = (e * att_e).sum(-1)  # [E]
    alpha = a_src[src] + a_dst[dst] + a_e
    alpha = jax.nn.leaky_relu(alpha, negative_slope=0.2)
    amax = jax.ops.segment_max(alpha, dst, num_segments=num_nodes)
    amax = jnp.where(jnp.isfinite(amax), amax, 0.0)
    ealpha = jnp.exp(alpha - amax[dst])
    denom = jax.ops.segment_sum(ealpha, dst, num_segments=num_nodes)
    coef = ealpha / (denom[dst] + 1e-16)
    msg = h[src] * coef[:, None]
    out = jax.ops.segment_sum(msg, dst, num_segments=num_nodes)
    return out + bias


def setup_inputs(seed: int = 0) -> dict:
    key = jax.random.key(seed)
    ks = jax.random.split(key, 16)
    s1 = 1.0 / np.sqrt(D_IN)
    s2 = 1.0 / np.sqrt(D_HID)
    return {
        "x": jax.random.normal(ks[0], (N, D_IN), dtype=jnp.float32),
        "edge_index": jax.random.randint(ks[1], (2, E), 0, N, dtype=jnp.int64),
        "edge_attr": jax.random.uniform(ks[2], (E, 1), dtype=jnp.float32),
        "W1": jax.random.normal(ks[3], (D_IN, D_HID), dtype=jnp.float32) * s1,
        "att_src1": jax.random.normal(ks[4], (D_HID,), dtype=jnp.float32) * s2,
        "att_dst1": jax.random.normal(ks[5], (D_HID,), dtype=jnp.float32) * s2,
        "W_e1": jax.random.normal(ks[6], (1, D_HID), dtype=jnp.float32),
        "att_e1": jax.random.normal(ks[7], (D_HID,), dtype=jnp.float32) * s2,
        "b1": jnp.zeros((D_HID,), dtype=jnp.float32),
        "W2": jax.random.normal(ks[8], (D_HID, D_OUT), dtype=jnp.float32) * s2,
        "att_src2": jax.random.normal(ks[9], (D_OUT,), dtype=jnp.float32) * s2,
        "att_dst2": jax.random.normal(ks[10], (D_OUT,), dtype=jnp.float32) * s2,
        "W_e2": jax.random.normal(ks[11], (1, D_OUT), dtype=jnp.float32),
        "att_e2": jax.random.normal(ks[12], (D_OUT,), dtype=jnp.float32) * s2,
        "b2": jnp.zeros((D_OUT,), dtype=jnp.float32),
    }


def reference(x, edge_index, edge_attr, W1, att_src1, att_dst1, W_e1, att_e1, b1, W2, att_src2, att_dst2, W_e2, att_e2, b2):
    # layer_num=2: conv_first -> relu -> (dropout no-op in eval) -> conv_out
    h = _gat_conv(x, edge_index, edge_attr, W1, att_src1, att_dst1, W_e1, att_e1, b1, N)
    h = jax.nn.relu(h)
    out = _gat_conv(h, edge_index, edge_attr, W2, att_src2, att_dst2, W_e2, att_e2, b2, N)
    return out

if __name__ == "__main__":
    import jax
    _d = setup_inputs()
    print(jax.jit(kernel)(*tuple(_d.values())))

</pallas_src>

<mosaic_0001>
#map = affine_map<(d0, d1) -> (0, 0)>
#map1 = affine_map<(d0, d1) -> (0)>
module attributes {stable_mosaic.version = 14 : i64} {
  func.func @edge_kernel(%arg0: i32, %arg1: i32, %arg2: memref<10000x128xf32, #tpu.memory_space<hbm>>, %arg3: memref<10000xf32, #tpu.memory_space<hbm>>, %arg4: memref<10000xf32, #tpu.memory_space<hbm>>, %arg5: memref<321536xi32, #tpu.memory_space<hbm>>, %arg6: memref<321536xi32, #tpu.memory_space<hbm>>, %arg7: memref<321536xf32, #tpu.memory_space<hbm>>, %arg8: memref<16xf32, #tpu.memory_space<hbm>>, %arg9: memref<20480x128xf32, #tpu.memory_space<hbm>>, %arg10: memref<320000xf32, #tpu.memory_space<hbm>>, %arg11: memref<10000xf32, #tpu.memory_space<vmem>>, %arg12: memref<10000xf32, #tpu.memory_space<vmem>>, %arg13: memref<10000xf32, #tpu.memory_space<vmem>>, %arg14: memref<64xi32, #tpu.memory_space<vmem>>, %arg15: memref<64xi32, #tpu.memory_space<vmem>>, %arg16: memref<64xi32, #tpu.memory_space<vmem>>, %arg17: memref<64xi32, #tpu.memory_space<vmem>>, %arg18: memref<64xf32, #tpu.memory_space<vmem>>, %arg19: memref<64xf32, #tpu.memory_space<vmem>>, %arg20: memref<64xi32, #tpu.memory_space<vmem>>, %arg21: memref<64xi32, #tpu.memory_space<vmem>>, %arg22: memref<64x128xf32, #tpu.memory_space<vmem>>, %arg23: memref<64x128xf32, #tpu.memory_space<vmem>>, %arg24: memref<64xf32, #tpu.memory_space<vmem>>, %arg25: memref<64xf32, #tpu.memory_space<vmem>>, %arg26: memref<16xf32, #tpu.memory_space<vmem>>, %arg27: memref<10240x128xf32, #tpu.memory_space<vmem_shared>>, %arg28: memref<!tpu.dma_semaphore, #tpu.memory_space<semaphore_mem>>, %arg29: memref<!tpu.dma_semaphore, #tpu.memory_space<semaphore_mem>>, %arg30: memref<!tpu.dma_semaphore, #tpu.memory_space<semaphore_mem>>, %arg31: memref<!tpu.dma_semaphore, #tpu.memory_space<semaphore_mem>>, %arg32: memref<!tpu.dma_semaphore, #tpu.memory_space<semaphore_mem>>, %arg33: memref<!tpu.dma_semaphore, #tpu.memory_space<semaphore_mem>>) attributes {dimension_semantics = [#tpu.dimension_semantics<core_parallel>, #tpu.dimension_semantics<subcore_parallel>], iteration_bounds = array<i64: 2, 16>, scalar_prefetch = 0 : i64, scratch_operands = 23 : i64, tpu.core_type = #tpu.core_type<sc_vector_subcore>, window_params = [{transform_indices = #map}, {transform_indices = #map1}, {transform_indices = #map1}, {transform_indices = #map1}, {transform_indices = #map1}, {transform_indices = #map1}, {transform_indices = #map1}, {transform_indices = #map}, {transform_indices = #map1}]} {
    %mul3A = arith.constant 16 : i32
    %mul3A_0 = arith.muli %arg0, %mul3A : i32
    %add3A = arith.addi %mul3A_0, %arg1 : i32
    "tpu.region"() ({
      %run_scoped3A = tpu.sem_alloc : memref<!tpu.dma_semaphore, #tpu.memory_space<semaphore_mem>>
      tpu.enqueue_dma source(%arg3 : memref<10000xf32, #tpu.memory_space<hbm>>) target(%arg11 : memref<10000xf32, #tpu.memory_space<vmem>>) target_semaphore(%run_scoped3A : memref<!tpu.dma_semaphore, #tpu.memory_space<semaphore_mem>>)
      tpu.wait_dma2 semaphore(%run_scoped3A : memref<!tpu.dma_semaphore, #tpu.memory_space<semaphore_mem>>) src(%arg3 : memref<10000xf32, #tpu.memory_space<hbm>>) dst(%arg11 : memref<10000xf32, #tpu.memory_space<vmem>>)
      tpu.yield
    }) : () -> ()
    "tpu.region"() ({
      %run_scoped3A = tpu.sem_alloc : memref<!tpu.dma_semaphore, #tpu.memory_space<semaphore_mem>>
      tpu.enqueue_dma source(%arg4 : memref<10000xf32, #tpu.memory_space<hbm>>) target(%arg12 : memref<10000xf32, #tpu.memory_space<vmem>>) target_semaphore(%run_scoped3A : memref<!tpu.dma_semaphore, #tpu.memory_space<semaphore_mem>>)
      tpu.wait_dma2 semaphore(%run_scoped3A : memref<!tpu.dma_semaphore, #tpu.memory_space<semaphore_mem>>) src(%arg4 : memref<10000xf32, #tpu.memory_space<hbm>>) dst(%arg12 : memref<10000xf32, #tpu.memory_space<vmem>>)
      tpu.yield
    }) : () -> ()
    "tpu.region"() ({
      %run_scoped3A = tpu.sem_alloc : memref<!tpu.dma_semaphore, #tpu.memory_space<semaphore_mem>>
      tpu.enqueue_dma source(%arg8 : memref<16xf32, #tpu.memory_space<hbm>>) target(%arg26 : memref<16xf32, #tpu.memory_space<vmem>>) target_semaphore(%run_scoped3A : memref<!tpu.dma_semaphore, #tpu.memory_space<semaphore_mem>>)
      tpu.wait_dma2 semaphore(%run_scoped3A : memref<!tpu.dma_semaphore, #tpu.memory_space<semaphore_mem>>) src(%arg8 : memref<16xf32, #tpu.memory_space<hbm>>) dst(%arg26 : memref<16xf32, #tpu.memory_space<vmem>>)
      tpu.yield
    }) : () -> ()
    %get3A = arith.constant 0 : index
    %get3A_1 = tpu.vector_load %arg26[%get3A] {strides = array<i32>} : memref<16xf32, #tpu.memory_space<vmem>>, vector<16xf32>,
    %broadcast_in_dim3A = arith.constant 0.000000e+00 : f32
    %broadcast_in_dim3A_2 = vector.broadcast %broadcast_in_dim3A : f32 to vector<16xf32>
    %scan3A = arith.constant 0 : i32
    %scan3A_3 = arith.constant 0 : i32
    %scan3A_4 = arith.constant 625 : i32
    %scan3A_5 = arith.addi %scan3A_3, %scan3A_4 : i32
    %scan3A_6 = arith.constant 1 : i32
    scf.for %scan3A_144 = %scan3A_3 to %scan3A_5 step %scan3A_6  : i32 {
      %mul3A_145 = arith.constant 16 : i32
      %mul3A_146 = arith.muli %scan3A_144, %mul3A_145 : i32
      %swap3A = arith.index_cast %mul3A_146 : i32 to index
      %swap3A_147 = tpu.vector_load %arg13[%swap3A] {strides = array<i32>} : memref<10000xf32, #tpu.memory_space<vmem>>, vector<16xf32>,
      tpu.vector_store %arg13[%swap3A], %broadcast_in_dim3A_2 {strides = array<i32>} : memref<10000xf32, #tpu.memory_space<vmem>>, vector<16xf32>,
    }
    %scan3A_7 = arith.constant 625 : i32
    %scan3A_8 = arith.constant 0 : i32
    %scan3A_9 = arith.constant 0 : i32
    %scan3A_10 = arith.constant 64 : i32
    %scan3A_11 = arith.addi %scan3A_9, %scan3A_10 : i32
    %scan3A_12 = arith.constant 1 : i32
    scf.for %scan3A_144 = %scan3A_9 to %scan3A_11 step %scan3A_12  : i32 {
      %swap3A = arith.index_cast %scan3A_144 : i32 to index
      %swap3A_145 = arith.constant 0 : index
      %swap3A_146 = tpu.vector_load %arg22[%swap3A, %swap3A_145] {strides = array<i32>} : memref<64x128xf32, #tpu.memory_space<vmem>>, vector<16xf32>,
      tpu.vector_store %arg22[%swap3A, %swap3A_145], %broadcast_in_dim3A_2 {strides = array<i32>} : memref<64x128xf32, #tpu.memory_space<vmem>>, vector<16xf32>,
      %swap3A_147 = arith.index_cast %scan3A_144 : i32 to index
      %swap3A_148 = arith.constant 16 : index
      %swap3A_149 = tpu.vector_load %arg22[%swap3A_147, %swap3A_148] {strides = array<i32>} : memref<64x128xf32, #tpu.memory_space<vmem>>, vector<16xf32>,
      tpu.vector_store %arg22[%swap3A_147, %swap3A_148], %broadcast_in_dim3A_2 {strides = array<i32>} : memref<64x128xf32, #tpu.memory_space<vmem>>, vector<16xf32>,
      %swap3A_150 = arith.index_cast %scan3A_144 : i32 to index
      %swap3A_151 = arith.constant 32 : index
      %swap3A_152 = tpu.vector_load %arg22[%swap3A_150, %swap3A_151] {strides = array<i32>} : memref<64x128xf32, #tpu.memory_space<vmem>>, vector<16xf32>,
      tpu.vector_store %arg22[%swap3A_150, %swap3A_151], %broadcast_in_dim3A_2 {strides = array<i32>} : memref<64x128xf32, #tpu.memory_space<vmem>>, vector<16xf32>,
      %swap3A_153 = arith.index_cast %scan3A_144 : i32 to index
      %swap3A_154 = arith.constant 48 : index
      %swap3A_155 = tpu.vector_load %arg22[%swap3A_153, %swap3A_154] {strides = array<i32>} : memref<64x128xf32, #tpu.memory_space<vmem>>, vector<16xf32>,
      tpu.vector_store %arg22[%swap3A_153, %swap3A_154], %broadcast_in_dim3A_2 {strides = array<i32>} : memref<64x128xf32, #tpu.memory_space<vmem>>, vector<16xf32>,
      %swap3A_156 = arith.index_cast %scan3A_144 : i32 to index
      %swap3A_157 = arith.constant 64 : index
      %swap3A_158 = tpu.vector_load %arg22[%swap3A_156, %swap3A_157] {strides = array<i32>} : memref<64x128xf32, #tpu.memory_space<vmem>>, vector<16xf32>,
      tpu.vector_store %arg22[%swap3A_156, %swap3A_157], %broadcast_in_dim3A_2 {strides = array<i32>} : memref<64x128xf32, #tpu.memory_space<vmem>>, vector<16xf32>,
      %swap3A_159 = arith.index_cast %scan3A_144 : i32 to index
      %swap3A_160 = arith.constant 80 : index
      %swap3A_161 = tpu.vector_load %arg22[%swap3A_159, %swap3A_160] {strides = array<i32>} : memref<64x128xf32, #tpu.memory_space<vmem>>, vector<16xf32>,
      tpu.vector_store %arg22[%swap3A_159, %swap3A_160], %broadcast_in_dim3A_2 {strides = array<i32>} : memref<64x128xf32, #tpu.memory_space<vmem>>, vector<16xf32>,
      %swap3A_162 = arith.index_cast %scan3A_144 : i32 to index
      %swap3A_163 = arith.constant 96 : index
      %swap3A_164 = tpu.vector_load %arg22[%swap3A_162, %swap3A_163] {strides = array<i32>} : memref<64x128xf32, #tpu.memory_space<vmem>>, vector<16xf32>,
      tpu.vector_store %arg22[%swap3A_162, %swap3A_163], %broadcast_in_dim3A_2 {strides = array<i32>} : memref<64x128xf32, #tpu.memory_space<vmem>>, vector<16xf32>,
      %swap3A_165 = arith.index_cast %scan3A_144 : i32 to index
      %swap3A_166 = arith.constant 112 : index
      %swap3A_167 = tpu.vector_load %arg22[%swap3A_165, %swap3A_166] {strides = array<i32>} : memref<64x128xf32, #tpu.memory_space<vmem>>, vector<16xf32>,
      tpu.vector_store %arg22[%swap3A_165, %swap3A_166], %broadcast_in_dim3A_2 {strides = array<i32>} : memref<64x128xf32, #tpu.memory_space<vmem>>, vector<16xf32>,
    }
    %scan3A_13 = arith.constant 64 : i32
    %mul3A_14 = arith.constant 640 : i32
    %mul3A_15 = arith.muli %arg1, %mul3A_14 : i32
    %multiple_of3A = tpu.assume_multiple %mul3A_15, 64 : i32
    %add3A_16 = arith.constant 0 : i32
    %add3A_17 = arith.addi %multiple_of3A, %add3A_16 : i32
    "tpu.region"() ({
      %run_scoped3A = tpu.sem_alloc : memref<!tpu.dma_semaphore, #tpu.memory_space<semaphore_mem>>
      %dma_start3A_144 = arith.constant 0 : i32
      %dma_start3A_145 = tpu.memref_slice %arg27[%add3A_17, %dma_start3A_144] : memref<10240x128xf32, #tpu.memory_space<vmem_shared>> -> memref<64x128xf32, #tpu.memory_space<vmem_shared>>
      %dma_start3A_146 = arith.constant 0 : i32
      %dma_start3A_147 = tpu.memref_slice %arg27[%add3A_17, %dma_start3A_146] : memref<10240x128xf32, #tpu.memory_space<vmem_shared>> -> memref<64x128xf32, #tpu.memory_space<vmem_shared>>
      tpu.enqueue_dma source(%arg22 : memref<64x128xf32, #tpu.memory_space<vmem>>) target(%dma_start3A_147 : memref<64x128xf32, #tpu.memory_space<vmem_shared>>) target_semaphore(%run_scoped3A : memref<!tpu.dma_semaphore, #tpu.memory_space<semaphore_mem>>)
      %dma_wait3A_148 = arith.constant 0 : i32
      %dma_wait3A_149 = tpu.memref_slice %arg27[%add3A_17, %dma_wait3A_148] : memref<10240x128xf32, #tpu.memory_space<vmem_shared>> -> memref<64x128xf32, #tpu.memory_space<vmem_shared>>
      %dma_wait3A_150 = arith.constant 0 : i32
      %dma_wait3A_151 = tpu.memref_slice %arg27[%add3A_17, %dma_wait3A_150] : memref<10240x128xf32, #tpu.memory_space<vmem_shared>> -> memref<64x128xf32, #tpu.memory_space<vmem_shared>>
      tpu.wait_dma2 semaphore(%run_scoped3A : memref<!tpu.dma_semaphore, #tpu.memory_space<semaphore_mem>>) src(%arg22 : memref<64x128xf32, #tpu.memory_space<vmem>>) dst(%dma_wait3A_151 : memref<64x128xf32, #tpu.memory_space<vmem_shared>>)
      tpu.yield
    }) : () -> ()
    %add3A_18 = arith.constant 64 : i32
    %add3A_19 = arith.addi %multiple_of3A, %add3A_18 : i32
    "tpu.region"() ({
      %run_scoped3A = tpu.sem_alloc : memref<!tpu.dma_semaphore, #tpu.memory_space<semaphore_mem>>
      %dma_start3A_144 = arith.constant 0 : i32
      %dma_start3A_145 = tpu.memref_slice %arg27[%add3A_19, %dma_start3A_144] : memref<10240x128xf32, #tpu.memory_space<vmem_shared>> -> memref<64x128xf32, #tpu.memory_space<vmem_shared>>
      %dma_start3A_146 = arith.constant 0 : i32
      %dma_start3A_147 = tpu.memref_slice %arg27[%add3A_19, %dma_start3A_146] : memref<10240x128xf32, #tpu.memory_space<vmem_shared>> -> memref<64x128xf32, #tpu.memory_space<vmem_shared>>
      tpu.enqueue_dma source(%arg22 : memref<64x128xf32, #tpu.memory_space<vmem>>) target(%dma_start3A_147 : memref<64x128xf32, #tpu.memory_space<vmem_shared>>) target_semaphore(%run_scoped3A : memref<!tpu.dma_semaphore, #tpu.memory_space<semaphore_mem>>)
      %dma_wait3A_148 = arith.constant 0 : i32
      %dma_wait3A_149 = tpu.memref_slice %arg27[%add3A_19, %dma_wait3A_148] : memref<10240x128xf32, #tpu.memory_space<vmem_shared>> -> memref<64x128xf32, #tpu.memory_space<vmem_shared>>
      %dma_wait3A_150 = arith.constant 0 : i32
      %dma_wait3A_151 = tpu.memref_slice %arg27[%add3A_19, %dma_wait3A_150] : memref<10240x128xf32, #tpu.memory_space<vmem_shared>> -> memref<64x128xf32, #tpu.memory_space<vmem_shared>>
      tpu.wait_dma2 semaphore(%run_scoped3A : memref<!tpu.dma_semaphore, #tpu.memory_space<semaphore_mem>>) src(%arg22 : memref<64x128xf32, #tpu.memory_space<vmem>>) dst(%dma_wait3A_151 : memref<64x128xf32, #tpu.memory_space<vmem_shared>>)
      tpu.yield
    }) : () -> ()
    %add3A_20 = arith.constant 128 : i32
    %add3A_21 = arith.addi %multiple_of3A, %add3A_20 : i32
    "tpu.region"() ({
      %run_scoped3A = tpu.sem_alloc : memref<!tpu.dma_semaphore, #tpu.memory_space<semaphore_mem>>
      %dma_start3A_144 = arith.constant 0 : i32
      %dma_start3A_145 = tpu.memref_slice %arg27[%add3A_21, %dma_start3A_144] : memref<10240x128xf32, #tpu.memory_space<vmem_shared>> -> memref<64x128xf32, #tpu.memory_space<vmem_shared>>
      %dma_start3A_146 = arith.constant 0 : i32
      %dma_start3A_147 = tpu.memref_slice %arg27[%add3A_21, %dma_start3A_146] : memref<10240x128xf32, #tpu.memory_space<vmem_shared>> -> memref<64x128xf32, #tpu.memory_space<vmem_shared>>
      tpu.enqueue_dma source(%arg22 : memref<64x128xf32, #tpu.memory_space<vmem>>) target(%dma_start3A_147 : memref<64x128xf32, #tpu.memory_space<vmem_shared>>) target_semaphore(%run_scoped3A : memref<!tpu.dma_semaphore, #tpu.memory_space<semaphore_mem>>)
      %dma_wait3A_148 = arith.constant 0 : i32
      %dma_wait3A_149 = tpu.memref_slice %arg27[%add3A_21, %dma_wait3A_148] : memref<10240x128xf32, #tpu.memory_space<vmem_shared>> -> memref<64x128xf32, #tpu.memory_space<vmem_shared>>
      %dma_wait3A_150 = arith.constant 0 : i32
      %dma_wait3A_151 = tpu.memref_slice %arg27[%add3A_21, %dma_wait3A_150] : memref<10240x128xf32, #tpu.memory_space<vmem_shared>> -> memref<64x128xf32, #tpu.memory_space<vmem_shared>>
      tpu.wait_dma2 semaphore(%run_scoped3A : memref<!tpu.dma_semaphore, #tpu.memory_space<semaphore_mem>>) src(%arg22 : memref<64x128xf32, #tpu.memory_space<vmem>>) dst(%dma_wait3A_151 : memref<64x128xf32, #tpu.memory_space<vmem_shared>>)
      tpu.yield
    }) : () -> ()
    %add3A_22 = arith.constant 192 : i32
    %add3A_23 = arith.addi %multiple_of3A, %add3A_22 : i32
    "tpu.region"() ({
      %run_scoped3A = tpu.sem_alloc : memref<!tpu.dma_semaphore, #tpu.memory_space<semaphore_mem>>
      %dma_start3A_144 = arith.constant 0 : i32
      %dma_start3A_145 = tpu.memref_slice %arg27[%add3A_23, %dma_start3A_144] : memref<10240x128xf32, #tpu.memory_space<vmem_shared>> -> memref<64x128xf32, #tpu.memory_space<vmem_shared>>
      %dma_start3A_146 = arith.constant 0 : i32
      %dma_start3A_147 = tpu.memref_slice %arg27[%add3A_23, %dma_start3A_146] : memref<10240x128xf32, #tpu.memory_space<vmem_shared>> -> memref<64x128xf32, #tpu.memory_space<vmem_shared>>
      tpu.enqueue_dma source(%arg22 : memref<64x128xf32, #tpu.memory_space<vmem>>) target(%dma_start3A_147 : memref<64x128xf32, #tpu.memory_space<vmem_shared>>) target_semaphore(%run_scoped3A : memref<!tpu.dma_semaphore, #tpu.memory_space<semaphore_mem>>)
      %dma_wait3A_148 = arith.constant 0 : i32
      %dma_wait3A_149 = tpu.memref_slice %arg27[%add3A_23, %dma_wait3A_148] : memref<10240x128xf32, #tpu.memory_space<vmem_shared>> -> memref<64x128xf32, #tpu.memory_space<vmem_shared>>
      %dma_wait3A_150 = arith.constant 0 : i32
      %dma_wait3A_151 = tpu.memref_slice %arg27[%add3A_23, %dma_wait3A_150] : memref<10240x128xf32, #tpu.memory_space<vmem_shared>> -> memref<64x128xf32, #tpu.memory_space<vmem_shared>>
      tpu.wait_dma2 semaphore(%run_scoped3A : memref<!tpu.dma_semaphore, #tpu.memory_space<semaphore_mem>>) src(%arg22 : memref<64x128xf32, #tpu.memory_space<vmem>>) dst(%dma_wait3A_151 : memref<64x128xf32, #tpu.memory_space<vmem_shared>>)
      tpu.yield
    }) : () -> ()
    %add3A_24 = arith.constant 256 : i32
    %add3A_25 = arith.addi %multiple_of3A, %add3A_24 : i32
    "tpu.region"() ({
      %run_scoped3A = tpu.sem_alloc : memref<!tpu.dma_semaphore, #tpu.memory_space<semaphore_mem>>
      %dma_start3A_144 = arith.constant 0 : i32
      %dma_start3A_145 = tpu.memref_slice %arg27[%add3A_25, %dma_start3A_144] : memref<10240x128xf32, #tpu.memory_space<vmem_shared>> -> memref<64x128xf32, #tpu.memory_space<vmem_shared>>
      %dma_start3A_146 = arith.constant 0 : i32
      %dma_start3A_147 = tpu.memref_slice %arg27[%add3A_25, %dma_start3A_146] : memref<10240x128xf32, #tpu.memory_space<vmem_shared>> -> memref<64x128xf32, #tpu.memory_space<vmem_shared>>
      tpu.enqueue_dma source(%arg22 : memref<64x128xf32, #tpu.memory_space<vmem>>) target(%dma_start3A_147 : memref<64x128xf32, #tpu.memory_space<vmem_shared>>) target_semaphore(%run_scoped3A : memref<!tpu.dma_semaphore, #tpu.memory_space<semaphore_mem>>)
      %dma_wait3A_148 = arith.constant 0 : i32
      %dma_wait3A_149 = tpu.memref_slice %arg27[%add3A_25, %dma_wait3A_148] : memref<10240x128xf32, #tpu.memory_space<vmem_shared>> -> memref<64x128xf32, #tpu.memory_space<vmem_shared>>
      %dma_wait3A_150 = arith.constant 0 : i32
      %dma_wait3A_151 = tpu.memref_slice %arg27[%add3A_25, %dma_wait3A_150] : memref<10240x128xf32, #tpu.memory_space<vmem_shared>> -> memref<64x128xf32, #tpu.memory_space<vmem_shared>>
      tpu.wait_dma2 semaphore(%run_scoped3A : memref<!tpu.dma_semaphore, #tpu.memory_space<semaphore_mem>>) src(%arg22 : memref<64x128xf32, #tpu.memory_space<vmem>>) dst(%dma_wait3A_151 : memref<64x128xf32, #tpu.memory_space<vmem_shared>>)
      tpu.yield
    }) : () -> ()
    %add3A_26 = arith.constant 320 : i32
    %add3A_27 = arith.addi %multiple_of3A, %add3A_26 : i32
    "tpu.region"() ({
      %run_scoped3A = tpu.sem_alloc : memref<!tpu.dma_semaphore, #tpu.memory_space<semaphore_mem>>
      %dma_start3A_144 = arith.constant 0 : i32
      %dma_start3A_145 = tpu.memref_slice %arg27[%add3A_27, %dma_start3A_144] : memref<10240x128xf32, #tpu.memory_space<vmem_shared>> -> memref<64x128xf32, #tpu.memory_space<vmem_shared>>
      %dma_start3A_146 = arith.constant 0 : i32
      %dma_start3A_147 = tpu.memref_slice %arg27[%add3A_27, %dma_start3A_146] : memref<10240x128xf32, #tpu.memory_space<vmem_shared>> -> memref<64x128xf32, #tpu.memory_space<vmem_shared>>
      tpu.enqueue_dma source(%arg22 : memref<64x128xf32, #tpu.memory_space<vmem>>) target(%dma_start3A_147 : memref<64x128xf32, #tpu.memory_space<vmem_shared>>) target_semaphore(%run_scoped3A : memref<!tpu.dma_semaphore, #tpu.memory_space<semaphore_mem>>)
      %dma_wait3A_148 = arith.constant 0 : i32
      %dma_wait3A_149 = tpu.memref_slice %arg27[%add3A_27, %dma_wait3A_148] : memref<10240x128xf32, #tpu.memory_space<vmem_shared>> -> memref<64x128xf32, #tpu.memory_space<vmem_shared>>
      %dma_wait3A_150 = arith.constant 0 : i32
      %dma_wait3A_151 = tpu.memref_slice %arg27[%add3A_27, %dma_wait3A_150] : memref<10240x128xf32, #tpu.memory_space<vmem_shared>> -> memref<64x128xf32, #tpu.memory_space<vmem_shared>>
      tpu.wait_dma2 semaphore(%run_scoped3A : memref<!tpu.dma_semaphore, #tpu.memory_space<semaphore_mem>>) src(%arg22 : memref<64x128xf32, #tpu.memory_space<vmem>>) dst(%dma_wait3A_151 : memref<64x128xf32, #tpu.memory_space<vmem_shared>>)
      tpu.yield
    }) : () -> ()
    %add3A_28 = arith.constant 384 : i32
    %add3A_29 = arith.addi %multiple_of3A, %add3A_28 : i32
    "tpu.region"() ({
      %run_scoped3A = tpu.sem_alloc : memref<!tpu.dma_semaphore, #tpu.memory_space<semaphore_mem>>
      %dma_start3A_144 = arith.constant 0 : i32
      %dma_start3A_145 = tpu.memref_slice %arg27[%add3A_29, %dma_start3A_144] : memref<10240x128xf32, #tpu.memory_space<vmem_shared>> -> memref<64x128xf32, #tpu.memory_space<vmem_shared>>
      %dma_start3A_146 = arith.constant 0 : i32
      %dma_start3A_147 = tpu.memref_slice %arg27[%add3A_29, %dma_start3A_146] : memref<10240x128xf32, #tpu.memory_space<vmem_shared>> -> memref<64x128xf32, #tpu.memory_space<vmem_shared>>
      tpu.enqueue_dma source(%arg22 : memref<64x128xf32, #tpu.memory_space<vmem>>) target(%dma_start3A_147 : memref<64x128xf32, #tpu.memory_space<vmem_shared>>) target_semaphore(%run_scoped3A : memref<!tpu.dma_semaphore, #tpu.memory_space<semaphore_mem>>)
      %dma_wait3A_148 = arith.constant 0 : i32
      %dma_wait3A_149 = tpu.memref_slice %arg27[%add3A_29, %dma_wait3A_148] : memref<10240x128xf32, #tpu.memory_space<vmem_shared>> -> memref<64x128xf32, #tpu.memory_space<vmem_shared>>
      %dma_wait3A_150 = arith.constant 0 : i32
      %dma_wait3A_151 = tpu.memref_slice %arg27[%add3A_29, %dma_wait3A_150] : memref<10240x128xf32, #tpu.memory_space<vmem_shared>> -> memref<64x128xf32, #tpu.memory_space<vmem_shared>>
      tpu.wait_dma2 semaphore(%run_scoped3A : memref<!tpu.dma_semaphore, #tpu.memory_space<semaphore_mem>>) src(%arg22 : memref<64x128xf32, #tpu.memory_space<vmem>>) dst(%dma_wait3A_151 : memref<64x128xf32, #tpu.memory_space<vmem_shared>>)
      tpu.yield
    }) : () -> ()
    %add3A_30 = arith.constant 448 : i32
    %add3A_31 = arith.addi %multiple_of3A, %add3A_30 : i32
    "tpu.region"() ({
      %run_scoped3A = tpu.sem_alloc : memref<!tpu.dma_semaphore, #tpu.memory_space<semaphore_mem>>
      %dma_start3A_144 = arith.constant 0 : i32
      %dma_start3A_145 = tpu.memref_slice %arg27[%add3A_31, %dma_start3A_144] : memref<10240x128xf32, #tpu.memory_space<vmem_shared>> -> memref<64x128xf32, #tpu.memory_space<vmem_shared>>
      %dma_start3A_146 = arith.constant 0 : i32
      %dma_start3A_147 = tpu.memref_slice %arg27[%add3A_31, %dma_start3A_146] : memref<10240x128xf32, #tpu.memory_space<vmem_shared>> -> memref<64x128xf32, #tpu.memory_space<vmem_shared>>
      tpu.enqueue_dma source(%arg22 : memref<64x128xf32, #tpu.memory_space<vmem>>) target(%dma_start3A_147 : memref<64x128xf32, #tpu.memory_space<vmem_shared>>) target_semaphore(%run_scoped3A : memref<!tpu.dma_semaphore, #tpu.memory_space<semaphore_mem>>)
      %dma_wait3A_148 = arith.constant 0 : i32
      %dma_wait3A_149 = tpu.memref_slice %arg27[%add3A_31, %dma_wait3A_148] : memref<10240x128xf32, #tpu.memory_space<vmem_shared>> -> memref<64x128xf32, #tpu.memory_space<vmem_shared>>
      %dma_wait3A_150 = arith.constant 0 : i32
      %dma_wait3A_151 = tpu.memref_slice %arg27[%add3A_31, %dma_wait3A_150] : memref<10240x128xf32, #tpu.memory_space<vmem_shared>> -> memref<64x128xf32, #tpu.memory_space<vmem_shared>>
      tpu.wait_dma2 semaphore(%run_scoped3A : memref<!tpu.dma_semaphore, #tpu.memory_space<semaphore_mem>>) src(%arg22 : memref<64x128xf32, #tpu.memory_space<vmem>>) dst(%dma_wait3A_151 : memref<64x128xf32, #tpu.memory_space<vmem_shared>>)
      tpu.yield
    }) : () -> ()
    %add3A_32 = arith.constant 512 : i32
    %add3A_33 = arith.addi %multiple_of3A, %add3A_32 : i32
    "tpu.region"() ({
      %run_scoped3A = tpu.sem_alloc : memref<!tpu.dma_semaphore, #tpu.memory_space<semaphore_mem>>
      %dma_start3A_144 = arith.constant 0 : i32
      %dma_start3A_145 = tpu.memref_slice %arg27[%add3A_33, %dma_start3A_144] : memref<10240x128xf32, #tpu.memory_space<vmem_shared>> -> memref<64x128xf32, #tpu.memory_space<vmem_shared>>
      %dma_start3A_146 = arith.constant 0 : i32
      %dma_start3A_147 = tpu.memref_slice %arg27[%add3A_33, %dma_start3A_146] : memref<10240x128xf32, #tpu.memory_space<vmem_shared>> -> memref<64x128xf32, #tpu.memory_space<vmem_shared>>
      tpu.enqueue_dma source(%arg22 : memref<64x128xf32, #tpu.memory_space<vmem>>) target(%dma_start3A_147 : memref<64x128xf32, #tpu.memory_space<vmem_shared>>) target_semaphore(%run_scoped3A : memref<!tpu.dma_semaphore, #tpu.memory_space<semaphore_mem>>)
      %dma_wait3A_148 = arith.constant 0 : i32
      %dma_wait3A_149 = tpu.memref_slice %arg27[%add3A_33, %dma_wait3A_148] : memref<10240x128xf32, #tpu.memory_space<vmem_shared>> -> memref<64x128xf32, #tpu.memory_space<vmem_shared>>
      %dma_wait3A_150 = arith.constant 0 : i32
      %dma_wait3A_151 = tpu.memref_slice %arg27[%add3A_33, %dma_wait3A_150] : memref<10240x128xf32, #tpu.memory_space<vmem_shared>> -> memref<64x128xf32, #tpu.memory_space<vmem_shared>>
      tpu.wait_dma2 semaphore(%run_scoped3A : memref<!tpu.dma_semaphore, #tpu.memory_space<semaphore_mem>>) src(%arg22 : memref<64x128xf32, #tpu.memory_space<vmem>>) dst(%dma_wait3A_151 : memref<64x128xf32, #tpu.memory_space<vmem_shared>>)
      tpu.yield
    }) : () -> ()
    %add3A_34 = arith.constant 576 : i32
    %add3A_35 = arith.addi %multiple_of3A, %add3A_34 : i32
    "tpu.region"() ({
      %run_scoped3A = tpu.sem_alloc : memref<!tpu.dma_semaphore, #tpu.memory_space<semaphore_mem>>
      %dma_start3A_144 = arith.constant 0 : i32
      %dma_start3A_145 = tpu.memref_slice %arg27[%add3A_35, %dma_start3A_144] : memref<10240x128xf32, #tpu.memory_space<vmem_shared>> -> memref<64x128xf32, #tpu.memory_space<vmem_shared>>
      %dma_start3A_146 = arith.constant 0 : i32
      %dma_start3A_147 = tpu.memref_slice %arg27[%add3A_35, %dma_start3A_146] : memref<10240x128xf32, #tpu.memory_space<vmem_shared>> -> memref<64x128xf32, #tpu.memory_space<vmem_shared>>
      tpu.enqueue_dma source(%arg22 : memref<64x128xf32, #tpu.memory_space<vmem>>) target(%dma_start3A_147 : memref<64x128xf32, #tpu.memory_space<vmem_shared>>) target_semaphore(%run_scoped3A : memref<!tpu.dma_semaphore, #tpu.memory_space<semaphore_mem>>)
      %dma_wait3A_148 = arith.constant 0 : i32
      %dma_wait3A_149 = tpu.memref_slice %arg27[%add3A_35, %dma_wait3A_148] : memref<10240x128xf32, #tpu.memory_space<vmem_shared>> -> memref<64x128xf32, #tpu.memory_space<vmem_shared>>
      %dma_wait3A_150 = arith.constant 0 : i32
      %dma_wait3A_151 = tpu.memref_slice %arg27[%add3A_35, %dma_wait3A_150] : memref<10240x128xf32, #tpu.memory_space<vmem_shared>> -> memref<64x128xf32, #tpu.memory_space<vmem_shared>>
      tpu.wait_dma2 semaphore(%run_scoped3A : memref<!tpu.dma_semaphore, #tpu.memory_space<semaphore_mem>>) src(%arg22 : memref<64x128xf32, #tpu.memory_space<vmem>>) dst(%dma_wait3A_151 : memref<64x128xf32, #tpu.memory_space<vmem_shared>>)
      tpu.yield
    }) : () -> ()
    %barrier3A = arith.constant 0 : index
    tpu.barrier barrier_id(%barrier3A)
    %eq3A = arith.constant 0 : i32
    %eq3A_36 = arith.cmpi eq, %arg0, %eq3A : i32
    %jit3A = arith.constant 114 : i32
    %jit3A_37 = arith.constant 200 : i32
    %select_n3A = arith.select %eq3A_36, %jit3A, %jit3A_37 : i32
    %eq3A_38 = arith.constant 0 : i32
    %eq3A_39 = arith.cmpi eq, %arg0, %eq3A_38 : i32
    %mul3A_40 = arith.constant 114 : i32
    %mul3A_41 = arith.muli %arg1, %mul3A_40 : i32
    %mul3A_42 = arith.constant 200 : i32
    %mul3A_43 = arith.muli %arg1, %mul3A_42 : i32
    %add3A_44 = arith.constant 1824 : i32
    %add3A_45 = arith.addi %add3A_44, %mul3A_43 : i32
    %select_n3A_46 = arith.select %eq3A_39, %mul3A_41, %add3A_45 : i32
    %mul3A_47 = arith.constant 64 : i32
    %mul3A_48 = arith.muli %select_n3A_46, %mul3A_47 : i32
    %add3A_49 = arith.constant 0 : i32
    %add3A_50 = arith.addi %mul3A_48, %add3A_49 : i32
    %dma_start3A = tpu.memref_slice %arg5[%add3A_50] : memref<321536xi32, #tpu.memory_space<hbm>> -> memref<64xi32, #tpu.memory_space<hbm>>
    %dma_start3A_51 = tpu.memref_slice %arg5[%add3A_50] : memref<321536xi32, #tpu.memory_space<hbm>> -> memref<64xi32, #tpu.memory_space<hbm>>
    tpu.enqueue_dma source(%dma_start3A_51 : memref<64xi32, #tpu.memory_space<hbm>>) target(%arg14 : memref<64xi32, #tpu.memory_space<vmem>>) target_semaphore(%arg28 : memref<!tpu.dma_semaphore, #tpu.memory_space<semaphore_mem>>)
    %dma_start3A_52 = tpu.memref_slice %arg6[%add3A_50] : memref<321536xi32, #tpu.memory_space<hbm>> -> memref<64xi32, #tpu.memory_space<hbm>>
    %dma_start3A_53 = tpu.memref_slice %arg6[%add3A_50] : memref<321536xi32, #tpu.memory_space<hbm>> -> memref<64xi32, #tpu.memory_space<hbm>>
    tpu.enqueue_dma source(%dma_start3A_53 : memref<64xi32, #tpu.memory_space<hbm>>) target(%arg16 : memref<64xi32, #tpu.memory_space<vmem>>) target_semaphore(%arg28 : memref<!tpu.dma_semaphore, #tpu.memory_space<semaphore_mem>>)
    %dma_start3A_54 = tpu.memref_slice %arg7[%add3A_50] : memref<321536xf32, #tpu.memory_space<hbm>> -> memref<64xf32, #tpu.memory_space<hbm>>
    %dma_start3A_55 = tpu.memref_slice %arg7[%add3A_50] : memref<321536xf32, #tpu.memory_space<hbm>> -> memref<64xf32, #tpu.memory_space<hbm>>
    tpu.enqueue_dma source(%dma_start3A_55 : memref<64xf32, #tpu.memory_space<hbm>>) target(%arg18 : memref<64xf32, #tpu.memory_space<vmem>>) target_semaphore(%arg28 : memref<!tpu.dma_semaphore, #tpu.memory_space<semaphore_mem>>)
    %add3A_56 = arith.constant 64 : i32
    %add3A_57 = arith.addi %mul3A_48, %add3A_56 : i32
    %dma_start3A_58 = tpu.memref_slice %arg5[%add3A_57] : memref<321536xi32, #tpu.memory_space<hbm>> -> memref<64xi32, #tpu.memory_space<hbm>>
    %dma_start3A_59 = tpu.memref_slice %arg5[%add3A_57] : memref<321536xi32, #tpu.memory_space<hbm>> -> memref<64xi32, #tpu.memory_space<hbm>>
    tpu.enqueue_dma source(%dma_start3A_59 : memref<64xi32, #tpu.memory_space<hbm>>) target(%arg15 : memref<64xi32, #tpu.memory_space<vmem>>) target_semaphore(%arg29 : memref<!tpu.dma_semaphore, #tpu.memory_space<semaphore_mem>>)
    %dma_start3A_60 = tpu.memref_slice %arg6[%add3A_57] : memref<321536xi32, #tpu.memory_space<hbm>> -> memref<64xi32, #tpu.memory_space<hbm>>
    %dma_start3A_61 = tpu.memref_slice %arg6[%add3A_57] : memref<321536xi32, #tpu.memory_space<hbm>> -> memref<64xi32, #tpu.memory_space<hbm>>
    tpu.enqueue_dma source(%dma_start3A_61 : memref<64xi32, #tpu.memory_space<hbm>>) target(%arg17 : memref<64xi32, #tpu.memory_space<vmem>>) target_semaphore(%arg29 : memref<!tpu.dma_semaphore, #tpu.memory_space<semaphore_mem>>)
    %dma_start3A_62 = tpu.memref_slice %arg7[%add3A_57] : memref<321536xf32, #tpu.memory_space<hbm>> -> memref<64xf32, #tpu.memory_space<hbm>>
    %dma_start3A_63 = tpu.memref_slice %arg7[%add3A_57] : memref<321536xf32, #tpu.memory_space<hbm>> -> memref<64xf32, #tpu.memory_space<hbm>>
    tpu.enqueue_dma source(%dma_start3A_63 : memref<64xf32, #tpu.memory_space<hbm>>) target(%arg19 : memref<64xf32, #tpu.memory_space<vmem>>) target_semaphore(%arg29 : memref<!tpu.dma_semaphore, #tpu.memory_space<semaphore_mem>>)
    %jit3A_64 = arith.constant 2 : i32
    %div3A = arith.divsi %select_n3A, %jit3A_64 : i32
    %sign3A = arith.constant 0 : i32
    %sign3A_65 = arith.cmpi sgt, %select_n3A, %sign3A : i32
    %sign3A_66 = arith.extui %sign3A_65 : i1 to i32
    %sign3A_67 = arith.constant 0 : i32
    %sign3A_68 = arith.cmpi slt, %select_n3A, %sign3A_67 : i32
    %sign3A_69 = arith.extui %sign3A_68 : i1 to i32
    %sign3A_70 = arith.subi %sign3A_66, %sign3A_69 : i32
    %sign3A_71 = arith.constant 0 : i32
    %sign3A_72 = arith.cmpi sgt, %jit3A_64, %sign3A_71 : i32
    %sign3A_73 = arith.extui %sign3A_72 : i1 to i32
    %sign3A_74 = arith.constant 0 : i32
    %sign3A_75 = arith.cmpi slt, %jit3A_64, %sign3A_74 : i32
    %sign3A_76 = arith.extui %sign3A_75 : i1 to i32
    %sign3A_77 = arith.subi %sign3A_73, %sign3A_76 : i32
    %ne3A = arith.cmpi ne, %sign3A_70, %sign3A_77 : i32
    %rem3A = arith.remsi %select_n3A, %jit3A_64 : i32
    %ne3A_78 = arith.constant 0 : i32
    %ne3A_79 = arith.cmpi ne, %rem3A, %ne3A_78 : i32
    %and3A = arith.andi %ne3A, %ne3A_79 : i1
    %sub3A = arith.constant 1 : i32
    %sub3A_80 = arith.subi %div3A, %sub3A : i32
    %select_n3A_81 = arith.select %and3A, %sub3A_80, %div3A : i32
    %while3A = arith.constant 0 : i32
    %while3A_82 = arith.constant 0 : i32
    %while3A_83 = arith.subi %select_n3A_81, %while3A_82 : i32
    %while3A_84 = arith.addi %while3A_82, %while3A_83 : i32
    %while3A_85 = arith.constant 1 : i32
    %while3A_86 = arith.divsi %while3A_83, %while3A_85 : i32
    %while3A_87 = arith.muli %while3A_86, %while3A_85 : i32
    %while3A_88 = arith.addi %while3A_82, %while3A_87 : i32
    %while3A_89 = arith.constant 1 : i32
    scf.for %while3A_144 = %while3A_82 to %while3A_88 step %while3A_89  : i32 {
      %mul3A_145 = arith.constant 2 : i32
      %mul3A_146 = arith.muli %mul3A_145, %while3A_144 : i32
      %add3A_147 = arith.constant 0 : i32
      %add3A_148 = arith.addi %mul3A_146, %add3A_147 : i32
      %mul3A_149 = arith.constant 64 : i32
      %mul3A_150 = arith.muli %add3A_148, %mul3A_149 : i32
      %add3A_151 = arith.addi %mul3A_48, %mul3A_150 : i32
      %dma_wait3A_152 = tpu.memref_slice %arg5[%add3A_151] : memref<321536xi32, #tpu.memory_space<hbm>> -> memref<64xi32, #tpu.memory_space<hbm>>
      %dma_wait3A_153 = tpu.memref_slice %arg5[%add3A_151] : memref<321536xi32, #tpu.memory_space<hbm>> -> memref<64xi32, #tpu.memory_space<hbm>>
      tpu.wait_dma2 semaphore(%arg28 : memref<!tpu.dma_semaphore, #tpu.memory_space<semaphore_mem>>) src(%dma_wait3A_153 : memref<64xi32, #tpu.memory_space<hbm>>) dst(%arg14 : memref<64xi32, #tpu.memory_space<vmem>>)
      %dma_wait3A_154 = tpu.memref_slice %arg6[%add3A_151] : memref<321536xi32, #tpu.memory_space<hbm>> -> memref<64xi32, #tpu.memory_space<hbm>>
      %dma_wait3A_155 = tpu.memref_slice %arg6[%add3A_151] : memref<321536xi32, #tpu.memory_space<hbm>> -> memref<64xi32, #tpu.memory_space<hbm>>
      tpu.wait_dma2 semaphore(%arg28 : memref<!tpu.dma_semaphore, #tpu.memory_space<semaphore_mem>>) src(%dma_wait3A_155 : memref<64xi32, #tpu.memory_space<hbm>>) dst(%arg16 : memref<64xi32, #tpu.memory_space<vmem>>)
      %dma_wait3A_156 = tpu.memref_slice %arg7[%add3A_151] : memref<321536xf32, #tpu.memory_space<hbm>> -> memref<64xf32, #tpu.memory_space<hbm>>
      %dma_wait3A_157 = tpu.memref_slice %arg7[%add3A_151] : memref<321536xf32, #tpu.memory_space<hbm>> -> memref<64xf32, #tpu.memory_space<hbm>>
      tpu.wait_dma2 semaphore(%arg28 : memref<!tpu.dma_semaphore, #tpu.memory_space<semaphore_mem>>) src(%dma_wait3A_157 : memref<64xf32, #tpu.memory_space<hbm>>) dst(%arg18 : memref<64xf32, #tpu.memory_space<vmem>>)
      %gt3A = arith.constant 0 : i32
      %gt3A_158 = arith.cmpi sgt, %while3A_144, %gt3A : i32
      %convert_element_type3A = arith.extui %gt3A_158 : i1 to i32
      %cond3A = arith.constant 0 : i32
      %cond3A_159 = arith.cmpi ne, %convert_element_type3A, %cond3A : i32
      scf.if %cond3A_159 {
        %dma_wait3A_261 = arith.constant 0 : i32
        %dma_wait3A_262 = arith.constant 0 : i32
        %dma_wait3A_263 = tpu.memref_slice %arg27[%dma_wait3A_261, %dma_wait3A_262] : memref<10240x128xf32, #tpu.memory_space<vmem_shared>> -> memref<10240x128xf32, #tpu.memory_space<vmem_shared>>
        tpu.wait_indirect_dma semaphore(%arg32 : memref<!tpu.dma_semaphore, #tpu.memory_space<semaphore_mem>>) src(%arg22 : memref<64x128xf32, #tpu.memory_space<vmem>>) dst(%dma_wait3A_263 : memref<10240x128xf32, #tpu.memory_space<vmem_shared>>)
      } else {
      }
      %dma_start3A_160 = arith.constant 0 : i32
      %dma_start3A_161 = arith.constant 0 : i32
      %dma_start3A_162 = tpu.memref_slice %arg2[%dma_start3A_160, %dma_start3A_161] : memref<10000x128xf32, #tpu.memory_space<hbm>> -> memref<10000x128xf32, #tpu.memory_space<hbm>>
      tpu.enqueue_indirect_dma source(%dma_start3A_162 : memref<10000x128xf32, #tpu.memory_space<hbm>>) target(%arg22 : memref<64x128xf32, #tpu.memory_space<vmem>>) offsets(%arg14 : memref<64xi32, #tpu.memory_space<vmem>>) semaphore(%arg30 : memref<!tpu.dma_semaphore, #tpu.memory_space<semaphore_mem>>)
      %add3A_163 = arith.constant 1 : i32
      %add3A_164 = arith.addi %mul3A_146, %add3A_163 : i32
      %mul3A_165 = arith.constant 64 : i32
      %mul3A_166 = arith.muli %add3A_164, %mul3A_165 : i32
      %add3A_167 = arith.addi %mul3A_48, %mul3A_166 : i32
      %dma_wait3A_168 = tpu.memref_slice %arg5[%add3A_167] : memref<321536xi32, #tpu.memory_space<hbm>> -> memref<64xi32, #tpu.memory_space<hbm>>
      %dma_wait3A_169 = tpu.memref_slice %arg5[%add3A_167] : memref<321536xi32, #tpu.memory_space<hbm>> -> memref<64xi32, #tpu.memory_space<hbm>>
      tpu.wait_dma2 semaphore(%arg29 : memref<!tpu.dma_semaphore, #tpu.memory_space<semaphore_mem>>) src(%dma_wait3A_169 : memref<64xi32, #tpu.memory_space<hbm>>) dst(%arg15 : memref<64xi32, #tpu.memory_space<vmem>>)
      %dma_wait3A_170 = tpu.memref_slice %arg6[%add3A_167] : memref<321536xi32, #tpu.memory_space<hbm>> -> memref<64xi32, #tpu.memory_space<hbm>>
      %dma_wait3A_171 = tpu.memref_slice %arg6[%add3A_167] : memref<321536xi32, #tpu.memory_space<hbm>> -> memref<64xi32, #tpu.memory_space<hbm>>
      tpu.wait_dma2 semaphore(%arg29 : memref<!tpu.dma_semaphore, #tpu.memory_space<semaphore_mem>>) src(%dma_wait3A_171 : memref<64xi32, #tpu.memory_space<hbm>>) dst(%arg17 : memref<64xi32, #tpu.memory_space<vmem>>)
      %dma_wait3A_172 = tpu.memref_slice %arg7[%add3A_167] : memref<321536xf32, #tpu.memory_space<hbm>> -> memref<64xf32, #tpu.memory_space<hbm>>
      %dma_wait3A_173 = tpu.memref_slice %arg7[%add3A_167] : memref<321536xf32, #tpu.memory_space<hbm>> -> memref<64xf32, #tpu.memory_space<hbm>>
      tpu.wait_dma2 semaphore(%arg29 : memref<!tpu.dma_semaphore, #tpu.memory_space<semaphore_mem>>) src(%dma_wait3A_173 : memref<64xf32, #tpu.memory_space<hbm>>) dst(%arg19 : memref<64xf32, #tpu.memory_space<vmem>>)
      %gt3A_174 = arith.constant 0 : i32
      %gt3A_175 = arith.cmpi sgt, %while3A_144, %gt3A_174 : i32
      %convert_element_type3A_176 = arith.extui %gt3A_175 : i1 to i32
      %cond3A_177 = arith.constant 0 : i32
      %cond3A_178 = arith.cmpi ne, %convert_element_type3A_176, %cond3A_177 : i32
      scf.if %cond3A_178 {
        %dma_wait3A_261 = arith.constant 0 : i32
        %dma_wait3A_262 = arith.constant 0 : i32
        %dma_wait3A_263 = tpu.memref_slice %arg27[%dma_wait3A_261, %dma_wait3A_262] : memref<10240x128xf32, #tpu.memory_space<vmem_shared>> -> memref<10240x128xf32, #tpu.memory_space<vmem_shared>>
        tpu.wait_indirect_dma semaphore(%arg33 : memref<!tpu.dma_semaphore, #tpu.memory_space<semaphore_mem>>) src(%arg23 : memref<64x128xf32, #tpu.memory_space<vmem>>) dst(%dma_wait3A_263 : memref<10240x128xf32, #tpu.memory_space<vmem_shared>>)
      } else {
      }
      %dma_start3A_179 = arith.constant 0 : i32
      %dma_start3A_180 = arith.constant 0 : i32
      %dma_start3A_181 = tpu.memref_slice %arg2[%dma_start3A_179, %dma_start3A_180] : memref<10000x128xf32, #tpu.memory_space<hbm>> -> memref<10000x128xf32, #tpu.memory_space<hbm>>
      tpu.enqueue_indirect_dma source(%dma_start3A_181 : memref<10000x128xf32, #tpu.memory_space<hbm>>) target(%arg23 : memref<64x128xf32, #tpu.memory_space<vmem>>) offsets(%arg15 : memref<64xi32, #tpu.memory_space<vmem>>) semaphore(%arg31 : memref<!tpu.dma_semaphore, #tpu.memory_space<semaphore_mem>>)
      %add3A_182 = arith.constant 0 : i32
      %add3A_183 = arith.addi %mul3A_146, %add3A_182 : i32
      %mul3A_184 = arith.constant 64 : i32
      %mul3A_185 = arith.muli %add3A_183, %mul3A_184 : i32
      %add3A_186 = arith.addi %mul3A_48, %mul3A_185 : i32
      %parallel_loop3A = arith.constant 0 : i32
      %parallel_loop3A_187 = arith.constant 4 : i32
      %parallel_loop3A_188 = arith.constant 1 : i32
      scf.for %parallel_loop3A_261 = %parallel_loop3A to %parallel_loop3A_187 step %parallel_loop3A_188  : i32 {
        %parallel_loop3A_262 = arith.constant 16 : i32
        %parallel_loop3A_263 = arith.muli %parallel_loop3A_261, %parallel_loop3A_262 : i32
        %parallel_loop3A_264 = arith.index_cast %parallel_loop3A_263 : i32 to index
        %parallel_loop3A_265 = tpu.vector_load %arg14[%parallel_loop3A_264] {strides = array<i32>} : memref<64xi32, #tpu.memory_space<vmem>>, vector<16xi32>,
        %parallel_loop3A_266 = arith.constant 16 : i32
        %parallel_loop3A_267 = arith.muli %parallel_loop3A_261, %parallel_loop3A_266 : i32
        %parallel_loop3A_268 = arith.index_cast %parallel_loop3A_267 : i32 to index
        %parallel_loop3A_269 = tpu.vector_load %arg16[%parallel_loop3A_268] {strides = array<i32>} : memref<64xi32, #tpu.memory_space<vmem>>, vector<16xi32>,
        %parallel_loop3A_270 = tpu.vector_load_idx %arg11[%parallel_loop3A_265] : memref<10000xf32, #tpu.memory_space<vmem>>[vector<16xi32>], vector<16xf32>,
        %parallel_loop3A_271 = tpu.vector_load_idx %arg12[%parallel_loop3A_269] : memref<10000xf32, #tpu.memory_space<vmem>>[vector<16xi32>], vector<16xf32>,
        %parallel_loop3A_272 = arith.addf %parallel_loop3A_270, %parallel_loop3A_271 : vector<16xf32>
        %parallel_loop3A_273 = arith.constant 16 : i32
        %parallel_loop3A_274 = arith.muli %parallel_loop3A_261, %parallel_loop3A_273 : i32
        %parallel_loop3A_275 = arith.index_cast %parallel_loop3A_274 : i32 to index
        %parallel_loop3A_276 = tpu.vector_load %arg18[%parallel_loop3A_275] {strides = array<i32>} : memref<64xf32, #tpu.memory_space<vmem>>, vector<16xf32>,
        %parallel_loop3A_277 = arith.mulf %parallel_loop3A_276, %get3A_1 : vector<16xf32>
        %parallel_loop3A_278 = arith.addf %parallel_loop3A_272, %parallel_loop3A_277 : vector<16xf32>
        %parallel_loop3A_279 = arith.constant 2.000000e-01 : f32
        %parallel_loop3A_280 = vector.broadcast %parallel_loop3A_279 : f32 to vector<16xf32>
        %parallel_loop3A_281 = arith.mulf %parallel_loop3A_280, %parallel_loop3A_278 : vector<16xf32>
        %parallel_loop3A_282 = arith.maximumf %parallel_loop3A_278, %parallel_loop3A_281 : vector<16xf32>
        %parallel_loop3A_283 = math.exp %parallel_loop3A_282 : vector<16xf32>
        %parallel_loop3A_284 = arith.constant 16 : i32
        %parallel_loop3A_285 = arith.muli %parallel_loop3A_261, %parallel_loop3A_284 : i32
        %parallel_loop3A_286 = arith.addi %add3A_186, %parallel_loop3A_285 : i32
        %parallel_loop3A_287 = tpu.iota {dimensions = array<i32: 0>} : vector<16xi32>
        %parallel_loop3A_288 = vector.broadcast %parallel_loop3A_286 : i32 to vector<16xi32>
        %parallel_loop3A_289 = arith.addi %parallel_loop3A_288, %parallel_loop3A_287 : vector<16xi32>
        %parallel_loop3A_290 = arith.constant 320000 : i32
        %parallel_loop3A_291 = vector.broadcast %parallel_loop3A_290 : i32 to vector<16xi32>
        %parallel_loop3A_292 = arith.cmpi slt, %parallel_loop3A_289, %parallel_loop3A_291 : vector<16xi32>
        %parallel_loop3A_293 = arith.constant 0.000000e+00 : f32
        %parallel_loop3A_294 = vector.broadcast %parallel_loop3A_293 : f32 to vector<16xf32>
        %parallel_loop3A_295 = arith.select %parallel_loop3A_292, %parallel_loop3A_283, %parallel_loop3A_294 : vector<16xi1>, vector<16xf32>
        %parallel_loop3A_296 = arith.constant 16 : i32
        %parallel_loop3A_297 = arith.muli %parallel_loop3A_261, %parallel_loop3A_296 : i32
        %parallel_loop3A_298 = arith.index_cast %parallel_loop3A_297 : i32 to index
        %parallel_loop3A_299 = tpu.vector_load %arg24[%parallel_loop3A_298] {strides = array<i32>} : memref<64xf32, #tpu.memory_space<vmem>>, vector<16xf32>,
        tpu.vector_store %arg24[%parallel_loop3A_298], %parallel_loop3A_295 {strides = array<i32>} : memref<64xf32, #tpu.memory_space<vmem>>, vector<16xf32>,
        tpu.vector_store_idx %arg13[%parallel_loop3A_269], %parallel_loop3A_295 {add = true} : memref<10000xf32, #tpu.memory_space<vmem>>[vector<16xi32>], vector<16xf32>,
      } {sc.loop_unroll_factor = 4 : i64, sc.parallel_access}
      %get3A_189 = arith.constant 0 : index
      %get3A_190 = tpu.vector_load %arg16[%get3A_189] {strides = array<i32>} : memref<64xi32, #tpu.memory_space<vmem>>, vector<16xi32>,
      %swap3A = arith.constant 0 : index
      %swap3A_191 = tpu.vector_load %arg20[%swap3A] {strides = array<i32>} : memref<64xi32, #tpu.memory_space<vmem>>, vector<16xi32>,
      tpu.vector_store %arg20[%swap3A], %get3A_190 {strides = array<i32>} : memref<64xi32, #tpu.memory_space<vmem>>, vector<16xi32>,
      %get3A_192 = arith.constant 16 : index
      %get3A_193 = tpu.vector_load %arg16[%get3A_192] {strides = array<i32>} : memref<64xi32, #tpu.memory_space<vmem>>, vector<16xi32>,
      %swap3A_194 = arith.constant 16 : index
      %swap3A_195 = tpu.vector_load %arg20[%swap3A_194] {strides = array<i32>} : memref<64xi32, #tpu.memory_space<vmem>>, vector<16xi32>,
      tpu.vector_store %arg20[%swap3A_194], %get3A_193 {strides = array<i32>} : memref<64xi32, #tpu.memory_space<vmem>>, vector<16xi32>,
      %get3A_196 = arith.constant 32 : index
      %get3A_197 = tpu.vector_load %arg16[%get3A_196] {strides = array<i32>} : memref<64xi32, #tpu.memory_space<vmem>>, vector<16xi32>,
      %swap3A_198 = arith.constant 32 : index
      %swap3A_199 = tpu.vector_load %arg20[%swap3A_198] {strides = array<i32>} : memref<64xi32, #tpu.memory_space<vmem>>, vector<16xi32>,
      tpu.vector_store %arg20[%swap3A_198], %get3A_197 {strides = array<i32>} : memref<64xi32, #tpu.memory_space<vmem>>, vector<16xi32>,
      %get3A_200 = arith.constant 48 : index
      %get3A_201 = tpu.vector_load %arg16[%get3A_200] {strides = array<i32>} : memref<64xi32, #tpu.memory_space<vmem>>, vector<16xi32>,
      %swap3A_202 = arith.constant 48 : index
      %swap3A_203 = tpu.vector_load %arg20[%swap3A_202] {strides = array<i32>} : memref<64xi32, #tpu.memory_space<vmem>>, vector<16xi32>,
      tpu.vector_store %arg20[%swap3A_202], %get3A_201 {strides = array<i32>} : memref<64xi32, #tpu.memory_space<vmem>>, vector<16xi32>,
      %add3A_204 = arith.constant 1 : i32
      %add3A_205 = arith.addi %mul3A_146, %add3A_204 : i32
      %mul3A_206 = arith.constant 64 : i32
      %mul3A_207 = arith.muli %add3A_205, %mul3A_206 : i32
      %add3A_208 = arith.addi %mul3A_48, %mul3A_207 : i32
      %parallel_loop3A_209 = arith.constant 0 : i32
      %parallel_loop3A_210 = arith.constant 4 : i32
      %parallel_loop3A_211 = arith.constant 1 : i32
      scf.for %parallel_loop3A_261 = %parallel_loop3A_209 to %parallel_loop3A_210 step %parallel_loop3A_211  : i32 {
        %parallel_loop3A_262 = arith.constant 16 : i32
        %parallel_loop3A_263 = arith.muli %parallel_loop3A_261, %parallel_loop3A_262 : i32
        %parallel_loop3A_264 = arith.index_cast %parallel_loop3A_263 : i32 to index
        %parallel_loop3A_265 = tpu.vector_load %arg15[%parallel_loop3A_264] {strides = array<i32>} : memref<64xi32, #tpu.memory_space<vmem>>, vector<16xi32>,
        %parallel_loop3A_266 = arith.constant 16 : i32
        %parallel_loop3A_267 = arith.muli %parallel_loop3A_261, %parallel_loop3A_266 : i32
        %parallel_loop3A_268 = arith.index_cast %parallel_loop3A_267 : i32 to index
        %parallel_loop3A_269 = tpu.vector_load %arg17[%parallel_loop3A_268] {strides = array<i32>} : memref<64xi32, #tpu.memory_space<vmem>>, vector<16xi32>,
        %parallel_loop3A_270 = tpu.vector_load_idx %arg11[%parallel_loop3A_265] : memref<10000xf32, #tpu.memory_space<vmem>>[vector<16xi32>], vector<16xf32>,
        %parallel_loop3A_271 = tpu.vector_load_idx %arg12[%parallel_loop3A_269] : memref<10000xf32, #tpu.memory_space<vmem>>[vector<16xi32>], vector<16xf32>,
        %parallel_loop3A_272 = arith.addf %parallel_loop3A_270, %parallel_loop3A_271 : vector<16xf32>
        %parallel_loop3A_273 = arith.constant 16 : i32
        %parallel_loop3A_274 = arith.muli %parallel_loop3A_261, %parallel_loop3A_273 : i32
        %parallel_loop3A_275 = arith.index_cast %parallel_loop3A_274 : i32 to index
        %parallel_loop3A_276 = tpu.vector_load %arg19[%parallel_loop3A_275] {strides = array<i32>} : memref<64xf32, #tpu.memory_space<vmem>>, vector<16xf32>,
        %parallel_loop3A_277 = arith.mulf %parallel_loop3A_276, %get3A_1 : vector<16xf32>
        %parallel_loop3A_278 = arith.addf %parallel_loop3A_272, %parallel_loop3A_277 : vector<16xf32>
        %parallel_loop3A_279 = arith.constant 2.000000e-01 : f32
        %parallel_loop3A_280 = vector.broadcast %parallel_loop3A_279 : f32 to vector<16xf32>
        %parallel_loop3A_281 = arith.mulf %parallel_loop3A_280, %parallel_loop3A_278 : vector<16xf32>
        %parallel_loop3A_282 = arith.maximumf %parallel_loop3A_278, %parallel_loop3A_281 : vector<16xf32>
        %parallel_loop3A_283 = math.exp %parallel_loop3A_282 : vector<16xf32>
        %parallel_loop3A_284 = arith.constant 16 : i32
        %parallel_loop3A_285 = arith.muli %parallel_loop3A_261, %parallel_loop3A_284 : i32
        %parallel_loop3A_286 = arith.addi %add3A_208, %parallel_loop3A_285 : i32
        %parallel_loop3A_287 = tpu.iota {dimensions = array<i32: 0>} : vector<16xi32>
        %parallel_loop3A_288 = vector.broadcast %parallel_loop3A_286 : i32 to vector<16xi32>
        %parallel_loop3A_289 = arith.addi %parallel_loop3A_288, %parallel_loop3A_287 : vector<16xi32>
        %parallel_loop3A_290 = arith.constant 320000 : i32
        %parallel_loop3A_291 = vector.broadcast %parallel_loop3A_290 : i32 to vector<16xi32>
        %parallel_loop3A_292 = arith.cmpi slt, %parallel_loop3A_289, %parallel_loop3A_291 : vector<16xi32>
        %parallel_loop3A_293 = arith.constant 0.000000e+00 : f32
        %parallel_loop3A_294 = vector.broadcast %parallel_loop3A_293 : f32 to vector<16xf32>
        %parallel_loop3A_295 = arith.select %parallel_loop3A_292, %parallel_loop3A_283, %parallel_loop3A_294 : vector<16xi1>, vector<16xf32>
        %parallel_loop3A_296 = arith.constant 16 : i32
        %parallel_loop3A_297 = arith.muli %parallel_loop3A_261, %parallel_loop3A_296 : i32
        %parallel_loop3A_298 = arith.index_cast %parallel_loop3A_297 : i32 to index
        %parallel_loop3A_299 = tpu.vector_load %arg25[%parallel_loop3A_298] {strides = array<i32>} : memref<64xf32, #tpu.memory_space<vmem>>, vector<16xf32>,
        tpu.vector_store %arg25[%parallel_loop3A_298], %parallel_loop3A_295 {strides = array<i32>} : memref<64xf32, #tpu.memory_space<vmem>>, vector<16xf32>,
        tpu.vector_store_idx %arg13[%parallel_loop3A_269], %parallel_loop3A_295 {add = true} : memref<10000xf32, #tpu.memory_space<vmem>>[vector<16xi32>], vector<16xf32>,
      } {sc.loop_unroll_factor = 4 : i64, sc.parallel_access}
      %get3A_212 = arith.constant 0 : index
      %get3A_213 = tpu.vector_load %arg17[%get3A_212] {strides = array<i32>} : memref<64xi32, #tpu.memory_space<vmem>>, vector<16xi32>,
      %swap3A_214 = arith.constant 0 : index
      %swap3A_215 = tpu.vector_load %arg21[%swap3A_214] {strides = array<i32>} : memref<64xi32, #tpu.memory_space<vmem>>, vector<16xi32>,
      tpu.vector_store %arg21[%swap3A_214], %get3A_213 {strides = array<i32>} : memref<64xi32, #tpu.memory_space<vmem>>, vector<16xi32>,
      %get3A_216 = arith.constant 16 : index
      %get3A_217 = tpu.vector_load %arg17[%get3A_216] {strides = array<i32>} : memref<64xi32, #tpu.memory_space<vmem>>, vector<16xi32>,
      %swap3A_218 = arith.constant 16 : index
      %swap3A_219 = tpu.vector_load %arg21[%swap3A_218] {strides = array<i32>} : memref<64xi32, #tpu.memory_space<vmem>>, vector<16xi32>,
      tpu.vector_store %arg21[%swap3A_218], %get3A_217 {strides = array<i32>} : memref<64xi32, #tpu.memory_space<vmem>>, vector<16xi32>,
      %get3A_220 = arith.constant 32 : index
      %get3A_221 = tpu.vector_load %arg17[%get3A_220] {strides = array<i32>} : memref<64xi32, #tpu.memory_space<vmem>>, vector<16xi32>,
      %swap3A_222 = arith.constant 32 : index
      %swap3A_223 = tpu.vector_load %arg21[%swap3A_222] {strides = array<i32>} : memref<64xi32, #tpu.memory_space<vmem>>, vector<16xi32>,
      tpu.vector_store %arg21[%swap3A_222], %get3A_221 {strides = array<i32>} : memref<64xi32, #tpu.memory_space<vmem>>, vector<16xi32>,
      %get3A_224 = arith.constant 48 : index
      %get3A_225 = tpu.vector_load %arg17[%get3A_224] {strides = array<i32>} : memref<64xi32, #tpu.memory_space<vmem>>, vector<16xi32>,
      %swap3A_226 = arith.constant 48 : index
      %swap3A_227 = tpu.vector_load %arg21[%swap3A_226] {strides = array<i32>} : memref<64xi32, #tpu.memory_space<vmem>>, vector<16xi32>,
      tpu.vector_store %arg21[%swap3A_226], %get3A_225 {strides = array<i32>} : memref<64xi32, #tpu.memory_space<vmem>>, vector<16xi32>,
      %dma_wait3A_228 = arith.constant 0 : i32
      %dma_wait3A_229 = arith.constant 0 : i32
      %dma_wait3A_230 = tpu.memref_slice %arg2[%dma_wait3A_228, %dma_wait3A_229] : memref<10000x128xf32, #tpu.memory_space<hbm>> -> memref<10000x128xf32, #tpu.memory_space<hbm>>
      tpu.wait_indirect_dma semaphore(%arg30 : memref<!tpu.dma_semaphore, #tpu.memory_space<semaphore_mem>>) src(%dma_wait3A_230 : memref<10000x128xf32, #tpu.memory_space<hbm>>) dst(%arg22 : memref<64x128xf32, #tpu.memory_space<vmem>>)
      %parallel_loop3A_231 = arith.constant 0 : i32
      %parallel_loop3A_232 = arith.constant 64 : i32
      %parallel_loop3A_233 = arith.constant 1 : i32
      scf.for %parallel_loop3A_261 = %parallel_loop3A_231 to %parallel_loop3A_232 step %parallel_loop3A_233  : i32 {
        %parallel_loop3A_262 = vector.broadcast %parallel_loop3A_261 : i32 to vector<16xi32>
        %parallel_loop3A_263 = tpu.vector_load_idx %arg24[%parallel_loop3A_262] : memref<64xf32, #tpu.memory_space<vmem>>[vector<16xi32>], vector<16xf32>,
        %parallel_loop3A_264 = arith.index_cast %parallel_loop3A_261 : i32 to index
        %parallel_loop3A_265 = arith.constant 0 : index
        %parallel_loop3A_266 = tpu.vector_load %arg22[%parallel_loop3A_264, %parallel_loop3A_265] {strides = array<i32>} : memref<64x128xf32, #tpu.memory_space<vmem>>, vector<16xf32>,
        %parallel_loop3A_267 = arith.mulf %parallel_loop3A_266, %parallel_loop3A_263 : vector<16xf32>
        %parallel_loop3A_268 = arith.index_cast %parallel_loop3A_261 : i32 to index
        %parallel_loop3A_269 = arith.constant 0 : index
        %parallel_loop3A_270 = tpu.vector_load %arg22[%parallel_loop3A_268, %parallel_loop3A_269] {strides = array<i32>} : memref<64x128xf32, #tpu.memory_space<vmem>>, vector<16xf32>,
        tpu.vector_store %arg22[%parallel_loop3A_268, %parallel_loop3A_269], %parallel_loop3A_267 {strides = array<i32>} : memref<64x128xf32, #tpu.memory_space<vmem>>, vector<16xf32>,
        %parallel_loop3A_271 = arith.index_cast %parallel_loop3A_261 : i32 to index
        %parallel_loop3A_272 = arith.constant 16 : index
        %parallel_loop3A_273 = tpu.vector_load %arg22[%parallel_loop3A_271, %parallel_loop3A_272] {strides = array<i32>} : memref<64x128xf32, #tpu.memory_space<vmem>>, vector<16xf32>,
        %parallel_loop3A_274 = arith.mulf %parallel_loop3A_273, %parallel_loop3A_263 : vector<16xf32>
        %parallel_loop3A_275 = arith.index_cast %parallel_loop3A_261 : i32 to index
        %parallel_loop3A_276 = arith.constant 16 : index
        %parallel_loop3A_277 = tpu.vector_load %arg22[%parallel_loop3A_275, %parallel_loop3A_276] {strides = array<i32>} : memref<64x128xf32, #tpu.memory_space<vmem>>, vector<16xf32>,
        tpu.vector_store %arg22[%parallel_loop3A_275, %parallel_loop3A_276], %parallel_loop3A_274 {strides = array<i32>} : memref<64x128xf32, #tpu.memory_space<vmem>>, vector<16xf32>,
        %parallel_loop3A_278 = arith.index_cast %parallel_loop3A_261 : i32 to index
        %parallel_loop3A_279 = arith.constant 32 : index
        %parallel_loop3A_280 = tpu.vector_load %arg22[%parallel_loop3A_278, %parallel_loop3A_279] {strides = array<i32>} : memref<64x128xf32, #tpu.memory_space<vmem>>, vector<16xf32>,
        %parallel_loop3A_281 = arith.mulf %parallel_loop3A_280, %parallel_loop3A_263 : vector<16xf32>
        %parallel_loop3A_282 = arith.index_cast %parallel_loop3A_261 : i32 to index
        %parallel_loop3A_283 = arith.constant 32 : index
        %parallel_loop3A_284 = tpu.vector_load %arg22[%parallel_loop3A_282, %parallel_loop3A_283] {strides = array<i32>} : memref<64x128xf32, #tpu.memory_space<vmem>>, vector<16xf32>,
        tpu.vector_store %arg22[%parallel_loop3A_282, %parallel_loop3A_283], %parallel_loop3A_281 {strides = array<i32>} : memref<64x128xf32, #tpu.memory_space<vmem>>, vector<16xf32>,
        %parallel_loop3A_285 = arith.index_cast %parallel_loop3A_261 : i32 to index
        %parallel_loop3A_286 = arith.constant 48 : index
        %parallel_loop3A_287 = tpu.vector_load %arg22[%parallel_loop3A_285, %parallel_loop3A_286] {strides = array<i32>} : memref<64x128xf32, #tpu.memory_space<vmem>>, vector<16xf32>,
        %parallel_loop3A_288 = arith.mulf %parallel_loop3A_287, %parallel_loop3A_263 : vector<16xf32>
        %parallel_loop3A_289 = arith.index_cast %parallel_loop3A_261 : i32 to index
        %parallel_loop3A_290 = arith.constant 48 : index
        %parallel_loop3A_291 = tpu.vector_load %arg22[%parallel_loop3A_289, %parallel_loop3A_290] {strides = array<i32>} : memref<64x128xf32, #tpu.memory_space<vmem>>, vector<16xf32>,
        tpu.vector_store %arg22[%parallel_loop3A_289, %parallel_loop3A_290], %parallel_loop3A_288 {strides = array<i32>} : memref<64x128xf32, #tpu.memory_space<vmem>>, vector<16xf32>,
        %parallel_loop3A_292 = arith.index_cast %parallel_loop3A_261 : i32 to index
        %parallel_loop3A_293 = arith.constant 64 : index
        %parallel_loop3A_294 = tpu.vector_load %arg22[%parallel_loop3A_292, %parallel_loop3A_293] {strides = array<i32>} : memref<64x128xf32, #tpu.memory_space<vmem>>, vector<16xf32>,
        %parallel_loop3A_295 = arith.mulf %parallel_loop3A_294, %parallel_loop3A_263 : vector<16xf32>
        %parallel_loop3A_296 = arith.index_cast %parallel_loop3A_261 : i32 to index
        %parallel_loop3A_297 = arith.constant 64 : index
        %parallel_loop3A_298 = tpu.vector_load %arg22[%parallel_loop3A_296, %parallel_loop3A_297] {strides = array<i32>} : memref<64x128xf32, #tpu.memory_space<vmem>>, vector<16xf32>,
        tpu.vector_store %arg22[%parallel_loop3A_296, %parallel_loop3A_297], %parallel_loop3A_295 {strides = array<i32>} : memref<64x128xf32, #tpu.memory_space<vmem>>, vector<16xf32>,
        %parallel_loop3A_299 = arith.index_cast %parallel_loop3A_261 : i32 to index
        %parallel_loop3A_300 = arith.constant 80 : index
        %parallel_loop3A_301 = tpu.vector_load %arg22[%parallel_loop3A_299, %parallel_loop3A_300] {strides = array<i32>} : memref<64x128xf32, #tpu.memory_space<vmem>>, vector<16xf32>,
        %parallel_loop3A_302 = arith.mulf %parallel_loop3A_301, %parallel_loop3A_263 : vector<16xf32>
        %parallel_loop3A_303 = arith.index_cast %parallel_loop3A_261 : i32 to index
        %parallel_loop3A_304 = arith.constant 80 : index
        %parallel_loop3A_305 = tpu.vector_load %arg22[%parallel_loop3A_303, %parallel_loop3A_304] {strides = array<i32>} : memref<64x128xf32, #tpu.memory_space<vmem>>, vector<16xf32>,
        tpu.vector_store %arg22[%parallel_loop3A_303, %parallel_loop3A_304], %parallel_loop3A_302 {strides = array<i32>} : memref<64x128xf32, #tpu.memory_space<vmem>>, vector<16xf32>,
        %parallel_loop3A_306 = arith.index_cast %parallel_loop3A_261 : i32 to index
        %parallel_loop3A_307 = arith.constant 96 : index
        %parallel_loop3A_308 = tpu.vector_load %arg22[%parallel_loop3A_306, %parallel_loop3A_307] {strides = array<i32>} : memref<64x128xf32, #tpu.memory_space<vmem>>, vector<16xf32>,
        %parallel_loop3A_309 = arith.mulf %parallel_loop3A_308, %parallel_loop3A_263 : vector<16xf32>
        %parallel_loop3A_310 = arith.index_cast %parallel_loop3A_261 : i32 to index
        %parallel_loop3A_311 = arith.constant 96 : index
        %parallel_loop3A_312 = tpu.vector_load %arg22[%parallel_loop3A_310, %parallel_loop3A_311] {strides = array<i32>} : memref<64x128xf32, #tpu.memory_space<vmem>>, vector<16xf32>,
        tpu.vector_store %arg22[%parallel_loop3A_310, %parallel_loop3A_311], %parallel_loop3A_309 {strides = array<i32>} : memref<64x128xf32, #tpu.memory_space<vmem>>, vector<16xf32>,
        %parallel_loop3A_313 = arith.index_cast %parallel_loop3A_261 : i32 to index
        %parallel_loop3A_314 = arith.constant 112 : index
        %parallel_loop3A_315 = tpu.vector_load %arg22[%parallel_loop3A_313, %parallel_loop3A_314] {strides = array<i32>} : memref<64x128xf32, #tpu.memory_space<vmem>>, vector<16xf32>,
        %parallel_loop3A_316 = arith.mulf %parallel_loop3A_315, %parallel_loop3A_263 : vector<16xf32>
        %parallel_loop3A_317 = arith.index_cast %parallel_loop3A_261 : i32 to index
        %parallel_loop3A_318 = arith.constant 112 : index
        %parallel_loop3A_319 = tpu.vector_load %arg22[%parallel_loop3A_317, %parallel_loop3A_318] {strides = array<i32>} : memref<64x128xf32, #tpu.memory_space<vmem>>, vector<16xf32>,
        tpu.vector_store %arg22[%parallel_loop3A_317, %parallel_loop3A_318], %parallel_loop3A_316 {strides = array<i32>} : memref<64x128xf32, #tpu.memory_space<vmem>>, vector<16xf32>,
      } {sc.loop_unroll_factor = 8 : i64, sc.parallel_access}
      %dma_start3A_234 = arith.constant 0 : i32
      %dma_start3A_235 = arith.constant 0 : i32
      %dma_start3A_236 = tpu.memref_slice %arg27[%dma_start3A_234, %dma_start3A_235] : memref<10240x128xf32, #tpu.memory_space<vmem_shared>> -> memref<10240x128xf32, #tpu.memory_space<vmem_shared>>
      tpu.enqueue_indirect_dma source(%arg22 : memref<64x128xf32, #tpu.memory_space<vmem>>) target(%dma_start3A_236 : memref<10240x128xf32, #tpu.memory_space<vmem_shared>>) offsets(%arg20 : memref<64xi32, #tpu.memory_space<vmem>>) semaphore(%arg32 : memref<!tpu.dma_semaphore, #tpu.memory_space<semaphore_mem>>) {add = true}
      %add3A_237 = arith.constant 0 : i32
      %add3A_238 = arith.addi %mul3A_146, %add3A_237 : i32
      %add3A_239 = arith.constant 2 : i32
      %add3A_240 = arith.addi %add3A_238, %add3A_239 : i32
      %lt3A = arith.cmpi slt, %add3A_240, %select_n3A : i32
      %convert_element_type3A_241 = arith.extui %lt3A : i1 to i32
      %cond3A_242 = arith.constant 0 : i32
      %cond3A_243 = arith.cmpi ne, %convert_element_type3A_241, %cond3A_242 : i32
      scf.if %cond3A_243 {
        %add3A_261 = arith.constant 0 : i32
        %add3A_262 = arith.addi %mul3A_146, %add3A_261 : i32
        %add3A_263 = arith.constant 2 : i32
        %add3A_264 = arith.addi %add3A_262, %add3A_263 : i32
        %mul3A_265 = arith.constant 64 : i32
        %mul3A_266 = arith.muli %add3A_264, %mul3A_265 : i32
        %add3A_267 = arith.addi %mul3A_48, %mul3A_266 : i32
        %dma_start3A_268 = tpu.memref_slice %arg5[%add3A_267] : memref<321536xi32, #tpu.memory_space<hbm>> -> memref<64xi32, #tpu.memory_space<hbm>>
        %dma_start3A_269 = tpu.memref_slice %arg5[%add3A_267] : memref<321536xi32, #tpu.memory_space<hbm>> -> memref<64xi32, #tpu.memory_space<hbm>>
        tpu.enqueue_dma source(%dma_start3A_269 : memref<64xi32, #tpu.memory_space<hbm>>) target(%arg14 : memref<64xi32, #tpu.memory_space<vmem>>) target_semaphore(%arg28 : memref<!tpu.dma_semaphore, #tpu.memory_space<semaphore_mem>>)
        %dma_start3A_270 = tpu.memref_slice %arg6[%add3A_267] : memref<321536xi32, #tpu.memory_space<hbm>> -> memref<64xi32, #tpu.memory_space<hbm>>
        %dma_start3A_271 = tpu.memref_slice %arg6[%add3A_267] : memref<321536xi32, #tpu.memory_space<hbm>> -> memref<64xi32, #tpu.memory_space<hbm>>
        tpu.enqueue_dma source(%dma_start3A_271 : memref<64xi32, #tpu.memory_space<hbm>>) target(%arg16 : memref<64xi32, #tpu.memory_space<vmem>>) target_semaphore(%arg28 : memref<!tpu.dma_semaphore, #tpu.memory_space<semaphore_mem>>)
        %dma_start3A_272 = tpu.memref_slice %arg7[%add3A_267] : memref<321536xf32, #tpu.memory_space<hbm>> -> memref<64xf32, #tpu.memory_space<hbm>>
        %dma_start3A_273 = tpu.memref_slice %arg7[%add3A_267] : memref<321536xf32, #tpu.memory_space<hbm>> -> memref<64xf32, #tpu.memory_space<hbm>>
        tpu.enqueue_dma source(%dma_start3A_273 : memref<64xf32, #tpu.memory_space<hbm>>) target(%arg18 : memref<64xf32, #tpu.memory_space<vmem>>) target_semaphore(%arg28 : memref<!tpu.dma_semaphore, #tpu.memory_space<semaphore_mem>>)
      } else {
      }
      %dma_wait3A_244 = arith.constant 0 : i32
      %dma_wait3A_245 = arith.constant 0 : i32
      %dma_wait3A_246 = tpu.memref_slice %arg2[%dma_wait3A_244, %dma_wait3A_245] : memref<10000x128xf32, #tpu.memory_space<hbm>> -> memref<10000x128xf32, #tpu.memory_space<hbm>>
      tpu.wait_indirect_dma semaphore(%arg31 : memref<!tpu.dma_semaphore, #tpu.memory_space<semaphore_mem>>) src(%dma_wait3A_246 : memref<10000x128xf32, #tpu.memory_space<hbm>>) dst(%arg23 : memref<64x128xf32, #tpu.memory_space<vmem>>)
      %parallel_loop3A_247 = arith.constant 0 : i32
      %parallel_loop3A_248 = arith.constant 64 : i32
      %parallel_loop3A_249 = arith.constant 1 : i32
      scf.for %parallel_loop3A_261 = %parallel_loop3A_247 to %parallel_loop3A_248 step %parallel_loop3A_249  : i32 {
        %parallel_loop3A_262 = vector.broadcast %parallel_loop3A_261 : i32 to vector<16xi32>
        %parallel_loop3A_263 = tpu.vector_load_idx %arg25[%parallel_loop3A_262] : memref<64xf32, #tpu.memory_space<vmem>>[vector<16xi32>], vector<16xf32>,
        %parallel_loop3A_264 = arith.index_cast %parallel_loop3A_261 : i32 to index
        %parallel_loop3A_265 = arith.constant 0 : index
        %parallel_loop3A_266 = tpu.vector_load %arg23[%parallel_loop3A_264, %parallel_loop3A_265] {strides = array<i32>} : memref<64x128xf32, #tpu.memory_space<vmem>>, vector<16xf32>,
        %parallel_loop3A_267 = arith.mulf %parallel_loop3A_266, %parallel_loop3A_263 : vector<16xf32>
        %parallel_loop3A_268 = arith.index_cast %parallel_loop3A_261 : i32 to index
        %parallel_loop3A_269 = arith.constant 0 : index
        %parallel_loop3A_270 = tpu.vector_load %arg23[%parallel_loop3A_268, %parallel_loop3A_269] {strides = array<i32>} : memref<64x128xf32, #tpu.memory_space<vmem>>, vector<16xf32>,
        tpu.vector_store %arg23[%parallel_loop3A_268, %parallel_loop3A_269], %parallel_loop3A_267 {strides = array<i32>} : memref<64x128xf32, #tpu.memory_space<vmem>>, vector<16xf32>,
        %parallel_loop3A_271 = arith.index_cast %parallel_loop3A_261 : i32 to index
        %parallel_loop3A_272 = arith.constant 16 : index
        %parallel_loop3A_273 = tpu.vector_load %arg23[%parallel_loop3A_271, %parallel_loop3A_272] {strides = array<i32>} : memref<64x128xf32, #tpu.memory_space<vmem>>, vector<16xf32>,
        %parallel_loop3A_274 = arith.mulf %parallel_loop3A_273, %parallel_loop3A_263 : vector<16xf32>
        %parallel_loop3A_275 = arith.index_cast %parallel_loop3A_261 : i32 to index
        %parallel_loop3A_276 = arith.constant 16 : index
        %parallel_loop3A_277 = tpu.vector_load %arg23[%parallel_loop3A_275, %parallel_loop3A_276] {strides = array<i32>} : memref<64x128xf32, #tpu.memory_space<vmem>>, vector<16xf32>,
        tpu.vector_store %arg23[%parallel_loop3A_275, %parallel_loop3A_276], %parallel_loop3A_274 {strides = array<i32>} : memref<64x128xf32, #tpu.memory_space<vmem>>, vector<16xf32>,
        %parallel_loop3A_278 = arith.index_cast %parallel_loop3A_261 : i32 to index
        %parallel_loop3A_279 = arith.constant 32 : index
        %parallel_loop3A_280 = tpu.vector_load %arg23[%parallel_loop3A_278, %parallel_loop3A_279] {strides = array<i32>} : memref<64x128xf32, #tpu.memory_space<vmem>>, vector<16xf32>,
        %parallel_loop3A_281 = arith.mulf %parallel_loop3A_280, %parallel_loop3A_263 : vector<16xf32>
        %parallel_loop3A_282 = arith.index_cast %parallel_loop3A_261 : i32 to index
        %parallel_loop3A_283 = arith.constant 32 : index
        %parallel_loop3A_284 = tpu.vector_load %arg23[%parallel_loop3A_282, %parallel_loop3A_283] {strides = array<i32>} : memref<64x128xf32, #tpu.memory_space<vmem>>, vector<16xf32>,
        tpu.vector_store %arg23[%parallel_loop3A_282, %parallel_loop3A_283], %parallel_loop3A_281 {strides = array<i32>} : memref<64x128xf32, #tpu.memory_space<vmem>>, vector<16xf32>,
        %parallel_loop3A_285 = arith.index_cast %parallel_loop3A_261 : i32 to index
        %parallel_loop3A_286 = arith.constant 48 : index
        %parallel_loop3A_287 = tpu.vector_load %arg23[%parallel_loop3A_285, %parallel_loop3A_286] {strides = array<i32>} : memref<64x128xf32, #tpu.memory_space<vmem>>, vector<16xf32>,
        %parallel_loop3A_288 = arith.mulf %parallel_loop3A_287, %parallel_loop3A_263 : vector<16xf32>
        %parallel_loop3A_289 = arith.index_cast %parallel_loop3A_261 : i32 to index
        %parallel_loop3A_290 = arith.constant 48 : index
        %parallel_loop3A_291 = tpu.vector_load %arg23[%parallel_loop3A_289, %parallel_loop3A_290] {strides = array<i32>} : memref<64x128xf32, #tpu.memory_space<vmem>>, vector<16xf32>,
        tpu.vector_store %arg23[%parallel_loop3A_289, %parallel_loop3A_290], %parallel_loop3A_288 {strides = array<i32>} : memref<64x128xf32, #tpu.memory_space<vmem>>, vector<16xf32>,
        %parallel_loop3A_292 = arith.index_cast %parallel_loop3A_261 : i32 to index
        %parallel_loop3A_293 = arith.constant 64 : index
        %parallel_loop3A_294 = tpu.vector_load %arg23[%parallel_loop3A_292, %parallel_loop3A_293] {strides = array<i32>} : memref<64x128xf32, #tpu.memory_space<vmem>>, vector<16xf32>,
        %parallel_loop3A_295 = arith.mulf %parallel_loop3A_294, %parallel_loop3A_263 : vector<16xf32>
        %parallel_loop3A_296 = arith.index_cast %parallel_loop3A_261 : i32 to index
        %parallel_loop3A_297 = arith.constant 64 : index
        %parallel_loop3A_298 = tpu.vector_load %arg23[%parallel_loop3A_296, %parallel_loop3A_297] {strides = array<i32>} : memref<64x128xf32, #tpu.memory_space<vmem>>, vector<16xf32>,
        tpu.vector_store %arg23[%parallel_loop3A_296, %parallel_loop3A_297], %parallel_loop3A_295 {strides = array<i32>} : memref<64x128xf32, #tpu.memory_space<vmem>>, vector<16xf32>,
        %parallel_loop3A_299 = arith.index_cast %parallel_loop3A_261 : i32 to index
        %parallel_loop3A_300 = arith.constant 80 : index
        %parallel_loop3A_301 = tpu.vector_load %arg23[%parallel_loop3A_299, %parallel_loop3A_300] {strides = array<i32>} : memref<64x128xf32, #tpu.memory_space<vmem>>, vector<16xf32>,
        %parallel_loop3A_302 = arith.mulf %parallel_loop3A_301, %parallel_loop3A_263 : vector<16xf32>
        %parallel_loop3A_303 = arith.index_cast %parallel_loop3A_261 : i32 to index
        %parallel_loop3A_304 = arith.constant 80 : index
        %parallel_loop3A_305 = tpu.vector_load %arg23[%parallel_loop3A_303, %parallel_loop3A_304] {strides = array<i32>} : memref<64x128xf32, #tpu.memory_space<vmem>>, vector<16xf32>,
        tpu.vector_store %arg23[%parallel_loop3A_303, %parallel_loop3A_304], %parallel_loop3A_302 {strides = array<i32>} : memref<64x128xf32, #tpu.memory_space<vmem>>, vector<16xf32>,
        %parallel_loop3A_306 = arith.index_cast %parallel_loop3A_261 : i32 to index
        %parallel_loop3A_307 = arith.constant 96 : index
        %parallel_loop3A_308 = tpu.vector_load %arg23[%parallel_loop3A_306, %parallel_loop3A_307] {strides = array<i32>} : memref<64x128xf32, #tpu.memory_space<vmem>>, vector<16xf32>,
        %parallel_loop3A_309 = arith.mulf %parallel_loop3A_308, %parallel_loop3A_263 : vector<16xf32>
        %parallel_loop3A_310 = arith.index_cast %parallel_loop3A_261 : i32 to index
        %parallel_loop3A_311 = arith.constant 96 : index
        %parallel_loop3A_312 = tpu.vector_load %arg23[%parallel_loop3A_310, %parallel_loop3A_311] {strides = array<i32>} : memref<64x128xf32, #tpu.memory_space<vmem>>, vector<16xf32>,
        tpu.vector_store %arg23[%parallel_loop3A_310, %parallel_loop3A_311], %parallel_loop3A_309 {strides = array<i32>} : memref<64x128xf32, #tpu.memory_space<vmem>>, vector<16xf32>,
        %parallel_loop3A_313 = arith.index_cast %parallel_loop3A_261 : i32 to index
        %parallel_loop3A_314 = arith.constant 112 : index
        %parallel_loop3A_315 = tpu.vector_load %arg23[%parallel_loop3A_313, %parallel_loop3A_314] {strides = array<i32>} : memref<64x128xf32, #tpu.memory_space<vmem>>, vector<16xf32>,
        %parallel_loop3A_316 = arith.mulf %parallel_loop3A_315, %parallel_loop3A_263 : vector<16xf32>
        %parallel_loop3A_317 = arith.index_cast %parallel_loop3A_261 : i32 to index
        %parallel_loop3A_318 = arith.constant 112 : index
        %parallel_loop3A_319 = tpu.vector_load %arg23[%parallel_loop3A_317, %parallel_loop3A_318] {strides = array<i32>} : memref<64x128xf32, #tpu.memory_space<vmem>>, vector<16xf32>,
        tpu.vector_store %arg23[%parallel_loop3A_317, %parallel_loop3A_318], %parallel_loop3A_316 {strides = array<i32>} : memref<64x128xf32, #tpu.memory_space<vmem>>, vector<16xf32>,
      } {sc.loop_unroll_factor = 8 : i64, sc.parallel_access}
      %dma_start3A_250 = arith.constant 0 : i32
      %dma_start3A_251 = arith.constant 0 : i32
      %dma_start3A_252 = tpu.memref_slice %arg27[%dma_start3A_250, %dma_start3A_251] : memref<10240x128xf32, #tpu.memory_space<vmem_shared>> -> memref<10240x128xf32, #tpu.memory_space<vmem_shared>>
      tpu.enqueue_indirect_dma source(%arg23 : memref<64x128xf32, #tpu.memory_space<vmem>>) target(%dma_start3A_252 : memref<10240x128xf32, #tpu.memory_space<vmem_shared>>) offsets(%arg21 : memref<64xi32, #tpu.memory_space<vmem>>) semaphore(%arg33 : memref<!tpu.dma_semaphore, #tpu.memory_space<semaphore_mem>>) {add = true}
      %add3A_253 = arith.constant 1 : i32
      %add3A_254 = arith.addi %mul3A_146, %add3A_253 : i32
      %add3A_255 = arith.constant 2 : i32
      %add3A_256 = arith.addi %add3A_254, %add3A_255 : i32
      %lt3A_257 = arith.cmpi slt, %add3A_256, %select_n3A : i32
      %convert_element_type3A_258 = arith.extui %lt3A_257 : i1 to i32
      %cond3A_259 = arith.constant 0 : i32
      %cond3A_260 = arith.cmpi ne, %convert_element_type3A_258, %cond3A_259 : i32
      scf.if %cond3A_260 {
        %add3A_261 = arith.constant 1 : i32
        %add3A_262 = arith.addi %mul3A_146, %add3A_261 : i32
        %add3A_263 = arith.constant 2 : i32
        %add3A_264 = arith.addi %add3A_262, %add3A_263 : i32
        %mul3A_265 = arith.constant 64 : i32
        %mul3A_266 = arith.muli %add3A_264, %mul3A_265 : i32
        %add3A_267 = arith.addi %mul3A_48, %mul3A_266 : i32
        %dma_start3A_268 = tpu.memref_slice %arg5[%add3A_267] : memref<321536xi32, #tpu.memory_space<hbm>> -> memref<64xi32, #tpu.memory_space<hbm>>
        %dma_start3A_269 = tpu.memref_slice %arg5[%add3A_267] : memref<321536xi32, #tpu.memory_space<hbm>> -> memref<64xi32, #tpu.memory_space<hbm>>
        tpu.enqueue_dma source(%dma_start3A_269 : memref<64xi32, #tpu.memory_space<hbm>>) target(%arg15 : memref<64xi32, #tpu.memory_space<vmem>>) target_semaphore(%arg29 : memref<!tpu.dma_semaphore, #tpu.memory_space<semaphore_mem>>)
        %dma_start3A_270 = tpu.memref_slice %arg6[%add3A_267] : memref<321536xi32, #tpu.memory_space<hbm>> -> memref<64xi32, #tpu.memory_space<hbm>>
        %dma_start3A_271 = tpu.memref_slice %arg6[%add3A_267] : memref<321536xi32, #tpu.memory_space<hbm>> -> memref<64xi32, #tpu.memory_space<hbm>>
        tpu.enqueue_dma source(%dma_start3A_271 : memref<64xi32, #tpu.memory_space<hbm>>) target(%arg17 : memref<64xi32, #tpu.memory_space<vmem>>) target_semaphore(%arg29 : memref<!tpu.dma_semaphore, #tpu.memory_space<semaphore_mem>>)
        %dma_start3A_272 = tpu.memref_slice %arg7[%add3A_267] : memref<321536xf32, #tpu.memory_space<hbm>> -> memref<64xf32, #tpu.memory_space<hbm>>
        %dma_start3A_273 = tpu.memref_slice %arg7[%add3A_267] : memref<321536xf32, #tpu.memory_space<hbm>> -> memref<64xf32, #tpu.memory_space<hbm>>
        tpu.enqueue_dma source(%dma_start3A_273 : memref<64xf32, #tpu.memory_space<hbm>>) target(%arg19 : memref<64xf32, #tpu.memory_space<vmem>>) target_semaphore(%arg29 : memref<!tpu.dma_semaphore, #tpu.memory_space<semaphore_mem>>)
      } else {
      }
    }
    %while3A_90 = arith.constant 1 : i32
    scf.for %while3A_144 = %while3A_88 to %while3A_84 step %while3A_90  : i32 {
      %mul3A_145 = arith.constant 2 : i32
      %mul3A_146 = arith.muli %mul3A_145, %while3A_144 : i32
      %add3A_147 = arith.constant 0 : i32
      %add3A_148 = arith.addi %mul3A_146, %add3A_147 : i32
      %mul3A_149 = arith.constant 64 : i32
      %mul3A_150 = arith.muli %add3A_148, %mul3A_149 : i32
      %add3A_151 = arith.addi %mul3A_48, %mul3A_150 : i32
      %dma_wait3A_152 = tpu.memref_slice %arg5[%add3A_151] : memref<321536xi32, #tpu.memory_space<hbm>> -> memref<64xi32, #tpu.memory_space<hbm>>
      %dma_wait3A_153 = tpu.memref_slice %arg5[%add3A_151] : memref<321536xi32, #tpu.memory_space<hbm>> -> memref<64xi32, #tpu.memory_space<hbm>>
      tpu.wait_dma2 semaphore(%arg28 : memref<!tpu.dma_semaphore, #tpu.memory_space<semaphore_mem>>) src(%dma_wait3A_153 : memref<64xi32, #tpu.memory_space<hbm>>) dst(%arg14 : memref<64xi32, #tpu.memory_space<vmem>>)
      %dma_wait3A_154 = tpu.memref_slice %arg6[%add3A_151] : memref<321536xi32, #tpu.memory_space<hbm>> -> memref<64xi32, #tpu.memory_space<hbm>>
      %dma_wait3A_155 = tpu.memref_slice %arg6[%add3A_151] : memref<321536xi32, #tpu.memory_space<hbm>> -> memref<64xi32, #tpu.memory_space<hbm>>
      tpu.wait_dma2 semaphore(%arg28 : memref<!tpu.dma_semaphore, #tpu.memory_space<semaphore_mem>>) src(%dma_wait3A_155 : memref<64xi32, #tpu.memory_space<hbm>>) dst(%arg16 : memref<64xi32, #tpu.memory_space<vmem>>)
      %dma_wait3A_156 = tpu.memref_slice %arg7[%add3A_151] : memref<321536xf32, #tpu.memory_space<hbm>> -> memref<64xf32, #tpu.memory_space<hbm>>
      %dma_wait3A_157 = tpu.memref_slice %arg7[%add3A_151] : memref<321536xf32, #tpu.memory_space<hbm>> -> memref<64xf32, #tpu.memory_space<hbm>>
      tpu.wait_dma2 semaphore(%arg28 : memref<!tpu.dma_semaphore, #tpu.memory_space<semaphore_mem>>) src(%dma_wait3A_157 : memref<64xf32, #tpu.memory_space<hbm>>) dst(%arg18 : memref<64xf32, #tpu.memory_space<vmem>>)
      %gt3A = arith.constant 0 : i32
      %gt3A_158 = arith.cmpi sgt, %while3A_144, %gt3A : i32
      %convert_element_type3A = arith.extui %gt3A_158 : i1 to i32
      %cond3A = arith.constant 0 : i32
      %cond3A_159 = arith.cmpi ne, %convert_element_type3A, %cond3A : i32
      scf.if %cond3A_159 {
        %dma_wait3A_261 = arith.constant 0 : i32
        %dma_wait3A_262 = arith.constant 0 : i32
        %dma_wait3A_263 = tpu.memref_slice %arg27[%dma_wait3A_261, %dma_wait3A_262] : memref<10240x128xf32, #tpu.memory_space<vmem_shared>> -> memref<10240x128xf32, #tpu.memory_space<vmem_shared>>
        tpu.wait_indirect_dma semaphore(%arg32 : memref<!tpu.dma_semaphore, #tpu.memory_space<semaphore_mem>>) src(%arg22 : memref<64x128xf32, #tpu.memory_space<vmem>>) dst(%dma_wait3A_263 : memref<10240x128xf32, #tpu.memory_space<vmem_shared>>)
      } else {
      }
      %dma_start3A_160 = arith.constant 0 : i32
      %dma_start3A_161 = arith.constant 0 : i32
      %dma_start3A_162 = tpu.memref_slice %arg2[%dma_start3A_160, %dma_start3A_161] : memref<10000x128xf32, #tpu.memory_space<hbm>> -> memref<10000x128xf32, #tpu.memory_space<hbm>>
      tpu.enqueue_indirect_dma source(%dma_start3A_162 : memref<10000x128xf32, #tpu.memory_space<hbm>>) target(%arg22 : memref<64x128xf32, #tpu.memory_space<vmem>>) offsets(%arg14 : memref<64xi32, #tpu.memory_space<vmem>>) semaphore(%arg30 : memref<!tpu.dma_semaphore, #tpu.memory_space<semaphore_mem>>)
      %add3A_163 = arith.constant 1 : i32
      %add3A_164 = arith.addi %mul3A_146, %add3A_163 : i32
      %mul3A_165 = arith.constant 64 : i32
      %mul3A_166 = arith.muli %add3A_164, %mul3A_165 : i32
      %add3A_167 = arith.addi %mul3A_48, %mul3A_166 : i32
      %dma_wait3A_168 = tpu.memref_slice %arg5[%add3A_167] : memref<321536xi32, #tpu.memory_space<hbm>> -> memref<64xi32, #tpu.memory_space<hbm>>
      %dma_wait3A_169 = tpu.memref_slice %arg5[%add3A_167] : memref<321536xi32, #tpu.memory_space<hbm>> -> memref<64xi32, #tpu.memory_space<hbm>>
      tpu.wait_dma2 semaphore(%arg29 : memref<!tpu.dma_semaphore, #tpu.memory_space<semaphore_mem>>) src(%dma_wait3A_169 : memref<64xi32, #tpu.memory_space<hbm>>) dst(%arg15 : memref<64xi32, #tpu.memory_space<vmem>>)
      %dma_wait3A_170 = tpu.memref_slice %arg6[%add3A_167] : memref<321536xi32, #tpu.memory_space<hbm>> -> memref<64xi32, #tpu.memory_space<hbm>>
      %dma_wait3A_171 = tpu.memref_slice %arg6[%add3A_167] : memref<321536xi32, #tpu.memory_space<hbm>> -> memref<64xi32, #tpu.memory_space<hbm>>
      tpu.wait_dma2 semaphore(%arg29 : memref<!tpu.dma_semaphore, #tpu.memory_space<semaphore_mem>>) src(%dma_wait3A_171 : memref<64xi32, #tpu.memory_space<hbm>>) dst(%arg17 : memref<64xi32, #tpu.memory_space<vmem>>)
      %dma_wait3A_172 = tpu.memref_slice %arg7[%add3A_167] : memref<321536xf32, #tpu.memory_space<hbm>> -> memref<64xf32, #tpu.memory_space<hbm>>
      %dma_wait3A_173 = tpu.memref_slice %arg7[%add3A_167] : memref<321536xf32, #tpu.memory_space<hbm>> -> memref<64xf32, #tpu.memory_space<hbm>>
      tpu.wait_dma2 semaphore(%arg29 : memref<!tpu.dma_semaphore, #tpu.memory_space<semaphore_mem>>) src(%dma_wait3A_173 : memref<64xf32, #tpu.memory_space<hbm>>) dst(%arg19 : memref<64xf32, #tpu.memory_space<vmem>>)
      %gt3A_174 = arith.constant 0 : i32
      %gt3A_175 = arith.cmpi sgt, %while3A_144, %gt3A_174 : i32
      %convert_element_type3A_176 = arith.extui %gt3A_175 : i1 to i32
      %cond3A_177 = arith.constant 0 : i32
      %cond3A_178 = arith.cmpi ne, %convert_element_type3A_176, %cond3A_177 : i32
      scf.if %cond3A_178 {
        %dma_wait3A_261 = arith.constant 0 : i32
        %dma_wait3A_262 = arith.constant 0 : i32
        %dma_wait3A_263 = tpu.memref_slice %arg27[%dma_wait3A_261, %dma_wait3A_262] : memref<10240x128xf32, #tpu.memory_space<vmem_shared>> -> memref<10240x128xf32, #tpu.memory_space<vmem_shared>>
        tpu.wait_indirect_dma semaphore(%arg33 : memref<!tpu.dma_semaphore, #tpu.memory_space<semaphore_mem>>) src(%arg23 : memref<64x128xf32, #tpu.memory_space<vmem>>) dst(%dma_wait3A_263 : memref<10240x128xf32, #tpu.memory_space<vmem_shared>>)
      } else {
      }
      %dma_start3A_179 = arith.constant 0 : i32
      %dma_start3A_180 = arith.constant 0 : i32
      %dma_start3A_181 = tpu.memref_slice %arg2[%dma_start3A_179, %dma_start3A_180] : memref<10000x128xf32, #tpu.memory_space<hbm>> -> memref<10000x128xf32, #tpu.memory_space<hbm>>
      tpu.enqueue_indirect_dma source(%dma_start3A_181 : memref<10000x128xf32, #tpu.memory_space<hbm>>) target(%arg23 : memref<64x128xf32, #tpu.memory_space<vmem>>) offsets(%arg15 : memref<64xi32, #tpu.memory_space<vmem>>) semaphore(%arg31 : memref<!tpu.dma_semaphore, #tpu.memory_space<semaphore_mem>>)
      %add3A_182 = arith.constant 0 : i32
      %add3A_183 = arith.addi %mul3A_146, %add3A_182 : i32
      %mul3A_184 = arith.constant 64 : i32
      %mul3A_185 = arith.muli %add3A_183, %mul3A_184 : i32
      %add3A_186 = arith.addi %mul3A_48, %mul3A_185 : i32
      %parallel_loop3A = arith.constant 0 : i32
      %parallel_loop3A_187 = arith.constant 4 : i32
      %parallel_loop3A_188 = arith.constant 1 : i32
      scf.for %parallel_loop3A_261 = %parallel_loop3A to %parallel_loop3A_187 step %parallel_loop3A_188  : i32 {
        %parallel_loop3A_262 = arith.constant 16 : i32
        %parallel_loop3A_263 = arith.muli %parallel_loop3A_261, %parallel_loop3A_262 : i32
        %parallel_loop3A_264 = arith.index_cast %parallel_loop3A_263 : i32 to index
        %parallel_loop3A_265 = tpu.vector_load %arg14[%parallel_loop3A_264] {strides = array<i32>} : memref<64xi32, #tpu.memory_space<vmem>>, vector<16xi32>,
        %parallel_loop3A_266 = arith.constant 16 : i32
        %parallel_loop3A_267 = arith.muli %parallel_loop3A_261, %parallel_loop3A_266 : i32
        %parallel_loop3A_268 = arith.index_cast %parallel_loop3A_267 : i32 to index
        %parallel_loop3A_269 = tpu.vector_load %arg16[%parallel_loop3A_268] {strides = array<i32>} : memref<64xi32, #tpu.memory_space<vmem>>, vector<16xi32>,
        %parallel_loop3A_270 = tpu.vector_load_idx %arg11[%parallel_loop3A_265] : memref<10000xf32, #tpu.memory_space<vmem>>[vector<16xi32>], vector<16xf32>,
        %parallel_loop3A_271 = tpu.vector_load_idx %arg12[%parallel_loop3A_269] : memref<10000xf32, #tpu.memory_space<vmem>>[vector<16xi32>], vector<16xf32>,
        %parallel_loop3A_272 = arith.addf %parallel_loop3A_270, %parallel_loop3A_271 : vector<16xf32>
        %parallel_loop3A_273 = arith.constant 16 : i32
        %parallel_loop3A_274 = arith.muli %parallel_loop3A_261, %parallel_loop3A_273 : i32
        %parallel_loop3A_275 = arith.index_cast %parallel_loop3A_274 : i32 to index
        %parallel_loop3A_276 = tpu.vector_load %arg18[%parallel_loop3A_275] {strides = array<i32>} : memref<64xf32, #tpu.memory_space<vmem>>, vector<16xf32>,
        %parallel_loop3A_277 = arith.mulf %parallel_loop3A_276, %get3A_1 : vector<16xf32>
        %parallel_loop3A_278 = arith.addf %parallel_loop3A_272, %parallel_loop3A_277 : vector<16xf32>
        %parallel_loop3A_279 = arith.constant 2.000000e-01 : f32
        %parallel_loop3A_280 = vector.broadcast %parallel_loop3A_279 : f32 to vector<16xf32>
        %parallel_loop3A_281 = arith.mulf %parallel_loop3A_280, %parallel_loop3A_278 : vector<16xf32>
        %parallel_loop3A_282 = arith.maximumf %parallel_loop3A_278, %parallel_loop3A_281 : vector<16xf32>
        %parallel_loop3A_283 = math.exp %parallel_loop3A_282 : vector<16xf32>
        %parallel_loop3A_284 = arith.constant 16 : i32
        %parallel_loop3A_285 = arith.muli %parallel_loop3A_261, %parallel_loop3A_284 : i32
        %parallel_loop3A_286 = arith.addi %add3A_186, %parallel_loop3A_285 : i32
        %parallel_loop3A_287 = tpu.iota {dimensions = array<i32: 0>} : vector<16xi32>
        %parallel_loop3A_288 = vector.broadcast %parallel_loop3A_286 : i32 to vector<16xi32>
        %parallel_loop3A_289 = arith.addi %parallel_loop3A_288, %parallel_loop3A_287 : vector<16xi32>
        %parallel_loop3A_290 = arith.constant 320000 : i32
        %parallel_loop3A_291 = vector.broadcast %parallel_loop3A_290 : i32 to vector<16xi32>
        %parallel_loop3A_292 = arith.cmpi slt, %parallel_loop3A_289, %parallel_loop3A_291 : vector<16xi32>
        %parallel_loop3A_293 = arith.constant 0.000000e+00 : f32
        %parallel_loop3A_294 = vector.broadcast %parallel_loop3A_293 : f32 to vector<16xf32>
        %parallel_loop3A_295 = arith.select %parallel_loop3A_292, %parallel_loop3A_283, %parallel_loop3A_294 : vector<16xi1>, vector<16xf32>
        %parallel_loop3A_296 = arith.constant 16 : i32
        %parallel_loop3A_297 = arith.muli %parallel_loop3A_261, %parallel_loop3A_296 : i32
        %parallel_loop3A_298 = arith.index_cast %parallel_loop3A_297 : i32 to index
        %parallel_loop3A_299 = tpu.vector_load %arg24[%parallel_loop3A_298] {strides = array<i32>} : memref<64xf32, #tpu.memory_space<vmem>>, vector<16xf32>,
        tpu.vector_store %arg24[%parallel_loop3A_298], %parallel_loop3A_295 {strides = array<i32>} : memref<64xf32, #tpu.memory_space<vmem>>, vector<16xf32>,
        tpu.vector_store_idx %arg13[%parallel_loop3A_269], %parallel_loop3A_295 {add = true} : memref<10000xf32, #tpu.memory_space<vmem>>[vector<16xi32>], vector<16xf32>,
      } {sc.loop_unroll_factor = 4 : i64, sc.parallel_access}
      %get3A_189 = arith.constant 0 : index
      %get3A_190 = tpu.vector_load %arg16[%get3A_189] {strides = array<i32>} : memref<64xi32, #tpu.memory_space<vmem>>, vector<16xi32>,
      %swap3A = arith.constant 0 : index
      %swap3A_191 = tpu.vector_load %arg20[%swap3A] {strides = array<i32>} : memref<64xi32, #tpu.memory_space<vmem>>, vector<16xi32>,
      tpu.vector_store %arg20[%swap3A], %get3A_190 {strides = array<i32>} : memref<64xi32, #tpu.memory_space<vmem>>, vector<16xi32>,
      %get3A_192 = arith.constant 16 : index
      %get3A_193 = tpu.vector_load %arg16[%get3A_192] {strides = array<i32>} : memref<64xi32, #tpu.memory_space<vmem>>, vector<16xi32>,
      %swap3A_194 = arith.constant 16 : index
      %swap3A_195 = tpu.vector_load %arg20[%swap3A_194] {strides = array<i32>} : memref<64xi32, #tpu.memory_space<vmem>>, vector<16xi32>,
      tpu.vector_store %arg20[%swap3A_194], %get3A_193 {strides = array<i32>} : memref<64xi32, #tpu.memory_space<vmem>>, vector<16xi32>,
      %get3A_196 = arith.constant 32 : index
      %get3A_197 = tpu.vector_load %arg16[%get3A_196] {strides = array<i32>} : memref<64xi32, #tpu.memory_space<vmem>>, vector<16xi32>,
      %swap3A_198 = arith.constant 32 : index
      %swap3A_199 = tpu.vector_load %arg20[%swap3A_198] {strides = array<i32>} : memref<64xi32, #tpu.memory_space<vmem>>, vector<16xi32>,
      tpu.vector_store %arg20[%swap3A_198], %get3A_197 {strides = array<i32>} : memref<64xi32, #tpu.memory_space<vmem>>, vector<16xi32>,
      %get3A_200 = arith.constant 48 : index
      %get3A_201 = tpu.vector_load %arg16[%get3A_200] {strides = array<i32>} : memref<64xi32, #tpu.memory_space<vmem>>, vector<16xi32>,
      %swap3A_202 = arith.constant 48 : index
      %swap3A_203 = tpu.vector_load %arg20[%swap3A_202] {strides = array<i32>} : memref<64xi32, #tpu.memory_space<vmem>>, vector<16xi32>,
      tpu.vector_store %arg20[%swap3A_202], %get3A_201 {strides = array<i32>} : memref<64xi32, #tpu.memory_space<vmem>>, vector<16xi32>,
      %add3A_204 = arith.constant 1 : i32
      %add3A_205 = arith.addi %mul3A_146, %add3A_204 : i32
      %mul3A_206 = arith.constant 64 : i32
      %mul3A_207 = arith.muli %add3A_205, %mul3A_206 : i32
      %add3A_208 = arith.addi %mul3A_48, %mul3A_207 : i32
      %parallel_loop3A_209 = arith.constant 0 : i32
      %parallel_loop3A_210 = arith.constant 4 : i32
      %parallel_loop3A_211 = arith.constant 1 : i32
      scf.for %parallel_loop3A_261 = %parallel_loop3A_209 to %parallel_loop3A_210 step %parallel_loop3A_211  : i32 {
        %parallel_loop3A_262 = arith.constant 16 : i32
        %parallel_loop3A_263 = arith.muli %parallel_loop3A_261, %parallel_loop3A_262 : i32
        %parallel_loop3A_264 = arith.index_cast %parallel_loop3A_263 : i32 to index
        %parallel_loop3A_265 = tpu.vector_load %arg15[%parallel_loop3A_264] {strides = array<i32>} : memref<64xi32, #tpu.memory_space<vmem>>, vector<16xi32>,
        %parallel_loop3A_266 = arith.constant 16 : i32
        %parallel_loop3A_267 = arith.muli %parallel_loop3A_261, %parallel_loop3A_266 : i32
        %parallel_loop3A_268 = arith.index_cast %parallel_loop3A_267 : i32 to index
        %parallel_loop3A_269 = tpu.vector_load %arg17[%parallel_loop3A_268] {strides = array<i32>} : memref<64xi32, #tpu.memory_space<vmem>>, vector<16xi32>,
        %parallel_loop3A_270 = tpu.vector_load_idx %arg11[%parallel_loop3A_265] : memref<10000xf32, #tpu.memory_space<vmem>>[vector<16xi32>], vector<16xf32>,
        %parallel_loop3A_271 = tpu.vector_load_idx %arg12[%parallel_loop3A_269] : memref<10000xf32, #tpu.memory_space<vmem>>[vector<16xi32>], vector<16xf32>,
        %parallel_loop3A_272 = arith.addf %parallel_loop3A_270, %parallel_loop3A_271 : vector<16xf32>
        %parallel_loop3A_273 = arith.constant 16 : i32
        %parallel_loop3A_274 = arith.muli %parallel_loop3A_261, %parallel_loop3A_273 : i32
        %parallel_loop3A_275 = arith.index_cast %parallel_loop3A_274 : i32 to index
        %parallel_loop3A_276 = tpu.vector_load %arg19[%parallel_loop3A_275] {strides = array<i32>} : memref<64xf32, #tpu.memory_space<vmem>>, vector<16xf32>,
        %parallel_loop3A_277 = arith.mulf %parallel_loop3A_276, %get3A_1 : vector<16xf32>
        %parallel_loop3A_278 = arith.addf %parallel_loop3A_272, %parallel_loop3A_277 : vector<16xf32>
        %parallel_loop3A_279 = arith.constant 2.000000e-01 : f32
        %parallel_loop3A_280 = vector.broadcast %parallel_loop3A_279 : f32 to vector<16xf32>
        %parallel_loop3A_281 = arith.mulf %parallel_loop3A_280, %parallel_loop3A_278 : vector<16xf32>
        %parallel_loop3A_282 = arith.maximumf %parallel_loop3A_278, %parallel_loop3A_281 : vector<16xf32>
        %parallel_loop3A_283 = math.exp %parallel_loop3A_282 : vector<16xf32>
        %parallel_loop3A_284 = arith.constant 16 : i32
        %parallel_loop3A_285 = arith.muli %parallel_loop3A_261, %parallel_loop3A_284 : i32
        %parallel_loop3A_286 = arith.addi %add3A_208, %parallel_loop3A_285 : i32
        %parallel_loop3A_287 = tpu.iota {dimensions = array<i32: 0>} : vector<16xi32>
        %parallel_loop3A_288 = vector.broadcast %parallel_loop3A_286 : i32 to vector<16xi32>
        %parallel_loop3A_289 = arith.addi %parallel_loop3A_288, %parallel_loop3A_287 : vector<16xi32>
        %parallel_loop3A_290 = arith.constant 320000 : i32
        %parallel_loop3A_291 = vector.broadcast %parallel_loop3A_290 : i32 to vector<16xi32>
        %parallel_loop3A_292 = arith.cmpi slt, %parallel_loop3A_289, %parallel_loop3A_291 : vector<16xi32>
        %parallel_loop3A_293 = arith.constant 0.000000e+00 : f32
        %parallel_loop3A_294 = vector.broadcast %parallel_loop3A_293 : f32 to vector<16xf32>
        %parallel_loop3A_295 = arith.select %parallel_loop3A_292, %parallel_loop3A_283, %parallel_loop3A_294 : vector<16xi1>, vector<16xf32>
        %parallel_loop3A_296 = arith.constant 16 : i32
        %parallel_loop3A_297 = arith.muli %parallel_loop3A_261, %parallel_loop3A_296 : i32
        %parallel_loop3A_298 = arith.index_cast %parallel_loop3A_297 : i32 to index
        %parallel_loop3A_299 = tpu.vector_load %arg25[%parallel_loop3A_298] {strides = array<i32>} : memref<64xf32, #tpu.memory_space<vmem>>, vector<16xf32>,
        tpu.vector_store %arg25[%parallel_loop3A_298], %parallel_loop3A_295 {strides = array<i32>} : memref<64xf32, #tpu.memory_space<vmem>>, vector<16xf32>,
        tpu.vector_store_idx %arg13[%parallel_loop3A_269], %parallel_loop3A_295 {add = true} : memref<10000xf32, #tpu.memory_space<vmem>>[vector<16xi32>], vector<16xf32>,
      } {sc.loop_unroll_factor = 4 : i64, sc.parallel_access}
      %get3A_212 = arith.constant 0 : index
      %get3A_213 = tpu.vector_load %arg17[%get3A_212] {strides = array<i32>} : memref<64xi32, #tpu.memory_space<vmem>>, vector<16xi32>,
      %swap3A_214 = arith.constant 0 : index
      %swap3A_215 = tpu.vector_load %arg21[%swap3A_214] {strides = array<i32>} : memref<64xi32, #tpu.memory_space<vmem>>, vector<16xi32>,
      tpu.vector_store %arg21[%swap3A_214], %get3A_213 {strides = array<i32>} : memref<64xi32, #tpu.memory_space<vmem>>, vector<16xi32>,
      %get3A_216 = arith.constant 16 : index
      %get3A_217 = tpu.vector_load %arg17[%get3A_216] {strides = array<i32>} : memref<64xi32, #tpu.memory_space<vmem>>, vector<16xi32>,
      %swap3A_218 = arith.constant 16 : index
      %swap3A_219 = tpu.vector_load %arg21[%swap3A_218] {strides = array<i32>} : memref<64xi32, #tpu.memory_space<vmem>>, vector<16xi32>,
      tpu.vector_store %arg21[%swap3A_218], %get3A_217 {strides = array<i32>} : memref<64xi32, #tpu.memory_space<vmem>>, vector<16xi32>,
      %get3A_220 = arith.constant 32 : index
      %get3A_221 = tpu.vector_load %arg17[%get3A_220] {strides = array<i32>} : memref<64xi32, #tpu.memory_space<vmem>>, vector<16xi32>,
      %swap3A_222 = arith.constant 32 : index
      %swap3A_223 = tpu.vector_load %arg21[%swap3A_222] {strides = array<i32>} : memref<64xi32, #tpu.memory_space<vmem>>, vector<16xi32>,
      tpu.vector_store %arg21[%swap3A_222], %get3A_221 {strides = array<i32>} : memref<64xi32, #tpu.memory_space<vmem>>, vector<16xi32>,
      %get3A_224 = arith.constant 48 : index
      %get3A_225 = tpu.vector_load %arg17[%get3A_224] {strides = array<i32>} : memref<64xi32, #tpu.memory_space<vmem>>, vector<16xi32>,
      %swap3A_226 = arith.constant 48 : index
      %swap3A_227 = tpu.vector_load %arg21[%swap3A_226] {strides = array<i32>} : memref<64xi32, #tpu.memory_space<vmem>>, vector<16xi32>,
      tpu.vector_store %arg21[%swap3A_226], %get3A_225 {strides = array<i32>} : memref<64xi32, #tpu.memory_space<vmem>>, vector<16xi32>,
      %dma_wait3A_228 = arith.constant 0 : i32
      %dma_wait3A_229 = arith.constant 0 : i32
      %dma_wait3A_230 = tpu.memref_slice %arg2[%dma_wait3A_228, %dma_wait3A_229] : memref<10000x128xf32, #tpu.memory_space<hbm>> -> memref<10000x128xf32, #tpu.memory_space<hbm>>
      tpu.wait_indirect_dma semaphore(%arg30 : memref<!tpu.dma_semaphore, #tpu.memory_space<semaphore_mem>>) src(%dma_wait3A_230 : memref<10000x128xf32, #tpu.memory_space<hbm>>) dst(%arg22 : memref<64x128xf32, #tpu.memory_space<vmem>>)
      %parallel_loop3A_231 = arith.constant 0 : i32
      %parallel_loop3A_232 = arith.constant 64 : i32
      %parallel_loop3A_233 = arith.constant 1 : i32
      scf.for %parallel_loop3A_261 = %parallel_loop3A_231 to %parallel_loop3A_232 step %parallel_loop3A_233  : i32 {
        %parallel_loop3A_262 = vector.broadcast %parallel_loop3A_261 : i32 to vector<16xi32>
        %parallel_loop3A_263 = tpu.vector_load_idx %arg24[%parallel_loop3A_262] : memref<64xf32, #tpu.memory_space<vmem>>[vector<16xi32>], vector<16xf32>,
        %parallel_loop3A_264 = arith.index_cast %parallel_loop3A_261 : i32 to index
        %parallel_loop3A_265 = arith.constant 0 : index
        %parallel_loop3A_266 = tpu.vector_load %arg22[%parallel_loop3A_264, %parallel_loop3A_265] {strides = array<i32>} : memref<64x128xf32, #tpu.memory_space<vmem>>, vector<16xf32>,
        %parallel_loop3A_267 = arith.mulf %parallel_loop3A_266, %parallel_loop3A_263 : vector<16xf32>
        %parallel_loop3A_268 = arith.index_cast %parallel_loop3A_261 : i32 to index
        %parallel_loop3A_269 = arith.constant 0 : index
        %parallel_loop3A_270 = tpu.vector_load %arg22[%parallel_loop3A_268, %parallel_loop3A_269] {strides = array<i32>} : memref<64x128xf32, #tpu.memory_space<vmem>>, vector<16xf32>,
        tpu.vector_store %arg22[%parallel_loop3A_268, %parallel_loop3A_269], %parallel_loop3A_267 {strides = array<i32>} : memref<64x128xf32, #tpu.memory_space<vmem>>, vector<16xf32>,
        %parallel_loop3A_271 = arith.index_cast %parallel_loop3A_261 : i32 to index
        %parallel_loop3A_272 = arith.constant 16 : index
        %parallel_loop3A_273 = tpu.vector_load %arg22[%parallel_loop3A_271, %parallel_loop3A_272] {strides = array<i32>} : memref<64x128xf32, #tpu.memory_space<vmem>>, vector<16xf32>,
        %parallel_loop3A_274 = arith.mulf %parallel_loop3A_273, %parallel_loop3A_263 : vector<16xf32>
        %parallel_loop3A_275 = arith.index_cast %parallel_loop3A_261 : i32 to index
        %parallel_loop3A_276 = arith.constant 16 : index
        %parallel_loop3A_277 = tpu.vector_load %arg22[%parallel_loop3A_275, %parallel_loop3A_276] {strides = array<i32>} : memref<64x128xf32, #tpu.memory_space<vmem>>, vector<16xf32>,
        tpu.vector_store %arg22[%parallel_loop3A_275, %parallel_loop3A_276], %parallel_loop3A_274 {strides = array<i32>} : memref<64x128xf32, #tpu.memory_space<vmem>>, vector<16xf32>,
        %parallel_loop3A_278 = arith.index_cast %parallel_loop3A_261 : i32 to index
        %parallel_loop3A_279 = arith.constant 32 : index
        %parallel_loop3A_280 = tpu.vector_load %arg22[%parallel_loop3A_278, %parallel_loop3A_279] {strides = array<i32>} : memref<64x128xf32, #tpu.memory_space<vmem>>, vector<16xf32>,
        %parallel_loop3A_281 = arith.mulf %parallel_loop3A_280, %parallel_loop3A_263 : vector<16xf32>
        %parallel_loop3A_282 = arith.index_cast %parallel_loop3A_261 : i32 to index
        %parallel_loop3A_283 = arith.constant 32 : index
        %parallel_loop3A_284 = tpu.vector_load %arg22[%parallel_loop3A_282, %parallel_loop3A_283] {strides = array<i32>} : memref<64x128xf32, #tpu.memory_space<vmem>>, vector<16xf32>,
        tpu.vector_store %arg22[%parallel_loop3A_282, %parallel_loop3A_283], %parallel_loop3A_281 {strides = array<i32>} : memref<64x128xf32, #tpu.memory_space<vmem>>, vector<16xf32>,
        %parallel_loop3A_285 = arith.index_cast %parallel_loop3A_261 : i32 to index
        %parallel_loop3A_286 = arith.constant 48 : index
        %parallel_loop3A_287 = tpu.vector_load %arg22[%parallel_loop3A_285, %parallel_loop3A_286] {strides = array<i32>} : memref<64x128xf32, #tpu.memory_space<vmem>>, vector<16xf32>,
        %parallel_loop3A_288 = arith.mulf %parallel_loop3A_287, %parallel_loop3A_263 : vector<16xf32>
        %parallel_loop3A_289 = arith.index_cast %parallel_loop3A_261 : i32 to index
        %parallel_loop3A_290 = arith.constant 48 : index
        %parallel_loop3A_291 = tpu.vector_load %arg22[%parallel_loop3A_289, %parallel_loop3A_290] {strides = array<i32>} : memref<64x128xf32, #tpu.memory_space<vmem>>, vector<16xf32>,
        tpu.vector_store %arg22[%parallel_loop3A_289, %parallel_loop3A_290], %parallel_loop3A_288 {strides = array<i32>} : memref<64x128xf32, #tpu.memory_space<vmem>>, vector<16xf32>,
        %parallel_loop3A_292 = arith.index_cast %parallel_loop3A_261 : i32 to index
        %parallel_loop3A_293 = arith.constant 64 : index
        %parallel_loop3A_294 = tpu.vector_load %arg22[%parallel_loop3A_292, %parallel_loop3A_293] {strides = array<i32>} : memref<64x128xf32, #tpu.memory_space<vmem>>, vector<16xf32>,
        %parallel_loop3A_295 = arith.mulf %parallel_loop3A_294, %parallel_loop3A_263 : vector<16xf32>
        %parallel_loop3A_296 = arith.index_cast %parallel_loop3A_261 : i32 to index
        %parallel_loop3A_297 = arith.constant 64 : index
        %parallel_loop3A_298 = tpu.vector_load %arg22[%parallel_loop3A_296, %parallel_loop3A_297] {strides = array<i32>} : memref<64x128xf32, #tpu.memory_space<vmem>>, vector<16xf32>,
        tpu.vector_store %arg22[%parallel_loop3A_296, %parallel_loop3A_297], %parallel_loop3A_295 {strides = array<i32>} : memref<64x128xf32, #tpu.memory_space<vmem>>, vector<16xf32>,
        %parallel_loop3A_299 = arith.index_cast %parallel_loop3A_261 : i32 to index
        %parallel_loop3A_300 = arith.constant 80 : index
        %parallel_loop3A_301 = tpu.vector_load %arg22[%parallel_loop3A_299, %parallel_loop3A_300] {strides = array<i32>} : memref<64x128xf32, #tpu.memory_space<vmem>>, vector<16xf32>,
        %parallel_loop3A_302 = arith.mulf %parallel_loop3A_301, %parallel_loop3A_263 : vector<16xf32>
        %parallel_loop3A_303 = arith.index_cast %parallel_loop3A_261 : i32 to index
        %parallel_loop3A_304 = arith.constant 80 : index
        %parallel_loop3A_305 = tpu.vector_load %arg22[%parallel_loop3A_303, %parallel_loop3A_304] {strides = array<i32>} : memref<64x128xf32, #tpu.memory_space<vmem>>, vector<16xf32>,
        tpu.vector_store %arg22[%parallel_loop3A_303, %parallel_loop3A_304], %parallel_loop3A_302 {strides = array<i32>} : memref<64x128xf32, #tpu.memory_space<vmem>>, vector<16xf32>,
        %parallel_loop3A_306 = arith.index_cast %parallel_loop3A_261 : i32 to index
        %parallel_loop3A_307 = arith.constant 96 : index
        %parallel_loop3A_308 = tpu.vector_load %arg22[%parallel_loop3A_306, %parallel_loop3A_307] {strides = array<i32>} : memref<64x128xf32, #tpu.memory_space<vmem>>, vector<16xf32>,
        %parallel_loop3A_309 = arith.mulf %parallel_loop3A_308, %parallel_loop3A_263 : vector<16xf32>
        %parallel_loop3A_310 = arith.index_cast %parallel_loop3A_261 : i32 to index
        %parallel_loop3A_311 = arith.constant 96 : index
        %parallel_loop3A_312 = tpu.vector_load %arg22[%parallel_loop3A_310, %parallel_loop3A_311] {strides = array<i32>} : memref<64x128xf32, #tpu.memory_space<vmem>>, vector<16xf32>,
        tpu.vector_store %arg22[%parallel_loop3A_310, %parallel_loop3A_311], %parallel_loop3A_309 {strides = array<i32>} : memref<64x128xf32, #tpu.memory_space<vmem>>, vector<16xf32>,
        %parallel_loop3A_313 = arith.index_cast %parallel_loop3A_261 : i32 to index
        %parallel_loop3A_314 = arith.constant 112 : index
        %parallel_loop3A_315 = tpu.vector_load %arg22[%parallel_loop3A_313, %parallel_loop3A_314] {strides = array<i32>} : memref<64x128xf32, #tpu.memory_space<vmem>>, vector<16xf32>,
        %parallel_loop3A_316 = arith.mulf %parallel_loop3A_315, %parallel_loop3A_263 : vector<16xf32>
        %parallel_loop3A_317 = arith.index_cast %parallel_loop3A_261 : i32 to index
        %parallel_loop3A_318 = arith.constant 112 : index
        %parallel_loop3A_319 = tpu.vector_load %arg22[%parallel_loop3A_317, %parallel_loop3A_318] {strides = array<i32>} : memref<64x128xf32, #tpu.memory_space<vmem>>, vector<16xf32>,
        tpu.vector_store %arg22[%parallel_loop3A_317, %parallel_loop3A_318], %parallel_loop3A_316 {strides = array<i32>} : memref<64x128xf32, #tpu.memory_space<vmem>>, vector<16xf32>,
      } {sc.loop_unroll_factor = 8 : i64, sc.parallel_access}
      %dma_start3A_234 = arith.constant 0 : i32
      %dma_start3A_235 = arith.constant 0 : i32
      %dma_start3A_236 = tpu.memref_slice %arg27[%dma_start3A_234, %dma_start3A_235] : memref<10240x128xf32, #tpu.memory_space<vmem_shared>> -> memref<10240x128xf32, #tpu.memory_space<vmem_shared>>
      tpu.enqueue_indirect_dma source(%arg22 : memref<64x128xf32, #tpu.memory_space<vmem>>) target(%dma_start3A_236 : memref<10240x128xf32, #tpu.memory_space<vmem_shared>>) offsets(%arg20 : memref<64xi32, #tpu.memory_space<vmem>>) semaphore(%arg32 : memref<!tpu.dma_semaphore, #tpu.memory_space<semaphore_mem>>) {add = true}
      %add3A_237 = arith.constant 0 : i32
      %add3A_238 = arith.addi %mul3A_146, %add3A_237 : i32
      %add3A_239 = arith.constant 2 : i32
      %add3A_240 = arith.addi %add3A_238, %add3A_239 : i32
      %lt3A = arith.cmpi slt, %add3A_240, %select_n3A : i32
      %convert_element_type3A_241 = arith.extui %lt3A : i1 to i32
      %cond3A_242 = arith.constant 0 : i32
      %cond3A_243 = arith.cmpi ne, %convert_element_type3A_241, %cond3A_242 : i32
      scf.if %cond3A_243 {
        %add3A_261 = arith.constant 0 : i32
        %add3A_262 = arith.addi %mul3A_146, %add3A_261 : i32
        %add3A_263 = arith.constant 2 : i32
        %add3A_264 = arith.addi %add3A_262, %add3A_263 : i32
        %mul3A_265 = arith.constant 64 : i32
        %mul3A_266 = arith.muli %add3A_264, %mul3A_265 : i32
        %add3A_267 = arith.addi %mul3A_48, %mul3A_266 : i32
        %dma_start3A_268 = tpu.memref_slice %arg5[%add3A_267] : memref<321536xi32, #tpu.memory_space<hbm>> -> memref<64xi32, #tpu.memory_space<hbm>>
        %dma_start3A_269 = tpu.memref_slice %arg5[%add3A_267] : memref<321536xi32, #tpu.memory_space<hbm>> -> memref<64xi32, #tpu.memory_space<hbm>>
        tpu.enqueue_dma source(%dma_start3A_269 : memref<64xi32, #tpu.memory_space<hbm>>) target(%arg14 : memref<64xi32, #tpu.memory_space<vmem>>) target_semaphore(%arg28 : memref<!tpu.dma_semaphore, #tpu.memory_space<semaphore_mem>>)
        %dma_start3A_270 = tpu.memref_slice %arg6[%add3A_267] : memref<321536xi32, #tpu.memory_space<hbm>> -> memref<64xi32, #tpu.memory_space<hbm>>
        %dma_start3A_271 = tpu.memref_slice %arg6[%add3A_267] : memref<321536xi32, #tpu.memory_space<hbm>> -> memref<64xi32, #tpu.memory_space<hbm>>
        tpu.enqueue_dma source(%dma_start3A_271 : memref<64xi32, #tpu.memory_space<hbm>>) target(%arg16 : memref<64xi32, #tpu.memory_space<vmem>>) target_semaphore(%arg28 : memref<!tpu.dma_semaphore, #tpu.memory_space<semaphore_mem>>)
        %dma_start3A_272 = tpu.memref_slice %arg7[%add3A_267] : memref<321536xf32, #tpu.memory_space<hbm>> -> memref<64xf32, #tpu.memory_space<hbm>>
        %dma_start3A_273 = tpu.memref_slice %arg7[%add3A_267] : memref<321536xf32, #tpu.memory_space<hbm>> -> memref<64xf32, #tpu.memory_space<hbm>>
        tpu.enqueue_dma source(%dma_start3A_273 : memref<64xf32, #tpu.memory_space<hbm>>) target(%arg18 : memref<64xf32, #tpu.memory_space<vmem>>) target_semaphore(%arg28 : memref<!tpu.dma_semaphore, #tpu.memory_space<semaphore_mem>>)
      } else {
      }
      %dma_wait3A_244 = arith.constant 0 : i32
      %dma_wait3A_245 = arith.constant 0 : i32
      %dma_wait3A_246 = tpu.memref_slice %arg2[%dma_wait3A_244, %dma_wait3A_245] : memref<10000x128xf32, #tpu.memory_space<hbm>> -> memref<10000x128xf32, #tpu.memory_space<hbm>>
      tpu.wait_indirect_dma semaphore(%arg31 : memref<!tpu.dma_semaphore, #tpu.memory_space<semaphore_mem>>) src(%dma_wait3A_246 : memref<10000x128xf32, #tpu.memory_space<hbm>>) dst(%arg23 : memref<64x128xf32, #tpu.memory_space<vmem>>)
      %parallel_loop3A_247 = arith.constant 0 : i32
      %parallel_loop3A_248 = arith.constant 64 : i32
      %parallel_loop3A_249 = arith.constant 1 : i32
      scf.for %parallel_loop3A_261 = %parallel_loop3A_247 to %parallel_loop3A_248 step %parallel_loop3A_249  : i32 {
        %parallel_loop3A_262 = vector.broadcast %parallel_loop3A_261 : i32 to vector<16xi32>
        %parallel_loop3A_263 = tpu.vector_load_idx %arg25[%parallel_loop3A_262] : memref<64xf32, #tpu.memory_space<vmem>>[vector<16xi32>], vector<16xf32>,
        %parallel_loop3A_264 = arith.index_cast %parallel_loop3A_261 : i32 to index
        %parallel_loop3A_265 = arith.constant 0 : index
        %parallel_loop3A_266 = tpu.vector_load %arg23[%parallel_loop3A_264, %parallel_loop3A_265] {strides = array<i32>} : memref<64x128xf32, #tpu.memory_space<vmem>>, vector<16xf32>,
        %parallel_loop3A_267 = arith.mulf %parallel_loop3A_266, %parallel_loop3A_263 : vector<16xf32>
        %parallel_loop3A_268 = arith.index_cast %parallel_loop3A_261 : i32 to index
        %parallel_loop3A_269 = arith.constant 0 : index
        %parallel_loop3A_270 = tpu.vector_load %arg23[%parallel_loop3A_268, %parallel_loop3A_269] {strides = array<i32>} : memref<64x128xf32, #tpu.memory_space<vmem>>, vector<16xf32>,
        tpu.vector_store %arg23[%parallel_loop3A_268, %parallel_loop3A_269], %parallel_loop3A_267 {strides = array<i32>} : memref<64x128xf32, #tpu.memory_space<vmem>>, vector<16xf32>,
        %parallel_loop3A_271 = arith.index_cast %parallel_loop3A_261 : i32 to index
        %parallel_loop3A_272 = arith.constant 16 : index
        %parallel_loop3A_273 = tpu.vector_load %arg23[%parallel_loop3A_271, %parallel_loop3A_272] {strides = array<i32>} : memref<64x128xf32, #tpu.memory_space<vmem>>, vector<16xf32>,
        %parallel_loop3A_274 = arith.mulf %parallel_loop3A_273, %parallel_loop3A_263 : vector<16xf32>
        %parallel_loop3A_275 = arith.index_cast %parallel_loop3A_261 : i32 to index
        %parallel_loop3A_276 = arith.constant 16 : index
        %parallel_loop3A_277 = tpu.vector_load %arg23[%parallel_loop3A_275, %parallel_loop3A_276] {strides = array<i32>} : memref<64x128xf32, #tpu.memory_space<vmem>>, vector<16xf32>,
        tpu.vector_store %arg23[%parallel_loop3A_275, %parallel_loop3A_276], %parallel_loop3A_274 {strides = array<i32>} : memref<64x128xf32, #tpu.memory_space<vmem>>, vector<16xf32>,
        %parallel_loop3A_278 = arith.index_cast %parallel_loop3A_261 : i32 to index
        %parallel_loop3A_279 = arith.constant 32 : index
        %parallel_loop3A_280 = tpu.vector_load %arg23[%parallel_loop3A_278, %parallel_loop3A_279] {strides = array<i32>} : memref<64x128xf32, #tpu.memory_space<vmem>>, vector<16xf32>,
        %parallel_loop3A_281 = arith.mulf %parallel_loop3A_280, %parallel_loop3A_263 : vector<16xf32>
        %parallel_loop3A_282 = arith.index_cast %parallel_loop3A_261 : i32 to index
        %parallel_loop3A_283 = arith.constant 32 : index
        %parallel_loop3A_284 = tpu.vector_load %arg23[%parallel_loop3A_282, %parallel_loop3A_283] {strides = array<i32>} : memref<64x128xf32, #tpu.memory_space<vmem>>, vector<16xf32>,
        tpu.vector_store %arg23[%parallel_loop3A_282, %parallel_loop3A_283], %parallel_loop3A_281 {strides = array<i32>} : memref<64x128xf32, #tpu.memory_space<vmem>>, vector<16xf32>,
        %parallel_loop3A_285 = arith.index_cast %parallel_loop3A_261 : i32 to index
        %parallel_loop3A_286 = arith.constant 48 : index
        %parallel_loop3A_287 = tpu.vector_load %arg23[%parallel_loop3A_285, %parallel_loop3A_286] {strides = array<i32>} : memref<64x128xf32, #tpu.memory_space<vmem>>, vector<16xf32>,
        %parallel_loop3A_288 = arith.mulf %parallel_loop3A_287, %parallel_loop3A_263 : vector<16xf32>
        %parallel_loop3A_289 = arith.index_cast %parallel_loop3A_261 : i32 to index
        %parallel_loop3A_290 = arith.constant 48 : index
        %parallel_loop3A_291 = tpu.vector_load %arg23[%parallel_loop3A_289, %parallel_loop3A_290] {strides = array<i32>} : memref<64x128xf32, #tpu.memory_space<vmem>>, vector<16xf32>,
        tpu.vector_store %arg23[%parallel_loop3A_289, %parallel_loop3A_290], %parallel_loop3A_288 {strides = array<i32>} : memref<64x128xf32, #tpu.memory_space<vmem>>, vector<16xf32>,
        %parallel_loop3A_292 = arith.index_cast %parallel_loop3A_261 : i32 to index
        %parallel_loop3A_293 = arith.constant 64 : index
        %parallel_loop3A_294 = tpu.vector_load %arg23[%parallel_loop3A_292, %parallel_loop3A_293] {strides = array<i32>} : memref<64x128xf32, #tpu.memory_space<vmem>>, vector<16xf32>,
        %parallel_loop3A_295 = arith.mulf %parallel_loop3A_294, %parallel_loop3A_263 : vector<16xf32>
        %parallel_loop3A_296 = arith.index_cast %parallel_loop3A_261 : i32 to index
        %parallel_loop3A_297 = arith.constant 64 : index
        %parallel_loop3A_298 = tpu.vector_load %arg23[%parallel_loop3A_296, %parallel_loop3A_297] {strides = array<i32>} : memref<64x128xf32, #tpu.memory_space<vmem>>, vector<16xf32>,
        tpu.vector_store %arg23[%parallel_loop3A_296, %parallel_loop3A_297], %parallel_loop3A_295 {strides = array<i32>} : memref<64x128xf32, #tpu.memory_space<vmem>>, vector<16xf32>,
        %parallel_loop3A_299 = arith.index_cast %parallel_loop3A_261 : i32 to index
        %parallel_loop3A_300 = arith.constant 80 : index
        %parallel_loop3A_301 = tpu.vector_load %arg23[%parallel_loop3A_299, %parallel_loop3A_300] {strides = array<i32>} : memref<64x128xf32, #tpu.memory_space<vmem>>, vector<16xf32>,
        %parallel_loop3A_302 = arith.mulf %parallel_loop3A_301, %parallel_loop3A_263 : vector<16xf32>
        %parallel_loop3A_303 = arith.index_cast %parallel_loop3A_261 : i32 to index
        %parallel_loop3A_304 = arith.constant 80 : index
        %parallel_loop3A_305 = tpu.vector_load %arg23[%parallel_loop3A_303, %parallel_loop3A_304] {strides = array<i32>} : memref<64x128xf32, #tpu.memory_space<vmem>>, vector<16xf32>,
        tpu.vector_store %arg23[%parallel_loop3A_303, %parallel_loop3A_304], %parallel_loop3A_302 {strides = array<i32>} : memref<64x128xf32, #tpu.memory_space<vmem>>, vector<16xf32>,
        %parallel_loop3A_306 = arith.index_cast %parallel_loop3A_261 : i32 to index
        %parallel_loop3A_307 = arith.constant 96 : index
        %parallel_loop3A_308 = tpu.vector_load %arg23[%parallel_loop3A_306, %parallel_loop3A_307] {strides = array<i32>} : memref<64x128xf32, #tpu.memory_space<vmem>>, vector<16xf32>,
        %parallel_loop3A_309 = arith.mulf %parallel_loop3A_308, %parallel_loop3A_263 : vector<16xf32>
        %parallel_loop3A_310 = arith.index_cast %parallel_loop3A_261 : i32 to index
        %parallel_loop3A_311 = arith.constant 96 : index
        %parallel_loop3A_312 = tpu.vector_load %arg23[%parallel_loop3A_310, %parallel_loop3A_311] {strides = array<i32>} : memref<64x128xf32, #tpu.memory_space<vmem>>, vector<16xf32>,
        tpu.vector_store %arg23[%parallel_loop3A_310, %parallel_loop3A_311], %parallel_loop3A_309 {strides = array<i32>} : memref<64x128xf32, #tpu.memory_space<vmem>>, vector<16xf32>,
        %parallel_loop3A_313 = arith.index_cast %parallel_loop3A_261 : i32 to index
        %parallel_loop3A_314 = arith.constant 112 : index
        %parallel_loop3A_315 = tpu.vector_load %arg23[%parallel_loop3A_313, %parallel_loop3A_314] {strides = array<i32>} : memref<64x128xf32, #tpu.memory_space<vmem>>, vector<16xf32>,
        %parallel_loop3A_316 = arith.mulf %parallel_loop3A_315, %parallel_loop3A_263 : vector<16xf32>
        %parallel_loop3A_317 = arith.index_cast %parallel_loop3A_261 : i32 to index
        %parallel_loop3A_318 = arith.constant 112 : index
        %parallel_loop3A_319 = tpu.vector_load %arg23[%parallel_loop3A_317, %parallel_loop3A_318] {strides = array<i32>} : memref<64x128xf32, #tpu.memory_space<vmem>>, vector<16xf32>,
        tpu.vector_store %arg23[%parallel_loop3A_317, %parallel_loop3A_318], %parallel_loop3A_316 {strides = array<i32>} : memref<64x128xf32, #tpu.memory_space<vmem>>, vector<16xf32>,
      } {sc.loop_unroll_factor = 8 : i64, sc.parallel_access}
      %dma_start3A_250 = arith.constant 0 : i32
      %dma_start3A_251 = arith.constant 0 : i32
      %dma_start3A_252 = tpu.memref_slice %arg27[%dma_start3A_250, %dma_start3A_251] : memref<10240x128xf32, #tpu.memory_space<vmem_shared>> -> memref<10240x128xf32, #tpu.memory_space<vmem_shared>>
      tpu.enqueue_indirect_dma source(%arg23 : memref<64x128xf32, #tpu.memory_space<vmem>>) target(%dma_start3A_252 : memref<10240x128xf32, #tpu.memory_space<vmem_shared>>) offsets(%arg21 : memref<64xi32, #tpu.memory_space<vmem>>) semaphore(%arg33 : memref<!tpu.dma_semaphore, #tpu.memory_space<semaphore_mem>>) {add = true}
      %add3A_253 = arith.constant 1 : i32
      %add3A_254 = arith.addi %mul3A_146, %add3A_253 : i32
      %add3A_255 = arith.constant 2 : i32
      %add3A_256 = arith.addi %add3A_254, %add3A_255 : i32
      %lt3A_257 = arith.cmpi slt, %add3A_256, %select_n3A : i32
      %convert_element_type3A_258 = arith.extui %lt3A_257 : i1 to i32
      %cond3A_259 = arith.constant 0 : i32
      %cond3A_260 = arith.cmpi ne, %convert_element_type3A_258, %cond3A_259 : i32
      scf.if %cond3A_260 {
        %add3A_261 = arith.constant 1 : i32
        %add3A_262 = arith.addi %mul3A_146, %add3A_261 : i32
        %add3A_263 = arith.constant 2 : i32
        %add3A_264 = arith.addi %add3A_262, %add3A_263 : i32
        %mul3A_265 = arith.constant 64 : i32
        %mul3A_266 = arith.muli %add3A_264, %mul3A_265 : i32
        %add3A_267 = arith.addi %mul3A_48, %mul3A_266 : i32
        %dma_start3A_268 = tpu.memref_slice %arg5[%add3A_267] : memref<321536xi32, #tpu.memory_space<hbm>> -> memref<64xi32, #tpu.memory_space<hbm>>
        %dma_start3A_269 = tpu.memref_slice %arg5[%add3A_267] : memref<321536xi32, #tpu.memory_space<hbm>> -> memref<64xi32, #tpu.memory_space<hbm>>
        tpu.enqueue_dma source(%dma_start3A_269 : memref<64xi32, #tpu.memory_space<hbm>>) target(%arg15 : memref<64xi32, #tpu.memory_space<vmem>>) target_semaphore(%arg29 : memref<!tpu.dma_semaphore, #tpu.memory_space<semaphore_mem>>)
        %dma_start3A_270 = tpu.memref_slice %arg6[%add3A_267] : memref<321536xi32, #tpu.memory_space<hbm>> -> memref<64xi32, #tpu.memory_space<hbm>>
        %dma_start3A_271 = tpu.memref_slice %arg6[%add3A_267] : memref<321536xi32, #tpu.memory_space<hbm>> -> memref<64xi32, #tpu.memory_space<hbm>>
        tpu.enqueue_dma source(%dma_start3A_271 : memref<64xi32, #tpu.memory_space<hbm>>) target(%arg17 : memref<64xi32, #tpu.memory_space<vmem>>) target_semaphore(%arg29 : memref<!tpu.dma_semaphore, #tpu.memory_space<semaphore_mem>>)
        %dma_start3A_272 = tpu.memref_slice %arg7[%add3A_267] : memref<321536xf32, #tpu.memory_space<hbm>> -> memref<64xf32, #tpu.memory_space<hbm>>
        %dma_start3A_273 = tpu.memref_slice %arg7[%add3A_267] : memref<321536xf32, #tpu.memory_space<hbm>> -> memref<64xf32, #tpu.memory_space<hbm>>
        tpu.enqueue_dma source(%dma_start3A_273 : memref<64xf32, #tpu.memory_space<hbm>>) target(%arg19 : memref<64xf32, #tpu.memory_space<vmem>>) target_semaphore(%arg29 : memref<!tpu.dma_semaphore, #tpu.memory_space<semaphore_mem>>)
      } else {
      }
    }
    %dma_wait3A = arith.constant 0 : i32
    %dma_wait3A_91 = arith.constant 0 : i32
    %dma_wait3A_92 = tpu.memref_slice %arg27[%dma_wait3A, %dma_wait3A_91] : memref<10240x128xf32, #tpu.memory_space<vmem_shared>> -> memref<10240x128xf32, #tpu.memory_space<vmem_shared>>
    tpu.wait_indirect_dma semaphore(%arg32 : memref<!tpu.dma_semaphore, #tpu.memory_space<semaphore_mem>>) src(%arg22 : memref<64x128xf32, #tpu.memory_space<vmem>>) dst(%dma_wait3A_92 : memref<10240x128xf32, #tpu.memory_space<vmem_shared>>)
    %dma_wait3A_93 = arith.constant 0 : i32
    %dma_wait3A_94 = arith.constant 0 : i32
    %dma_wait3A_95 = tpu.memref_slice %arg27[%dma_wait3A_93, %dma_wait3A_94] : memref<10240x128xf32, #tpu.memory_space<vmem_shared>> -> memref<10240x128xf32, #tpu.memory_space<vmem_shared>>
    tpu.wait_indirect_dma semaphore(%arg33 : memref<!tpu.dma_semaphore, #tpu.memory_space<semaphore_mem>>) src(%arg23 : memref<64x128xf32, #tpu.memory_space<vmem>>) dst(%dma_wait3A_95 : memref<10240x128xf32, #tpu.memory_space<vmem_shared>>)
    %mul3A_96 = arith.constant 10000 : i32
    %mul3A_97 = arith.muli %add3A, %mul3A_96 : i32
    %multiple_of3A_98 = tpu.assume_multiple %mul3A_97, 8 : i32
    "tpu.region"() ({
      %run_scoped3A = tpu.sem_alloc : memref<!tpu.dma_semaphore, #tpu.memory_space<semaphore_mem>>
      %dma_start3A_144 = tpu.memref_slice %arg10[%multiple_of3A_98] : memref<320000xf32, #tpu.memory_space<hbm>> -> memref<10000xf32, #tpu.memory_space<hbm>>
      %dma_start3A_145 = tpu.memref_slice %arg10[%multiple_of3A_98] : memref<320000xf32, #tpu.memory_space<hbm>> -> memref<10000xf32, #tpu.memory_space<hbm>>
      tpu.enqueue_dma source(%arg13 : memref<10000xf32, #tpu.memory_space<vmem>>) target(%dma_start3A_145 : memref<10000xf32, #tpu.memory_space<hbm>>) target_semaphore(%run_scoped3A : memref<!tpu.dma_semaphore, #tpu.memory_space<semaphore_mem>>)
      %dma_wait3A_146 = tpu.memref_slice %arg10[%multiple_of3A_98] : memref<320000xf32, #tpu.memory_space<hbm>> -> memref<10000xf32, #tpu.memory_space<hbm>>
      %dma_wait3A_147 = tpu.memref_slice %arg10[%multiple_of3A_98] : memref<320000xf32, #tpu.memory_space<hbm>> -> memref<10000xf32, #tpu.memory_space<hbm>>
      tpu.wait_dma2 semaphore(%run_scoped3A : memref<!tpu.dma_semaphore, #tpu.memory_space<semaphore_mem>>) src(%arg13 : memref<10000xf32, #tpu.memory_space<vmem>>) dst(%dma_wait3A_147 : memref<10000xf32, #tpu.memory_space<hbm>>)
      tpu.yield
    }) : () -> ()
    %barrier3A_99 = arith.constant 0 : index
    tpu.barrier barrier_id(%barrier3A_99)
    %mul3A_100 = arith.constant 10240 : i32
    %mul3A_101 = arith.muli %arg0, %mul3A_100 : i32
    %add3A_102 = arith.addi %mul3A_101, %multiple_of3A : i32
    %multiple_of3A_103 = tpu.assume_multiple %add3A_102, 64 : i32
    %add3A_104 = arith.constant 0 : i32
    %add3A_105 = arith.addi %multiple_of3A, %add3A_104 : i32
    %add3A_106 = arith.constant 0 : i32
    %add3A_107 = arith.addi %multiple_of3A_103, %add3A_106 : i32
    "tpu.region"() ({
      %run_scoped3A = tpu.sem_alloc : memref<!tpu.dma_semaphore, #tpu.memory_space<semaphore_mem>>
      %dma_start3A_144 = arith.constant 0 : i32
      %dma_start3A_145 = tpu.memref_slice %arg9[%add3A_107, %dma_start3A_144] : memref<20480x128xf32, #tpu.memory_space<hbm>> -> memref<64x128xf32, #tpu.memory_space<hbm>>
      %dma_start3A_146 = arith.constant 0 : i32
      %dma_start3A_147 = tpu.memref_slice %arg27[%add3A_105, %dma_start3A_146] : memref<10240x128xf32, #tpu.memory_space<vmem_shared>> -> memref<64x128xf32, #tpu.memory_space<vmem_shared>>
      tpu.enqueue_dma source(%dma_start3A_147 : memref<64x128xf32, #tpu.memory_space<vmem_shared>>) target(%dma_start3A_145 : memref<64x128xf32, #tpu.memory_space<hbm>>) target_semaphore(%run_scoped3A : memref<!tpu.dma_semaphore, #tpu.memory_space<semaphore_mem>>)
      %dma_wait3A_148 = arith.constant 0 : i32
      %dma_wait3A_149 = tpu.memref_slice %arg9[%add3A_107, %dma_wait3A_148] : memref<20480x128xf32, #tpu.memory_space<hbm>> -> memref<64x128xf32, #tpu.memory_space<hbm>>
      %dma_wait3A_150 = arith.constant 0 : i32
      %dma_wait3A_151 = tpu.memref_slice %arg27[%add3A_105, %dma_wait3A_150] : memref<10240x128xf32, #tpu.memory_space<vmem_shared>> -> memref<64x128xf32, #tpu.memory_space<vmem_shared>>
      tpu.wait_dma2 semaphore(%run_scoped3A : memref<!tpu.dma_semaphore, #tpu.memory_space<semaphore_mem>>) src(%dma_wait3A_151 : memref<64x128xf32, #tpu.memory_space<vmem_shared>>) dst(%dma_wait3A_149 : memref<64x128xf32, #tpu.memory_space<hbm>>)
      tpu.yield
    }) : () -> ()
    %add3A_108 = arith.constant 64 : i32
    %add3A_109 = arith.addi %multiple_of3A, %add3A_108 : i32
    %add3A_110 = arith.constant 64 : i32
    %add3A_111 = arith.addi %multiple_of3A_103, %add3A_110 : i32
    "tpu.region"() ({
      %run_scoped3A = tpu.sem_alloc : memref<!tpu.dma_semaphore, #tpu.memory_space<semaphore_mem>>
      %dma_start3A_144 = arith.constant 0 : i32
      %dma_start3A_145 = tpu.memref_slice %arg9[%add3A_111, %dma_start3A_144] : memref<20480x128xf32, #tpu.memory_space<hbm>> -> memref<64x128xf32, #tpu.memory_space<hbm>>
      %dma_start3A_146 = arith.constant 0 : i32
      %dma_start3A_147 = tpu.memref_slice %arg27[%add3A_109, %dma_start3A_146] : memref<10240x128xf32, #tpu.memory_space<vmem_shared>> -> memref<64x128xf32, #tpu.memory_space<vmem_shared>>
      tpu.enqueue_dma source(%dma_start3A_147 : memref<64x128xf32, #tpu.memory_space<vmem_shared>>) target(%dma_start3A_145 : memref<64x128xf32, #tpu.memory_space<hbm>>) target_semaphore(%run_scoped3A : memref<!tpu.dma_semaphore, #tpu.memory_space<semaphore_mem>>)
      %dma_wait3A_148 = arith.constant 0 : i32
      %dma_wait3A_149 = tpu.memref_slice %arg9[%add3A_111, %dma_wait3A_148] : memref<20480x128xf32, #tpu.memory_space<hbm>> -> memref<64x128xf32, #tpu.memory_space<hbm>>
      %dma_wait3A_150 = arith.constant 0 : i32
      %dma_wait3A_151 = tpu.memref_slice %arg27[%add3A_109, %dma_wait3A_150] : memref<10240x128xf32, #tpu.memory_space<vmem_shared>> -> memref<64x128xf32, #tpu.memory_space<vmem_shared>>
      tpu.wait_dma2 semaphore(%run_scoped3A : memref<!tpu.dma_semaphore, #tpu.memory_space<semaphore_mem>>) src(%dma_wait3A_151 : memref<64x128xf32, #tpu.memory_space<vmem_shared>>) dst(%dma_wait3A_149 : memref<64x128xf32, #tpu.memory_space<hbm>>)
      tpu.yield
    }) : () -> ()
    %add3A_112 = arith.constant 128 : i32
    %add3A_113 = arith.addi %multiple_of3A, %add3A_112 : i32
    %add3A_114 = arith.constant 128 : i32
    %add3A_115 = arith.addi %multiple_of3A_103, %add3A_114 : i32
    "tpu.region"() ({
      %run_scoped3A = tpu.sem_alloc : memref<!tpu.dma_semaphore, #tpu.memory_space<semaphore_mem>>
      %dma_start3A_144 = arith.constant 0 : i32
      %dma_start3A_145 = tpu.memref_slice %arg9[%add3A_115, %dma_start3A_144] : memref<20480x128xf32, #tpu.memory_space<hbm>> -> memref<64x128xf32, #tpu.memory_space<hbm>>
      %dma_start3A_146 = arith.constant 0 : i32
      %dma_start3A_147 = tpu.memref_slice %arg27[%add3A_113, %dma_start3A_146] : memref<10240x128xf32, #tpu.memory_space<vmem_shared>> -> memref<64x128xf32, #tpu.memory_space<vmem_shared>>
      tpu.enqueue_dma source(%dma_start3A_147 : memref<64x128xf32, #tpu.memory_space<vmem_shared>>) target(%dma_start3A_145 : memref<64x128xf32, #tpu.memory_space<hbm>>) target_semaphore(%run_scoped3A : memref<!tpu.dma_semaphore, #tpu.memory_space<semaphore_mem>>)
      %dma_wait3A_148 = arith.constant 0 : i32
      %dma_wait3A_149 = tpu.memref_slice %arg9[%add3A_115, %dma_wait3A_148] : memref<20480x128xf32, #tpu.memory_space<hbm>> -> memref<64x128xf32, #tpu.memory_space<hbm>>
      %dma_wait3A_150 = arith.constant 0 : i32
      %dma_wait3A_151 = tpu.memref_slice %arg27[%add3A_113, %dma_wait3A_150] : memref<10240x128xf32, #tpu.memory_space<vmem_shared>> -> memref<64x128xf32, #tpu.memory_space<vmem_shared>>
      tpu.wait_dma2 semaphore(%run_scoped3A : memref<!tpu.dma_semaphore, #tpu.memory_space<semaphore_mem>>) src(%dma_wait3A_151 : memref<64x128xf32, #tpu.memory_space<vmem_shared>>) dst(%dma_wait3A_149 : memref<64x128xf32, #tpu.memory_space<hbm>>)
      tpu.yield
    }) : () -> ()
    %add3A_116 = arith.constant 192 : i32
    %add3A_117 = arith.addi %multiple_of3A, %add3A_116 : i32
    %add3A_118 = arith.constant 192 : i32
    %add3A_119 = arith.addi %multiple_of3A_103, %add3A_118 : i32
    "tpu.region"() ({
      %run_scoped3A = tpu.sem_alloc : memref<!tpu.dma_semaphore, #tpu.memory_space<semaphore_mem>>
      %dma_start3A_144 = arith.constant 0 : i32
      %dma_start3A_145 = tpu.memref_slice %arg9[%add3A_119, %dma_start3A_144] : memref<20480x128xf32, #tpu.memory_space<hbm>> -> memref<64x128xf32, #tpu.memory_space<hbm>>
      %dma_start3A_146 = arith.constant 0 : i32
      %dma_start3A_147 = tpu.memref_slice %arg27[%add3A_117, %dma_start3A_146] : memref<10240x128xf32, #tpu.memory_space<vmem_shared>> -> memref<64x128xf32, #tpu.memory_space<vmem_shared>>
      tpu.enqueue_dma source(%dma_start3A_147 : memref<64x128xf32, #tpu.memory_space<vmem_shared>>) target(%dma_start3A_145 : memref<64x128xf32, #tpu.memory_space<hbm>>) target_semaphore(%run_scoped3A : memref<!tpu.dma_semaphore, #tpu.memory_space<semaphore_mem>>)
      %dma_wait3A_148 = arith.constant 0 : i32
      %dma_wait3A_149 = tpu.memref_slice %arg9[%add3A_119, %dma_wait3A_148] : memref<20480x128xf32, #tpu.memory_space<hbm>> -> memref<64x128xf32, #tpu.memory_space<hbm>>
      %dma_wait3A_150 = arith.constant 0 : i32
      %dma_wait3A_151 = tpu.memref_slice %arg27[%add3A_117, %dma_wait3A_150] : memref<10240x128xf32, #tpu.memory_space<vmem_shared>> -> memref<64x128xf32, #tpu.memory_space<vmem_shared>>
      tpu.wait_dma2 semaphore(%run_scoped3A : memref<!tpu.dma_semaphore, #tpu.memory_space<semaphore_mem>>) src(%dma_wait3A_151 : memref<64x128xf32, #tpu.memory_space<vmem_shared>>) dst(%dma_wait3A_149 : memref<64x128xf32, #tpu.memory_space<hbm>>)
      tpu.yield
    }) : () -> ()
    %add3A_120 = arith.constant 256 : i32
    %add3A_121 = arith.addi %multiple_of3A, %add3A_120 : i32
    %add3A_122 = arith.constant 256 : i32
    %add3A_123 = arith.addi %multiple_of3A_103, %add3A_122 : i32
    "tpu.region"() ({
      %run_scoped3A = tpu.sem_alloc : memref<!tpu.dma_semaphore, #tpu.memory_space<semaphore_mem>>
      %dma_start3A_144 = arith.constant 0 : i32
      %dma_start3A_145 = tpu.memref_slice %arg9[%add3A_123, %dma_start3A_144] : memref<20480x128xf32, #tpu.memory_space<hbm>> -> memref<64x128xf32, #tpu.memory_space<hbm>>
      %dma_start3A_146 = arith.constant 0 : i32
      %dma_start3A_147 = tpu.memref_slice %arg27[%add3A_121, %dma_start3A_146] : memref<10240x128xf32, #tpu.memory_space<vmem_shared>> -> memref<64x128xf32, #tpu.memory_space<vmem_shared>>
      tpu.enqueue_dma source(%dma_start3A_147 : memref<64x128xf32, #tpu.memory_space<vmem_shared>>) target(%dma_start3A_145 : memref<64x128xf32, #tpu.memory_space<hbm>>) target_semaphore(%run_scoped3A : memref<!tpu.dma_semaphore, #tpu.memory_space<semaphore_mem>>)
      %dma_wait3A_148 = arith.constant 0 : i32
      %dma_wait3A_149 = tpu.memref_slice %arg9[%add3A_123, %dma_wait3A_148] : memref<20480x128xf32, #tpu.memory_space<hbm>> -> memref<64x128xf32, #tpu.memory_space<hbm>>
      %dma_wait3A_150 = arith.constant 0 : i32
      %dma_wait3A_151 = tpu.memref_slice %arg27[%add3A_121, %dma_wait3A_150] : memref<10240x128xf32, #tpu.memory_space<vmem_shared>> -> memref<64x128xf32, #tpu.memory_space<vmem_shared>>
      tpu.wait_dma2 semaphore(%run_scoped3A : memref<!tpu.dma_semaphore, #tpu.memory_space<semaphore_mem>>) src(%dma_wait3A_151 : memref<64x128xf32, #tpu.memory_space<vmem_shared>>) dst(%dma_wait3A_149 : memref<64x128xf32, #tpu.memory_space<hbm>>)
      tpu.yield
    }) : () -> ()
    %add3A_124 = arith.constant 320 : i32
    %add3A_125 = arith.addi %multiple_of3A, %add3A_124 : i32
    %add3A_126 = arith.constant 320 : i32
    %add3A_127 = arith.addi %multiple_of3A_103, %add3A_126 : i32
    "tpu.region"() ({
      %run_scoped3A = tpu.sem_alloc : memref<!tpu.dma_semaphore, #tpu.memory_space<semaphore_mem>>
      %dma_start3A_144 = arith.constant 0 : i32
      %dma_start3A_145 = tpu.memref_slice %arg9[%add3A_127, %dma_start3A_144] : memref<20480x128xf32, #tpu.memory_space<hbm>> -> memref<64x128xf32, #tpu.memory_space<hbm>>
      %dma_start3A_146 = arith.constant 0 : i32
      %dma_start3A_147 = tpu.memref_slice %arg27[%add3A_125, %dma_start3A_146] : memref<10240x128xf32, #tpu.memory_space<vmem_shared>> -> memref<64x128xf32, #tpu.memory_space<vmem_shared>>
      tpu.enqueue_dma source(%dma_start3A_147 : memref<64x128xf32, #tpu.memory_space<vmem_shared>>) target(%dma_start3A_145 : memref<64x128xf32, #tpu.memory_space<hbm>>) target_semaphore(%run_scoped3A : memref<!tpu.dma_semaphore, #tpu.memory_space<semaphore_mem>>)
      %dma_wait3A_148 = arith.constant 0 : i32
      %dma_wait3A_149 = tpu.memref_slice %arg9[%add3A_127, %dma_wait3A_148] : memref<20480x128xf32, #tpu.memory_space<hbm>> -> memref<64x128xf32, #tpu.memory_space<hbm>>
      %dma_wait3A_150 = arith.constant 0 : i32
      %dma_wait3A_151 = tpu.memref_slice %arg27[%add3A_125, %dma_wait3A_150] : memref<10240x128xf32, #tpu.memory_space<vmem_shared>> -> memref<64x128xf32, #tpu.memory_space<vmem_shared>>
      tpu.wait_dma2 semaphore(%run_scoped3A : memref<!tpu.dma_semaphore, #tpu.memory_space<semaphore_mem>>) src(%dma_wait3A_151 : memref<64x128xf32, #tpu.memory_space<vmem_shared>>) dst(%dma_wait3A_149 : memref<64x128xf32, #tpu.memory_space<hbm>>)
      tpu.yield
    }) : () -> ()
    %add3A_128 = arith.constant 384 : i32
    %add3A_129 = arith.addi %multiple_of3A, %add3A_128 : i32
    %add3A_130 = arith.constant 384 : i32
    %add3A_131 = arith.addi %multiple_of3A_103, %add3A_130 : i32
    "tpu.region"() ({
      %run_scoped3A = tpu.sem_alloc : memref<!tpu.dma_semaphore, #tpu.memory_space<semaphore_mem>>
      %dma_start3A_144 = arith.constant 0 : i32
      %dma_start3A_145 = tpu.memref_slice %arg9[%add3A_131, %dma_start3A_144] : memref<20480x128xf32, #tpu.memory_space<hbm>> -> memref<64x128xf32, #tpu.memory_space<hbm>>
      %dma_start3A_146 = arith.constant 0 : i32
      %dma_start3A_147 = tpu.memref_slice %arg27[%add3A_129, %dma_start3A_146] : memref<10240x128xf32, #tpu.memory_space<vmem_shared>> -> memref<64x128xf32, #tpu.memory_space<vmem_shared>>
      tpu.enqueue_dma source(%dma_start3A_147 : memref<64x128xf32, #tpu.memory_space<vmem_shared>>) target(%dma_start3A_145 : memref<64x128xf32, #tpu.memory_space<hbm>>) target_semaphore(%run_scoped3A : memref<!tpu.dma_semaphore, #tpu.memory_space<semaphore_mem>>)
      %dma_wait3A_148 = arith.constant 0 : i32
      %dma_wait3A_149 = tpu.memref_slice %arg9[%add3A_131, %dma_wait3A_148] : memref<20480x128xf32, #tpu.memory_space<hbm>> -> memref<64x128xf32, #tpu.memory_space<hbm>>
      %dma_wait3A_150 = arith.constant 0 : i32
      %dma_wait3A_151 = tpu.memref_slice %arg27[%add3A_129, %dma_wait3A_150] : memref<10240x128xf32, #tpu.memory_space<vmem_shared>> -> memref<64x128xf32, #tpu.memory_space<vmem_shared>>
      tpu.wait_dma2 semaphore(%run_scoped3A : memref<!tpu.dma_semaphore, #tpu.memory_space<semaphore_mem>>) src(%dma_wait3A_151 : memref<64x128xf32, #tpu.memory_space<vmem_shared>>) dst(%dma_wait3A_149 : memref<64x128xf32, #tpu.memory_space<hbm>>)
      tpu.yield
    }) : () -> ()
    %add3A_132 = arith.constant 448 : i32
    %add3A_133 = arith.addi %multiple_of3A, %add3A_132 : i32
    %add3A_134 = arith.constant 448 : i32
    %add3A_135 = arith.addi %multiple_of3A_103, %add3A_134 : i32
    "tpu.region"() ({
      %run_scoped3A = tpu.sem_alloc : memref<!tpu.dma_semaphore, #tpu.memory_space<semaphore_mem>>
      %dma_start3A_144 = arith.constant 0 : i32
      %dma_start3A_145 = tpu.memref_slice %arg9[%add3A_135, %dma_start3A_144] : memref<20480x128xf32, #tpu.memory_space<hbm>> -> memref<64x128xf32, #tpu.memory_space<hbm>>
      %dma_start3A_146 = arith.constant 0 : i32
      %dma_start3A_147 = tpu.memref_slice %arg27[%add3A_133, %dma_start3A_146] : memref<10240x128xf32, #tpu.memory_space<vmem_shared>> -> memref<64x128xf32, #tpu.memory_space<vmem_shared>>
      tpu.enqueue_dma source(%dma_start3A_147 : memref<64x128xf32, #tpu.memory_space<vmem_shared>>) target(%dma_start3A_145 : memref<64x128xf32, #tpu.memory_space<hbm>>) target_semaphore(%run_scoped3A : memref<!tpu.dma_semaphore, #tpu.memory_space<semaphore_mem>>)
      %dma_wait3A_148 = arith.constant 0 : i32
      %dma_wait3A_149 = tpu.memref_slice %arg9[%add3A_135, %dma_wait3A_148] : memref<20480x128xf32, #tpu.memory_space<hbm>> -> memref<64x128xf32, #tpu.memory_space<hbm>>
      %dma_wait3A_150 = arith.constant 0 : i32
      %dma_wait3A_151 = tpu.memref_slice %arg27[%add3A_133, %dma_wait3A_150] : memref<10240x128xf32, #tpu.memory_space<vmem_shared>> -> memref<64x128xf32, #tpu.memory_space<vmem_shared>>
      tpu.wait_dma2 semaphore(%run_scoped3A : memref<!tpu.dma_semaphore, #tpu.memory_space<semaphore_mem>>) src(%dma_wait3A_151 : memref<64x128xf32, #tpu.memory_space<vmem_shared>>) dst(%dma_wait3A_149 : memref<64x128xf32, #tpu.memory_space<hbm>>)
      tpu.yield
    }) : () -> ()
    %add3A_136 = arith.constant 512 : i32
    %add3A_137 = arith.addi %multiple_of3A, %add3A_136 : i32
    %add3A_138 = arith.constant 512 : i32
    %add3A_139 = arith.addi %multiple_of3A_103, %add3A_138 : i32
    "tpu.region"() ({
      %run_scoped3A = tpu.sem_alloc : memref<!tpu.dma_semaphore, #tpu.memory_space<semaphore_mem>>
      %dma_start3A_144 = arith.constant 0 : i32
      %dma_start3A_145 = tpu.memref_slice %arg9[%add3A_139, %dma_start3A_144] : memref<20480x128xf32, #tpu.memory_space<hbm>> -> memref<64x128xf32, #tpu.memory_space<hbm>>
      %dma_start3A_146 = arith.constant 0 : i32
      %dma_start3A_147 = tpu.memref_slice %arg27[%add3A_137, %dma_start3A_146] : memref<10240x128xf32, #tpu.memory_space<vmem_shared>> -> memref<64x128xf32, #tpu.memory_space<vmem_shared>>
      tpu.enqueue_dma source(%dma_start3A_147 : memref<64x128xf32, #tpu.memory_space<vmem_shared>>) target(%dma_start3A_145 : memref<64x128xf32, #tpu.memory_space<hbm>>) target_semaphore(%run_scoped3A : memref<!tpu.dma_semaphore, #tpu.memory_space<semaphore_mem>>)
      %dma_wait3A_148 = arith.constant 0 : i32
      %dma_wait3A_149 = tpu.memref_slice %arg9[%add3A_139, %dma_wait3A_148] : memref<20480x128xf32, #tpu.memory_space<hbm>> -> memref<64x128xf32, #tpu.memory_space<hbm>>
      %dma_wait3A_150 = arith.constant 0 : i32
      %dma_wait3A_151 = tpu.memref_slice %arg27[%add3A_137, %dma_wait3A_150] : memref<10240x128xf32, #tpu.memory_space<vmem_shared>> -> memref<64x128xf32, #tpu.memory_space<vmem_shared>>
      tpu.wait_dma2 semaphore(%run_scoped3A : memref<!tpu.dma_semaphore, #tpu.memory_space<semaphore_mem>>) src(%dma_wait3A_151 : memref<64x128xf32, #tpu.memory_space<vmem_shared>>) dst(%dma_wait3A_149 : memref<64x128xf32, #tpu.memory_space<hbm>>)
      tpu.yield
    }) : () -> ()
    %add3A_140 = arith.constant 576 : i32
    %add3A_141 = arith.addi %multiple_of3A, %add3A_140 : i32
    %add3A_142 = arith.constant 576 : i32
    %add3A_143 = arith.addi %multiple_of3A_103, %add3A_142 : i32
    "tpu.region"() ({
      %run_scoped3A = tpu.sem_alloc : memref<!tpu.dma_semaphore, #tpu.memory_space<semaphore_mem>>
      %dma_start3A_144 = arith.constant 0 : i32
      %dma_start3A_145 = tpu.memref_slice %arg9[%add3A_143, %dma_start3A_144] : memref<20480x128xf32, #tpu.memory_space<hbm>> -> memref<64x128xf32, #tpu.memory_space<hbm>>
      %dma_start3A_146 = arith.constant 0 : i32
      %dma_start3A_147 = tpu.memref_slice %arg27[%add3A_141, %dma_start3A_146] : memref<10240x128xf32, #tpu.memory_space<vmem_shared>> -> memref<64x128xf32, #tpu.memory_space<vmem_shared>>
      tpu.enqueue_dma source(%dma_start3A_147 : memref<64x128xf32, #tpu.memory_space<vmem_shared>>) target(%dma_start3A_145 : memref<64x128xf32, #tpu.memory_space<hbm>>) target_semaphore(%run_scoped3A : memref<!tpu.dma_semaphore, #tpu.memory_space<semaphore_mem>>)
      %dma_wait3A_148 = arith.constant 0 : i32
      %dma_wait3A_149 = tpu.memref_slice %arg9[%add3A_143, %dma_wait3A_148] : memref<20480x128xf32, #tpu.memory_space<hbm>> -> memref<64x128xf32, #tpu.memory_space<hbm>>
      %dma_wait3A_150 = arith.constant 0 : i32
      %dma_wait3A_151 = tpu.memref_slice %arg27[%add3A_141, %dma_wait3A_150] : memref<10240x128xf32, #tpu.memory_space<vmem_shared>> -> memref<64x128xf32, #tpu.memory_space<vmem_shared>>
      tpu.wait_dma2 semaphore(%run_scoped3A : memref<!tpu.dma_semaphore, #tpu.memory_space<semaphore_mem>>) src(%dma_wait3A_151 : memref<64x128xf32, #tpu.memory_space<vmem_shared>>) dst(%dma_wait3A_149 : memref<64x128xf32, #tpu.memory_space<hbm>>)
      tpu.yield
    }) : () -> ()
    return
  }
}

#map = affine_map<(d0, d1) -> (0, 0)>
#map1 = affine_map<(d0, d1) -> (0)>
module attributes {stable_mosaic.version = 14 : i64} {
  func.func @edge_kernel(%arg0: i32, %arg1: i32, %arg2: memref<10000x128xf32, #tpu.memory_space<hbm>>, %arg3: memref<10000xf32, #tpu.memory_space<hbm>>, %arg4: memref<10000xf32, #tpu.memory_space<hbm>>, %arg5: memref<321536xi32, #tpu.memory_space<hbm>>, %arg6: memref<321536xi32, #tpu.memory_space<hbm>>, %arg7: memref<321536xf32, #tpu.memory_space<hbm>>, %arg8: memref<16xf32, #tpu.memory_space<hbm>>, %arg9: memref<20480x128xf32, #tpu.memory_space<hbm>>, %arg10: memref<320000xf32, #tpu.memory_space<hbm>>, %arg11: memref<10000xf32, #tpu.memory_space<vmem>>, %arg12: memref<10000xf32, #tpu.memory_space<vmem>>, %arg13: memref<10000xf32, #tpu.memory_space<vmem>>, %arg14: memref<64xi32, #tpu.memory_space<vmem>>, %arg15: memref<64xi32, #tpu.memory_space<vmem>>, %arg16: memref<64xi32, #tpu.memory_space<vmem>>, %arg17: memref<64xi32, #tpu.memory_space<vmem>>, %arg18: memref<64xf32, #tpu.memory_space<vmem>>, %arg19: memref<64xf32, #tpu.memory_space<vmem>>, %arg20: memref<64xi32, #tpu.memory_space<vmem>>, %arg21: memref<64xi32, #tpu.memory_space<vmem>>, %arg22: memref<64x128xf32, #tpu.memory_space<vmem>>, %arg23: memref<64x128xf32, #tpu.memory_space<vmem>>, %arg24: memref<64xf32, #tpu.memory_space<vmem>>, %arg25: memref<64xf32, #tpu.memory_space<vmem>>, %arg26: memref<16xf32, #tpu.memory_space<vmem>>, %arg27: memref<10240x128xf32, #tpu.memory_space<vmem_shared>>, %arg28: memref<!tpu.dma_semaphore, #tpu.memory_space<semaphore_mem>>, %arg29: memref<!tpu.dma_semaphore, #tpu.memory_space<semaphore_mem>>, %arg30: memref<!tpu.dma_semaphore, #tpu.memory_space<semaphore_mem>>, %arg31: memref<!tpu.dma_semaphore, #tpu.memory_space<semaphore_mem>>, %arg32: memref<!tpu.dma_semaphore, #tpu.memory_space<semaphore_mem>>, %arg33: memref<!tpu.dma_semaphore, #tpu.memory_space<semaphore_mem>>) attributes {dimension_semantics = [#tpu.dimension_semantics<core_parallel>, #tpu.dimension_semantics<subcore_parallel>], iteration_bounds = array<i64: 2, 16>, scalar_prefetch = 0 : i64, scratch_operands = 23 : i64, tpu.core_type = #tpu.core_type<sc_vector_subcore>, window_params = [{transform_indices = #map}, {transform_indices = #map1}, {transform_indices = #map1}, {transform_indices = #map1}, {transform_indices = #map1}, {transform_indices = #map1}, {transform_indices = #map1}, {transform_indices = #map}, {transform_indices = #map1}]} {
    %mul3A = arith.constant 16 : i32
    %mul3A_0 = arith.muli %arg0, %mul3A : i32
    %add3A = arith.addi %mul3A_0, %arg1 : i32
    "tpu.region"() ({
      %run_scoped3A = tpu.sem_alloc : memref<!tpu.dma_semaphore, #tpu.memory_space<semaphore_mem>>
      tpu.enqueue_dma source(%arg3 : memref<10000xf32, #tpu.memory_space<hbm>>) target(%arg11 : memref<10000xf32, #tpu.memory_space<vmem>>) target_semaphore(%run_scoped3A : memref<!tpu.dma_semaphore, #tpu.memory_space<semaphore_mem>>)
      tpu.wait_dma2 semaphore(%run_scoped3A : memref<!tpu.dma_semaphore, #tpu.memory_space<semaphore_mem>>) src(%arg3 : memref<10000xf32, #tpu.memory_space<hbm>>) dst(%arg11 : memref<10000xf32, #tpu.memory_space<vmem>>)
      tpu.yield
    }) : () -> ()
    "tpu.region"() ({
      %run_scoped3A = tpu.sem_alloc : memref<!tpu.dma_semaphore, #tpu.memory_space<semaphore_mem>>
      tpu.enqueue_dma source(%arg4 : memref<10000xf32, #tpu.memory_space<hbm>>) target(%arg12 : memref<10000xf32, #tpu.memory_space<vmem>>) target_semaphore(%run_scoped3A : memref<!tpu.dma_semaphore, #tpu.memory_space<semaphore_mem>>)
      tpu.wait_dma2 semaphore(%run_scoped3A : memref<!tpu.dma_semaphore, #tpu.memory_space<semaphore_mem>>) src(%arg4 : memref<10000xf32, #tpu.memory_space<hbm>>) dst(%arg12 : memref<10000xf32, #tpu.memory_space<vmem>>)
      tpu.yield
    }) : () -> ()
    "tpu.region"() ({
      %run_scoped3A = tpu.sem_alloc : memref<!tpu.dma_semaphore, #tpu.memory_space<semaphore_mem>>
      tpu.enqueue_dma source(%arg8 : memref<16xf32, #tpu.memory_space<hbm>>) target(%arg26 : memref<16xf32, #tpu.memory_space<vmem>>) target_semaphore(%run_scoped3A : memref<!tpu.dma_semaphore, #tpu.memory_space<semaphore_mem>>)
      tpu.wait_dma2 semaphore(%run_scoped3A : memref<!tpu.dma_semaphore, #tpu.memory_space<semaphore_mem>>) src(%arg8 : memref<16xf32, #tpu.memory_space<hbm>>) dst(%arg26 : memref<16xf32, #tpu.memory_space<vmem>>)
      tpu.yield
    }) : () -> ()
    %get3A = arith.constant 0 : index
    %get3A_1 = tpu.vector_load %arg26[%get3A] {strides = array<i32>} : memref<16xf32, #tpu.memory_space<vmem>>, vector<16xf32>,
    %broadcast_in_dim3A = arith.constant 0.000000e+00 : f32
    %broadcast_in_dim3A_2 = vector.broadcast %broadcast_in_dim3A : f32 to vector<16xf32>
    %scan3A = arith.constant 0 : i32
    %scan3A_3 = arith.constant 0 : i32
    %scan3A_4 = arith.constant 625 : i32
    %scan3A_5 = arith.addi %scan3A_3, %scan3A_4 : i32
    %scan3A_6 = arith.constant 1 : i32
    scf.for %scan3A_144 = %scan3A_3 to %scan3A_5 step %scan3A_6  : i32 {
      %mul3A_145 = arith.constant 16 : i32
      %mul3A_146 = arith.muli %scan3A_144, %mul3A_145 : i32
      %swap3A = arith.index_cast %mul3A_146 : i32 to index
      %swap3A_147 = tpu.vector_load %arg13[%swap3A] {strides = array<i32>} : memref<10000xf32, #tpu.memory_space<vmem>>, vector<16xf32>,
      tpu.vector_store %arg13[%swap3A], %broadcast_in_dim3A_2 {strides = array<i32>} : memref<10000xf32, #tpu.memory_space<vmem>>, vector<16xf32>,
    }
    %scan3A_7 = arith.constant 625 : i32
    %scan3A_8 = arith.constant 0 : i32
    %scan3A_9 = arith.constant 0 : i32
    %scan3A_10 = arith.constant 64 : i32
    %scan3A_11 = arith.addi %scan3A_9, %scan3A_10 : i32
    %scan3A_12 = arith.constant 1 : i32
    scf.for %scan3A_144 = %scan3A_9 to %scan3A_11 step %scan3A_12  : i32 {
      %swap3A = arith.index_cast %scan3A_144 : i32 to index
      %swap3A_145 = arith.constant 0 : index
      %swap3A_146 = tpu.vector_load %arg22[%swap3A, %swap3A_145] {strides = array<i32>} : memref<64x128xf32, #tpu.memory_space<vmem>>, vector<16xf32>,
      tpu.vector_store %arg22[%swap3A, %swap3A_145], %broadcast_in_dim3A_2 {strides = array<i32>} : memref<64x128xf32, #tpu.memory_space<vmem>>, vector<16xf32>,
      %swap3A_147 = arith.index_cast %scan3A_144 : i32 to index
      %swap3A_148 = arith.constant 16 : index
      %swap3A_149 = tpu.vector_load %arg22[%swap3A_147, %swap3A_148] {strides = array<i32>} : memref<64x128xf32, #tpu.memory_space<vmem>>, vector<16xf32>,
      tpu.vector_store %arg22[%swap3A_147, %swap3A_148], %broadcast_in_dim3A_2 {strides = array<i32>} : memref<64x128xf32, #tpu.memory_space<vmem>>, vector<16xf32>,
      %swap3A_150 = arith.index_cast %scan3A_144 : i32 to index
      %swap3A_151 = arith.constant 32 : index
      %swap3A_152 = tpu.vector_load %arg22[%swap3A_150, %swap3A_151] {strides = array<i32>} : memref<64x128xf32, #tpu.memory_space<vmem>>, vector<16xf32>,
      tpu.vector_store %arg22[%swap3A_150, %swap3A_151], %broadcast_in_dim3A_2 {strides = array<i32>} : memref<64x128xf32, #tpu.memory_space<vmem>>, vector<16xf32>,
      %swap3A_153 = arith.index_cast %scan3A_144 : i32 to index
      %swap3A_154 = arith.constant 48 : index
      %swap3A_155 = tpu.vector_load %arg22[%swap3A_153, %swap3A_154] {strides = array<i32>} : memref<64x128xf32, #tpu.memory_space<vmem>>, vector<16xf32>,
      tpu.vector_store %arg22[%swap3A_153, %swap3A_154], %broadcast_in_dim3A_2 {strides = array<i32>} : memref<64x128xf32, #tpu.memory_space<vmem>>, vector<16xf32>,
      %swap3A_156 = arith.index_cast %scan3A_144 : i32 to index
      %swap3A_157 = arith.constant 64 : index
      %swap3A_158 = tpu.vector_load %arg22[%swap3A_156, %swap3A_157] {strides = array<i32>} : memref<64x128xf32, #tpu.memory_space<vmem>>, vector<16xf32>,
      tpu.vector_store %arg22[%swap3A_156, %swap3A_157], %broadcast_in_dim3A_2 {strides = array<i32>} : memref<64x128xf32, #tpu.memory_space<vmem>>, vector<16xf32>,
      %swap3A_159 = arith.index_cast %scan3A_144 : i32 to index
      %swap3A_160 = arith.constant 80 : index
      %swap3A_161 = tpu.vector_load %arg22[%swap3A_159, %swap3A_160] {strides = array<i32>} : memref<64x128xf32, #tpu.memory_space<vmem>>, vector<16xf32>,
      tpu.vector_store %arg22[%swap3A_159, %swap3A_160], %broadcast_in_dim3A_2 {strides = array<i32>} : memref<64x128xf32, #tpu.memory_space<vmem>>, vector<16xf32>,
      %swap3A_162 = arith.index_cast %scan3A_144 : i32 to index
      %swap3A_163 = arith.constant 96 : index
      %swap3A_164 = tpu.vector_load %arg22[%swap3A_162, %swap3A_163] {strides = array<i32>} : memref<64x128xf32, #tpu.memory_space<vmem>>, vector<16xf32>,
      tpu.vector_store %arg22[%swap3A_162, %swap3A_163], %broadcast_in_dim3A_2 {strides = array<i32>} : memref<64x128xf32, #tpu.memory_space<vmem>>, vector<16xf32>,
      %swap3A_165 = arith.index_cast %scan3A_144 : i32 to index
      %swap3A_166 = arith.constant 112 : index
      %swap3A_167 = tpu.vector_load %arg22[%swap3A_165, %swap3A_166] {strides = array<i32>} : memref<64x128xf32, #tpu.memory_space<vmem>>, vector<16xf32>,
      tpu.vector_store %arg22[%swap3A_165, %swap3A_166], %broadcast_in_dim3A_2 {strides = array<i32>} : memref<64x128xf32, #tpu.memory_space<vmem>>, vector<16xf32>,
    }
    %scan3A_13 = arith.constant 64 : i32
    %mul3A_14 = arith.constant 640 : i32
    %mul3A_15 = arith.muli %arg1, %mul3A_14 : i32
    %multiple_of3A = tpu.assume_multiple %mul3A_15, 64 : i32
    %add3A_16 = arith.constant 0 : i32
    %add3A_17 = arith.addi %multiple_of3A, %add3A_16 : i32
    "tpu.region"() ({
      %run_scoped3A = tpu.sem_alloc : memref<!tpu.dma_semaphore, #tpu.memory_space<semaphore_mem>>
      %dma_start3A_144 = arith.constant 0 : i32
      %dma_start3A_145 = tpu.memref_slice %arg27[%add3A_17, %dma_start3A_144] : memref<10240x128xf32, #tpu.memory_space<vmem_shared>> -> memref<64x128xf32, #tpu.memory_space<vmem_shared>>
      %dma_start3A_146 = arith.constant 0 : i32
      %dma_start3A_147 = tpu.memref_slice %arg27[%add3A_17, %dma_start3A_146] : memref<10240x128xf32, #tpu.memory_space<vmem_shared>> -> memref<64x128xf32, #tpu.memory_space<vmem_shared>>
      tpu.enqueue_dma source(%arg22 : memref<64x128xf32, #tpu.memory_space<vmem>>) target(%dma_start3A_147 : memref<64x128xf32, #tpu.memory_space<vmem_shared>>) target_semaphore(%run_scoped3A : memref<!tpu.dma_semaphore, #tpu.memory_space<semaphore_mem>>)
      %dma_wait3A_148 = arith.constant 0 : i32
      %dma_wait3A_149 = tpu.memref_slice %arg27[%add3A_17, %dma_wait3A_148] : memref<10240x128xf32, #tpu.memory_space<vmem_shared>> -> memref<64x128xf32, #tpu.memory_space<vmem_shared>>
      %dma_wait3A_150 = arith.constant 0 : i32
      %dma_wait3A_151 = tpu.memref_slice %arg27[%add3A_17, %dma_wait3A_150] : memref<10240x128xf32, #tpu.memory_space<vmem_shared>> -> memref<64x128xf32, #tpu.memory_space<vmem_shared>>
      tpu.wait_dma2 semaphore(%run_scoped3A : memref<!tpu.dma_semaphore, #tpu.memory_space<semaphore_mem>>) src(%arg22 : memref<64x128xf32, #tpu.memory_space<vmem>>) dst(%dma_wait3A_151 : memref<64x128xf32, #tpu.memory_space<vmem_shared>>)
      tpu.yield
    }) : () -> ()
    %add3A_18 = arith.constant 64 : i32
    %add3A_19 = arith.addi %multiple_of3A, %add3A_18 : i32
    "tpu.region"() ({
      %run_scoped3A = tpu.sem_alloc : memref<!tpu.dma_semaphore, #tpu.memory_space<semaphore_mem>>
      %dma_start3A_144 = arith.constant 0 : i32
      %dma_start3A_145 = tpu.memref_slice %arg27[%add3A_19, %dma_start3A_144] : memref<10240x128xf32, #tpu.memory_space<vmem_shared>> -> memref<64x128xf32, #tpu.memory_space<vmem_shared>>
      %dma_start3A_146 = arith.constant 0 : i32
      %dma_start3A_147 = tpu.memref_slice %arg27[%add3A_19, %dma_start3A_146] : memref<10240x128xf32, #tpu.memory_space<vmem_shared>> -> memref<64x128xf32, #tpu.memory_space<vmem_shared>>
      tpu.enqueue_dma source(%arg22 : memref<64x128xf32, #tpu.memory_space<vmem>>) target(%dma_start3A_147 : memref<64x128xf32, #tpu.memory_space<vmem_shared>>) target_semaphore(%run_scoped3A : memref<!tpu.dma_semaphore, #tpu.memory_space<semaphore_mem>>)
      %dma_wait3A_148 = arith.constant 0 : i32
      %dma_wait3A_149 = tpu.memref_slice %arg27[%add3A_19, %dma_wait3A_148] : memref<10240x128xf32, #tpu.memory_space<vmem_shared>> -> memref<64x128xf32, #tpu.memory_space<vmem_shared>>
      %dma_wait3A_150 = arith.constant 0 : i32
      %dma_wait3A_151 = tpu.memref_slice %arg27[%add3A_19, %dma_wait3A_150] : memref<10240x128xf32, #tpu.memory_space<vmem_shared>> -> memref<64x128xf32, #tpu.memory_space<vmem_shared>>
      tpu.wait_dma2 semaphore(%run_scoped3A : memref<!tpu.dma_semaphore, #tpu.memory_space<semaphore_mem>>) src(%arg22 : memref<64x128xf32, #tpu.memory_space<vmem>>) dst(%dma_wait3A_151 : memref<64x128xf32, #tpu.memory_space<vmem_shared>>)
      tpu.yield
    }) : () -> ()
    %add3A_20 = arith.constant 128 : i32
    %add3A_21 = arith.addi %multiple_of3A, %add3A_20 : i32
    "tpu.region"() ({
      %run_scoped3A = tpu.sem_alloc : memref<!tpu.dma_semaphore, #tpu.memory_space<semaphore_mem>>
      %dma_start3A_144 = arith.constant 0 : i32
      %dma_start3A_145 = tpu.memref_slice %arg27[%add3A_21, %dma_start3A_144] : memref<10240x128xf32, #tpu.memory_space<vmem_shared>> -> memref<64x128xf32, #tpu.memory_space<vmem_shared>>
      %dma_start3A_146 = arith.constant 0 : i32
      %dma_start3A_147 = tpu.memref_slice %arg27[%add3A_21, %dma_start3A_146] : memref<10240x128xf32, #tpu.memory_space<vmem_shared>> -> memref<64x128xf32, #tpu.memory_space<vmem_shared>>
      tpu.enqueue_dma source(%arg22 : memref<64x128xf32, #tpu.memory_space<vmem>>) target(%dma_start3A_147 : memref<64x128xf32, #tpu.memory_space<vmem_shared>>) target_semaphore(%run_scoped3A : memref<!tpu.dma_semaphore, #tpu.memory_space<semaphore_mem>>)
      %dma_wait3A_148 = arith.constant 0 : i32
      %dma_wait3A_149 = tpu.memref_slice %arg27[%add3A_21, %dma_wait3A_148] : memref<10240x128xf32, #tpu.memory_space<vmem_shared>> -> memref<64x128xf32, #tpu.memory_space<vmem_shared>>
      %dma_wait3A_150 = arith.constant 0 : i32
      %dma_wait3A_151 = tpu.memref_slice %arg27[%add3A_21, %dma_wait3A_150] : memref<10240x128xf32, #tpu.memory_space<vmem_shared>> -> memref<64x128xf32, #tpu.memory_space<vmem_shared>>
      tpu.wait_dma2 semaphore(%run_scoped3A : memref<!tpu.dma_semaphore, #tpu.memory_space<semaphore_mem>>) src(%arg22 : memref<64x128xf32, #tpu.memory_space<vmem>>) dst(%dma_wait3A_151 : memref<64x128xf32, #tpu.memory_space<vmem_shared>>)
      tpu.yield
    }) : () -> ()
    %add3A_22 = arith.constant 192 : i32
    %add3A_23 = arith.addi %multiple_of3A, %add3A_22 : i32
    "tpu.region"() ({
      %run_scoped3A = tpu.sem_alloc : memref<!tpu.dma_semaphore, #tpu.memory_space<semaphore_mem>>
      %dma_start3A_144 = arith.constant 0 : i32
      %dma_start3A_145 = tpu.memref_slice %arg27[%add3A_23, %dma_start3A_144] : memref<10240x128xf32, #tpu.memory_space<vmem_shared>> -> memref<64x128xf32, #tpu.memory_space<vmem_shared>>
      %dma_start3A_146 = arith.constant 0 : i32
      %dma_start3A_147 = tpu.memref_slice %arg27[%add3A_23, %dma_start3A_146] : memref<10240x128xf32, #tpu.memory_space<vmem_shared>> -> memref<64x128xf32, #tpu.memory_space<vmem_shared>>
      tpu.enqueue_dma source(%arg22 : memref<64x128xf32, #tpu.memory_space<vmem>>) target(%dma_start3A_147 : memref<64x128xf32, #tpu.memory_space<vmem_shared>>) target_semaphore(%run_scoped3A : memref<!tpu.dma_semaphore, #tpu.memory_space<semaphore_mem>>)
      %dma_wait3A_148 = arith.constant 0 : i32
      %dma_wait3A_149 = tpu.memref_slice %arg27[%add3A_23, %dma_wait3A_148] : memref<10240x128xf32, #tpu.memory_space<vmem_shared>> -> memref<64x128xf32, #tpu.memory_space<vmem_shared>>
      %dma_wait3A_150 = arith.constant 0 : i32
      %dma_wait3A_151 = tpu.memref_slice %arg27[%add3A_23, %dma_wait3A_150] : memref<10240x128xf32, #tpu.memory_space<vmem_shared>> -> memref<64x128xf32, #tpu.memory_space<vmem_shared>>
      tpu.wait_dma2 semaphore(%run_scoped3A : memref<!tpu.dma_semaphore, #tpu.memory_space<semaphore_mem>>) src(%arg22 : memref<64x128xf32, #tpu.memory_space<vmem>>) dst(%dma_wait3A_151 : memref<64x128xf32, #tpu.memory_space<vmem_shared>>)
      tpu.yield
    }) : () -> ()
    %add3A_24 = arith.constant 256 : i32
    %add3A_25 = arith.addi %multiple_of3A, %add3A_24 : i32
    "tpu.region"() ({
      %run_scoped3A = tpu.sem_alloc : memref<!tpu.dma_semaphore, #tpu.memory_space<semaphore_mem>>
      %dma_start3A_144 = arith.constant 0 : i32
      %dma_start3A_145 = tpu.memref_slice %arg27[%add3A_25, %dma_start3A_144] : memref<10240x128xf32, #tpu.memory_space<vmem_shared>> -> memref<64x128xf32, #tpu.memory_space<vmem_shared>>
      %dma_start3A_146 = arith.constant 0 : i32
      %dma_start3A_147 = tpu.memref_slice %arg27[%add3A_25, %dma_start3A_146] : memref<10240x128xf32, #tpu.memory_space<vmem_shared>> -> memref<64x128xf32, #tpu.memory_space<vmem_shared>>
      tpu.enqueue_dma source(%arg22 : memref<64x128xf32, #tpu.memory_space<vmem>>) target(%dma_start3A_147 : memref<64x128xf32, #tpu.memory_space<vmem_shared>>) target_semaphore(%run_scoped3A : memref<!tpu.dma_semaphore, #tpu.memory_space<semaphore_mem>>)
      %dma_wait3A_148 = arith.constant 0 : i32
      %dma_wait3A_149 = tpu.memref_slice %arg27[%add3A_25, %dma_wait3A_148] : memref<10240x128xf32, #tpu.memory_space<vmem_shared>> -> memref<64x128xf32, #tpu.memory_space<vmem_shared>>
      %dma_wait3A_150 = arith.constant 0 : i32
      %dma_wait3A_151 = tpu.memref_slice %arg27[%add3A_25, %dma_wait3A_150] : memref<10240x128xf32, #tpu.memory_space<vmem_shared>> -> memref<64x128xf32, #tpu.memory_space<vmem_shared>>
      tpu.wait_dma2 semaphore(%run_scoped3A : memref<!tpu.dma_semaphore, #tpu.memory_space<semaphore_mem>>) src(%arg22 : memref<64x128xf32, #tpu.memory_space<vmem>>) dst(%dma_wait3A_151 : memref<64x128xf32, #tpu.memory_space<vmem_shared>>)
      tpu.yield
    }) : () -> ()
    %add3A_26 = arith.constant 320 : i32
    %add3A_27 = arith.addi %multiple_of3A, %add3A_26 : i32
    "tpu.region"() ({
      %run_scoped3A = tpu.sem_alloc : memref<!tpu.dma_semaphore, #tpu.memory_space<semaphore_mem>>
      %dma_start3A_144 = arith.constant 0 : i32
      %dma_start3A_145 = tpu.memref_slice %arg27[%add3A_27, %dma_start3A_144] : memref<10240x128xf32, #tpu.memory_space<vmem_shared>> -> memref<64x128xf32, #tpu.memory_space<vmem_shared>>
      %dma_start3A_146 = arith.constant 0 : i32
      %dma_start3A_147 = tpu.memref_slice %arg27[%add3A_27, %dma_start3A_146] : memref<10240x128xf32, #tpu.memory_space<vmem_shared>> -> memref<64x128xf32, #tpu.memory_space<vmem_shared>>
      tpu.enqueue_dma source(%arg22 : memref<64x128xf32, #tpu.memory_space<vmem>>) target(%dma_start3A_147 : memref<64x128xf32, #tpu.memory_space<vmem_shared>>) target_semaphore(%run_scoped3A : memref<!tpu.dma_semaphore, #tpu.memory_space<semaphore_mem>>)
      %dma_wait3A_148 = arith.constant 0 : i32
      %dma_wait3A_149 = tpu.memref_slice %arg27[%add3A_27, %dma_wait3A_148] : memref<10240x128xf32, #tpu.memory_space<vmem_shared>> -> memref<64x128xf32, #tpu.memory_space<vmem_shared>>
      %dma_wait3A_150 = arith.constant 0 : i32
      %dma_wait3A_151 = tpu.memref_slice %arg27[%add3A_27, %dma_wait3A_150] : memref<10240x128xf32, #tpu.memory_space<vmem_shared>> -> memref<64x128xf32, #tpu.memory_space<vmem_shared>>
      tpu.wait_dma2 semaphore(%run_scoped3A : memref<!tpu.dma_semaphore, #tpu.memory_space<semaphore_mem>>) src(%arg22 : memref<64x128xf32, #tpu.memory_space<vmem>>) dst(%dma_wait3A_151 : memref<64x128xf32, #tpu.memory_space<vmem_shared>>)
      tpu.yield
    }) : () -> ()
    %add3A_28 = arith.constant 384 : i32
    %add3A_29 = arith.addi %multiple_of3A, %add3A_28 : i32
    "tpu.region"() ({
      %run_scoped3A = tpu.sem_alloc : memref<!tpu.dma_semaphore, #tpu.memory_space<semaphore_mem>>
      %dma_start3A_144 = arith.constant 0 : i32
      %dma_start3A_145 = tpu.memref_slice %arg27[%add3A_29, %dma_start3A_144] : memref<10240x128xf32, #tpu.memory_space<vmem_shared>> -> memref<64x128xf32, #tpu.memory_space<vmem_shared>>
      %dma_start3A_146 = arith.constant 0 : i32
      %dma_start3A_147 = tpu.memref_slice %arg27[%add3A_29, %dma_start3A_146] : memref<10240x128xf32, #tpu.memory_space<vmem_shared>> -> memref<64x128xf32, #tpu.memory_space<vmem_shared>>
      tpu.enqueue_dma source(%arg22 : memref<64x128xf32, #tpu.memory_space<vmem>>) target(%dma_start3A_147 : memref<64x128xf32, #tpu.memory_space<vmem_shared>>) target_semaphore(%run_scoped3A : memref<!tpu.dma_semaphore, #tpu.memory_space<semaphore_mem>>)
      %dma_wait3A_148 = arith.constant 0 : i32
      %dma_wait3A_149 = tpu.memref_slice %arg27[%add3A_29, %dma_wait3A_148] : memref<10240x128xf32, #tpu.memory_space<vmem_shared>> -> memref<64x128xf32, #tpu.memory_space<vmem_shared>>
      %dma_wait3A_150 = arith.constant 0 : i32
      %dma_wait3A_151 = tpu.memref_slice %arg27[%add3A_29, %dma_wait3A_150] : memref<10240x128xf32, #tpu.memory_space<vmem_shared>> -> memref<64x128xf32, #tpu.memory_space<vmem_shared>>
      tpu.wait_dma2 semaphore(%run_scoped3A : memref<!tpu.dma_semaphore, #tpu.memory_space<semaphore_mem>>) src(%arg22 : memref<64x128xf32, #tpu.memory_space<vmem>>) dst(%dma_wait3A_151 : memref<64x128xf32, #tpu.memory_space<vmem_shared>>)
      tpu.yield
    }) : () -> ()
    %add3A_30 = arith.constant 448 : i32
    %add3A_31 = arith.addi %multiple_of3A, %add3A_30 : i32
    "tpu.region"() ({
      %run_scoped3A = tpu.sem_alloc : memref<!tpu.dma_semaphore, #tpu.memory_space<semaphore_mem>>
      %dma_start3A_144 = arith.constant 0 : i32
      %dma_start3A_145 = tpu.memref_slice %arg27[%add3A_31, %dma_start3A_144] : memref<10240x128xf32, #tpu.memory_space<vmem_shared>> -> memref<64x128xf32, #tpu.memory_space<vmem_shared>>
      %dma_start3A_146 = arith.constant 0 : i32
      %dma_start3A_147 = tpu.memref_slice %arg27[%add3A_31, %dma_start3A_146] : memref<10240x128xf32, #tpu.memory_space<vmem_shared>> -> memref<64x128xf32, #tpu.memory_space<vmem_shared>>
      tpu.enqueue_dma source(%arg22 : memref<64x128xf32, #tpu.memory_space<vmem>>) target(%dma_start3A_147 : memref<64x128xf32, #tpu.memory_space<vmem_shared>>) target_semaphore(%run_scoped3A : memref<!tpu.dma_semaphore, #tpu.memory_space<semaphore_mem>>)
      %dma_wait3A_148 = arith.constant 0 : i32
      %dma_wait3A_149 = tpu.memref_slice %arg27[%add3A_31, %dma_wait3A_148] : memref<10240x128xf32, #tpu.memory_space<vmem_shared>> -> memref<64x128xf32, #tpu.memory_space<vmem_shared>>
      %dma_wait3A_150 = arith.constant 0 : i32
      %dma_wait3A_151 = tpu.memref_slice %arg27[%add3A_31, %dma_wait3A_150] : memref<10240x128xf32, #tpu.memory_space<vmem_shared>> -> memref<64x128xf32, #tpu.memory_space<vmem_shared>>
      tpu.wait_dma2 semaphore(%run_scoped3A : memref<!tpu.dma_semaphore, #tpu.memory_space<semaphore_mem>>) src(%arg22 : memref<64x128xf32, #tpu.memory_space<vmem>>) dst(%dma_wait3A_151 : memref<64x128xf32, #tpu.memory_space<vmem_shared>>)
      tpu.yield
    }) : () -> ()
    %add3A_32 = arith.constant 512 : i32
    %add3A_33 = arith.addi %multiple_of3A, %add3A_32 : i32
    "tpu.region"() ({
      %run_scoped3A = tpu.sem_alloc : memref<!tpu.dma_semaphore, #tpu.memory_space<semaphore_mem>>
      %dma_start3A_144 = arith.constant 0 : i32
      %dma_start3A_145 = tpu.memref_slice %arg27[%add3A_33, %dma_start3A_144] : memref<10240x128xf32, #tpu.memory_space<vmem_shared>> -> memref<64x128xf32, #tpu.memory_space<vmem_shared>>
      %dma_start3A_146 = arith.constant 0 : i32
      %dma_start3A_147 = tpu.memref_slice %arg27[%add3A_33, %dma_start3A_146] : memref<10240x128xf32, #tpu.memory_space<vmem_shared>> -> memref<64x128xf32, #tpu.memory_space<vmem_shared>>
      tpu.enqueue_dma source(%arg22 : memref<64x128xf32, #tpu.memory_space<vmem>>) target(%dma_start3A_147 : memref<64x128xf32, #tpu.memory_space<vmem_shared>>) target_semaphore(%run_scoped3A : memref<!tpu.dma_semaphore, #tpu.memory_space<semaphore_mem>>)
      %dma_wait3A_148 = arith.constant 0 : i32
      %dma_wait3A_149 = tpu.memref_slice %arg27[%add3A_33, %dma_wait3A_148] : memref<10240x128xf32, #tpu.memory_space<vmem_shared>> -> memref<64x128xf32, #tpu.memory_space<vmem_shared>>
      %dma_wait3A_150 = arith.constant 0 : i32
      %dma_wait3A_151 = tpu.memref_slice %arg27[%add3A_33, %dma_wait3A_150] : memref<10240x128xf32, #tpu.memory_space<vmem_shared>> -> memref<64x128xf32, #tpu.memory_space<vmem_shared>>
      tpu.wait_dma2 semaphore(%run_scoped3A : memref<!tpu.dma_semaphore, #tpu.memory_space<semaphore_mem>>) src(%arg22 : memref<64x128xf32, #tpu.memory_space<vmem>>) dst(%dma_wait3A_151 : memref<64x128xf32, #tpu.memory_space<vmem_shared>>)
      tpu.yield
    }) : () -> ()
    %add3A_34 = arith.constant 576 : i32
    %add3A_35 = arith.addi %multiple_of3A, %add3A_34 : i32
    "tpu.region"() ({
      %run_scoped3A = tpu.sem_alloc : memref<!tpu.dma_semaphore, #tpu.memory_space<semaphore_mem>>
      %dma_start3A_144 = arith.constant 0 : i32
      %dma_start3A_145 = tpu.memref_slice %arg27[%add3A_35, %dma_start3A_144] : memref<10240x128xf32, #tpu.memory_space<vmem_shared>> -> memref<64x128xf32, #tpu.memory_space<vmem_shared>>
      %dma_start3A_146 = arith.constant 0 : i32
      %dma_start3A_147 = tpu.memref_slice %arg27[%add3A_35, %dma_start3A_146] : memref<10240x128xf32, #tpu.memory_space<vmem_shared>> -> memref<64x128xf32, #tpu.memory_space<vmem_shared>>
      tpu.enqueue_dma source(%arg22 : memref<64x128xf32, #tpu.memory_space<vmem>>) target(%dma_start3A_147 : memref<64x128xf32, #tpu.memory_space<vmem_shared>>) target_semaphore(%run_scoped3A : memref<!tpu.dma_semaphore, #tpu.memory_space<semaphore_mem>>)
      %dma_wait3A_148 = arith.constant 0 : i32
      %dma_wait3A_149 = tpu.memref_slice %arg27[%add3A_35, %dma_wait3A_148] : memref<10240x128xf32, #tpu.memory_space<vmem_shared>> -> memref<64x128xf32, #tpu.memory_space<vmem_shared>>
      %dma_wait3A_150 = arith.constant 0 : i32
      %dma_wait3A_151 = tpu.memref_slice %arg27[%add3A_35, %dma_wait3A_150] : memref<10240x128xf32, #tpu.memory_space<vmem_shared>> -> memref<64x128xf32, #tpu.memory_space<vmem_shared>>
      tpu.wait_dma2 semaphore(%run_scoped3A : memref<!tpu.dma_semaphore, #tpu.memory_space<semaphore_mem>>) src(%arg22 : memref<64x128xf32, #tpu.memory_space<vmem>>) dst(%dma_wait3A_151 : memref<64x128xf32, #tpu.memory_space<vmem_shared>>)
      tpu.yield
    }) : () -> ()
    %barrier3A = arith.constant 0 : index
    tpu.barrier barrier_id(%barrier3A)
    %eq3A = arith.constant 0 : i32
    %eq3A_36 = arith.cmpi eq, %arg0, %eq3A : i32
    %jit3A = arith.constant 114 : i32
    %jit3A_37 = arith.constant 200 : i32
    %select_n3A = arith.select %eq3A_36, %jit3A, %jit3A_37 : i32
    %eq3A_38 = arith.constant 0 : i32
    %eq3A_39 = arith.cmpi eq, %arg0, %eq3A_38 : i32
    %mul3A_40 = arith.constant 114 : i32
    %mul3A_41 = arith.muli %arg1, %mul3A_40 : i32
    %mul3A_42 = arith.constant 200 : i32
    %mul3A_43 = arith.muli %arg1, %mul3A_42 : i32
    %add3A_44 = arith.constant 1824 : i32
    %add3A_45 = arith.addi %add3A_44, %mul3A_43 : i32
    %select_n3A_46 = arith.select %eq3A_39, %mul3A_41, %add3A_45 : i32
    %mul3A_47 = arith.constant 64 : i32
    %mul3A_48 = arith.muli %select_n3A_46, %mul3A_47 : i32
    %add3A_49 = arith.constant 0 : i32
    %add3A_50 = arith.addi %mul3A_48, %add3A_49 : i32
    %dma_start3A = tpu.memref_slice %arg5[%add3A_50] : memref<321536xi32, #tpu.memory_space<hbm>> -> memref<64xi32, #tpu.memory_space<hbm>>
    %dma_start3A_51 = tpu.memref_slice %arg5[%add3A_50] : memref<321536xi32, #tpu.memory_space<hbm>> -> memref<64xi32, #tpu.memory_space<hbm>>
    tpu.enqueue_dma source(%dma_start3A_51 : memref<64xi32, #tpu.memory_space<hbm>>) target(%arg14 : memref<64xi32, #tpu.memory_space<vmem>>) target_semaphore(%arg28 : memref<!tpu.dma_semaphore, #tpu.memory_space<semaphore_mem>>)
    %dma_start3A_52 = tpu.memref_slice %arg6[%add3A_50] : memref<321536xi32, #tpu.memory_space<hbm>> -> memref<64xi32, #tpu.memory_space<hbm>>
    %dma_start3A_53 = tpu.memref_slice %arg6[%add3A_50] : memref<321536xi32, #tpu.memory_space<hbm>> -> memref<64xi32, #tpu.memory_space<hbm>>
    tpu.enqueue_dma source(%dma_start3A_53 : memref<64xi32, #tpu.memory_space<hbm>>) target(%arg16 : memref<64xi32, #tpu.memory_space<vmem>>) target_semaphore(%arg28 : memref<!tpu.dma_semaphore, #tpu.memory_space<semaphore_mem>>)
    %dma_start3A_54 = tpu.memref_slice %arg7[%add3A_50] : memref<321536xf32, #tpu.memory_space<hbm>> -> memref<64xf32, #tpu.memory_space<hbm>>
    %dma_start3A_55 = tpu.memref_slice %arg7[%add3A_50] : memref<321536xf32, #tpu.memory_space<hbm>> -> memref<64xf32, #tpu.memory_space<hbm>>
    tpu.enqueue_dma source(%dma_start3A_55 : memref<64xf32, #tpu.memory_space<hbm>>) target(%arg18 : memref<64xf32, #tpu.memory_space<vmem>>) target_semaphore(%arg28 : memref<!tpu.dma_semaphore, #tpu.memory_space<semaphore_mem>>)
    %add3A_56 = arith.constant 64 : i32
    %add3A_57 = arith.addi %mul3A_48, %add3A_56 : i32
    %dma_start3A_58 = tpu.memref_slice %arg5[%add3A_57] : memref<321536xi32, #tpu.memory_space<hbm>> -> memref<64xi32, #tpu.memory_space<hbm>>
    %dma_start3A_59 = tpu.memref_slice %arg5[%add3A_57] : memref<321536xi32, #tpu.memory_space<hbm>> -> memref<64xi32, #tpu.memory_space<hbm>>
    tpu.enqueue_dma source(%dma_start3A_59 : memref<64xi32, #tpu.memory_space<hbm>>) target(%arg15 : memref<64xi32, #tpu.memory_space<vmem>>) target_semaphore(%arg29 : memref<!tpu.dma_semaphore, #tpu.memory_space<semaphore_mem>>)
    %dma_start3A_60 = tpu.memref_slice %arg6[%add3A_57] : memref<321536xi32, #tpu.memory_space<hbm>> -> memref<64xi32, #tpu.memory_space<hbm>>
    %dma_start3A_61 = tpu.memref_slice %arg6[%add3A_57] : memref<321536xi32, #tpu.memory_space<hbm>> -> memref<64xi32, #tpu.memory_space<hbm>>
    tpu.enqueue_dma source(%dma_start3A_61 : memref<64xi32, #tpu.memory_space<hbm>>) target(%arg17 : memref<64xi32, #tpu.memory_space<vmem>>) target_semaphore(%arg29 : memref<!tpu.dma_semaphore, #tpu.memory_space<semaphore_mem>>)
    %dma_start3A_62 = tpu.memref_slice %arg7[%add3A_57] : memref<321536xf32, #tpu.memory_space<hbm>> -> memref<64xf32, #tpu.memory_space<hbm>>
    %dma_start3A_63 = tpu.memref_slice %arg7[%add3A_57] : memref<321536xf32, #tpu.memory_space<hbm>> -> memref<64xf32, #tpu.memory_space<hbm>>
    tpu.enqueue_dma source(%dma_start3A_63 : memref<64xf32, #tpu.memory_space<hbm>>) target(%arg19 : memref<64xf32, #tpu.memory_space<vmem>>) target_semaphore(%arg29 : memref<!tpu.dma_semaphore, #tpu.memory_space<semaphore_mem>>)
    %jit3A_64 = arith.constant 2 : i32
    %div3A = arith.divsi %select_n3A, %jit3A_64 : i32
    %sign3A = arith.constant 0 : i32
    %sign3A_65 = arith.cmpi sgt, %select_n3A, %sign3A : i32
    %sign3A_66 = arith.extui %sign3A_65 : i1 to i32
    %sign3A_67 = arith.constant 0 : i32
    %sign3A_68 = arith.cmpi slt, %select_n3A, %sign3A_67 : i32
    %sign3A_69 = arith.extui %sign3A_68 : i1 to i32
    %sign3A_70 = arith.subi %sign3A_66, %sign3A_69 : i32
    %sign3A_71 = arith.constant 0 : i32
    %sign3A_72 = arith.cmpi sgt, %jit3A_64, %sign3A_71 : i32
    %sign3A_73 = arith.extui %sign3A_72 : i1 to i32
    %sign3A_74 = arith.constant 0 : i32
    %sign3A_75 = arith.cmpi slt, %jit3A_64, %sign3A_74 : i32
    %sign3A_76 = arith.extui %sign3A_75 : i1 to i32
    %sign3A_77 = arith.subi %sign3A_73, %sign3A_76 : i32
    %ne3A = arith.cmpi ne, %sign3A_70, %sign3A_77 : i32
    %rem3A = arith.remsi %select_n3A, %jit3A_64 : i32
    %ne3A_78 = arith.constant 0 : i32
    %ne3A_79 = arith.cmpi ne, %rem3A, %ne3A_78 : i32
    %and3A = arith.andi %ne3A, %ne3A_79 : i1
    %sub3A = arith.constant 1 : i32
    %sub3A_80 = arith.subi %div3A, %sub3A : i32
    %select_n3A_81 = arith.select %and3A, %sub3A_80, %div3A : i32
    %while3A = arith.constant 0 : i32
    %while3A_82 = arith.constant 0 : i32
    %while3A_83 = arith.subi %select_n3A_81, %while3A_82 : i32
    %while3A_84 = arith.addi %while3A_82, %while3A_83 : i32
    %while3A_85 = arith.constant 1 : i32
    %while3A_86 = arith.divsi %while3A_83, %while3A_85 : i32
    %while3A_87 = arith.muli %while3A_86, %while3A_85 : i32
    %while3A_88 = arith.addi %while3A_82, %while3A_87 : i32
    %while3A_89 = arith.constant 1 : i32
    scf.for %while3A_144 = %while3A_82 to %while3A_88 step %while3A_89  : i32 {
      %mul3A_145 = arith.constant 2 : i32
      %mul3A_146 = arith.muli %mul3A_145, %while3A_144 : i32
      %add3A_147 = arith.constant 0 : i32
      %add3A_148 = arith.addi %mul3A_146, %add3A_147 : i32
      %mul3A_149 = arith.constant 64 : i32
      %mul3A_150 = arith.muli %add3A_148, %mul3A_149 : i32
      %add3A_151 = arith.addi %mul3A_48, %mul3A_150 : i32
      %dma_wait3A_152 = tpu.memref_slice %arg5[%add3A_151] : memref<321536xi32, #tpu.memory_space<hbm>> -> memref<64xi32, #tpu.memory_space<hbm>>
      %dma_wait3A_153 = tpu.memref_slice %arg5[%add3A_151] : memref<321536xi32, #tpu.memory_space<hbm>> -> memref<64xi32, #tpu.memory_space<hbm>>
      tpu.wait_dma2 semaphore(%arg28 : memref<!tpu.dma_semaphore, #tpu.memory_space<semaphore_mem>>) src(%dma_wait3A_153 : memref<64xi32, #tpu.memory_space<hbm>>) dst(%arg14 : memref<64xi32, #tpu.memory_space<vmem>>)
      %dma_wait3A_154 = tpu.memref_slice %arg6[%add3A_151] : memref<321536xi32, #tpu.memory_space<hbm>> -> memref<64xi32, #tpu.memory_space<hbm>>
      %dma_wait3A_155 = tpu.memref_slice %arg6[%add3A_151] : memref<321536xi32, #tpu.memory_space<hbm>> -> memref<64xi32, #tpu.memory_space<hbm>>
      tpu.wait_dma2 semaphore(%arg28 : memref<!tpu.dma_semaphore, #tpu.memory_space<semaphore_mem>>) src(%dma_wait3A_155 : memref<64xi32, #tpu.memory_space<hbm>>) dst(%arg16 : memref<64xi32, #tpu.memory_space<vmem>>)
      %dma_wait3A_156 = tpu.memref_slice %arg7[%add3A_151] : memref<321536xf32, #tpu.memory_space<hbm>> -> memref<64xf32, #tpu.memory_space<hbm>>
      %dma_wait3A_157 = tpu.memref_slice %arg7[%add3A_151] : memref<321536xf32, #tpu.memory_space<hbm>> -> memref<64xf32, #tpu.memory_space<hbm>>
      tpu.wait_dma2 semaphore(%arg28 : memref<!tpu.dma_semaphore, #tpu.memory_space<semaphore_mem>>) src(%dma_wait3A_157 : memref<64xf32, #tpu.memory_space<hbm>>) dst(%arg18 : memref<64xf32, #tpu.memory_space<vmem>>)
      %gt3A = arith.constant 0 : i32
      %gt3A_158 = arith.cmpi sgt, %while3A_144, %gt3A : i32
      %convert_element_type3A = arith.extui %gt3A_158 : i1 to i32
      %cond3A = arith.constant 0 : i32
      %cond3A_159 = arith.cmpi ne, %convert_element_type3A, %cond3A : i32
      scf.if %cond3A_159 {
        %dma_wait3A_261 = arith.constant 0 : i32
        %dma_wait3A_262 = arith.constant 0 : i32
        %dma_wait3A_263 = tpu.memref_slice %arg27[%dma_wait3A_261, %dma_wait3A_262] : memref<10240x128xf32, #tpu.memory_space<vmem_shared>> -> memref<10240x128xf32, #tpu.memory_space<vmem_shared>>
        tpu.wait_indirect_dma semaphore(%arg32 : memref<!tpu.dma_semaphore, #tpu.memory_space<semaphore_mem>>) src(%arg22 : memref<64x128xf32, #tpu.memory_space<vmem>>) dst(%dma_wait3A_263 : memref<10240x128xf32, #tpu.memory_space<vmem_shared>>)
      } else {
      }
      %dma_start3A_160 = arith.constant 0 : i32
      %dma_start3A_161 = arith.constant 0 : i32
      %dma_start3A_162 = tpu.memref_slice %arg2[%dma_start3A_160, %dma_start3A_161] : memref<10000x128xf32, #tpu.memory_space<hbm>> -> memref<10000x128xf32, #tpu.memory_space<hbm>>
      tpu.enqueue_indirect_dma source(%dma_start3A_162 : memref<10000x128xf32, #tpu.memory_space<hbm>>) target(%arg22 : memref<64x128xf32, #tpu.memory_space<vmem>>) offsets(%arg14 : memref<64xi32, #tpu.memory_space<vmem>>) semaphore(%arg30 : memref<!tpu.dma_semaphore, #tpu.memory_space<semaphore_mem>>)
      %add3A_163 = arith.constant 1 : i32
      %add3A_164 = arith.addi %mul3A_146, %add3A_163 : i32
      %mul3A_165 = arith.constant 64 : i32
      %mul3A_166 = arith.muli %add3A_164, %mul3A_165 : i32
      %add3A_167 = arith.addi %mul3A_48, %mul3A_166 : i32
      %dma_wait3A_168 = tpu.memref_slice %arg5[%add3A_167] : memref<321536xi32, #tpu.memory_space<hbm>> -> memref<64xi32, #tpu.memory_space<hbm>>
      %dma_wait3A_169 = tpu.memref_slice %arg5[%add3A_167] : memref<321536xi32, #tpu.memory_space<hbm>> -> memref<64xi32, #tpu.memory_space<hbm>>
      tpu.wait_dma2 semaphore(%arg29 : memref<!tpu.dma_semaphore, #tpu.memory_space<semaphore_mem>>) src(%dma_wait3A_169 : memref<64xi32, #tpu.memory_space<hbm>>) dst(%arg15 : memref<64xi32, #tpu.memory_space<vmem>>)
      %dma_wait3A_170 = tpu.memref_slice %arg6[%add3A_167] : memref<321536xi32, #tpu.memory_space<hbm>> -> memref<64xi32, #tpu.memory_space<hbm>>
      %dma_wait3A_171 = tpu.memref_slice %arg6[%add3A_167] : memref<321536xi32, #tpu.memory_space<hbm>> -> memref<64xi32, #tpu.memory_space<hbm>>
      tpu.wait_dma2 semaphore(%arg29 : memref<!tpu.dma_semaphore, #tpu.memory_space<semaphore_mem>>) src(%dma_wait3A_171 : memref<64xi32, #tpu.memory_space<hbm>>) dst(%arg17 : memref<64xi32, #tpu.memory_space<vmem>>)
      %dma_wait3A_172 = tpu.memref_slice %arg7[%add3A_167] : memref<321536xf32, #tpu.memory_space<hbm>> -> memref<64xf32, #tpu.memory_space<hbm>>
      %dma_wait3A_173 = tpu.memref_slice %arg7[%add3A_167] : memref<321536xf32, #tpu.memory_space<hbm>> -> memref<64xf32, #tpu.memory_space<hbm>>
      tpu.wait_dma2 semaphore(%arg29 : memref<!tpu.dma_semaphore, #tpu.memory_space<semaphore_mem>>) src(%dma_wait3A_173 : memref<64xf32, #tpu.memory_space<hbm>>) dst(%arg19 : memref<64xf32, #tpu.memory_space<vmem>>)
      %gt3A_174 = arith.constant 0 : i32
      %gt3A_175 = arith.cmpi sgt, %while3A_144, %gt3A_174 : i32
      %convert_element_type3A_176 = arith.extui %gt3A_175 : i1 to i32
      %cond3A_177 = arith.constant 0 : i32
      %cond3A_178 = arith.cmpi ne, %convert_element_type3A_176, %cond3A_177 : i32
      scf.if %cond3A_178 {
        %dma_wait3A_261 = arith.constant 0 : i32
        %dma_wait3A_262 = arith.constant 0 : i32
        %dma_wait3A_263 = tpu.memref_slice %arg27[%dma_wait3A_261, %dma_wait3A_262] : memref<10240x128xf32, #tpu.memory_space<vmem_shared>> -> memref<10240x128xf32, #tpu.memory_space<vmem_shared>>
        tpu.wait_indirect_dma semaphore(%arg33 : memref<!tpu.dma_semaphore, #tpu.memory_space<semaphore_mem>>) src(%arg23 : memref<64x128xf32, #tpu.memory_space<vmem>>) dst(%dma_wait3A_263 : memref<10240x128xf32, #tpu.memory_space<vmem_shared>>)
      } else {
      }
      %dma_start3A_179 = arith.constant 0 : i32
      %dma_start3A_180 = arith.constant 0 : i32
      %dma_start3A_181 = tpu.memref_slice %arg2[%dma_start3A_179, %dma_start3A_180] : memref<10000x128xf32, #tpu.memory_space<hbm>> -> memref<10000x128xf32, #tpu.memory_space<hbm>>
      tpu.enqueue_indirect_dma source(%dma_start3A_181 : memref<10000x128xf32, #tpu.memory_space<hbm>>) target(%arg23 : memref<64x128xf32, #tpu.memory_space<vmem>>) offsets(%arg15 : memref<64xi32, #tpu.memory_space<vmem>>) semaphore(%arg31 : memref<!tpu.dma_semaphore, #tpu.memory_space<semaphore_mem>>)
      %add3A_182 = arith.constant 0 : i32
      %add3A_183 = arith.addi %mul3A_146, %add3A_182 : i32
      %mul3A_184 = arith.constant 64 : i32
      %mul3A_185 = arith.muli %add3A_183, %mul3A_184 : i32
      %add3A_186 = arith.addi %mul3A_48, %mul3A_185 : i32
      %parallel_loop3A = arith.constant 0 : i32
      %parallel_loop3A_187 = arith.constant 4 : i32
      %parallel_loop3A_188 = arith.constant 1 : i32
      scf.for %parallel_loop3A_261 = %parallel_loop3A to %parallel_loop3A_187 step %parallel_loop3A_188  : i32 {
        %parallel_loop3A_262 = arith.constant 16 : i32
        %parallel_loop3A_263 = arith.muli %parallel_loop3A_261, %parallel_loop3A_262 : i32
        %parallel_loop3A_264 = arith.index_cast %parallel_loop3A_263 : i32 to index
        %parallel_loop3A_265 = tpu.vector_load %arg14[%parallel_loop3A_264] {strides = array<i32>} : memref<64xi32, #tpu.memory_space<vmem>>, vector<16xi32>,
        %parallel_loop3A_266 = arith.constant 16 : i32
        %parallel_loop3A_267 = arith.muli %parallel_loop3A_261, %parallel_loop3A_266 : i32
        %parallel_loop3A_268 = arith.index_cast %parallel_loop3A_267 : i32 to index
        %parallel_loop3A_269 = tpu.vector_load %arg16[%parallel_loop3A_268] {strides = array<i32>} : memref<64xi32, #tpu.memory_space<vmem>>, vector<16xi32>,
        %parallel_loop3A_270 = tpu.vector_load_idx %arg11[%parallel_loop3A_265] : memref<10000xf32, #tpu.memory_space<vmem>>[vector<16xi32>], vector<16xf32>,
        %parallel_loop3A_271 = tpu.vector_load_idx %arg12[%parallel_loop3A_269] : memref<10000xf32, #tpu.memory_space<vmem>>[vector<16xi32>], vector<16xf32>,
        %parallel_loop3A_272 = arith.addf %parallel_loop3A_270, %parallel_loop3A_271 : vector<16xf32>
        %parallel_loop3A_273 = arith.constant 16 : i32
        %parallel_loop3A_274 = arith.muli %parallel_loop3A_261, %parallel_loop3A_273 : i32
        %parallel_loop3A_275 = arith.index_cast %parallel_loop3A_274 : i32 to index
        %parallel_loop3A_276 = tpu.vector_load %arg18[%parallel_loop3A_275] {strides = array<i32>} : memref<64xf32, #tpu.memory_space<vmem>>, vector<16xf32>,
        %parallel_loop3A_277 = arith.mulf %parallel_loop3A_276, %get3A_1 : vector<16xf32>
        %parallel_loop3A_278 = arith.addf %parallel_loop3A_272, %parallel_loop3A_277 : vector<16xf32>
        %parallel_loop3A_279 = arith.constant 2.000000e-01 : f32
        %parallel_loop3A_280 = vector.broadcast %parallel_loop3A_279 : f32 to vector<16xf32>
        %parallel_loop3A_281 = arith.mulf %parallel_loop3A_280, %parallel_loop3A_278 : vector<16xf32>
        %parallel_loop3A_282 = arith.maximumf %parallel_loop3A_278, %parallel_loop3A_281 : vector<16xf32>
        %parallel_loop3A_283 = math.exp %parallel_loop3A_282 : vector<16xf32>
        %parallel_loop3A_284 = arith.constant 16 : i32
        %parallel_loop3A_285 = arith.muli %parallel_loop3A_261, %parallel_loop3A_284 : i32
        %parallel_loop3A_286 = arith.addi %add3A_186, %parallel_loop3A_285 : i32
        %parallel_loop3A_287 = tpu.iota {dimensions = array<i32: 0>} : vector<16xi32>
        %parallel_loop3A_288 = vector.broadcast %parallel_loop3A_286 : i32 to vector<16xi32>
        %parallel_loop3A_289 = arith.addi %parallel_loop3A_288, %parallel_loop3A_287 : vector<16xi32>
        %parallel_loop3A_290 = arith.constant 320000 : i32
        %parallel_loop3A_291 = vector.broadcast %parallel_loop3A_290 : i32 to vector<16xi32>
        %parallel_loop3A_292 = arith.cmpi slt, %parallel_loop3A_289, %parallel_loop3A_291 : vector<16xi32>
        %parallel_loop3A_293 = arith.constant 0.000000e+00 : f32
        %parallel_loop3A_294 = vector.broadcast %parallel_loop3A_293 : f32 to vector<16xf32>
        %parallel_loop3A_295 = arith.select %parallel_loop3A_292, %parallel_loop3A_283, %parallel_loop3A_294 : vector<16xi1>, vector<16xf32>
        %parallel_loop3A_296 = arith.constant 16 : i32
        %parallel_loop3A_297 = arith.muli %parallel_loop3A_261, %parallel_loop3A_296 : i32
        %parallel_loop3A_298 = arith.index_cast %parallel_loop3A_297 : i32 to index
        %parallel_loop3A_299 = tpu.vector_load %arg24[%parallel_loop3A_298] {strides = array<i32>} : memref<64xf32, #tpu.memory_space<vmem>>, vector<16xf32>,
        tpu.vector_store %arg24[%parallel_loop3A_298], %parallel_loop3A_295 {strides = array<i32>} : memref<64xf32, #tpu.memory_space<vmem>>, vector<16xf32>,
        tpu.vector_store_idx %arg13[%parallel_loop3A_269], %parallel_loop3A_295 {add = true} : memref<10000xf32, #tpu.memory_space<vmem>>[vector<16xi32>], vector<16xf32>,
      } {sc.loop_unroll_factor = 4 : i64, sc.parallel_access}
      %get3A_189 = arith.constant 0 : index
      %get3A_190 = tpu.vector_load %arg16[%get3A_189] {strides = array<i32>} : memref<64xi32, #tpu.memory_space<vmem>>, vector<16xi32>,
      %swap3A = arith.constant 0 : index
      %swap3A_191 = tpu.vector_load %arg20[%swap3A] {strides = array<i32>} : memref<64xi32, #tpu.memory_space<vmem>>, vector<16xi32>,
      tpu.vector_store %arg20[%swap3A], %get3A_190 {strides = array<i32>} : memref<64xi32, #tpu.memory_space<vmem>>, vector<16xi32>,
      %get3A_192 = arith.constant 16 : index
      %get3A_193 = tpu.vector_load %arg16[%get3A_192] {strides = array<i32>} : memref<64xi32, #tpu.memory_space<vmem>>, vector<16xi32>,
      %swap3A_194 = arith.constant 16 : index
      %swap3A_195 = tpu.vector_load %arg20[%swap3A_194] {strides = array<i32>} : memref<64xi32, #tpu.memory_space<vmem>>, vector<16xi32>,
      tpu.vector_store %arg20[%swap3A_194], %get3A_193 {strides = array<i32>} : memref<64xi32, #tpu.memory_space<vmem>>, vector<16xi32>,
      %get3A_196 = arith.constant 32 : index
      %get3A_197 = tpu.vector_load %arg16[%get3A_196] {strides = array<i32>} : memref<64xi32, #tpu.memory_space<vmem>>, vector<16xi32>,
      %swap3A_198 = arith.constant 32 : index
      %swap3A_199 = tpu.vector_load %arg20[%swap3A_198] {strides = array<i32>} : memref<64xi32, #tpu.memory_space<vmem>>, vector<16xi32>,
      tpu.vector_store %arg20[%swap3A_198], %get3A_197 {strides = array<i32>} : memref<64xi32, #tpu.memory_space<vmem>>, vector<16xi32>,
      %get3A_200 = arith.constant 48 : index
      %get3A_201 = tpu.vector_load %arg16[%get3A_200] {strides = array<i32>} : memref<64xi32, #tpu.memory_space<vmem>>, vector<16xi32>,
      %swap3A_202 = arith.constant 48 : index
      %swap3A_203 = tpu.vector_load %arg20[%swap3A_202] {strides = array<i32>} : memref<64xi32, #tpu.memory_space<vmem>>, vector<16xi32>,
      tpu.vector_store %arg20[%swap3A_202], %get3A_201 {strides = array<i32>} : memref<64xi32, #tpu.memory_space<vmem>>, vector<16xi32>,
      %add3A_204 = arith.constant 1 : i32
      %add3A_205 = arith.addi %mul3A_146, %add3A_204 : i32
      %mul3A_206 = arith.constant 64 : i32
      %mul3A_207 = arith.muli %add3A_205, %mul3A_206 : i32
      %add3A_208 = arith.addi %mul3A_48, %mul3A_207 : i32
      %parallel_loop3A_209 = arith.constant 0 : i32
      %parallel_loop3A_210 = arith.constant 4 : i32
      %parallel_loop3A_211 = arith.constant 1 : i32
      scf.for %parallel_loop3A_261 = %parallel_loop3A_209 to %parallel_loop3A_210 step %parallel_loop3A_211  : i32 {
        %parallel_loop3A_262 = arith.constant 16 : i32
        %parallel_loop3A_263 = arith.muli %parallel_loop3A_261, %parallel_loop3A_262 : i32
        %parallel_loop3A_264 = arith.index_cast %parallel_loop3A_263 : i32 to index
        %parallel_loop3A_265 = tpu.vector_load %arg15[%parallel_loop3A_264] {strides = array<i32>} : memref<64xi32, #tpu.memory_space<vmem>>, vector<16xi32>,
        %parallel_loop3A_266 = arith.constant 16 : i32
        %parallel_loop3A_267 = arith.muli %parallel_loop3A_261, %parallel_loop3A_266 : i32
        %parallel_loop3A_268 = arith.index_cast %parallel_loop3A_267 : i32 to index
        %parallel_loop3A_269 = tpu.vector_load %arg17[%parallel_loop3A_268] {strides = array<i32>} : memref<64xi32, #tpu.memory_space<vmem>>, vector<16xi32>,
        %parallel_loop3A_270 = tpu.vector_load_idx %arg11[%parallel_loop3A_265] : memref<10000xf32, #tpu.memory_space<vmem>>[vector<16xi32>], vector<16xf32>,
        %parallel_loop3A_271 = tpu.vector_load_idx %arg12[%parallel_loop3A_269] : memref<10000xf32, #tpu.memory_space<vmem>>[vector<16xi32>], vector<16xf32>,
        %parallel_loop3A_272 = arith.addf %parallel_loop3A_270, %parallel_loop3A_271 : vector<16xf32>
        %parallel_loop3A_273 = arith.constant 16 : i32
        %parallel_loop3A_274 = arith.muli %parallel_loop3A_261, %parallel_loop3A_273 : i32
        %parallel_loop3A_275 = arith.index_cast %parallel_loop3A_274 : i32 to index
        %parallel_loop3A_276 = tpu.vector_load %arg19[%parallel_loop3A_275] {strides = array<i32>} : memref<64xf32, #tpu.memory_space<vmem>>, vector<16xf32>,
        %parallel_loop3A_277 = arith.mulf %parallel_loop3A_276, %get3A_1 : vector<16xf32>
        %parallel_loop3A_278 = arith.addf %parallel_loop3A_272, %parallel_loop3A_277 : vector<16xf32>
        %parallel_loop3A_279 = arith.constant 2.000000e-01 : f32
        %parallel_loop3A_280 = vector.broadcast %parallel_loop3A_279 : f32 to vector<16xf32>
        %parallel_loop3A_281 = arith.mulf %parallel_loop3A_280, %parallel_loop3A_278 : vector<16xf32>
        %parallel_loop3A_282 = arith.maximumf %parallel_loop3A_278, %parallel_loop3A_281 : vector<16xf32>
        %parallel_loop3A_283 = math.exp %parallel_loop3A_282 : vector<16xf32>
        %parallel_loop3A_284 = arith.constant 16 : i32
        %parallel_loop3A_285 = arith.muli %parallel_loop3A_261, %parallel_loop3A_284 : i32
        %parallel_loop3A_286 = arith.addi %add3A_208, %parallel_loop3A_285 : i32
        %parallel_loop3A_287 = tpu.iota {dimensions = array<i32: 0>} : vector<16xi32>
        %parallel_loop3A_288 = vector.broadcast %parallel_loop3A_286 : i32 to vector<16xi32>
        %parallel_loop3A_289 = arith.addi %parallel_loop3A_288, %parallel_loop3A_287 : vector<16xi32>
        %parallel_loop3A_290 = arith.constant 320000 : i32
        %parallel_loop3A_291 = vector.broadcast %parallel_loop3A_290 : i32 to vector<16xi32>
        %parallel_loop3A_292 = arith.cmpi slt, %parallel_loop3A_289, %parallel_loop3A_291 : vector<16xi32>
        %parallel_loop3A_293 = arith.constant 0.000000e+00 : f32
        %parallel_loop3A_294 = vector.broadcast %parallel_loop3A_293 : f32 to vector<16xf32>
        %parallel_loop3A_295 = arith.select %parallel_loop3A_292, %parallel_loop3A_283, %parallel_loop3A_294 : vector<16xi1>, vector<16xf32>
        %parallel_loop3A_296 = arith.constant 16 : i32
        %parallel_loop3A_297 = arith.muli %parallel_loop3A_261, %parallel_loop3A_296 : i32
        %parallel_loop3A_298 = arith.index_cast %parallel_loop3A_297 : i32 to index
        %parallel_loop3A_299 = tpu.vector_load %arg25[%parallel_loop3A_298] {strides = array<i32>} : memref<64xf32, #tpu.memory_space<vmem>>, vector<16xf32>,
        tpu.vector_store %arg25[%parallel_loop3A_298], %parallel_loop3A_295 {strides = array<i32>} : memref<64xf32, #tpu.memory_space<vmem>>, vector<16xf32>,
        tpu.vector_store_idx %arg13[%parallel_loop3A_269], %parallel_loop3A_295 {add = true} : memref<10000xf32, #tpu.memory_space<vmem>>[vector<16xi32>], vector<16xf32>,
      } {sc.loop_unroll_factor = 4 : i64, sc.parallel_access}
      %get3A_212 = arith.constant 0 : index
      %get3A_213 = tpu.vector_load %arg17[%get3A_212] {strides = array<i32>} : memref<64xi32, #tpu.memory_space<vmem>>, vector<16xi32>,
      %swap3A_214 = arith.constant 0 : index
      %swap3A_215 = tpu.vector_load %arg21[%swap3A_214] {strides = array<i32>} : memref<64xi32, #tpu.memory_space<vmem>>, vector<16xi32>,
      tpu.vector_store %arg21[%swap3A_214], %get3A_213 {strides = array<i32>} : memref<64xi32, #tpu.memory_space<vmem>>, vector<16xi32>,
      %get3A_216 = arith.constant 16 : index
      %get3A_217 = tpu.vector_load %arg17[%get3A_216] {strides = array<i32>} : memref<64xi32, #tpu.memory_space<vmem>>, vector<16xi32>,
      %swap3A_218 = arith.constant 16 : index
      %swap3A_219 = tpu.vector_load %arg21[%swap3A_218] {strides = array<i32>} : memref<64xi32, #tpu.memory_space<vmem>>, vector<16xi32>,
      tpu.vector_store %arg21[%swap3A_218], %get3A_217 {strides = array<i32>} : memref<64xi32, #tpu.memory_space<vmem>>, vector<16xi32>,
      %get3A_220 = arith.constant 32 : index
      %get3A_221 = tpu.vector_load %arg17[%get3A_220] {strides = array<i32>} : memref<64xi32, #tpu.memory_space<vmem>>, vector<16xi32>,
      %swap3A_222 = arith.constant 32 : index
      %swap3A_223 = tpu.vector_load %arg21[%swap3A_222] {strides = array<i32>} : memref<64xi32, #tpu.memory_space<vmem>>, vector<16xi32>,
      tpu.vector_store %arg21[%swap3A_222], %get3A_221 {strides = array<i32>} : memref<64xi32, #tpu.memory_space<vmem>>, vector<16xi32>,
      %get3A_224 = arith.constant 48 : index
      %get3A_225 = tpu.vector_load %arg17[%get3A_224] {strides = array<i32>} : memref<64xi32, #tpu.memory_space<vmem>>, vector<16xi32>,
      %swap3A_226 = arith.constant 48 : index
      %swap3A_227 = tpu.vector_load %arg21[%swap3A_226] {strides = array<i32>} : memref<64xi32, #tpu.memory_space<vmem>>, vector<16xi32>,
      tpu.vector_store %arg21[%swap3A_226], %get3A_225 {strides = array<i32>} : memref<64xi32, #tpu.memory_space<vmem>>, vector<16xi32>,
      %dma_wait3A_228 = arith.constant 0 : i32
      %dma_wait3A_229 = arith.constant 0 : i32
      %dma_wait3A_230 = tpu.memref_slice %arg2[%dma_wait3A_228, %dma_wait3A_229] : memref<10000x128xf32, #tpu.memory_space<hbm>> -> memref<10000x128xf32, #tpu.memory_space<hbm>>
      tpu.wait_indirect_dma semaphore(%arg30 : memref<!tpu.dma_semaphore, #tpu.memory_space<semaphore_mem>>) src(%dma_wait3A_230 : memref<10000x128xf32, #tpu.memory_space<hbm>>) dst(%arg22 : memref<64x128xf32, #tpu.memory_space<vmem>>)
      %parallel_loop3A_231 = arith.constant 0 : i32
      %parallel_loop3A_232 = arith.constant 64 : i32
      %parallel_loop3A_233 = arith.constant 1 : i32
      scf.for %parallel_loop3A_261 = %parallel_loop3A_231 to %parallel_loop3A_232 step %parallel_loop3A_233  : i32 {
        %parallel_loop3A_262 = vector.broadcast %parallel_loop3A_261 : i32 to vector<16xi32>
        %parallel_loop3A_263 = tpu.vector_load_idx %arg24[%parallel_loop3A_262] : memref<64xf32, #tpu.memory_space<vmem>>[vector<16xi32>], vector<16xf32>,
        %parallel_loop3A_264 = arith.index_cast %parallel_loop3A_261 : i32 to index
        %parallel_loop3A_265 = arith.constant 0 : index
        %parallel_loop3A_266 = tpu.vector_load %arg22[%parallel_loop3A_264, %parallel_loop3A_265] {strides = array<i32>} : memref<64x128xf32, #tpu.memory_space<vmem>>, vector<16xf32>,
        %parallel_loop3A_267 = arith.mulf %parallel_loop3A_266, %parallel_loop3A_263 : vector<16xf32>
        %parallel_loop3A_268 = arith.index_cast %parallel_loop3A_261 : i32 to index
        %parallel_loop3A_269 = arith.constant 0 : index
        %parallel_loop3A_270 = tpu.vector_load %arg22[%parallel_loop3A_268, %parallel_loop3A_269] {strides = array<i32>} : memref<64x128xf32, #tpu.memory_space<vmem>>, vector<16xf32>,
        tpu.vector_store %arg22[%parallel_loop3A_268, %parallel_loop3A_269], %parallel_loop3A_267 {strides = array<i32>} : memref<64x128xf32, #tpu.memory_space<vmem>>, vector<16xf32>,
        %parallel_loop3A_271 = arith.index_cast %parallel_loop3A_261 : i32 to index
        %parallel_loop3A_272 = arith.constant 16 : index
        %parallel_loop3A_273 = tpu.vector_load %arg22[%parallel_loop3A_271, %parallel_loop3A_272] {strides = array<i32>} : memref<64x128xf32, #tpu.memory_space<vmem>>, vector<16xf32>,
        %parallel_loop3A_274 = arith.mulf %parallel_loop3A_273, %parallel_loop3A_263 : vector<16xf32>
        %parallel_loop3A_275 = arith.index_cast %parallel_loop3A_261 : i32 to index
        %parallel_loop3A_276 = arith.constant 16 : index
        %parallel_loop3A_277 = tpu.vector_load %arg22[%parallel_loop3A_275, %parallel_loop3A_276] {strides = array<i32>} : memref<64x128xf32, #tpu.memory_space<vmem>>, vector<16xf32>,
        tpu.vector_store %arg22[%parallel_loop3A_275, %parallel_loop3A_276], %parallel_loop3A_274 {strides = array<i32>} : memref<64x128xf32, #tpu.memory_space<vmem>>, vector<16xf32>,
        %parallel_loop3A_278 = arith.index_cast %parallel_loop3A_261 : i32 to index
        %parallel_loop3A_279 = arith.constant 32 : index
        %parallel_loop3A_280 = tpu.vector_load %arg22[%parallel_loop3A_278, %parallel_loop3A_279] {strides = array<i32>} : memref<64x128xf32, #tpu.memory_space<vmem>>, vector<16xf32>,
        %parallel_loop3A_281 = arith.mulf %parallel_loop3A_280, %parallel_loop3A_263 : vector<16xf32>
        %parallel_loop3A_282 = arith.index_cast %parallel_loop3A_261 : i32 to index
        %parallel_loop3A_283 = arith.constant 32 : index
        %parallel_loop3A_284 = tpu.vector_load %arg22[%parallel_loop3A_282, %parallel_loop3A_283] {strides = array<i32>} : memref<64x128xf32, #tpu.memory_space<vmem>>, vector<16xf32>,
        tpu.vector_store %arg22[%parallel_loop3A_282, %parallel_loop3A_283], %parallel_loop3A_281 {strides = array<i32>} : memref<64x128xf32, #tpu.memory_space<vmem>>, vector<16xf32>,
        %parallel_loop3A_285 = arith.index_cast %parallel_loop3A_261 : i32 to index
        %parallel_loop3A_286 = arith.constant 48 : index
        %parallel_loop3A_287 = tpu.vector_load %arg22[%parallel_loop3A_285, %parallel_loop3A_286] {strides = array<i32>} : memref<64x128xf32, #tpu.memory_space<vmem>>, vector<16xf32>,
        %parallel_loop3A_288 = arith.mulf %parallel_loop3A_287, %parallel_loop3A_263 : vector<16xf32>
        %parallel_loop3A_289 = arith.index_cast %parallel_loop3A_261 : i32 to index
        %parallel_loop3A_290 = arith.constant 48 : index
        %parallel_loop3A_291 = tpu.vector_load %arg22[%parallel_loop3A_289, %parallel_loop3A_290] {strides = array<i32>} : memref<64x128xf32, #tpu.memory_space<vmem>>, vector<16xf32>,
        tpu.vector_store %arg22[%parallel_loop3A_289, %parallel_loop3A_290], %parallel_loop3A_288 {strides = array<i32>} : memref<64x128xf32, #tpu.memory_space<vmem>>, vector<16xf32>,
        %parallel_loop3A_292 = arith.index_cast %parallel_loop3A_261 : i32 to index
        %parallel_loop3A_293 = arith.constant 64 : index
        %parallel_loop3A_294 = tpu.vector_load %arg22[%parallel_loop3A_292, %parallel_loop3A_293] {strides = array<i32>} : memref<64x128xf32, #tpu.memory_space<vmem>>, vector<16xf32>,
        %parallel_loop3A_295 = arith.mulf %parallel_loop3A_294, %parallel_loop3A_263 : vector<16xf32>
        %parallel_loop3A_296 = arith.index_cast %parallel_loop3A_261 : i32 to index
        %parallel_loop3A_297 = arith.constant 64 : index
        %parallel_loop3A_298 = tpu.vector_load %arg22[%parallel_loop3A_296, %parallel_loop3A_297] {strides = array<i32>} : memref<64x128xf32, #tpu.memory_space<vmem>>, vector<16xf32>,
        tpu.vector_store %arg22[%parallel_loop3A_296, %parallel_loop3A_297], %parallel_loop3A_295 {strides = array<i32>} : memref<64x128xf32, #tpu.memory_space<vmem>>, vector<16xf32>,
        %parallel_loop3A_299 = arith.index_cast %parallel_loop3A_261 : i32 to index
        %parallel_loop3A_300 = arith.constant 80 : index
        %parallel_loop3A_301 = tpu.vector_load %arg22[%parallel_loop3A_299, %parallel_loop3A_300] {strides = array<i32>} : memref<64x128xf32, #tpu.memory_space<vmem>>, vector<16xf32>,
        %parallel_loop3A_302 = arith.mulf %parallel_loop3A_301, %parallel_loop3A_263 : vector<16xf32>
        %parallel_loop3A_303 = arith.index_cast %parallel_loop3A_261 : i32 to index
        %parallel_loop3A_304 = arith.constant 80 : index
        %parallel_loop3A_305 = tpu.vector_load %arg22[%parallel_loop3A_303, %parallel_loop3A_304] {strides = array<i32>} : memref<64x128xf32, #tpu.memory_space<vmem>>, vector<16xf32>,
        tpu.vector_store %arg22[%parallel_loop3A_303, %parallel_loop3A_304], %parallel_loop3A_302 {strides = array<i32>} : memref<64x128xf32, #tpu.memory_space<vmem>>, vector<16xf32>,
        %parallel_loop3A_306 = arith.index_cast %parallel_loop3A_261 : i32 to index
        %parallel_loop3A_307 = arith.constant 96 : index
        %parallel_loop3A_308 = tpu.vector_load %arg22[%parallel_loop3A_306, %parallel_loop3A_307] {strides = array<i32>} : memref<64x128xf32, #tpu.memory_space<vmem>>, vector<16xf32>,
        %parallel_loop3A_309 = arith.mulf %parallel_loop3A_308, %parallel_loop3A_263 : vector<16xf32>
        %parallel_loop3A_310 = arith.index_cast %parallel_loop3A_261 : i32 to index
        %parallel_loop3A_311 = arith.constant 96 : index
        %parallel_loop3A_312 = tpu.vector_load %arg22[%parallel_loop3A_310, %parallel_loop3A_311] {strides = array<i32>} : memref<64x128xf32, #tpu.memory_space<vmem>>, vector<16xf32>,
        tpu.vector_store %arg22[%parallel_loop3A_310, %parallel_loop3A_311], %parallel_loop3A_309 {strides = array<i32>} : memref<64x128xf32, #tpu.memory_space<vmem>>, vector<16xf32>,
        %parallel_loop3A_313 = arith.index_cast %parallel_loop3A_261 : i32 to index
        %parallel_loop3A_314 = arith.constant 112 : index
        %parallel_loop3A_315 = tpu.vector_load %arg22[%parallel_loop3A_313, %parallel_loop3A_314] {strides = array<i32>} : memref<64x128xf32, #tpu.memory_space<vmem>>, vector<16xf32>,
        %parallel_loop3A_316 = arith.mulf %parallel_loop3A_315, %parallel_loop3A_263 : vector<16xf32>
        %parallel_loop3A_317 = arith.index_cast %parallel_loop3A_261 : i32 to index
        %parallel_loop3A_318 = arith.constant 112 : index
        %parallel_loop3A_319 = tpu.vector_load %arg22[%parallel_loop3A_317, %parallel_loop3A_318] {strides = array<i32>} : memref<64x128xf32, #tpu.memory_space<vmem>>, vector<16xf32>,
        tpu.vector_store %arg22[%parallel_loop3A_317, %parallel_loop3A_318], %parallel_loop3A_316 {strides = array<i32>} : memref<64x128xf32, #tpu.memory_space<vmem>>, vector<16xf32>,
      } {sc.loop_unroll_factor = 8 : i64, sc.parallel_access}
      %dma_start3A_234 = arith.constant 0 : i32
      %dma_start3A_235 = arith.constant 0 : i32
      %dma_start3A_236 = tpu.memref_slice %arg27[%dma_start3A_234, %dma_start3A_235] : memref<10240x128xf32, #tpu.memory_space<vmem_shared>> -> memref<10240x128xf32, #tpu.memory_space<vmem_shared>>
      tpu.enqueue_indirect_dma source(%arg22 : memref<64x128xf32, #tpu.memory_space<vmem>>) target(%dma_start3A_236 : memref<10240x128xf32, #tpu.memory_space<vmem_shared>>) offsets(%arg20 : memref<64xi32, #tpu.memory_space<vmem>>) semaphore(%arg32 : memref<!tpu.dma_semaphore, #tpu.memory_space<semaphore_mem>>) {add = true}
      %add3A_237 = arith.constant 0 : i32
      %add3A_238 = arith.addi %mul3A_146, %add3A_237 : i32
      %add3A_239 = arith.constant 2 : i32
      %add3A_240 = arith.addi %add3A_238, %add3A_239 : i32
      %lt3A = arith.cmpi slt, %add3A_240, %select_n3A : i32
      %convert_element_type3A_241 = arith.extui %lt3A : i1 to i32
      %cond3A_242 = arith.constant 0 : i32
      %cond3A_243 = arith.cmpi ne, %convert_element_type3A_241, %cond3A_242 : i32
      scf.if %cond3A_243 {
        %add3A_261 = arith.constant 0 : i32
        %add3A_262 = arith.addi %mul3A_146, %add3A_261 : i32
        %add3A_263 = arith.constant 2 : i32
        %add3A_264 = arith.addi %add3A_262, %add3A_263 : i32
        %mul3A_265 = arith.constant 64 : i32
        %mul3A_266 = arith.muli %add3A_264, %mul3A_265 : i32
        %add3A_267 = arith.addi %mul3A_48, %mul3A_266 : i32
        %dma_start3A_268 = tpu.memref_slice %arg5[%add3A_267] : memref<321536xi32, #tpu.memory_space<hbm>> -> memref<64xi32, #tpu.memory_space<hbm>>
        %dma_start3A_269 = tpu.memref_slice %arg5[%add3A_267] : memref<321536xi32, #tpu.memory_space<hbm>> -> memref<64xi32, #tpu.memory_space<hbm>>
        tpu.enqueue_dma source(%dma_start3A_269 : memref<64xi32, #tpu.memory_space<hbm>>) target(%arg14 : memref<64xi32, #tpu.memory_space<vmem>>) target_semaphore(%arg28 : memref<!tpu.dma_semaphore, #tpu.memory_space<semaphore_mem>>)
        %dma_start3A_270 = tpu.memref_slice %arg6[%add3A_267] : memref<321536xi32, #tpu.memory_space<hbm>> -> memref<64xi32, #tpu.memory_space<hbm>>
        %dma_start3A_271 = tpu.memref_slice %arg6[%add3A_267] : memref<321536xi32, #tpu.memory_space<hbm>> -> memref<64xi32, #tpu.memory_space<hbm>>
        tpu.enqueue_dma source(%dma_start3A_271 : memref<64xi32, #tpu.memory_space<hbm>>) target(%arg16 : memref<64xi32, #tpu.memory_space<vmem>>) target_semaphore(%arg28 : memref<!tpu.dma_semaphore, #tpu.memory_space<semaphore_mem>>)
        %dma_start3A_272 = tpu.memref_slice %arg7[%add3A_267] : memref<321536xf32, #tpu.memory_space<hbm>> -> memref<64xf32, #tpu.memory_space<hbm>>
        %dma_start3A_273 = tpu.memref_slice %arg7[%add3A_267] : memref<321536xf32, #tpu.memory_space<hbm>> -> memref<64xf32, #tpu.memory_space<hbm>>
        tpu.enqueue_dma source(%dma_start3A_273 : memref<64xf32, #tpu.memory_space<hbm>>) target(%arg18 : memref<64xf32, #tpu.memory_space<vmem>>) target_semaphore(%arg28 : memref<!tpu.dma_semaphore, #tpu.memory_space<semaphore_mem>>)
      } else {
      }
      %dma_wait3A_244 = arith.constant 0 : i32
      %dma_wait3A_245 = arith.constant 0 : i32
      %dma_wait3A_246 = tpu.memref_slice %arg2[%dma_wait3A_244, %dma_wait3A_245] : memref<10000x128xf32, #tpu.memory_space<hbm>> -> memref<10000x128xf32, #tpu.memory_space<hbm>>
      tpu.wait_indirect_dma semaphore(%arg31 : memref<!tpu.dma_semaphore, #tpu.memory_space<semaphore_mem>>) src(%dma_wait3A_246 : memref<10000x128xf32, #tpu.memory_space<hbm>>) dst(%arg23 : memref<64x128xf32, #tpu.memory_space<vmem>>)
      %parallel_loop3A_247 = arith.constant 0 : i32
      %parallel_loop3A_248 = arith.constant 64 : i32
      %parallel_loop3A_249 = arith.constant 1 : i32
      scf.for %parallel_loop3A_261 = %parallel_loop3A_247 to %parallel_loop3A_248 step %parallel_loop3A_249  : i32 {
        %parallel_loop3A_262 = vector.broadcast %parallel_loop3A_261 : i32 to vector<16xi32>
        %parallel_loop3A_263 = tpu.vector_load_idx %arg25[%parallel_loop3A_262] : memref<64xf32, #tpu.memory_space<vmem>>[vector<16xi32>], vector<16xf32>,
        %parallel_loop3A_264 = arith.index_cast %parallel_loop3A_261 : i32 to index
        %parallel_loop3A_265 = arith.constant 0 : index
        %parallel_loop3A_266 = tpu.vector_load %arg23[%parallel_loop3A_264, %parallel_loop3A_265] {strides = array<i32>} : memref<64x128xf32, #tpu.memory_space<vmem>>, vector<16xf32>,
        %parallel_loop3A_267 = arith.mulf %parallel_loop3A_266, %parallel_loop3A_263 : vector<16xf32>
        %parallel_loop3A_268 = arith.index_cast %parallel_loop3A_261 : i32 to index
        %parallel_loop3A_269 = arith.constant 0 : index
        %parallel_loop3A_270 = tpu.vector_load %arg23[%parallel_loop3A_268, %parallel_loop3A_269] {strides = array<i32>} : memref<64x128xf32, #tpu.memory_space<vmem>>, vector<16xf32>,
        tpu.vector_store %arg23[%parallel_loop3A_268, %parallel_loop3A_269], %parallel_loop3A_267 {strides = array<i32>} : memref<64x128xf32, #tpu.memory_space<vmem>>, vector<16xf32>,
        %parallel_loop3A_271 = arith.index_cast %parallel_loop3A_261 : i32 to index
        %parallel_loop3A_272 = arith.constant 16 : index
        %parallel_loop3A_273 = tpu.vector_load %arg23[%parallel_loop3A_271, %parallel_loop3A_272] {strides = array<i32>} : memref<64x128xf32, #tpu.memory_space<vmem>>, vector<16xf32>,
        %parallel_loop3A_274 = arith.mulf %parallel_loop3A_273, %parallel_loop3A_263 : vector<16xf32>
        %parallel_loop3A_275 = arith.index_cast %parallel_loop3A_261 : i32 to index
        %parallel_loop3A_276 = arith.constant 16 : index
        %parallel_loop3A_277 = tpu.vector_load %arg23[%parallel_loop3A_275, %parallel_loop3A_276] {strides = array<i32>} : memref<64x128xf32, #tpu.memory_space<vmem>>, vector<16xf32>,
        tpu.vector_store %arg23[%parallel_loop3A_275, %parallel_loop3A_276], %parallel_loop3A_274 {strides = array<i32>} : memref<64x128xf32, #tpu.memory_space<vmem>>, vector<16xf32>,
        %parallel_loop3A_278 = arith.index_cast %parallel_loop3A_261 : i32 to index
        %parallel_loop3A_279 = arith.constant 32 : index
        %parallel_loop3A_280 = tpu.vector_load %arg23[%parallel_loop3A_278, %parallel_loop3A_279] {strides = array<i32>} : memref<64x128xf32, #tpu.memory_space<vmem>>, vector<16xf32>,
        %parallel_loop3A_281 = arith.mulf %parallel_loop3A_280, %parallel_loop3A_263 : vector<16xf32>
        %parallel_loop3A_282 = arith.index_cast %parallel_loop3A_261 : i32 to index
        %parallel_loop3A_283 = arith.constant 32 : index
        %parallel_loop3A_284 = tpu.vector_load %arg23[%parallel_loop3A_282, %parallel_loop3A_283] {strides = array<i32>} : memref<64x128xf32, #tpu.memory_space<vmem>>, vector<16xf32>,
        tpu.vector_store %arg23[%parallel_loop3A_282, %parallel_loop3A_283], %parallel_loop3A_281 {strides = array<i32>} : memref<64x128xf32, #tpu.memory_space<vmem>>, vector<16xf32>,
        %parallel_loop3A_285 = arith.index_cast %parallel_loop3A_261 : i32 to index
        %parallel_loop3A_286 = arith.constant 48 : index
        %parallel_loop3A_287 = tpu.vector_load %arg23[%parallel_loop3A_285, %parallel_loop3A_286] {strides = array<i32>} : memref<64x128xf32, #tpu.memory_space<vmem>>, vector<16xf32>,
        %parallel_loop3A_288 = arith.mulf %parallel_loop3A_287, %parallel_loop3A_263 : vector<16xf32>
        %parallel_loop3A_289 = arith.index_cast %parallel_loop3A_261 : i32 to index
        %parallel_loop3A_290 = arith.constant 48 : index
        %parallel_loop3A_291 = tpu.vector_load %arg23[%parallel_loop3A_289, %parallel_loop3A_290] {strides = array<i32>} : memref<64x128xf32, #tpu.memory_space<vmem>>, vector<16xf32>,
        tpu.vector_store %arg23[%parallel_loop3A_289, %parallel_loop3A_290], %parallel_loop3A_288 {strides = array<i32>} : memref<64x128xf32, #tpu.memory_space<vmem>>, vector<16xf32>,
        %parallel_loop3A_292 = arith.index_cast %parallel_loop3A_261 : i32 to index
        %parallel_loop3A_293 = arith.constant 64 : index
        %parallel_loop3A_294 = tpu.vector_load %arg23[%parallel_loop3A_292, %parallel_loop3A_293] {strides = array<i32>} : memref<64x128xf32, #tpu.memory_space<vmem>>, vector<16xf32>,
        %parallel_loop3A_295 = arith.mulf %parallel_loop3A_294, %parallel_loop3A_263 : vector<16xf32>
        %parallel_loop3A_296 = arith.index_cast %parallel_loop3A_261 : i32 to index
        %parallel_loop3A_297 = arith.constant 64 : index
        %parallel_loop3A_298 = tpu.vector_load %arg23[%parallel_loop3A_296, %parallel_loop3A_297] {strides = array<i32>} : memref<64x128xf32, #tpu.memory_space<vmem>>, vector<16xf32>,
        tpu.vector_store %arg23[%parallel_loop3A_296, %parallel_loop3A_297], %parallel_loop3A_295 {strides = array<i32>} : memref<64x128xf32, #tpu.memory_space<vmem>>, vector<16xf32>,
        %parallel_loop3A_299 = arith.index_cast %parallel_loop3A_261 : i32 to index
        %parallel_loop3A_300 = arith.constant 80 : index
        %parallel_loop3A_301 = tpu.vector_load %arg23[%parallel_loop3A_299, %parallel_loop3A_300] {strides = array<i32>} : memref<64x128xf32, #tpu.memory_space<vmem>>, vector<16xf32>,
        %parallel_loop3A_302 = arith.mulf %parallel_loop3A_301, %parallel_loop3A_263 : vector<16xf32>
        %parallel_loop3A_303 = arith.index_cast %parallel_loop3A_261 : i32 to index
        %parallel_loop3A_304 = arith.constant 80 : index
        %parallel_loop3A_305 = tpu.vector_load %arg23[%parallel_loop3A_303, %parallel_loop3A_304] {strides = array<i32>} : memref<64x128xf32, #tpu.memory_space<vmem>>, vector<16xf32>,
        tpu.vector_store %arg23[%parallel_loop3A_303, %parallel_loop3A_304], %parallel_loop3A_302 {strides = array<i32>} : memref<64x128xf32, #tpu.memory_space<vmem>>, vector<16xf32>,
        %parallel_loop3A_306 = arith.index_cast %parallel_loop3A_261 : i32 to index
        %parallel_loop3A_307 = arith.constant 96 : index
        %parallel_loop3A_308 = tpu.vector_load %arg23[%parallel_loop3A_306, %parallel_loop3A_307] {strides = array<i32>} : memref<64x128xf32, #tpu.memory_space<vmem>>, vector<16xf32>,
        %parallel_loop3A_309 = arith.mulf %parallel_loop3A_308, %parallel_loop3A_263 : vector<16xf32>
        %parallel_loop3A_310 = arith.index_cast %parallel_loop3A_261 : i32 to index
        %parallel_loop3A_311 = arith.constant 96 : index
        %parallel_loop3A_312 = tpu.vector_load %arg23[%parallel_loop3A_310, %parallel_loop3A_311] {strides = array<i32>} : memref<64x128xf32, #tpu.memory_space<vmem>>, vector<16xf32>,
        tpu.vector_store %arg23[%parallel_loop3A_310, %parallel_loop3A_311], %parallel_loop3A_309 {strides = array<i32>} : memref<64x128xf32, #tpu.memory_space<vmem>>, vector<16xf32>,
        %parallel_loop3A_313 = arith.index_cast %parallel_loop3A_261 : i32 to index
        %parallel_loop3A_314 = arith.constant 112 : index
        %parallel_loop3A_315 = tpu.vector_load %arg23[%parallel_loop3A_313, %parallel_loop3A_314] {strides = array<i32>} : memref<64x128xf32, #tpu.memory_space<vmem>>, vector<16xf32>,
        %parallel_loop3A_316 = arith.mulf %parallel_loop3A_315, %parallel_loop3A_263 : vector<16xf32>
        %parallel_loop3A_317 = arith.index_cast %parallel_loop3A_261 : i32 to index
        %parallel_loop3A_318 = arith.constant 112 : index
        %parallel_loop3A_319 = tpu.vector_load %arg23[%parallel_loop3A_317, %parallel_loop3A_318] {strides = array<i32>} : memref<64x128xf32, #tpu.memory_space<vmem>>, vector<16xf32>,
        tpu.vector_store %arg23[%parallel_loop3A_317, %parallel_loop3A_318], %parallel_loop3A_316 {strides = array<i32>} : memref<64x128xf32, #tpu.memory_space<vmem>>, vector<16xf32>,
      } {sc.loop_unroll_factor = 8 : i64, sc.parallel_access}
      %dma_start3A_250 = arith.constant 0 : i32
      %dma_start3A_251 = arith.constant 0 : i32
      %dma_start3A_252 = tpu.memref_slice %arg27[%dma_start3A_250, %dma_start3A_251] : memref<10240x128xf32, #tpu.memory_space<vmem_shared>> -> memref<10240x128xf32, #tpu.memory_space<vmem_shared>>
      tpu.enqueue_indirect_dma source(%arg23 : memref<64x128xf32, #tpu.memory_space<vmem>>) target(%dma_start3A_252 : memref<10240x128xf32, #tpu.memory_space<vmem_shared>>) offsets(%arg21 : memref<64xi32, #tpu.memory_space<vmem>>) semaphore(%arg33 : memref<!tpu.dma_semaphore, #tpu.memory_space<semaphore_mem>>) {add = true}
      %add3A_253 = arith.constant 1 : i32
      %add3A_254 = arith.addi %mul3A_146, %add3A_253 : i32
      %add3A_255 = arith.constant 2 : i32
      %add3A_256 = arith.addi %add3A_254, %add3A_255 : i32
      %lt3A_257 = arith.cmpi slt, %add3A_256, %select_n3A : i32
      %convert_element_type3A_258 = arith.extui %lt3A_257 : i1 to i32
      %cond3A_259 = arith.constant 0 : i32
      %cond3A_260 = arith.cmpi ne, %convert_element_type3A_258, %cond3A_259 : i32
      scf.if %cond3A_260 {
        %add3A_261 = arith.constant 1 : i32
        %add3A_262 = arith.addi %mul3A_146, %add3A_261 : i32
        %add3A_263 = arith.constant 2 : i32
        %add3A_264 = arith.addi %add3A_262, %add3A_263 : i32
        %mul3A_265 = arith.constant 64 : i32
        %mul3A_266 = arith.muli %add3A_264, %mul3A_265 : i32
        %add3A_267 = arith.addi %mul3A_48, %mul3A_266 : i32
        %dma_start3A_268 = tpu.memref_slice %arg5[%add3A_267] : memref<321536xi32, #tpu.memory_space<hbm>> -> memref<64xi32, #tpu.memory_space<hbm>>
        %dma_start3A_269 = tpu.memref_slice %arg5[%add3A_267] : memref<321536xi32, #tpu.memory_space<hbm>> -> memref<64xi32, #tpu.memory_space<hbm>>
        tpu.enqueue_dma source(%dma_start3A_269 : memref<64xi32, #tpu.memory_space<hbm>>) target(%arg15 : memref<64xi32, #tpu.memory_space<vmem>>) target_semaphore(%arg29 : memref<!tpu.dma_semaphore, #tpu.memory_space<semaphore_mem>>)
        %dma_start3A_270 = tpu.memref_slice %arg6[%add3A_267] : memref<321536xi32, #tpu.memory_space<hbm>> -> memref<64xi32, #tpu.memory_space<hbm>>
        %dma_start3A_271 = tpu.memref_slice %arg6[%add3A_267] : memref<321536xi32, #tpu.memory_space<hbm>> -> memref<64xi32, #tpu.memory_space<hbm>>
        tpu.enqueue_dma source(%dma_start3A_271 : memref<64xi32, #tpu.memory_space<hbm>>) target(%arg17 : memref<64xi32, #tpu.memory_space<vmem>>) target_semaphore(%arg29 : memref<!tpu.dma_semaphore, #tpu.memory_space<semaphore_mem>>)
        %dma_start3A_272 = tpu.memref_slice %arg7[%add3A_267] : memref<321536xf32, #tpu.memory_space<hbm>> -> memref<64xf32, #tpu.memory_space<hbm>>
        %dma_start3A_273 = tpu.memref_slice %arg7[%add3A_267] : memref<321536xf32, #tpu.memory_space<hbm>> -> memref<64xf32, #tpu.memory_space<hbm>>
        tpu.enqueue_dma source(%dma_start3A_273 : memref<64xf32, #tpu.memory_space<hbm>>) target(%arg19 : memref<64xf32, #tpu.memory_space<vmem>>) target_semaphore(%arg29 : memref<!tpu.dma_semaphore, #tpu.memory_space<semaphore_mem>>)
      } else {
      }
    }
    %while3A_90 = arith.constant 1 : i32
    scf.for %while3A_144 = %while3A_88 to %while3A_84 step %while3A_90  : i32 {
      %mul3A_145 = arith.constant 2 : i32
      %mul3A_146 = arith.muli %mul3A_145, %while3A_144 : i32
      %add3A_147 = arith.constant 0 : i32
      %add3A_148 = arith.addi %mul3A_146, %add3A_147 : i32
      %mul3A_149 = arith.constant 64 : i32
      %mul3A_150 = arith.muli %add3A_148, %mul3A_149 : i32
      %add3A_151 = arith.addi %mul3A_48, %mul3A_150 : i32
      %dma_wait3A_152 = tpu.memref_slice %arg5[%add3A_151] : memref<321536xi32, #tpu.memory_space<hbm>> -> memref<64xi32, #tpu.memory_space<hbm>>
      %dma_wait3A_153 = tpu.memref_slice %arg5[%add3A_151] : memref<321536xi32, #tpu.memory_space<hbm>> -> memref<64xi32, #tpu.memory_space<hbm>>
      tpu.wait_dma2 semaphore(%arg28 : memref<!tpu.dma_semaphore, #tpu.memory_space<semaphore_mem>>) src(%dma_wait3A_153 : memref<64xi32, #tpu.memory_space<hbm>>) dst(%arg14 : memref<64xi32, #tpu.memory_space<vmem>>)
      %dma_wait3A_154 = tpu.memref_slice %arg6[%add3A_151] : memref<321536xi32, #tpu.memory_space<hbm>> -> memref<64xi32, #tpu.memory_space<hbm>>
      %dma_wait3A_155 = tpu.memref_slice %arg6[%add3A_151] : memref<321536xi32, #tpu.memory_space<hbm>> -> memref<64xi32, #tpu.memory_space<hbm>>
      tpu.wait_dma2 semaphore(%arg28 : memref<!tpu.dma_semaphore, #tpu.memory_space<semaphore_mem>>) src(%dma_wait3A_155 : memref<64xi32, #tpu.memory_space<hbm>>) dst(%arg16 : memref<64xi32, #tpu.memory_space<vmem>>)
      %dma_wait3A_156 = tpu.memref_slice %arg7[%add3A_151] : memref<321536xf32, #tpu.memory_space<hbm>> -> memref<64xf32, #tpu.memory_space<hbm>>
      %dma_wait3A_157 = tpu.memref_slice %arg7[%add3A_151] : memref<321536xf32, #tpu.memory_space<hbm>> -> memref<64xf32, #tpu.memory_space<hbm>>
      tpu.wait_dma2 semaphore(%arg28 : memref<!tpu.dma_semaphore, #tpu.memory_space<semaphore_mem>>) src(%dma_wait3A_157 : memref<64xf32, #tpu.memory_space<hbm>>) dst(%arg18 : memref<64xf32, #tpu.memory_space<vmem>>)
      %gt3A = arith.constant 0 : i32
      %gt3A_158 = arith.cmpi sgt, %while3A_144, %gt3A : i32
      %convert_element_type3A = arith.extui %gt3A_158 : i1 to i32
      %cond3A = arith.constant 0 : i32
      %cond3A_159 = arith.cmpi ne, %convert_element_type3A, %cond3A : i32
      scf.if %cond3A_159 {
        %dma_wait3A_261 = arith.constant 0 : i32
        %dma_wait3A_262 = arith.constant 0 : i32
        %dma_wait3A_263 = tpu.memref_slice %arg27[%dma_wait3A_261, %dma_wait3A_262] : memref<10240x128xf32, #tpu.memory_space<vmem_shared>> -> memref<10240x128xf32, #tpu.memory_space<vmem_shared>>
        tpu.wait_indirect_dma semaphore(%arg32 : memref<!tpu.dma_semaphore, #tpu.memory_space<semaphore_mem>>) src(%arg22 : memref<64x128xf32, #tpu.memory_space<vmem>>) dst(%dma_wait3A_263 : memref<10240x128xf32, #tpu.memory_space<vmem_shared>>)
      } else {
      }
      %dma_start3A_160 = arith.constant 0 : i32
      %dma_start3A_161 = arith.constant 0 : i32
      %dma_start3A_162 = tpu.memref_slice %arg2[%dma_start3A_160, %dma_start3A_161] : memref<10000x128xf32, #tpu.memory_space<hbm>> -> memref<10000x128xf32, #tpu.memory_space<hbm>>
      tpu.enqueue_indirect_dma source(%dma_start3A_162 : memref<10000x128xf32, #tpu.memory_space<hbm>>) target(%arg22 : memref<64x128xf32, #tpu.memory_space<vmem>>) offsets(%arg14 : memref<64xi32, #tpu.memory_space<vmem>>) semaphore(%arg30 : memref<!tpu.dma_semaphore, #tpu.memory_space<semaphore_mem>>)
      %add3A_163 = arith.constant 1 : i32
      %add3A_164 = arith.addi %mul3A_146, %add3A_163 : i32
      %mul3A_165 = arith.constant 64 : i32
      %mul3A_166 = arith.muli %add3A_164, %mul3A_165 : i32
      %add3A_167 = arith.addi %mul3A_48, %mul3A_166 : i32
      %dma_wait3A_168 = tpu.memref_slice %arg5[%add3A_167] : memref<321536xi32, #tpu.memory_space<hbm>> -> memref<64xi32, #tpu.memory_space<hbm>>
      %dma_wait3A_169 = tpu.memref_slice %arg5[%add3A_167] : memref<321536xi32, #tpu.memory_space<hbm>> -> memref<64xi32, #tpu.memory_space<hbm>>
      tpu.wait_dma2 semaphore(%arg29 : memref<!tpu.dma_semaphore, #tpu.memory_space<semaphore_mem>>) src(%dma_wait3A_169 : memref<64xi32, #tpu.memory_space<hbm>>) dst(%arg15 : memref<64xi32, #tpu.memory_space<vmem>>)
      %dma_wait3A_170 = tpu.memref_slice %arg6[%add3A_167] : memref<321536xi32, #tpu.memory_space<hbm>> -> memref<64xi32, #tpu.memory_space<hbm>>
      %dma_wait3A_171 = tpu.memref_slice %arg6[%add3A_167] : memref<321536xi32, #tpu.memory_space<hbm>> -> memref<64xi32, #tpu.memory_space<hbm>>
      tpu.wait_dma2 semaphore(%arg29 : memref<!tpu.dma_semaphore, #tpu.memory_space<semaphore_mem>>) src(%dma_wait3A_171 : memref<64xi32, #tpu.memory_space<hbm>>) dst(%arg17 : memref<64xi32, #tpu.memory_space<vmem>>)
      %dma_wait3A_172 = tpu.memref_slice %arg7[%add3A_167] : memref<321536xf32, #tpu.memory_space<hbm>> -> memref<64xf32, #tpu.memory_space<hbm>>
      %dma_wait3A_173 = tpu.memref_slice %arg7[%add3A_167] : memref<321536xf32, #tpu.memory_space<hbm>> -> memref<64xf32, #tpu.memory_space<hbm>>
      tpu.wait_dma2 semaphore(%arg29 : memref<!tpu.dma_semaphore, #tpu.memory_space<semaphore_mem>>) src(%dma_wait3A_173 : memref<64xf32, #tpu.memory_space<hbm>>) dst(%arg19 : memref<64xf32, #tpu.memory_space<vmem>>)
      %gt3A_174 = arith.constant 0 : i32
      %gt3A_175 = arith.cmpi sgt, %while3A_144, %gt3A_174 : i32
      %convert_element_type3A_176 = arith.extui %gt3A_175 : i1 to i32
      %cond3A_177 = arith.constant 0 : i32
      %cond3A_178 = arith.cmpi ne, %convert_element_type3A_176, %cond3A_177 : i32
      scf.if %cond3A_178 {
        %dma_wait3A_261 = arith.constant 0 : i32
        %dma_wait3A_262 = arith.constant 0 : i32
        %dma_wait3A_263 = tpu.memref_slice %arg27[%dma_wait3A_261, %dma_wait3A_262] : memref<10240x128xf32, #tpu.memory_space<vmem_shared>> -> memref<10240x128xf32, #tpu.memory_space<vmem_shared>>
        tpu.wait_indirect_dma semaphore(%arg33 : memref<!tpu.dma_semaphore, #tpu.memory_space<semaphore_mem>>) src(%arg23 : memref<64x128xf32, #tpu.memory_space<vmem>>) dst(%dma_wait3A_263 : memref<10240x128xf32, #tpu.memory_space<vmem_shared>>)
      } else {
      }
      %dma_start3A_179 = arith.constant 0 : i32
      %dma_start3A_180 = arith.constant 0 : i32
      %dma_start3A_181 = tpu.memref_slice %arg2[%dma_start3A_179, %dma_start3A_180] : memref<10000x128xf32, #tpu.memory_space<hbm>> -> memref<10000x128xf32, #tpu.memory_space<hbm>>
      tpu.enqueue_indirect_dma source(%dma_start3A_181 : memref<10000x128xf32, #tpu.memory_space<hbm>>) target(%arg23 : memref<64x128xf32, #tpu.memory_space<vmem>>) offsets(%arg15 : memref<64xi32, #tpu.memory_space<vmem>>) semaphore(%arg31 : memref<!tpu.dma_semaphore, #tpu.memory_space<semaphore_mem>>)
      %add3A_182 = arith.constant 0 : i32
      %add3A_183 = arith.addi %mul3A_146, %add3A_182 : i32
      %mul3A_184 = arith.constant 64 : i32
      %mul3A_185 = arith.muli %add3A_183, %mul3A_184 : i32
      %add3A_186 = arith.addi %mul3A_48, %mul3A_185 : i32
      %parallel_loop3A = arith.constant 0 : i32
      %parallel_loop3A_187 = arith.constant 4 : i32
      %parallel_loop3A_188 = arith.constant 1 : i32
      scf.for %parallel_loop3A_261 = %parallel_loop3A to %parallel_loop3A_187 step %parallel_loop3A_188  : i32 {
        %parallel_loop3A_262 = arith.constant 16 : i32
        %parallel_loop3A_263 = arith.muli %parallel_loop3A_261, %parallel_loop3A_262 : i32
        %parallel_loop3A_264 = arith.index_cast %parallel_loop3A_263 : i32 to index
        %parallel_loop3A_265 = tpu.vector_load %arg14[%parallel_loop3A_264] {strides = array<i32>} : memref<64xi32, #tpu.memory_space<vmem>>, vector<16xi32>,
        %parallel_loop3A_266 = arith.constant 16 : i32
        %parallel_loop3A_267 = arith.muli %parallel_loop3A_261, %parallel_loop3A_266 : i32
        %parallel_loop3A_268 = arith.index_cast %parallel_loop3A_267 : i32 to index
        %parallel_loop3A_269 = tpu.vector_load %arg16[%parallel_loop3A_268] {strides = array<i32>} : memref<64xi32, #tpu.memory_space<vmem>>, vector<16xi32>,
        %parallel_loop3A_270 = tpu.vector_load_idx %arg11[%parallel_loop3A_265] : memref<10000xf32, #tpu.memory_space<vmem>>[vector<16xi32>], vector<16xf32>,
        %parallel_loop3A_271 = tpu.vector_load_idx %arg12[%parallel_loop3A_269] : memref<10000xf32, #tpu.memory_space<vmem>>[vector<16xi32>], vector<16xf32>,
        %parallel_loop3A_272 = arith.addf %parallel_loop3A_270, %parallel_loop3A_271 : vector<16xf32>
        %parallel_loop3A_273 = arith.constant 16 : i32
        %parallel_loop3A_274 = arith.muli %parallel_loop3A_261, %parallel_loop3A_273 : i32
        %parallel_loop3A_275 = arith.index_cast %parallel_loop3A_274 : i32 to index
        %parallel_loop3A_276 = tpu.vector_load %arg18[%parallel_loop3A_275] {strides = array<i32>} : memref<64xf32, #tpu.memory_space<vmem>>, vector<16xf32>,
        %parallel_loop3A_277 = arith.mulf %parallel_loop3A_276, %get3A_1 : vector<16xf32>
        %parallel_loop3A_278 = arith.addf %parallel_loop3A_272, %parallel_loop3A_277 : vector<16xf32>
        %parallel_loop3A_279 = arith.constant 2.000000e-01 : f32
        %parallel_loop3A_280 = vector.broadcast %parallel_loop3A_279 : f32 to vector<16xf32>
        %parallel_loop3A_281 = arith.mulf %parallel_loop3A_280, %parallel_loop3A_278 : vector<16xf32>
        %parallel_loop3A_282 = arith.maximumf %parallel_loop3A_278, %parallel_loop3A_281 : vector<16xf32>
        %parallel_loop3A_283 = math.exp %parallel_loop3A_282 : vector<16xf32>
        %parallel_loop3A_284 = arith.constant 16 : i32
        %parallel_loop3A_285 = arith.muli %parallel_loop3A_261, %parallel_loop3A_284 : i32
        %parallel_loop3A_286 = arith.addi %add3A_186, %parallel_loop3A_285 : i32
        %parallel_loop3A_287 = tpu.iota {dimensions = array<i32: 0>} : vector<16xi32>
        %parallel_loop3A_288 = vector.broadcast %parallel_loop3A_286 : i32 to vector<16xi32>
        %parallel_loop3A_289 = arith.addi %parallel_loop3A_288, %parallel_loop3A_287 : vector<16xi32>
        %parallel_loop3A_290 = arith.constant 320000 : i32
        %parallel_loop3A_291 = vector.broadcast %parallel_loop3A_290 : i32 to vector<16xi32>
        %parallel_loop3A_292 = arith.cmpi slt, %parallel_loop3A_289, %parallel_loop3A_291 : vector<16xi32>
        %parallel_loop3A_293 = arith.constant 0.000000e+00 : f32
        %parallel_loop3A_294 = vector.broadcast %parallel_loop3A_293 : f32 to vector<16xf32>
        %parallel_loop3A_295 = arith.select %parallel_loop3A_292, %parallel_loop3A_283, %parallel_loop3A_294 : vector<16xi1>, vector<16xf32>
        %parallel_loop3A_296 = arith.constant 16 : i32
        %parallel_loop3A_297 = arith.muli %parallel_loop3A_261, %parallel_loop3A_296 : i32
        %parallel_loop3A_298 = arith.index_cast %parallel_loop3A_297 : i32 to index
        %parallel_loop3A_299 = tpu.vector_load %arg24[%parallel_loop3A_298] {strides = array<i32>} : memref<64xf32, #tpu.memory_space<vmem>>, vector<16xf32>,
        tpu.vector_store %arg24[%parallel_loop3A_298], %parallel_loop3A_295 {strides = array<i32>} : memref<64xf32, #tpu.memory_space<vmem>>, vector<16xf32>,
        tpu.vector_store_idx %arg13[%parallel_loop3A_269], %parallel_loop3A_295 {add = true} : memref<10000xf32, #tpu.memory_space<vmem>>[vector<16xi32>], vector<16xf32>,
      } {sc.loop_unroll_factor = 4 : i64, sc.parallel_access}
      %get3A_189 = arith.constant 0 : index
      %get3A_190 = tpu.vector_load %arg16[%get3A_189] {strides = array<i32>} : memref<64xi32, #tpu.memory_space<vmem>>, vector<16xi32>,
      %swap3A = arith.constant 0 : index
      %swap3A_191 = tpu.vector_load %arg20[%swap3A] {strides = array<i32>} : memref<64xi32, #tpu.memory_space<vmem>>, vector<16xi32>,
      tpu.vector_store %arg20[%swap3A], %get3A_190 {strides = array<i32>} : memref<64xi32, #tpu.memory_space<vmem>>, vector<16xi32>,
      %get3A_192 = arith.constant 16 : index
      %get3A_193 = tpu.vector_load %arg16[%get3A_192] {strides = array<i32>} : memref<64xi32, #tpu.memory_space<vmem>>, vector<16xi32>,
      %swap3A_194 = arith.constant 16 : index
      %swap3A_195 = tpu.vector_load %arg20[%swap3A_194] {strides = array<i32>} : memref<64xi32, #tpu.memory_space<vmem>>, vector<16xi32>,
      tpu.vector_store %arg20[%swap3A_194], %get3A_193 {strides = array<i32>} : memref<64xi32, #tpu.memory_space<vmem>>, vector<16xi32>,
      %get3A_196 = arith.constant 32 : index
      %get3A_197 = tpu.vector_load %arg16[%get3A_196] {strides = array<i32>} : memref<64xi32, #tpu.memory_space<vmem>>, vector<16xi32>,
      %swap3A_198 = arith.constant 32 : index
      %swap3A_199 = tpu.vector_load %arg20[%swap3A_198] {strides = array<i32>} : memref<64xi32, #tpu.memory_space<vmem>>, vector<16xi32>,
      tpu.vector_store %arg20[%swap3A_198], %get3A_197 {strides = array<i32>} : memref<64xi32, #tpu.memory_space<vmem>>, vector<16xi32>,
      %get3A_200 = arith.constant 48 : index
      %get3A_201 = tpu.vector_load %arg16[%get3A_200] {strides = array<i32>} : memref<64xi32, #tpu.memory_space<vmem>>, vector<16xi32>,
      %swap3A_202 = arith.constant 48 : index
      %swap3A_203 = tpu.vector_load %arg20[%swap3A_202] {strides = array<i32>} : memref<64xi32, #tpu.memory_space<vmem>>, vector<16xi32>,
      tpu.vector_store %arg20[%swap3A_202], %get3A_201 {strides = array<i32>} : memref<64xi32, #tpu.memory_space<vmem>>, vector<16xi32>,
      %add3A_204 = arith.constant 1 : i32
      %add3A_205 = arith.addi %mul3A_146, %add3A_204 : i32
      %mul3A_206 = arith.constant 64 : i32
      %mul3A_207 = arith.muli %add3A_205, %mul3A_206 : i32
      %add3A_208 = arith.addi %mul3A_48, %mul3A_207 : i32
      %parallel_loop3A_209 = arith.constant 0 : i32
      %parallel_loop3A_210 = arith.constant 4 : i32
      %parallel_loop3A_211 = arith.constant 1 : i32
      scf.for %parallel_loop3A_261 = %parallel_loop3A_209 to %parallel_loop3A_210 step %parallel_loop3A_211  : i32 {
        %parallel_loop3A_262 = arith.constant 16 : i32
        %parallel_loop3A_263 = arith.muli %parallel_loop3A_261, %parallel_loop3A_262 : i32
        %parallel_loop3A_264 = arith.index_cast %parallel_loop3A_263 : i32 to index
        %parallel_loop3A_265 = tpu.vector_load %arg15[%parallel_loop3A_264] {strides = array<i32>} : memref<64xi32, #tpu.memory_space<vmem>>, vector<16xi32>,
        %parallel_loop3A_266 = arith.constant 16 : i32
        %parallel_loop3A_267 = arith.muli %parallel_loop3A_261, %parallel_loop3A_266 : i32
        %parallel_loop3A_268 = arith.index_cast %parallel_loop3A_267 : i32 to index
        %parallel_loop3A_269 = tpu.vector_load %arg17[%parallel_loop3A_268] {strides = array<i32>} : memref<64xi32, #tpu.memory_space<vmem>>, vector<16xi32>,
        %parallel_loop3A_270 = tpu.vector_load_idx %arg11[%parallel_loop3A_265] : memref<10000xf32, #tpu.memory_space<vmem>>[vector<16xi32>], vector<16xf32>,
        %parallel_loop3A_271 = tpu.vector_load_idx %arg12[%parallel_loop3A_269] : memref<10000xf32, #tpu.memory_space<vmem>>[vector<16xi32>], vector<16xf32>,
        %parallel_loop3A_272 = arith.addf %parallel_loop3A_270, %parallel_loop3A_271 : vector<16xf32>
        %parallel_loop3A_273 = arith.constant 16 : i32
        %parallel_loop3A_274 = arith.muli %parallel_loop3A_261, %parallel_loop3A_273 : i32
        %parallel_loop3A_275 = arith.index_cast %parallel_loop3A_274 : i32 to index
        %parallel_loop3A_276 = tpu.vector_load %arg19[%parallel_loop3A_275] {strides = array<i32>} : memref<64xf32, #tpu.memory_space<vmem>>, vector<16xf32>,
        %parallel_loop3A_277 = arith.mulf %parallel_loop3A_276, %get3A_1 : vector<16xf32>
        %parallel_loop3A_278 = arith.addf %parallel_loop3A_272, %parallel_loop3A_277 : vector<16xf32>
        %parallel_loop3A_279 = arith.constant 2.000000e-01 : f32
        %parallel_loop3A_280 = vector.broadcast %parallel_loop3A_279 : f32 to vector<16xf32>
        %parallel_loop3A_281 = arith.mulf %parallel_loop3A_280, %parallel_loop3A_278 : vector<16xf32>
        %parallel_loop3A_282 = arith.maximumf %parallel_loop3A_278, %parallel_loop3A_281 : vector<16xf32>
        %parallel_loop3A_283 = math.exp %parallel_loop3A_282 : vector<16xf32>
        %parallel_loop3A_284 = arith.constant 16 : i32
        %parallel_loop3A_285 = arith.muli %parallel_loop3A_261, %parallel_loop3A_284 : i32
        %parallel_loop3A_286 = arith.addi %add3A_208, %parallel_loop3A_285 : i32
        %parallel_loop3A_287 = tpu.iota {dimensions = array<i32: 0>} : vector<16xi32>
        %parallel_loop3A_288 = vector.broadcast %parallel_loop3A_286 : i32 to vector<16xi32>
        %parallel_loop3A_289 = arith.addi %parallel_loop3A_288, %parallel_loop3A_287 : vector<16xi32>
        %parallel_loop3A_290 = arith.constant 320000 : i32
        %parallel_loop3A_291 = vector.broadcast %parallel_loop3A_290 : i32 to vector<16xi32>
        %parallel_loop3A_292 = arith.cmpi slt, %parallel_loop3A_289, %parallel_loop3A_291 : vector<16xi32>
        %parallel_loop3A_293 = arith.constant 0.000000e+00 : f32
        %parallel_loop3A_294 = vector.broadcast %parallel_loop3A_293 : f32 to vector<16xf32>
        %parallel_loop3A_295 = arith.select %parallel_loop3A_292, %parallel_loop3A_283, %parallel_loop3A_294 : vector<16xi1>, vector<16xf32>
        %parallel_loop3A_296 = arith.constant 16 : i32
        %parallel_loop3A_297 = arith.muli %parallel_loop3A_261, %parallel_loop3A_296 : i32
        %parallel_loop3A_298 = arith.index_cast %parallel_loop3A_297 : i32 to index
        %parallel_loop3A_299 = tpu.vector_load %arg25[%parallel_loop3A_298] {strides = array<i32>} : memref<64xf32, #tpu.memory_space<vmem>>, vector<16xf32>,
        tpu.vector_store %arg25[%parallel_loop3A_298], %parallel_loop3A_295 {strides = array<i32>} : memref<64xf32, #tpu.memory_space<vmem>>, vector<16xf32>,
        tpu.vector_store_idx %arg13[%parallel_loop3A_269], %parallel_loop3A_295 {add = true} : memref<10000xf32, #tpu.memory_space<vmem>>[vector<16xi32>], vector<16xf32>,
      } {sc.loop_unroll_factor = 4 : i64, sc.parallel_access}
      %get3A_212 = arith.constant 0 : index
      %get3A_213 = tpu.vector_load %arg17[%get3A_212] {strides = array<i32>} : memref<64xi32, #tpu.memory_space<vmem>>, vector<16xi32>,
      %swap3A_214 = arith.constant 0 : index
      %swap3A_215 = tpu.vector_load %arg21[%swap3A_214] {strides = array<i32>} : memref<64xi32, #tpu.memory_space<vmem>>, vector<16xi32>,
      tpu.vector_store %arg21[%swap3A_214], %get3A_213 {strides = array<i32>} : memref<64xi32, #tpu.memory_space<vmem>>, vector<16xi32>,
      %get3A_216 = arith.constant 16 : index
      %get3A_217 = tpu.vector_load %arg17[%get3A_216] {strides = array<i32>} : memref<64xi32, #tpu.memory_space<vmem>>, vector<16xi32>,
      %swap3A_218 = arith.constant 16 : index
      %swap3A_219 = tpu.vector_load %arg21[%swap3A_218] {strides = array<i32>} : memref<64xi32, #tpu.memory_space<vmem>>, vector<16xi32>,
      tpu.vector_store %arg21[%swap3A_218], %get3A_217 {strides = array<i32>} : memref<64xi32, #tpu.memory_space<vmem>>, vector<16xi32>,
      %get3A_220 = arith.constant 32 : index
      %get3A_221 = tpu.vector_load %arg17[%get3A_220] {strides = array<i32>} : memref<64xi32, #tpu.memory_space<vmem>>, vector<16xi32>,
      %swap3A_222 = arith.constant 32 : index
      %swap3A_223 = tpu.vector_load %arg21[%swap3A_222] {strides = array<i32>} : memref<64xi32, #tpu.memory_space<vmem>>, vector<16xi32>,
      tpu.vector_store %arg21[%swap3A_222], %get3A_221 {strides = array<i32>} : memref<64xi32, #tpu.memory_space<vmem>>, vector<16xi32>,
      %get3A_224 = arith.constant 48 : index
      %get3A_225 = tpu.vector_load %arg17[%get3A_224] {strides = array<i32>} : memref<64xi32, #tpu.memory_space<vmem>>, vector<16xi32>,
      %swap3A_226 = arith.constant 48 : index
      %swap3A_227 = tpu.vector_load %arg21[%swap3A_226] {strides = array<i32>} : memref<64xi32, #tpu.memory_space<vmem>>, vector<16xi32>,
      tpu.vector_store %arg21[%swap3A_226], %get3A_225 {strides = array<i32>} : memref<64xi32, #tpu.memory_space<vmem>>, vector<16xi32>,
      %dma_wait3A_228 = arith.constant 0 : i32
      %dma_wait3A_229 = arith.constant 0 : i32
      %dma_wait3A_230 = tpu.memref_slice %arg2[%dma_wait3A_228, %dma_wait3A_229] : memref<10000x128xf32, #tpu.memory_space<hbm>> -> memref<10000x128xf32, #tpu.memory_space<hbm>>
      tpu.wait_indirect_dma semaphore(%arg30 : memref<!tpu.dma_semaphore, #tpu.memory_space<semaphore_mem>>) src(%dma_wait3A_230 : memref<10000x128xf32, #tpu.memory_space<hbm>>) dst(%arg22 : memref<64x128xf32, #tpu.memory_space<vmem>>)
      %parallel_loop3A_231 = arith.constant 0 : i32
      %parallel_loop3A_232 = arith.constant 64 : i32
      %parallel_loop3A_233 = arith.constant 1 : i32
      scf.for %parallel_loop3A_261 = %parallel_loop3A_231 to %parallel_loop3A_232 step %parallel_loop3A_233  : i32 {
        %parallel_loop3A_262 = vector.broadcast %parallel_loop3A_261 : i32 to vector<16xi32>
        %parallel_loop3A_263 = tpu.vector_load_idx %arg24[%parallel_loop3A_262] : memref<64xf32, #tpu.memory_space<vmem>>[vector<16xi32>], vector<16xf32>,
        %parallel_loop3A_264 = arith.index_cast %parallel_loop3A_261 : i32 to index
        %parallel_loop3A_265 = arith.constant 0 : index
        %parallel_loop3A_266 = tpu.vector_load %arg22[%parallel_loop3A_264, %parallel_loop3A_265] {strides = array<i32>} : memref<64x128xf32, #tpu.memory_space<vmem>>, vector<16xf32>,
        %parallel_loop3A_267 = arith.mulf %parallel_loop3A_266, %parallel_loop3A_263 : vector<16xf32>
        %parallel_loop3A_268 = arith.index_cast %parallel_loop3A_261 : i32 to index
        %parallel_loop3A_269 = arith.constant 0 : index
        %parallel_loop3A_270 = tpu.vector_load %arg22[%parallel_loop3A_268, %parallel_loop3A_269] {strides = array<i32>} : memref<64x128xf32, #tpu.memory_space<vmem>>, vector<16xf32>,
        tpu.vector_store %arg22[%parallel_loop3A_268, %parallel_loop3A_269], %parallel_loop3A_267 {strides = array<i32>} : memref<64x128xf32, #tpu.memory_space<vmem>>, vector<16xf32>,
        %parallel_loop3A_271 = arith.index_cast %parallel_loop3A_261 : i32 to index
        %parallel_loop3A_272 = arith.constant 16 : index
        %parallel_loop3A_273 = tpu.vector_load %arg22[%parallel_loop3A_271, %parallel_loop3A_272] {strides = array<i32>} : memref<64x128xf32, #tpu.memory_space<vmem>>, vector<16xf32>,
        %parallel_loop3A_274 = arith.mulf %parallel_loop3A_273, %parallel_loop3A_263 : vector<16xf32>
        %parallel_loop3A_275 = arith.index_cast %parallel_loop3A_261 : i32 to index
        %parallel_loop3A_276 = arith.constant 16 : index
        %parallel_loop3A_277 = tpu.vector_load %arg22[%parallel_loop3A_275, %parallel_loop3A_276] {strides = array<i32>} : memref<64x128xf32, #tpu.memory_space<vmem>>, vector<16xf32>,
        tpu.vector_store %arg22[%parallel_loop3A_275, %parallel_loop3A_276], %parallel_loop3A_274 {strides = array<i32>} : memref<64x128xf32, #tpu.memory_space<vmem>>, vector<16xf32>,
        %parallel_loop3A_278 = arith.index_cast %parallel_loop3A_261 : i32 to index
        %parallel_loop3A_279 = arith.constant 32 : index
        %parallel_loop3A_280 = tpu.vector_load %arg22[%parallel_loop3A_278, %parallel_loop3A_279] {strides = array<i32>} : memref<64x128xf32, #tpu.memory_space<vmem>>, vector<16xf32>,
        %parallel_loop3A_281 = arith.mulf %parallel_loop3A_280, %parallel_loop3A_263 : vector<16xf32>
        %parallel_loop3A_282 = arith.index_cast %parallel_loop3A_261 : i32 to index
        %parallel_loop3A_283 = arith.constant 32 : index
        %parallel_loop3A_284 = tpu.vector_load %arg22[%parallel_loop3A_282, %parallel_loop3A_283] {strides = array<i32>} : memref<64x128xf32, #tpu.memory_space<vmem>>, vector<16xf32>,
        tpu.vector_store %arg22[%parallel_loop3A_282, %parallel_loop3A_283], %parallel_loop3A_281 {strides = array<i32>} : memref<64x128xf32, #tpu.memory_space<vmem>>, vector<16xf32>,
        %parallel_loop3A_285 = arith.index_cast %parallel_loop3A_261 : i32 to index
        %parallel_loop3A_286 = arith.constant 48 : index
        %parallel_loop3A_287 = tpu.vector_load %arg22[%parallel_loop3A_285, %parallel_loop3A_286] {strides = array<i32>} : memref<64x128xf32, #tpu.memory_space<vmem>>, vector<16xf32>,
        %parallel_loop3A_288 = arith.mulf %parallel_loop3A_287, %parallel_loop3A_263 : vector<16xf32>
        %parallel_loop3A_289 = arith.index_cast %parallel_loop3A_261 : i32 to index
        %parallel_loop3A_290 = arith.constant 48 : index
        %parallel_loop3A_291 = tpu.vector_load %arg22[%parallel_loop3A_289, %parallel_loop3A_290] {strides = array<i32>} : memref<64x128xf32, #tpu.memory_space<vmem>>, vector<16xf32>,
        tpu.vector_store %arg22[%parallel_loop3A_289, %parallel_loop3A_290], %parallel_loop3A_288 {strides = array<i32>} : memref<64x128xf32, #tpu.memory_space<vmem>>, vector<16xf32>,
        %parallel_loop3A_292 = arith.index_cast %parallel_loop3A_261 : i32 to index
        %parallel_loop3A_293 = arith.constant 64 : index
        %parallel_loop3A_294 = tpu.vector_load %arg22[%parallel_loop3A_292, %parallel_loop3A_293] {strides = array<i32>} : memref<64x128xf32, #tpu.memory_space<vmem>>, vector<16xf32>,
        %parallel_loop3A_295 = arith.mulf %parallel_loop3A_294, %parallel_loop3A_263 : vector<16xf32>
        %parallel_loop3A_296 = arith.index_cast %parallel_loop3A_261 : i32 to index
        %parallel_loop3A_297 = arith.constant 64 : index
        %parallel_loop3A_298 = tpu.vector_load %arg22[%parallel_loop3A_296, %parallel_loop3A_297] {strides = array<i32>} : memref<64x128xf32, #tpu.memory_space<vmem>>, vector<16xf32>,
        tpu.vector_store %arg22[%parallel_loop3A_296, %parallel_loop3A_297], %parallel_loop3A_295 {strides = array<i32>} : memref<64x128xf32, #tpu.memory_space<vmem>>, vector<16xf32>,
        %parallel_loop3A_299 = arith.index_cast %parallel_loop3A_261 : i32 to index
        %parallel_loop3A_300 = arith.constant 80 : index
        %parallel_loop3A_301 = tpu.vector_load %arg22[%parallel_loop3A_299, %parallel_loop3A_300] {strides = array<i32>} : memref<64x128xf32, #tpu.memory_space<vmem>>, vector<16xf32>,
        %parallel_loop3A_302 = arith.mulf %parallel_loop3A_301, %parallel_loop3A_263 : vector<16xf32>
        %parallel_loop3A_303 = arith.index_cast %parallel_loop3A_261 : i32 to index
        %parallel_loop3A_304 = arith.constant 80 : index
        %parallel_loop3A_305 = tpu.vector_load %arg22[%parallel_loop3A_303, %parallel_loop3A_304] {strides = array<i32>} : memref<64x128xf32, #tpu.memory_space<vmem>>, vector<16xf32>,
        tpu.vector_store %arg22[%parallel_loop3A_303, %parallel_loop3A_304], %parallel_loop3A_302 {strides = array<i32>} : memref<64x128xf32, #tpu.memory_space<vmem>>, vector<16xf32>,
        %parallel_loop3A_306 = arith.index_cast %parallel_loop3A_261 : i32 to index
        %parallel_loop3A_307 = arith.constant 96 : index
        %parallel_loop3A_308 = tpu.vector_load %arg22[%parallel_loop3A_306, %parallel_loop3A_307] {strides = array<i32>} : memref<64x128xf32, #tpu.memory_space<vmem>>, vector<16xf32>,
        %parallel_loop3A_309 = arith.mulf %parallel_loop3A_308, %parallel_loop3A_263 : vector<16xf32>
        %parallel_loop3A_310 = arith.index_cast %parallel_loop3A_261 : i32 to index
        %parallel_loop3A_311 = arith.constant 96 : index
        %parallel_loop3A_312 = tpu.vector_load %arg22[%parallel_loop3A_310, %parallel_loop3A_311] {strides = array<i32>} : memref<64x128xf32, #tpu.memory_space<vmem>>, vector<16xf32>,
        tpu.vector_store %arg22[%parallel_loop3A_310, %parallel_loop3A_311], %parallel_loop3A_309 {strides = array<i32>} : memref<64x128xf32, #tpu.memory_space<vmem>>, vector<16xf32>,
        %parallel_loop3A_313 = arith.index_cast %parallel_loop3A_261 : i32 to index
        %parallel_loop3A_314 = arith.constant 112 : index
        %parallel_loop3A_315 = tpu.vector_load %arg22[%parallel_loop3A_313, %parallel_loop3A_314] {strides = array<i32>} : memref<64x128xf32, #tpu.memory_space<vmem>>, vector<16xf32>,
        %parallel_loop3A_316 = arith.mulf %parallel_loop3A_315, %parallel_loop3A_263 : vector<16xf32>
        %parallel_loop3A_317 = arith.index_cast %parallel_loop3A_261 : i32 to index
        %parallel_loop3A_318 = arith.constant 112 : index
        %parallel_loop3A_319 = tpu.vector_load %arg22[%parallel_loop3A_317, %parallel_loop3A_318] {strides = array<i32>} : memref<64x128xf32, #tpu.memory_space<vmem>>, vector<16xf32>,
        tpu.vector_store %arg22[%parallel_loop3A_317, %parallel_loop3A_318], %parallel_loop3A_316 {strides = array<i32>} : memref<64x128xf32, #tpu.memory_space<vmem>>, vector<16xf32>,
      } {sc.loop_unroll_factor = 8 : i64, sc.parallel_access}
      %dma_start3A_234 = arith.constant 0 : i32
      %dma_start3A_235 = arith.constant 0 : i32
      %dma_start3A_236 = tpu.memref_slice %arg27[%dma_start3A_234, %dma_start3A_235] : memref<10240x128xf32, #tpu.memory_space<vmem_shared>> -> memref<10240x128xf32, #tpu.memory_space<vmem_shared>>
      tpu.enqueue_indirect_dma source(%arg22 : memref<64x128xf32, #tpu.memory_space<vmem>>) target(%dma_start3A_236 : memref<10240x128xf32, #tpu.memory_space<vmem_shared>>) offsets(%arg20 : memref<64xi32, #tpu.memory_space<vmem>>) semaphore(%arg32 : memref<!tpu.dma_semaphore, #tpu.memory_space<semaphore_mem>>) {add = true}
      %add3A_237 = arith.constant 0 : i32
      %add3A_238 = arith.addi %mul3A_146, %add3A_237 : i32
      %add3A_239 = arith.constant 2 : i32
      %add3A_240 = arith.addi %add3A_238, %add3A_239 : i32
      %lt3A = arith.cmpi slt, %add3A_240, %select_n3A : i32
      %convert_element_type3A_241 = arith.extui %lt3A : i1 to i32
      %cond3A_242 = arith.constant 0 : i32
      %cond3A_243 = arith.cmpi ne, %convert_element_type3A_241, %cond3A_242 : i32
      scf.if %cond3A_243 {
        %add3A_261 = arith.constant 0 : i32
        %add3A_262 = arith.addi %mul3A_146, %add3A_261 : i32
        %add3A_263 = arith.constant 2 : i32
        %add3A_264 = arith.addi %add3A_262, %add3A_263 : i32
        %mul3A_265 = arith.constant 64 : i32
        %mul3A_266 = arith.muli %add3A_264, %mul3A_265 : i32
        %add3A_267 = arith.addi %mul3A_48, %mul3A_266 : i32
        %dma_start3A_268 = tpu.memref_slice %arg5[%add3A_267] : memref<321536xi32, #tpu.memory_space<hbm>> -> memref<64xi32, #tpu.memory_space<hbm>>
        %dma_start3A_269 = tpu.memref_slice %arg5[%add3A_267] : memref<321536xi32, #tpu.memory_space<hbm>> -> memref<64xi32, #tpu.memory_space<hbm>>
        tpu.enqueue_dma source(%dma_start3A_269 : memref<64xi32, #tpu.memory_space<hbm>>) target(%arg14 : memref<64xi32, #tpu.memory_space<vmem>>) target_semaphore(%arg28 : memref<!tpu.dma_semaphore, #tpu.memory_space<semaphore_mem>>)
        %dma_start3A_270 = tpu.memref_slice %arg6[%add3A_267] : memref<321536xi32, #tpu.memory_space<hbm>> -> memref<64xi32, #tpu.memory_space<hbm>>
        %dma_start3A_271 = tpu.memref_slice %arg6[%add3A_267] : memref<321536xi32, #tpu.memory_space<hbm>> -> memref<64xi32, #tpu.memory_space<hbm>>
        tpu.enqueue_dma source(%dma_start3A_271 : memref<64xi32, #tpu.memory_space<hbm>>) target(%arg16 : memref<64xi32, #tpu.memory_space<vmem>>) target_semaphore(%arg28 : memref<!tpu.dma_semaphore, #tpu.memory_space<semaphore_mem>>)
        %dma_start3A_272 = tpu.memref_slice %arg7[%add3A_267] : memref<321536xf32, #tpu.memory_space<hbm>> -> memref<64xf32, #tpu.memory_space<hbm>>
        %dma_start3A_273 = tpu.memref_slice %arg7[%add3A_267] : memref<321536xf32, #tpu.memory_space<hbm>> -> memref<64xf32, #tpu.memory_space<hbm>>
        tpu.enqueue_dma source(%dma_start3A_273 : memref<64xf32, #tpu.memory_space<hbm>>) target(%arg18 : memref<64xf32, #tpu.memory_space<vmem>>) target_semaphore(%arg28 : memref<!tpu.dma_semaphore, #tpu.memory_space<semaphore_mem>>)
      } else {
      }
      %dma_wait3A_244 = arith.constant 0 : i32
      %dma_wait3A_245 = arith.constant 0 : i32
      %dma_wait3A_246 = tpu.memref_slice %arg2[%dma_wait3A_244, %dma_wait3A_245] : memref<10000x128xf32, #tpu.memory_space<hbm>> -> memref<10000x128xf32, #tpu.memory_space<hbm>>
      tpu.wait_indirect_dma semaphore(%arg31 : memref<!tpu.dma_semaphore, #tpu.memory_space<semaphore_mem>>) src(%dma_wait3A_246 : memref<10000x128xf32, #tpu.memory_space<hbm>>) dst(%arg23 : memref<64x128xf32, #tpu.memory_space<vmem>>)
      %parallel_loop3A_247 = arith.constant 0 : i32
      %parallel_loop3A_248 = arith.constant 64 : i32
      %parallel_loop3A_249 = arith.constant 1 : i32
      scf.for %parallel_loop3A_261 = %parallel_loop3A_247 to %parallel_loop3A_248 step %parallel_loop3A_249  : i32 {
        %parallel_loop3A_262 = vector.broadcast %parallel_loop3A_261 : i32 to vector<16xi32>
        %parallel_loop3A_263 = tpu.vector_load_idx %arg25[%parallel_loop3A_262] : memref<64xf32, #tpu.memory_space<vmem>>[vector<16xi32>], vector<16xf32>,
        %parallel_loop3A_264 = arith.index_cast %parallel_loop3A_261 : i32 to index
        %parallel_loop3A_265 = arith.constant 0 : index
        %parallel_loop3A_266 = tpu.vector_load %arg23[%parallel_loop3A_264, %parallel_loop3A_265] {strides = array<i32>} : memref<64x128xf32, #tpu.memory_space<vmem>>, vector<16xf32>,
        %parallel_loop3A_267 = arith.mulf %parallel_loop3A_266, %parallel_loop3A_263 : vector<16xf32>
        %parallel_loop3A_268 = arith.index_cast %parallel_loop3A_261 : i32 to index
        %parallel_loop3A_269 = arith.constant 0 : index
        %parallel_loop3A_270 = tpu.vector_load %arg23[%parallel_loop3A_268, %parallel_loop3A_269] {strides = array<i32>} : memref<64x128xf32, #tpu.memory_space<vmem>>, vector<16xf32>,
        tpu.vector_store %arg23[%parallel_loop3A_268, %parallel_loop3A_269], %parallel_loop3A_267 {strides = array<i32>} : memref<64x128xf32, #tpu.memory_space<vmem>>, vector<16xf32>,
        %parallel_loop3A_271 = arith.index_cast %parallel_loop3A_261 : i32 to index
        %parallel_loop3A_272 = arith.constant 16 : index
        %parallel_loop3A_273 = tpu.vector_load %arg23[%parallel_loop3A_271, %parallel_loop3A_272] {strides = array<i32>} : memref<64x128xf32, #tpu.memory_space<vmem>>, vector<16xf32>,
        %parallel_loop3A_274 = arith.mulf %parallel_loop3A_273, %parallel_loop3A_263 : vector<16xf32>
        %parallel_loop3A_275 = arith.index_cast %parallel_loop3A_261 : i32 to index
        %parallel_loop3A_276 = arith.constant 16 : index
        %parallel_loop3A_277 = tpu.vector_load %arg23[%parallel_loop3A_275, %parallel_loop3A_276] {strides = array<i32>} : memref<64x128xf32, #tpu.memory_space<vmem>>, vector<16xf32>,
        tpu.vector_store %arg23[%parallel_loop3A_275, %parallel_loop3A_276], %parallel_loop3A_274 {strides = array<i32>} : memref<64x128xf32, #tpu.memory_space<vmem>>, vector<16xf32>,
        %parallel_loop3A_278 = arith.index_cast %parallel_loop3A_261 : i32 to index
        %parallel_loop3A_279 = arith.constant 32 : index
        %parallel_loop3A_280 = tpu.vector_load %arg23[%parallel_loop3A_278, %parallel_loop3A_279] {strides = array<i32>} : memref<64x128xf32, #tpu.memory_space<vmem>>, vector<16xf32>,
        %parallel_loop3A_281 = arith.mulf %parallel_loop3A_280, %parallel_loop3A_263 : vector<16xf32>
        %parallel_loop3A_282 = arith.index_cast %parallel_loop3A_261 : i32 to index
        %parallel_loop3A_283 = arith.constant 32 : index
        %parallel_loop3A_284 = tpu.vector_load %arg23[%parallel_loop3A_282, %parallel_loop3A_283] {strides = array<i32>} : memref<64x128xf32, #tpu.memory_space<vmem>>, vector<16xf32>,
        tpu.vector_store %arg23[%parallel_loop3A_282, %parallel_loop3A_283], %parallel_loop3A_281 {strides = array<i32>} : memref<64x128xf32, #tpu.memory_space<vmem>>, vector<16xf32>,
        %parallel_loop3A_285 = arith.index_cast %parallel_loop3A_261 : i32 to index
        %parallel_loop3A_286 = arith.constant 48 : index
        %parallel_loop3A_287 = tpu.vector_load %arg23[%parallel_loop3A_285, %parallel_loop3A_286] {strides = array<i32>} : memref<64x128xf32, #tpu.memory_space<vmem>>, vector<16xf32>,
        %parallel_loop3A_288 = arith.mulf %parallel_loop3A_287, %parallel_loop3A_263 : vector<16xf32>
        %parallel_loop3A_289 = arith.index_cast %parallel_loop3A_261 : i32 to index
        %parallel_loop3A_290 = arith.constant 48 : index
        %parallel_loop3A_291 = tpu.vector_load %arg23[%parallel_loop3A_289, %parallel_loop3A_290] {strides = array<i32>} : memref<64x128xf32, #tpu.memory_space<vmem>>, vector<16xf32>,
        tpu.vector_store %arg23[%parallel_loop3A_289, %parallel_loop3A_290], %parallel_loop3A_288 {strides = array<i32>} : memref<64x128xf32, #tpu.memory_space<vmem>>, vector<16xf32>,
        %parallel_loop3A_292 = arith.index_cast %parallel_loop3A_261 : i32 to index
        %parallel_loop3A_293 = arith.constant 64 : index
        %parallel_loop3A_294 = tpu.vector_load %arg23[%parallel_loop3A_292, %parallel_loop3A_293] {strides = array<i32>} : memref<64x128xf32, #tpu.memory_space<vmem>>, vector<16xf32>,
        %parallel_loop3A_295 = arith.mulf %parallel_loop3A_294, %parallel_loop3A_263 : vector<16xf32>
        %parallel_loop3A_296 = arith.index_cast %parallel_loop3A_261 : i32 to index
        %parallel_loop3A_297 = arith.constant 64 : index
        %parallel_loop3A_298 = tpu.vector_load %arg23[%parallel_loop3A_296, %parallel_loop3A_297] {strides = array<i32>} : memref<64x128xf32, #tpu.memory_space<vmem>>, vector<16xf32>,
        tpu.vector_store %arg23[%parallel_loop3A_296, %parallel_loop3A_297], %parallel_loop3A_295 {strides = array<i32>} : memref<64x128xf32, #tpu.memory_space<vmem>>, vector<16xf32>,
        %parallel_loop3A_299 = arith.index_cast %parallel_loop3A_261 : i32 to index
        %parallel_loop3A_300 = arith.constant 80 : index
        %parallel_loop3A_301 = tpu.vector_load %arg23[%parallel_loop3A_299, %parallel_loop3A_300] {strides = array<i32>} : memref<64x128xf32, #tpu.memory_space<vmem>>, vector<16xf32>,
        %parallel_loop3A_302 = arith.mulf %parallel_loop3A_301, %parallel_loop3A_263 : vector<16xf32>
        %parallel_loop3A_303 = arith.index_cast %parallel_loop3A_261 : i32 to index
        %parallel_loop3A_304 = arith.constant 80 : index
        %parallel_loop3A_305 = tpu.vector_load %arg23[%parallel_loop3A_303, %parallel_loop3A_304] {strides = array<i32>} : memref<64x128xf32, #tpu.memory_space<vmem>>, vector<16xf32>,
        tpu.vector_store %arg23[%parallel_loop3A_303, %parallel_loop3A_304], %parallel_loop3A_302 {strides = array<i32>} : memref<64x128xf32, #tpu.memory_space<vmem>>, vector<16xf32>,
        %parallel_loop3A_306 = arith.index_cast %parallel_loop3A_261 : i32 to index
        %parallel_loop3A_307 = arith.constant 96 : index
        %parallel_loop3A_308 = tpu.vector_load %arg23[%parallel_loop3A_306, %parallel_loop3A_307] {strides = array<i32>} : memref<64x128xf32, #tpu.memory_space<vmem>>, vector<16xf32>,
        %parallel_loop3A_309 = arith.mulf %parallel_loop3A_308, %parallel_loop3A_263 : vector<16xf32>
        %parallel_loop3A_310 = arith.index_cast %parallel_loop3A_261 : i32 to index
        %parallel_loop3A_311 = arith.constant 96 : index
        %parallel_loop3A_312 = tpu.vector_load %arg23[%parallel_loop3A_310, %parallel_loop3A_311] {strides = array<i32>} : memref<64x128xf32, #tpu.memory_space<vmem>>, vector<16xf32>,
        tpu.vector_store %arg23[%parallel_loop3A_310, %parallel_loop3A_311], %parallel_loop3A_309 {strides = array<i32>} : memref<64x128xf32, #tpu.memory_space<vmem>>, vector<16xf32>,
        %parallel_loop3A_313 = arith.index_cast %parallel_loop3A_261 : i32 to index
        %parallel_loop3A_314 = arith.constant 112 : index
        %parallel_loop3A_315 = tpu.vector_load %arg23[%parallel_loop3A_313, %parallel_loop3A_314] {strides = array<i32>} : memref<64x128xf32, #tpu.memory_space<vmem>>, vector<16xf32>,
        %parallel_loop3A_316 = arith.mulf %parallel_loop3A_315, %parallel_loop3A_263 : vector<16xf32>
        %parallel_loop3A_317 = arith.index_cast %parallel_loop3A_261 : i32 to index
        %parallel_loop3A_318 = arith.constant 112 : index
        %parallel_loop3A_319 = tpu.vector_load %arg23[%parallel_loop3A_317, %parallel_loop3A_318] {strides = array<i32>} : memref<64x128xf32, #tpu.memory_space<vmem>>, vector<16xf32>,
        tpu.vector_store %arg23[%parallel_loop3A_317, %parallel_loop3A_318], %parallel_loop3A_316 {strides = array<i32>} : memref<64x128xf32, #tpu.memory_space<vmem>>, vector<16xf32>,
      } {sc.loop_unroll_factor = 8 : i64, sc.parallel_access}
      %dma_start3A_250 = arith.constant 0 : i32
      %dma_start3A_251 = arith.constant 0 : i32
      %dma_start3A_252 = tpu.memref_slice %arg27[%dma_start3A_250, %dma_start3A_251] : memref<10240x128xf32, #tpu.memory_space<vmem_shared>> -> memref<10240x128xf32, #tpu.memory_space<vmem_shared>>
      tpu.enqueue_indirect_dma source(%arg23 : memref<64x128xf32, #tpu.memory_space<vmem>>) target(%dma_start3A_252 : memref<10240x128xf32, #tpu.memory_space<vmem_shared>>) offsets(%arg21 : memref<64xi32, #tpu.memory_space<vmem>>) semaphore(%arg33 : memref<!tpu.dma_semaphore, #tpu.memory_space<semaphore_mem>>) {add = true}
      %add3A_253 = arith.constant 1 : i32
      %add3A_254 = arith.addi %mul3A_146, %add3A_253 : i32
      %add3A_255 = arith.constant 2 : i32
      %add3A_256 = arith.addi %add3A_254, %add3A_255 : i32
      %lt3A_257 = arith.cmpi slt, %add3A_256, %select_n3A : i32
      %convert_element_type3A_258 = arith.extui %lt3A_257 : i1 to i32
      %cond3A_259 = arith.constant 0 : i32
      %cond3A_260 = arith.cmpi ne, %convert_element_type3A_258, %cond3A_259 : i32
      scf.if %cond3A_260 {
        %add3A_261 = arith.constant 1 : i32
        %add3A_262 = arith.addi %mul3A_146, %add3A_261 : i32
        %add3A_263 = arith.constant 2 : i32
        %add3A_264 = arith.addi %add3A_262, %add3A_263 : i32
        %mul3A_265 = arith.constant 64 : i32
        %mul3A_266 = arith.muli %add3A_264, %mul3A_265 : i32
        %add3A_267 = arith.addi %mul3A_48, %mul3A_266 : i32
        %dma_start3A_268 = tpu.memref_slice %arg5[%add3A_267] : memref<321536xi32, #tpu.memory_space<hbm>> -> memref<64xi32, #tpu.memory_space<hbm>>
        %dma_start3A_269 = tpu.memref_slice %arg5[%add3A_267] : memref<321536xi32, #tpu.memory_space<hbm>> -> memref<64xi32, #tpu.memory_space<hbm>>
        tpu.enqueue_dma source(%dma_start3A_269 : memref<64xi32, #tpu.memory_space<hbm>>) target(%arg15 : memref<64xi32, #tpu.memory_space<vmem>>) target_semaphore(%arg29 : memref<!tpu.dma_semaphore, #tpu.memory_space<semaphore_mem>>)
        %dma_start3A_270 = tpu.memref_slice %arg6[%add3A_267] : memref<321536xi32, #tpu.memory_space<hbm>> -> memref<64xi32, #tpu.memory_space<hbm>>
        %dma_start3A_271 = tpu.memref_slice %arg6[%add3A_267] : memref<321536xi32, #tpu.memory_space<hbm>> -> memref<64xi32, #tpu.memory_space<hbm>>
        tpu.enqueue_dma source(%dma_start3A_271 : memref<64xi32, #tpu.memory_space<hbm>>) target(%arg17 : memref<64xi32, #tpu.memory_space<vmem>>) target_semaphore(%arg29 : memref<!tpu.dma_semaphore, #tpu.memory_space<semaphore_mem>>)
        %dma_start3A_272 = tpu.memref_slice %arg7[%add3A_267] : memref<321536xf32, #tpu.memory_space<hbm>> -> memref<64xf32, #tpu.memory_space<hbm>>
        %dma_start3A_273 = tpu.memref_slice %arg7[%add3A_267] : memref<321536xf32, #tpu.memory_space<hbm>> -> memref<64xf32, #tpu.memory_space<hbm>>
        tpu.enqueue_dma source(%dma_start3A_273 : memref<64xf32, #tpu.memory_space<hbm>>) target(%arg19 : memref<64xf32, #tpu.memory_space<vmem>>) target_semaphore(%arg29 : memref<!tpu.dma_semaphore, #tpu.memory_space<semaphore_mem>>)
      } else {
      }
    }
    %dma_wait3A = arith.constant 0 : i32
    %dma_wait3A_91 = arith.constant 0 : i32
    %dma_wait3A_92 = tpu.memref_slice %arg27[%dma_wait3A, %dma_wait3A_91] : memref<10240x128xf32, #tpu.memory_space<vmem_shared>> -> memref<10240x128xf32, #tpu.memory_space<vmem_shared>>
    tpu.wait_indirect_dma semaphore(%arg32 : memref<!tpu.dma_semaphore, #tpu.memory_space<semaphore_mem>>) src(%arg22 : memref<64x128xf32, #tpu.memory_space<vmem>>) dst(%dma_wait3A_92 : memref<10240x128xf32, #tpu.memory_space<vmem_shared>>)
    %dma_wait3A_93 = arith.constant 0 : i32
    %dma_wait3A_94 = arith.constant 0 : i32
    %dma_wait3A_95 = tpu.memref_slice %arg27[%dma_wait3A_93, %dma_wait3A_94] : memref<10240x128xf32, #tpu.memory_space<vmem_shared>> -> memref<10240x128xf32, #tpu.memory_space<vmem_shared>>
    tpu.wait_indirect_dma semaphore(%arg33 : memref<!tpu.dma_semaphore, #tpu.memory_space<semaphore_mem>>) src(%arg23 : memref<64x128xf32, #tpu.memory_space<vmem>>) dst(%dma_wait3A_95 : memref<10240x128xf32, #tpu.memory_space<vmem_shared>>)
    %mul3A_96 = arith.constant 10000 : i32
    %mul3A_97 = arith.muli %add3A, %mul3A_96 : i32
    %multiple_of3A_98 = tpu.assume_multiple %mul3A_97, 8 : i32
    "tpu.region"() ({
      %run_scoped3A = tpu.sem_alloc : memref<!tpu.dma_semaphore, #tpu.memory_space<semaphore_mem>>
      %dma_start3A_144 = tpu.memref_slice %arg10[%multiple_of3A_98] : memref<320000xf32, #tpu.memory_space<hbm>> -> memref<10000xf32, #tpu.memory_space<hbm>>
      %dma_start3A_145 = tpu.memref_slice %arg10[%multiple_of3A_98] : memref<320000xf32, #tpu.memory_space<hbm>> -> memref<10000xf32, #tpu.memory_space<hbm>>
      tpu.enqueue_dma source(%arg13 : memref<10000xf32, #tpu.memory_space<vmem>>) target(%dma_start3A_145 : memref<10000xf32, #tpu.memory_space<hbm>>) target_semaphore(%run_scoped3A : memref<!tpu.dma_semaphore, #tpu.memory_space<semaphore_mem>>)
      %dma_wait3A_146 = tpu.memref_slice %arg10[%multiple_of3A_98] : memref<320000xf32, #tpu.memory_space<hbm>> -> memref<10000xf32, #tpu.memory_space<hbm>>
      %dma_wait3A_147 = tpu.memref_slice %arg10[%multiple_of3A_98] : memref<320000xf32, #tpu.memory_space<hbm>> -> memref<10000xf32, #tpu.memory_space<hbm>>
      tpu.wait_dma2 semaphore(%run_scoped3A : memref<!tpu.dma_semaphore, #tpu.memory_space<semaphore_mem>>) src(%arg13 : memref<10000xf32, #tpu.memory_space<vmem>>) dst(%dma_wait3A_147 : memref<10000xf32, #tpu.memory_space<hbm>>)
      tpu.yield
    }) : () -> ()
    %barrier3A_99 = arith.constant 0 : index
    tpu.barrier barrier_id(%barrier3A_99)
    %mul3A_100 = arith.constant 10240 : i32
    %mul3A_101 = arith.muli %arg0, %mul3A_100 : i32
    %add3A_102 = arith.addi %mul3A_101, %multiple_of3A : i32
    %multiple_of3A_103 = tpu.assume_multiple %add3A_102, 64 : i32
    %add3A_104 = arith.constant 0 : i32
    %add3A_105 = arith.addi %multiple_of3A, %add3A_104 : i32
    %add3A_106 = arith.constant 0 : i32
    %add3A_107 = arith.addi %multiple_of3A_103, %add3A_106 : i32
    "tpu.region"() ({
      %run_scoped3A = tpu.sem_alloc : memref<!tpu.dma_semaphore, #tpu.memory_space<semaphore_mem>>
      %dma_start3A_144 = arith.constant 0 : i32
      %dma_start3A_145 = tpu.memref_slice %arg9[%add3A_107, %dma_start3A_144] : memref<20480x128xf32, #tpu.memory_space<hbm>> -> memref<64x128xf32, #tpu.memory_space<hbm>>
      %dma_start3A_146 = arith.constant 0 : i32
      %dma_start3A_147 = tpu.memref_slice %arg27[%add3A_105, %dma_start3A_146] : memref<10240x128xf32, #tpu.memory_space<vmem_shared>> -> memref<64x128xf32, #tpu.memory_space<vmem_shared>>
      tpu.enqueue_dma source(%dma_start3A_147 : memref<64x128xf32, #tpu.memory_space<vmem_shared>>) target(%dma_start3A_145 : memref<64x128xf32, #tpu.memory_space<hbm>>) target_semaphore(%run_scoped3A : memref<!tpu.dma_semaphore, #tpu.memory_space<semaphore_mem>>)
      %dma_wait3A_148 = arith.constant 0 : i32
      %dma_wait3A_149 = tpu.memref_slice %arg9[%add3A_107, %dma_wait3A_148] : memref<20480x128xf32, #tpu.memory_space<hbm>> -> memref<64x128xf32, #tpu.memory_space<hbm>>
      %dma_wait3A_150 = arith.constant 0 : i32
      %dma_wait3A_151 = tpu.memref_slice %arg27[%add3A_105, %dma_wait3A_150] : memref<10240x128xf32, #tpu.memory_space<vmem_shared>> -> memref<64x128xf32, #tpu.memory_space<vmem_shared>>
      tpu.wait_dma2 semaphore(%run_scoped3A : memref<!tpu.dma_semaphore, #tpu.memory_space<semaphore_mem>>) src(%dma_wait3A_151 : memref<64x128xf32, #tpu.memory_space<vmem_shared>>) dst(%dma_wait3A_149 : memref<64x128xf32, #tpu.memory_space<hbm>>)
      tpu.yield
    }) : () -> ()
    %add3A_108 = arith.constant 64 : i32
    %add3A_109 = arith.addi %multiple_of3A, %add3A_108 : i32
    %add3A_110 = arith.constant 64 : i32
    %add3A_111 = arith.addi %multiple_of3A_103, %add3A_110 : i32
    "tpu.region"() ({
      %run_scoped3A = tpu.sem_alloc : memref<!tpu.dma_semaphore, #tpu.memory_space<semaphore_mem>>
      %dma_start3A_144 = arith.constant 0 : i32
      %dma_start3A_145 = tpu.memref_slice %arg9[%add3A_111, %dma_start3A_144] : memref<20480x128xf32, #tpu.memory_space<hbm>> -> memref<64x128xf32, #tpu.memory_space<hbm>>
      %dma_start3A_146 = arith.constant 0 : i32
      %dma_start3A_147 = tpu.memref_slice %arg27[%add3A_109, %dma_start3A_146] : memref<10240x128xf32, #tpu.memory_space<vmem_shared>> -> memref<64x128xf32, #tpu.memory_space<vmem_shared>>
      tpu.enqueue_dma source(%dma_start3A_147 : memref<64x128xf32, #tpu.memory_space<vmem_shared>>) target(%dma_start3A_145 : memref<64x128xf32, #tpu.memory_space<hbm>>) target_semaphore(%run_scoped3A : memref<!tpu.dma_semaphore, #tpu.memory_space<semaphore_mem>>)
      %dma_wait3A_148 = arith.constant 0 : i32
      %dma_wait3A_149 = tpu.memref_slice %arg9[%add3A_111, %dma_wait3A_148] : memref<20480x128xf32, #tpu.memory_space<hbm>> -> memref<64x128xf32, #tpu.memory_space<hbm>>
      %dma_wait3A_150 = arith.constant 0 : i32
      %dma_wait3A_151 = tpu.memref_slice %arg27[%add3A_109, %dma_wait3A_150] : memref<10240x128xf32, #tpu.memory_space<vmem_shared>> -> memref<64x128xf32, #tpu.memory_space<vmem_shared>>
      tpu.wait_dma2 semaphore(%run_scoped3A : memref<!tpu.dma_semaphore, #tpu.memory_space<semaphore_mem>>) src(%dma_wait3A_151 : memref<64x128xf32, #tpu.memory_space<vmem_shared>>) dst(%dma_wait3A_149 : memref<64x128xf32, #tpu.memory_space<hbm>>)
      tpu.yield
    }) : () -> ()
    %add3A_112 = arith.constant 128 : i32
    %add3A_113 = arith.addi %multiple_of3A, %add3A_112 : i32
    %add3A_114 = arith.constant 128 : i32
    %add3A_115 = arith.addi %multiple_of3A_103, %add3A_114 : i32
    "tpu.region"() ({
      %run_scoped3A = tpu.sem_alloc : memref<!tpu.dma_semaphore, #tpu.memory_space<semaphore_mem>>
      %dma_start3A_144 = arith.constant 0 : i32
      %dma_start3A_145 = tpu.memref_slice %arg9[%add3A_115, %dma_start3A_144] : memref<20480x128xf32, #tpu.memory_space<hbm>> -> memref<64x128xf32, #tpu.memory_space<hbm>>
      %dma_start3A_146 = arith.constant 0 : i32
      %dma_start3A_147 = tpu.memref_slice %arg27[%add3A_113, %dma_start3A_146] : memref<10240x128xf32, #tpu.memory_space<vmem_shared>> -> memref<64x128xf32, #tpu.memory_space<vmem_shared>>
      tpu.enqueue_dma source(%dma_start3A_147 : memref<64x128xf32, #tpu.memory_space<vmem_shared>>) target(%dma_start3A_145 : memref<64x128xf32, #tpu.memory_space<hbm>>) target_semaphore(%run_scoped3A : memref<!tpu.dma_semaphore, #tpu.memory_space<semaphore_mem>>)
      %dma_wait3A_148 = arith.constant 0 : i32
      %dma_wait3A_149 = tpu.memref_slice %arg9[%add3A_115, %dma_wait3A_148] : memref<20480x128xf32, #tpu.memory_space<hbm>> -> memref<64x128xf32, #tpu.memory_space<hbm>>
      %dma_wait3A_150 = arith.constant 0 : i32
      %dma_wait3A_151 = tpu.memref_slice %arg27[%add3A_113, %dma_wait3A_150] : memref<10240x128xf32, #tpu.memory_space<vmem_shared>> -> memref<64x128xf32, #tpu.memory_space<vmem_shared>>
      tpu.wait_dma2 semaphore(%run_scoped3A : memref<!tpu.dma_semaphore, #tpu.memory_space<semaphore_mem>>) src(%dma_wait3A_151 : memref<64x128xf32, #tpu.memory_space<vmem_shared>>) dst(%dma_wait3A_149 : memref<64x128xf32, #tpu.memory_space<hbm>>)
      tpu.yield
    }) : () -> ()
    %add3A_116 = arith.constant 192 : i32
    %add3A_117 = arith.addi %multiple_of3A, %add3A_116 : i32
    %add3A_118 = arith.constant 192 : i32
    %add3A_119 = arith.addi %multiple_of3A_103, %add3A_118 : i32
    "tpu.region"() ({
      %run_scoped3A = tpu.sem_alloc : memref<!tpu.dma_semaphore, #tpu.memory_space<semaphore_mem>>
      %dma_start3A_144 = arith.constant 0 : i32
      %dma_start3A_145 = tpu.memref_slice %arg9[%add3A_119, %dma_start3A_144] : memref<20480x128xf32, #tpu.memory_space<hbm>> -> memref<64x128xf32, #tpu.memory_space<hbm>>
      %dma_start3A_146 = arith.constant 0 : i32
      %dma_start3A_147 = tpu.memref_slice %arg27[%add3A_117, %dma_start3A_146] : memref<10240x128xf32, #tpu.memory_space<vmem_shared>> -> memref<64x128xf32, #tpu.memory_space<vmem_shared>>
      tpu.enqueue_dma source(%dma_start3A_147 : memref<64x128xf32, #tpu.memory_space<vmem_shared>>) target(%dma_start3A_145 : memref<64x128xf32, #tpu.memory_space<hbm>>) target_semaphore(%run_scoped3A : memref<!tpu.dma_semaphore, #tpu.memory_space<semaphore_mem>>)
      %dma_wait3A_148 = arith.constant 0 : i32
      %dma_wait3A_149 = tpu.memref_slice %arg9[%add3A_119, %dma_wait3A_148] : memref<20480x128xf32, #tpu.memory_space<hbm>> -> memref<64x128xf32, #tpu.memory_space<hbm>>
      %dma_wait3A_150 = arith.constant 0 : i32
      %dma_wait3A_151 = tpu.memref_slice %arg27[%add3A_117, %dma_wait3A_150] : memref<10240x128xf32, #tpu.memory_space<vmem_shared>> -> memref<64x128xf32, #tpu.memory_space<vmem_shared>>
      tpu.wait_dma2 semaphore(%run_scoped3A : memref<!tpu.dma_semaphore, #tpu.memory_space<semaphore_mem>>) src(%dma_wait3A_151 : memref<64x128xf32, #tpu.memory_space<vmem_shared>>) dst(%dma_wait3A_149 : memref<64x128xf32, #tpu.memory_space<hbm>>)
      tpu.yield
    }) : () -> ()
    %add3A_120 = arith.constant 256 : i32
    %add3A_121 = arith.addi %multiple_of3A, %add3A_120 : i32
    %add3A_122 = arith.constant 256 : i32
    %add3A_123 = arith.addi %multiple_of3A_103, %add3A_122 : i32
    "tpu.region"() ({
      %run_scoped3A = tpu.sem_alloc : memref<!tpu.dma_semaphore, #tpu.memory_space<semaphore_mem>>
      %dma_start3A_144 = arith.constant 0 : i32
      %dma_start3A_145 = tpu.memref_slice %arg9[%add3A_123, %dma_start3A_144] : memref<20480x128xf32, #tpu.memory_space<hbm>> -> memref<64x128xf32, #tpu.memory_space<hbm>>
      %dma_start3A_146 = arith.constant 0 : i32
      %dma_start3A_147 = tpu.memref_slice %arg27[%add3A_121, %dma_start3A_146] : memref<10240x128xf32, #tpu.memory_space<vmem_shared>> -> memref<64x128xf32, #tpu.memory_space<vmem_shared>>
      tpu.enqueue_dma source(%dma_start3A_147 : memref<64x128xf32, #tpu.memory_space<vmem_shared>>) target(%dma_start3A_145 : memref<64x128xf32, #tpu.memory_space<hbm>>) target_semaphore(%run_scoped3A : memref<!tpu.dma_semaphore, #tpu.memory_space<semaphore_mem>>)
      %dma_wait3A_148 = arith.constant 0 : i32
      %dma_wait3A_149 = tpu.memref_slice %arg9[%add3A_123, %dma_wait3A_148] : memref<20480x128xf32, #tpu.memory_space<hbm>> -> memref<64x128xf32, #tpu.memory_space<hbm>>
      %dma_wait3A_150 = arith.constant 0 : i32
      %dma_wait3A_151 = tpu.memref_slice %arg27[%add3A_121, %dma_wait3A_150] : memref<10240x128xf32, #tpu.memory_space<vmem_shared>> -> memref<64x128xf32, #tpu.memory_space<vmem_shared>>
      tpu.wait_dma2 semaphore(%run_scoped3A : memref<!tpu.dma_semaphore, #tpu.memory_space<semaphore_mem>>) src(%dma_wait3A_151 : memref<64x128xf32, #tpu.memory_space<vmem_shared>>) dst(%dma_wait3A_149 : memref<64x128xf32, #tpu.memory_space<hbm>>)
      tpu.yield
    }) : () -> ()
    %add3A_124 = arith.constant 320 : i32
    %add3A_125 = arith.addi %multiple_of3A, %add3A_124 : i32
    %add3A_126 = arith.constant 320 : i32
    %add3A_127 = arith.addi %multiple_of3A_103, %add3A_126 : i32
    "tpu.region"() ({
      %run_scoped3A = tpu.sem_alloc : memref<!tpu.dma_semaphore, #tpu.memory_space<semaphore_mem>>
      %dma_start3A_144 = arith.constant 0 : i32
      %dma_start3A_145 = tpu.memref_slice %arg9[%add3A_127, %dma_start3A_144] : memref<20480x128xf32, #tpu.memory_space<hbm>> -> memref<64x128xf32, #tpu.memory_space<hbm>>
      %dma_start3A_146 = arith.constant 0 : i32
      %dma_start3A_147 = tpu.memref_slice %arg27[%add3A_125, %dma_start3A_146] : memref<10240x128xf32, #tpu.memory_space<vmem_shared>> -> memref<64x128xf32, #tpu.memory_space<vmem_shared>>
      tpu.enqueue_dma source(%dma_start3A_147 : memref<64x128xf32, #tpu.memory_space<vmem_shared>>) target(%dma_start3A_145 : memref<64x128xf32, #tpu.memory_space<hbm>>) target_semaphore(%run_scoped3A : memref<!tpu.dma_semaphore, #tpu.memory_space<semaphore_mem>>)
      %dma_wait3A_148 = arith.constant 0 : i32
      %dma_wait3A_149 = tpu.memref_slice %arg9[%add3A_127, %dma_wait3A_148] : memref<20480x128xf32, #tpu.memory_space<hbm>> -> memref<64x128xf32, #tpu.memory_space<hbm>>
      %dma_wait3A_150 = arith.constant 0 : i32
      %dma_wait3A_151 = tpu.memref_slice %arg27[%add3A_125, %dma_wait3A_150] : memref<10240x128xf32, #tpu.memory_space<vmem_shared>> -> memref<64x128xf32, #tpu.memory_space<vmem_shared>>
      tpu.wait_dma2 semaphore(%run_scoped3A : memref<!tpu.dma_semaphore, #tpu.memory_space<semaphore_mem>>) src(%dma_wait3A_151 : memref<64x128xf32, #tpu.memory_space<vmem_shared>>) dst(%dma_wait3A_149 : memref<64x128xf32, #tpu.memory_space<hbm>>)
      tpu.yield
    }) : () -> ()
    %add3A_128 = arith.constant 384 : i32
    %add3A_129 = arith.addi %multiple_of3A, %add3A_128 : i32
    %add3A_130 = arith.constant 384 : i32
    %add3A_131 = arith.addi %multiple_of3A_103, %add3A_130 : i32
    "tpu.region"() ({
      %run_scoped3A = tpu.sem_alloc : memref<!tpu.dma_semaphore, #tpu.memory_space<semaphore_mem>>
      %dma_start3A_144 = arith.constant 0 : i32
      %dma_start3A_145 = tpu.memref_slice %arg9[%add3A_131, %dma_start3A_144] : memref<20480x128xf32, #tpu.memory_space<hbm>> -> memref<64x128xf32, #tpu.memory_space<hbm>>
      %dma_start3A_146 = arith.constant 0 : i32
      %dma_start3A_147 = tpu.memref_slice %arg27[%add3A_129, %dma_start3A_146] : memref<10240x128xf32, #tpu.memory_space<vmem_shared>> -> memref<64x128xf32, #tpu.memory_space<vmem_shared>>
      tpu.enqueue_dma source(%dma_start3A_147 : memref<64x128xf32, #tpu.memory_space<vmem_shared>>) target(%dma_start3A_145 : memref<64x128xf32, #tpu.memory_space<hbm>>) target_semaphore(%run_scoped3A : memref<!tpu.dma_semaphore, #tpu.memory_space<semaphore_mem>>)
      %dma_wait3A_148 = arith.constant 0 : i32
      %dma_wait3A_149 = tpu.memref_slice %arg9[%add3A_131, %dma_wait3A_148] : memref<20480x128xf32, #tpu.memory_space<hbm>> -> memref<64x128xf32, #tpu.memory_space<hbm>>
      %dma_wait3A_150 = arith.constant 0 : i32
      %dma_wait3A_151 = tpu.memref_slice %arg27[%add3A_129, %dma_wait3A_150] : memref<10240x128xf32, #tpu.memory_space<vmem_shared>> -> memref<64x128xf32, #tpu.memory_space<vmem_shared>>
      tpu.wait_dma2 semaphore(%run_scoped3A : memref<!tpu.dma_semaphore, #tpu.memory_space<semaphore_mem>>) src(%dma_wait3A_151 : memref<64x128xf32, #tpu.memory_space<vmem_shared>>) dst(%dma_wait3A_149 : memref<64x128xf32, #tpu.memory_space<hbm>>)
      tpu.yield
    }) : () -> ()
    %add3A_132 = arith.constant 448 : i32
    %add3A_133 = arith.addi %multiple_of3A, %add3A_132 : i32
    %add3A_134 = arith.constant 448 : i32
    %add3A_135 = arith.addi %multiple_of3A_103, %add3A_134 : i32
    "tpu.region"() ({
      %run_scoped3A = tpu.sem_alloc : memref<!tpu.dma_semaphore, #tpu.memory_space<semaphore_mem>>
      %dma_start3A_144 = arith.constant 0 : i32
      %dma_start3A_145 = tpu.memref_slice %arg9[%add3A_135, %dma_start3A_144] : memref<20480x128xf32, #tpu.memory_space<hbm>> -> memref<64x128xf32, #tpu.memory_space<hbm>>
      %dma_start3A_146 = arith.constant 0 : i32
      %dma_start3A_147 = tpu.memref_slice %arg27[%add3A_133, %dma_start3A_146] : memref<10240x128xf32, #tpu.memory_space<vmem_shared>> -> memref<64x128xf32, #tpu.memory_space<vmem_shared>>
      tpu.enqueue_dma source(%dma_start3A_147 : memref<64x128xf32, #tpu.memory_space<vmem_shared>>) target(%dma_start3A_145 : memref<64x128xf32, #tpu.memory_space<hbm>>) target_semaphore(%run_scoped3A : memref<!tpu.dma_semaphore, #tpu.memory_space<semaphore_mem>>)
      %dma_wait3A_148 = arith.constant 0 : i32
      %dma_wait3A_149 = tpu.memref_slice %arg9[%add3A_135, %dma_wait3A_148] : memref<20480x128xf32, #tpu.memory_space<hbm>> -> memref<64x128xf32, #tpu.memory_space<hbm>>
      %dma_wait3A_150 = arith.constant 0 : i32
      %dma_wait3A_151 = tpu.memref_slice %arg27[%add3A_133, %dma_wait3A_150] : memref<10240x128xf32, #tpu.memory_space<vmem_shared>> -> memref<64x128xf32, #tpu.memory_space<vmem_shared>>
      tpu.wait_dma2 semaphore(%run_scoped3A : memref<!tpu.dma_semaphore, #tpu.memory_space<semaphore_mem>>) src(%dma_wait3A_151 : memref<64x128xf32, #tpu.memory_space<vmem_shared>>) dst(%dma_wait3A_149 : memref<64x128xf32, #tpu.memory_space<hbm>>)
      tpu.yield
    }) : () -> ()
    %add3A_136 = arith.constant 512 : i32
    %add3A_137 = arith.addi %multiple_of3A, %add3A_136 : i32
    %add3A_138 = arith.constant 512 : i32
    %add3A_139 = arith.addi %multiple_of3A_103, %add3A_138 : i32
    "tpu.region"() ({
      %run_scoped3A = tpu.sem_alloc : memref<!tpu.dma_semaphore, #tpu.memory_space<semaphore_mem>>
      %dma_start3A_144 = arith.constant 0 : i32
      %dma_start3A_145 = tpu.memref_slice %arg9[%add3A_139, %dma_start3A_144] : memref<20480x128xf32, #tpu.memory_space<hbm>> -> memref<64x128xf32, #tpu.memory_space<hbm>>
      %dma_start3A_146 = arith.constant 0 : i32
      %dma_start3A_147 = tpu.memref_slice %arg27[%add3A_137, %dma_start3A_146] : memref<10240x128xf32, #tpu.memory_space<vmem_shared>> -> memref<64x128xf32, #tpu.memory_space<vmem_shared>>
      tpu.enqueue_dma source(%dma_start3A_147 : memref<64x128xf32, #tpu.memory_space<vmem_shared>>) target(%dma_start3A_145 : memref<64x128xf32, #tpu.memory_space<hbm>>) target_semaphore(%run_scoped3A : memref<!tpu.dma_semaphore, #tpu.memory_space<semaphore_mem>>)
      %dma_wait3A_148 = arith.constant 0 : i32
      %dma_wait3A_149 = tpu.memref_slice %arg9[%add3A_139, %dma_wait3A_148] : memref<20480x128xf32, #tpu.memory_space<hbm>> -> memref<64x128xf32, #tpu.memory_space<hbm>>
      %dma_wait3A_150 = arith.constant 0 : i32
      %dma_wait3A_151 = tpu.memref_slice %arg27[%add3A_137, %dma_wait3A_150] : memref<10240x128xf32, #tpu.memory_space<vmem_shared>> -> memref<64x128xf32, #tpu.memory_space<vmem_shared>>
      tpu.wait_dma2 semaphore(%run_scoped3A : memref<!tpu.dma_semaphore, #tpu.memory_space<semaphore_mem>>) src(%dma_wait3A_151 : memref<64x128xf32, #tpu.memory_space<vmem_shared>>) dst(%dma_wait3A_149 : memref<64x128xf32, #tpu.memory_space<hbm>>)
      tpu.yield
    }) : () -> ()
    %add3A_140 = arith.constant 576 : i32
    %add3A_141 = arith.addi %multiple_of3A, %add3A_140 : i32
    %add3A_142 = arith.constant 576 : i32
    %add3A_143 = arith.addi %multiple_of3A_103, %add3A_142 : i32
    "tpu.region"() ({
      %run_scoped3A = tpu.sem_alloc : memref<!tpu.dma_semaphore, #tpu.memory_space<semaphore_mem>>
      %dma_start3A_144 = arith.constant 0 : i32
      %dma_start3A_145 = tpu.memref_slice %arg9[%add3A_143, %dma_start3A_144] : memref<20480x128xf32, #tpu.memory_space<hbm>> -> memref<64x128xf32, #tpu.memory_space<hbm>>
      %dma_start3A_146 = arith.constant 0 : i32
      %dma_start3A_147 = tpu.memref_slice %arg27[%add3A_141, %dma_start3A_146] : memref<10240x128xf32, #tpu.memory_space<vmem_shared>> -> memref<64x128xf32, #tpu.memory_space<vmem_shared>>
      tpu.enqueue_dma source(%dma_start3A_147 : memref<64x128xf32, #tpu.memory_space<vmem_shared>>) target(%dma_start3A_145 : memref<64x128xf32, #tpu.memory_space<hbm>>) target_semaphore(%run_scoped3A : memref<!tpu.dma_semaphore, #tpu.memory_space<semaphore_mem>>)
      %dma_wait3A_148 = arith.constant 0 : i32
      %dma_wait3A_149 = tpu.memref_slice %arg9[%add3A_143, %dma_wait3A_148] : memref<20480x128xf32, #tpu.memory_space<hbm>> -> memref<64x128xf32, #tpu.memory_space<hbm>>
      %dma_wait3A_150 = arith.constant 0 : i32
      %dma_wait3A_151 = tpu.memref_slice %arg27[%add3A_141, %dma_wait3A_150] : memref<10240x128xf32, #tpu.memory_space<vmem_shared>> -> memref<64x128xf32, #tpu.memory_space<vmem_shared>>
      tpu.wait_dma2 semaphore(%run_scoped3A : memref<!tpu.dma_semaphore, #tpu.memory_space<semaphore_mem>>) src(%dma_wait3A_151 : memref<64x128xf32, #tpu.memory_space<vmem_shared>>) dst(%dma_wait3A_149 : memref<64x128xf32, #tpu.memory_space<hbm>>)
      tpu.yield
    }) : () -> ()
    return
  }
}

module attributes {stable_mosaic.version = 14 : i64} {
  func.func @_dense1_body(%arg0: i32, %arg1: memref<2000x128xf32, #tpu.memory_space<vmem>>, %arg2: memref<128x128xf32, #tpu.memory_space<vmem>>, %arg3: memref<128x1xf32, #tpu.memory_space<vmem>>, %arg4: memref<128x1xf32, #tpu.memory_space<vmem>>, %arg5: memref<1x128xf32, #tpu.memory_space<vmem>>, %arg6: memref<1x128xf32, #tpu.memory_space<vmem>>, %arg7: memref<2000x128xf32, #tpu.memory_space<vmem>>, %arg8: memref<2000x1xf32, #tpu.memory_space<vmem>>, %arg9: memref<2000x1xf32, #tpu.memory_space<vmem>>, %arg10: memref<1x128xf32, #tpu.memory_space<vmem>>) attributes {dimension_semantics = [#tpu.dimension_semantics<arbitrary>], iteration_bounds = array<i64: 5>, scalar_prefetch = 0 : i64, scratch_operands = 0 : i64, tpu.core_type = #tpu.core_type<tc>, window_params = [{transform_indices = @transform_0, window_bounds = array<i64: 2000, 128>}, {pipeline_mode = #tpu.pipeline_mode<synchronous>, transform_indices = @transform_1, window_bounds = array<i64: 128, 128>}, {pipeline_mode = #tpu.pipeline_mode<synchronous>, transform_indices = @transform_2, window_bounds = array<i64: 128, 1>}, {pipeline_mode = #tpu.pipeline_mode<synchronous>, transform_indices = @transform_3, window_bounds = array<i64: 128, 1>}, {pipeline_mode = #tpu.pipeline_mode<synchronous>, transform_indices = @transform_4, window_bounds = array<i64: 1, 128>}, {pipeline_mode = #tpu.pipeline_mode<synchronous>, transform_indices = @transform_5, window_bounds = array<i64: 1, 128>}, {transform_indices = @transform_6, window_bounds = array<i64: 2000, 128>}, {transform_indices = @transform_7, window_bounds = array<i64: 2000, 1>}, {transform_indices = @transform_8, window_bounds = array<i64: 2000, 1>}, {pipeline_mode = #tpu.pipeline_mode<synchronous>, transform_indices = @transform_9, window_bounds = array<i64: 1, 128>}]} {
    %get3A = arith.constant 0 : index
    %get3A_0 = arith.constant 0 : index
    %get3A_1 = vector.load %arg1[%get3A, %get3A_0] : memref<2000x128xf32, #tpu.memory_space<vmem>>, vector<2000x128xf32>
    %get3A_2 = arith.constant 0 : index
    %get3A_3 = arith.constant 0 : index
    %get3A_4 = vector.load %arg2[%get3A_2, %get3A_3] : memref<128x128xf32, #tpu.memory_space<vmem>>, vector<128x128xf32>
    %dot_general3A = arith.constant dense<0.000000e+00> : vector<2000x128xf32>
    %dot_general3A_5 = tpu.matmul %get3A_1, %get3A_4, %dot_general3A {dimension_numbers = #tpu.dot_dimension_numbers<[1], [0], [0], [1], [0, 0, 1, 1], [], []>, transpose_lhs_hint = false} : vector<2000x128xf32>, vector<128x128xf32>, vector<2000x128xf32> -> vector<2000x128xf32>
    %swap3A = arith.constant 0 : index
    %swap3A_6 = arith.constant 0 : index
    %swap3A_7 = vector.load %arg7[%swap3A, %swap3A_6] : memref<2000x128xf32, #tpu.memory_space<vmem>>, vector<2000x128xf32>
    tpu.vector_store %arg7[%swap3A, %swap3A_6], %dot_general3A_5 {strides = array<i32>} : memref<2000x128xf32, #tpu.memory_space<vmem>>, vector<2000x128xf32>,
    %get3A_8 = arith.constant 0 : index
    %get3A_9 = arith.constant 0 : index
    %get3A_10 = vector.load %arg3[%get3A_8, %get3A_9] : memref<128x1xf32, #tpu.memory_space<vmem>>, vector<128x1xf32>
    %dot_general3A_11 = arith.constant dense<0.000000e+00> : vector<2000x1xf32>
    %dot_general3A_12 = tpu.matmul %dot_general3A_5, %get3A_10, %dot_general3A_11 {dimension_numbers = #tpu.dot_dimension_numbers<[1], [0], [0], [1], [0, 0, 1, 1], [], []>, transpose_lhs_hint = false} : vector<2000x128xf32>, vector<128x1xf32>, vector<2000x1xf32> -> vector<2000x1xf32>
    %swap3A_13 = arith.constant 0 : index
    %swap3A_14 = arith.constant 0 : index
    %swap3A_15 = vector.load %arg8[%swap3A_13, %swap3A_14] : memref<2000x1xf32, #tpu.memory_space<vmem>>, vector<2000x1xf32>
    tpu.vector_store %arg8[%swap3A_13, %swap3A_14], %dot_general3A_12 {strides = array<i32>} : memref<2000x1xf32, #tpu.memory_space<vmem>>, vector<2000x1xf32>,
    %get3A_16 = arith.constant 0 : index
    %get3A_17 = arith.constant 0 : index
    %get3A_18 = vector.load %arg4[%get3A_16, %get3A_17] : memref<128x1xf32, #tpu.memory_space<vmem>>, vector<128x1xf32>
    %dot_general3A_19 = arith.constant dense<0.000000e+00> : vector<2000x1xf32>
    %dot_general3A_20 = tpu.matmul %dot_general3A_5, %get3A_18, %dot_general3A_19 {dimension_numbers = #tpu.dot_dimension_numbers<[1], [0], [0], [1], [0, 0, 1, 1], [], []>, transpose_lhs_hint = false} : vector<2000x128xf32>, vector<128x1xf32>, vector<2000x1xf32> -> vector<2000x1xf32>
    %swap3A_21 = arith.constant 0 : index
    %swap3A_22 = arith.constant 0 : index
    %swap3A_23 = vector.load %arg9[%swap3A_21, %swap3A_22] : memref<2000x1xf32, #tpu.memory_space<vmem>>, vector<2000x1xf32>
    tpu.vector_store %arg9[%swap3A_21, %swap3A_22], %dot_general3A_20 {strides = array<i32>} : memref<2000x1xf32, #tpu.memory_space<vmem>>, vector<2000x1xf32>,
    %get3A_24 = arith.constant 0 : index
    %get3A_25 = arith.constant 0 : index
    %get3A_26 = vector.load %arg5[%get3A_24, %get3A_25] : memref<1x128xf32, #tpu.memory_space<vmem>>, vector<1x128xf32>
    %get3A_27 = arith.constant 0 : index
    %get3A_28 = arith.constant 0 : index
    %get3A_29 = vector.load %arg6[%get3A_27, %get3A_28] : memref<1x128xf32, #tpu.memory_space<vmem>>, vector<1x128xf32>
    %mul3A = arith.mulf %get3A_26, %get3A_29 : vector<1x128xf32>
    %reduce_sum3A = vector.shape_cast %mul3A : vector<1x128xf32> to vector<1x1x128xf32>
    %reduce_sum3A_30 = arith.constant dense<0.000000e+00> : vector<1xf32>
    %reduce_sum3A_31 = vector.multi_reduction <add>, %reduce_sum3A, %reduce_sum3A_30 [1, 2] : vector<1x1x128xf32> to vector<1xf32>
    %reduce_sum3A_32 = vector.shape_cast %reduce_sum3A_31 : vector<1xf32> to vector<1x1x1xf32>
    %reduce_sum3A_33 = vector.extract %reduce_sum3A_32[0, 0, 0] : f32 from vector<1x1x1xf32>
    %broadcast_in_dim3A = vector.broadcast %reduce_sum3A_33 : f32 to vector<1x128xf32>
    %swap3A_34 = arith.constant 0 : index
    %swap3A_35 = arith.constant 0 : index
    %swap3A_36 = vector.load %arg10[%swap3A_34, %swap3A_35] : memref<1x128xf32, #tpu.memory_space<vmem>>, vector<1x128xf32>
    tpu.vector_store %arg10[%swap3A_34, %swap3A_35], %broadcast_in_dim3A {strides = array<i32>} : memref<1x128xf32, #tpu.memory_space<vmem>>, vector<1x128xf32>,
    return
  }
  func.func @transform_0(%arg0: i32) -> (i32, i32) {
    %c0_i32 = arith.constant 0 : i32
    %c0_i32_0 = arith.constant 0 : i32
    return %arg0, %c0_i32 : i32, i32
  }
  func.func @transform_1(%arg0: i32) -> (i32, i32) {
    %c0_i32 = arith.constant 0 : i32
    %c0_i32_0 = arith.constant 0 : i32
    %c0_i32_1 = arith.constant 0 : i32
    return %c0_i32, %c0_i32_0 : i32, i32
  }
  func.func @transform_2(%arg0: i32) -> (i32, i32) {
    %c0_i32 = arith.constant 0 : i32
    %c0_i32_0 = arith.constant 0 : i32
    %c0_i32_1 = arith.constant 0 : i32
    return %c0_i32, %c0_i32_0 : i32, i32
  }
  func.func @transform_3(%arg0: i32) -> (i32, i32) {
    %c0_i32 = arith.constant 0 : i32
    %c0_i32_0 = arith.constant 0 : i32
    %c0_i32_1 = arith.constant 0 : i32
    return %c0_i32, %c0_i32_0 : i32, i32
  }
  func.func @transform_4(%arg0: i32) -> (i32, i32) {
    %c0_i32 = arith.constant 0 : i32
    %c0_i32_0 = arith.constant 0 : i32
    %c0_i32_1 = arith.constant 0 : i32
    return %c0_i32, %c0_i32_0 : i32, i32
  }
  func.func @transform_5(%arg0: i32) -> (i32, i32) {
    %c0_i32 = arith.constant 0 : i32
    %c0_i32_0 = arith.constant 0 : i32
    %c0_i32_1 = arith.constant 0 : i32
    return %c0_i32, %c0_i32_0 : i32, i32
  }
  func.func @transform_6(%arg0: i32) -> (i32, i32) {
    %c0_i32 = arith.constant 0 : i32
    %c0_i32_0 = arith.constant 0 : i32
    return %arg0, %c0_i32 : i32, i32
  }
  func.func @transform_7(%arg0: i32) -> (i32, i32) {
    %c0_i32 = arith.constant 0 : i32
    %c0_i32_0 = arith.constant 0 : i32
    return %arg0, %c0_i32 : i32, i32
  }
  func.func @transform_8(%arg0: i32) -> (i32, i32) {
    %c0_i32 = arith.constant 0 : i32
    %c0_i32_0 = arith.constant 0 : i32
    return %arg0, %c0_i32 : i32, i32
  }
  func.func @transform_9(%arg0: i32) -> (i32, i32) {
    %c0_i32 = arith.constant 0 : i32
    %c0_i32_0 = arith.constant 0 : i32
    %c0_i32_1 = arith.constant 0 : i32
    return %c0_i32, %c0_i32_0 : i32, i32
  }
}

module attributes {stable_mosaic.version = 14 : i64} {
  func.func @_final_body(%arg0: i32, %arg1: memref<2x2000x128xf32, #tpu.memory_space<vmem>>, %arg2: memref<2000x32xf32, #tpu.memory_space<vmem>>, %arg3: memref<1x128xf32, #tpu.memory_space<vmem>>, %arg4: memref<2000x128xf32, #tpu.memory_space<vmem>>) attributes {dimension_semantics = [#tpu.dimension_semantics<arbitrary>], iteration_bounds = array<i64: 5>, scalar_prefetch = 0 : i64, scratch_operands = 0 : i64, tpu.core_type = #tpu.core_type<tc>, window_params = [{transform_indices = @transform_0, window_bounds = array<i64: 2, 2000, 128>}, {transform_indices = @transform_1, window_bounds = array<i64: 2000, 32>}, {pipeline_mode = #tpu.pipeline_mode<synchronous>, transform_indices = @transform_2, window_bounds = array<i64: 1, 128>}, {transform_indices = @transform_3, window_bounds = array<i64: 2000, 128>}]} {
    %get3A = arith.constant 0 : index
    %get3A_0 = arith.constant 0 : index
    %get3A_1 = arith.constant 0 : index
    %get3A_2 = vector.load %arg1[%get3A, %get3A_0, %get3A_1] : memref<2x2000x128xf32, #tpu.memory_space<vmem>>, vector<1x2000x128xf32>
    %get3A_3 = vector.shape_cast %get3A_2 : vector<1x2000x128xf32> to vector<2000x128xf32>
    %get3A_4 = arith.constant 1 : index
    %get3A_5 = arith.constant 0 : index
    %get3A_6 = arith.constant 0 : index
    %get3A_7 = vector.load %arg1[%get3A_4, %get3A_5, %get3A_6] : memref<2x2000x128xf32, #tpu.memory_space<vmem>>, vector<1x2000x128xf32>
    %get3A_8 = vector.shape_cast %get3A_7 : vector<1x2000x128xf32> to vector<2000x128xf32>
    %add3A = arith.addf %get3A_3, %get3A_8 : vector<2000x128xf32>
    %get3A_9 = arith.constant 0 : index
    %get3A_10 = arith.constant 0 : index
    %get3A_11 = vector.load %arg2[%get3A_9, %get3A_10] : memref<2000x32xf32, #tpu.memory_space<vmem>>, vector<2000x32xf32>
    %reduce_sum3A = arith.constant dense<0.000000e+00> : vector<2000xf32>
    %reduce_sum3A_12 = vector.multi_reduction <add>, %get3A_11, %reduce_sum3A [1] : vector<2000x32xf32> to vector<2000xf32>
    %broadcast_in_dim3A = vector.shape_cast %reduce_sum3A_12 : vector<2000xf32> to vector<2000x1xf32>
    %add3A_13 = arith.constant 1.000000e-16 : f32
    %add3A_14 = vector.broadcast %add3A_13 : f32 to vector<2000x1xf32>
    %add3A_15 = arith.addf %broadcast_in_dim3A, %add3A_14 : vector<2000x1xf32>
    %div3A = vector.broadcast %add3A_15 : vector<2000x1xf32> to vector<2000x128xf32>
    %div3A_16 = arith.divf %add3A, %div3A : vector<2000x128xf32>
    %get3A_17 = arith.constant 0 : index
    %get3A_18 = arith.constant 0 : index
    %get3A_19 = vector.load %arg3[%get3A_17, %get3A_18] : memref<1x128xf32, #tpu.memory_space<vmem>>, vector<1x128xf32>
    %add3A_20 = vector.broadcast %get3A_19 : vector<1x128xf32> to vector<2000x128xf32>
    %add3A_21 = arith.addf %div3A_16, %add3A_20 : vector<2000x128xf32>
    %swap3A = arith.constant 0 : index
    %swap3A_22 = arith.constant 0 : index
    %swap3A_23 = vector.load %arg4[%swap3A, %swap3A_22] : memref<2000x128xf32, #tpu.memory_space<vmem>>, vector<2000x128xf32>
    tpu.vector_store %arg4[%swap3A, %swap3A_22], %add3A_21 {strides = array<i32>} : memref<2000x128xf32, #tpu.memory_space<vmem>>, vector<2000x128xf32>,
    return
  }
  func.func @transform_0(%arg0: i32) -> (i32, i32, i32) {
    %c0_i32 = arith.constant 0 : i32
    %c0_i32_0 = arith.constant 0 : i32
    %c0_i32_1 = arith.constant 0 : i32
    return %c0_i32, %arg0, %c0_i32_0 : i32, i32, i32
  }
  func.func @transform_1(%arg0: i32) -> (i32, i32) {
    %c0_i32 = arith.constant 0 : i32
    %c0_i32_0 = arith.constant 0 : i32
    return %arg0, %c0_i32 : i32, i32
  }
  func.func @transform_2(%arg0: i32) -> (i32, i32) {
    %c0_i32 = arith.constant 0 : i32
    %c0_i32_0 = arith.constant 0 : i32
    %c0_i32_1 = arith.constant 0 : i32
    return %c0_i32, %c0_i32_0 : i32, i32
  }
  func.func @transform_3(%arg0: i32) -> (i32, i32) {
    %c0_i32 = arith.constant 0 : i32
    %c0_i32_0 = arith.constant 0 : i32
    return %arg0, %c0_i32 : i32, i32
  }
}

module attributes {stable_mosaic.version = 14 : i64} {
  func.func @_mid_body(%arg0: i32, %arg1: memref<2x2000x128xf32, #tpu.memory_space<vmem>>, %arg2: memref<2000x32xf32, #tpu.memory_space<vmem>>, %arg3: memref<1x128xf32, #tpu.memory_space<vmem>>, %arg4: memref<128x128xf32, #tpu.memory_space<vmem>>, %arg5: memref<128x1xf32, #tpu.memory_space<vmem>>, %arg6: memref<128x1xf32, #tpu.memory_space<vmem>>, %arg7: memref<1x128xf32, #tpu.memory_space<vmem>>, %arg8: memref<1x128xf32, #tpu.memory_space<vmem>>, %arg9: memref<2000x128xf32, #tpu.memory_space<vmem>>, %arg10: memref<2000x1xf32, #tpu.memory_space<vmem>>, %arg11: memref<2000x1xf32, #tpu.memory_space<vmem>>, %arg12: memref<1x128xf32, #tpu.memory_space<vmem>>) attributes {dimension_semantics = [#tpu.dimension_semantics<arbitrary>], iteration_bounds = array<i64: 5>, scalar_prefetch = 0 : i64, scratch_operands = 0 : i64, tpu.core_type = #tpu.core_type<tc>, window_params = [{transform_indices = @transform_0, window_bounds = array<i64: 2, 2000, 128>}, {transform_indices = @transform_1, window_bounds = array<i64: 2000, 32>}, {pipeline_mode = #tpu.pipeline_mode<synchronous>, transform_indices = @transform_2, window_bounds = array<i64: 1, 128>}, {pipeline_mode = #tpu.pipeline_mode<synchronous>, transform_indices = @transform_3, window_bounds = array<i64: 128, 128>}, {pipeline_mode = #tpu.pipeline_mode<synchronous>, transform_indices = @transform_4, window_bounds = array<i64: 128, 1>}, {pipeline_mode = #tpu.pipeline_mode<synchronous>, transform_indices = @transform_5, window_bounds = array<i64: 128, 1>}, {pipeline_mode = #tpu.pipeline_mode<synchronous>, transform_indices = @transform_6, window_bounds = array<i64: 1, 128>}, {pipeline_mode = #tpu.pipeline_mode<synchronous>, transform_indices = @transform_7, window_bounds = array<i64: 1, 128>}, {transform_indices = @transform_8, window_bounds = array<i64: 2000, 128>}, {transform_indices = @transform_9, window_bounds = array<i64: 2000, 1>}, {transform_indices = @transform_10, window_bounds = array<i64: 2000, 1>}, {pipeline_mode = #tpu.pipeline_mode<synchronous>, transform_indices = @transform_11, window_bounds = array<i64: 1, 128>}]} {
    %get3A = arith.constant 0 : index
    %get3A_0 = arith.constant 0 : index
    %get3A_1 = arith.constant 0 : index
    %get3A_2 = vector.load %arg1[%get3A, %get3A_0, %get3A_1] : memref<2x2000x128xf32, #tpu.memory_space<vmem>>, vector<1x2000x128xf32>
    %get3A_3 = vector.shape_cast %get3A_2 : vector<1x2000x128xf32> to vector<2000x128xf32>
    %get3A_4 = arith.constant 1 : index
    %get3A_5 = arith.constant 0 : index
    %get3A_6 = arith.constant 0 : index
    %get3A_7 = vector.load %arg1[%get3A_4, %get3A_5, %get3A_6] : memref<2x2000x128xf32, #tpu.memory_space<vmem>>, vector<1x2000x128xf32>
    %get3A_8 = vector.shape_cast %get3A_7 : vector<1x2000x128xf32> to vector<2000x128xf32>
    %add3A = arith.addf %get3A_3, %get3A_8 : vector<2000x128xf32>
    %get3A_9 = arith.constant 0 : index
    %get3A_10 = arith.constant 0 : index
    %get3A_11 = vector.load %arg2[%get3A_9, %get3A_10] : memref<2000x32xf32, #tpu.memory_space<vmem>>, vector<2000x32xf32>
    %reduce_sum3A = arith.constant dense<0.000000e+00> : vector<2000xf32>
    %reduce_sum3A_12 = vector.multi_reduction <add>, %get3A_11, %reduce_sum3A [1] : vector<2000x32xf32> to vector<2000xf32>
    %broadcast_in_dim3A = vector.shape_cast %reduce_sum3A_12 : vector<2000xf32> to vector<2000x1xf32>
    %add3A_13 = arith.constant 1.000000e-16 : f32
    %add3A_14 = vector.broadcast %add3A_13 : f32 to vector<2000x1xf32>
    %add3A_15 = arith.addf %broadcast_in_dim3A, %add3A_14 : vector<2000x1xf32>
    %div3A = vector.broadcast %add3A_15 : vector<2000x1xf32> to vector<2000x128xf32>
    %div3A_16 = arith.divf %add3A, %div3A : vector<2000x128xf32>
    %get3A_17 = arith.constant 0 : index
    %get3A_18 = arith.constant 0 : index
    %get3A_19 = vector.load %arg3[%get3A_17, %get3A_18] : memref<1x128xf32, #tpu.memory_space<vmem>>, vector<1x128xf32>
    %add3A_20 = vector.broadcast %get3A_19 : vector<1x128xf32> to vector<2000x128xf32>
    %add3A_21 = arith.addf %div3A_16, %add3A_20 : vector<2000x128xf32>
    %max3A = arith.constant 0.000000e+00 : f32
    %max3A_22 = vector.broadcast %max3A : f32 to vector<2000x128xf32>
    %max3A_23 = arith.maximumf %add3A_21, %max3A_22 : vector<2000x128xf32>
    %get3A_24 = arith.constant 0 : index
    %get3A_25 = arith.constant 0 : index
    %get3A_26 = vector.load %arg4[%get3A_24, %get3A_25] : memref<128x128xf32, #tpu.memory_space<vmem>>, vector<128x128xf32>
    %dot_general3A = arith.constant dense<0.000000e+00> : vector<2000x128xf32>
    %dot_general3A_27 = tpu.matmul %max3A_23, %get3A_26, %dot_general3A {dimension_numbers = #tpu.dot_dimension_numbers<[1], [0], [0], [1], [0, 0, 1, 1], [], []>, transpose_lhs_hint = false} : vector<2000x128xf32>, vector<128x128xf32>, vector<2000x128xf32> -> vector<2000x128xf32>
    %swap3A = arith.constant 0 : index
    %swap3A_28 = arith.constant 0 : index
    %swap3A_29 = vector.load %arg9[%swap3A, %swap3A_28] : memref<2000x128xf32, #tpu.memory_space<vmem>>, vector<2000x128xf32>
    tpu.vector_store %arg9[%swap3A, %swap3A_28], %dot_general3A_27 {strides = array<i32>} : memref<2000x128xf32, #tpu.memory_space<vmem>>, vector<2000x128xf32>,
    %get3A_30 = arith.constant 0 : index
    %get3A_31 = arith.constant 0 : index
    %get3A_32 = vector.load %arg5[%get3A_30, %get3A_31] : memref<128x1xf32, #tpu.memory_space<vmem>>, vector<128x1xf32>
    %dot_general3A_33 = arith.constant dense<0.000000e+00> : vector<2000x1xf32>
    %dot_general3A_34 = tpu.matmul %dot_general3A_27, %get3A_32, %dot_general3A_33 {dimension_numbers = #tpu.dot_dimension_numbers<[1], [0], [0], [1], [0, 0, 1, 1], [], []>, transpose_lhs_hint = false} : vector<2000x128xf32>, vector<128x1xf32>, vector<2000x1xf32> -> vector<2000x1xf32>
    %swap3A_35 = arith.constant 0 : index
    %swap3A_36 = arith.constant 0 : index
    %swap3A_37 = vector.load %arg10[%swap3A_35, %swap3A_36] : memref<2000x1xf32, #tpu.memory_space<vmem>>, vector<2000x1xf32>
    tpu.vector_store %arg10[%swap3A_35, %swap3A_36], %dot_general3A_34 {strides = array<i32>} : memref<2000x1xf32, #tpu.memory_space<vmem>>, vector<2000x1xf32>,
    %get3A_38 = arith.constant 0 : index
    %get3A_39 = arith.constant 0 : index
    %get3A_40 = vector.load %arg6[%get3A_38, %get3A_39] : memref<128x1xf32, #tpu.memory_space<vmem>>, vector<128x1xf32>
    %dot_general3A_41 = arith.constant dense<0.000000e+00> : vector<2000x1xf32>
    %dot_general3A_42 = tpu.matmul %dot_general3A_27, %get3A_40, %dot_general3A_41 {dimension_numbers = #tpu.dot_dimension_numbers<[1], [0], [0], [1], [0, 0, 1, 1], [], []>, transpose_lhs_hint = false} : vector<2000x128xf32>, vector<128x1xf32>, vector<2000x1xf32> -> vector<2000x1xf32>
    %swap3A_43 = arith.constant 0 : index
    %swap3A_44 = arith.constant 0 : index
    %swap3A_45 = vector.load %arg11[%swap3A_43, %swap3A_44] : memref<2000x1xf32, #tpu.memory_space<vmem>>, vector<2000x1xf32>
    tpu.vector_store %arg11[%swap3A_43, %swap3A_44], %dot_general3A_42 {strides = array<i32>} : memref<2000x1xf32, #tpu.memory_space<vmem>>, vector<2000x1xf32>,
    %get3A_46 = arith.constant 0 : index
    %get3A_47 = arith.constant 0 : index
    %get3A_48 = vector.load %arg7[%get3A_46, %get3A_47] : memref<1x128xf32, #tpu.memory_space<vmem>>, vector<1x128xf32>
    %get3A_49 = arith.constant 0 : index
    %get3A_50 = arith.constant 0 : index
    %get3A_51 = vector.load %arg8[%get3A_49, %get3A_50] : memref<1x128xf32, #tpu.memory_space<vmem>>, vector<1x128xf32>
    %mul3A = arith.mulf %get3A_48, %get3A_51 : vector<1x128xf32>
    %reduce_sum3A_52 = vector.shape_cast %mul3A : vector<1x128xf32> to vector<1x1x128xf32>
    %reduce_sum3A_53 = arith.constant dense<0.000000e+00> : vector<1xf32>
    %reduce_sum3A_54 = vector.multi_reduction <add>, %reduce_sum3A_52, %reduce_sum3A_53 [1, 2] : vector<1x1x128xf32> to vector<1xf32>
    %reduce_sum3A_55 = vector.shape_cast %reduce_sum3A_54 : vector<1xf32> to vector<1x1x1xf32>
    %reduce_sum3A_56 = vector.extract %reduce_sum3A_55[0, 0, 0] : f32 from vector<1x1x1xf32>
    %broadcast_in_dim3A_57 = vector.broadcast %reduce_sum3A_56 : f32 to vector<1x128xf32>
    %swap3A_58 = arith.constant 0 : index
    %swap3A_59 = arith.constant 0 : index
    %swap3A_60 = vector.load %arg12[%swap3A_58, %swap3A_59] : memref<1x128xf32, #tpu.memory_space<vmem>>, vector<1x128xf32>
    tpu.vector_store %arg12[%swap3A_58, %swap3A_59], %broadcast_in_dim3A_57 {strides = array<i32>} : memref<1x128xf32, #tpu.memory_space<vmem>>, vector<1x128xf32>,
    return
  }
  func.func @transform_0(%arg0: i32) -> (i32, i32, i32) {
    %c0_i32 = arith.constant 0 : i32
    %c0_i32_0 = arith.constant 0 : i32
    %c0_i32_1 = arith.constant 0 : i32
    return %c0_i32, %arg0, %c0_i32_0 : i32, i32, i32
  }
  func.func @transform_1(%arg0: i32) -> (i32, i32) {
    %c0_i32 = arith.constant 0 : i32
    %c0_i32_0 = arith.constant 0 : i32
    return %arg0, %c0_i32 : i32, i32
  }
  func.func @transform_2(%arg0: i32) -> (i32, i32) {
    %c0_i32 = arith.constant 0 : i32
    %c0_i32_0 = arith.constant 0 : i32
    %c0_i32_1 = arith.constant 0 : i32
    return %c0_i32, %c0_i32_0 : i32, i32
  }
  func.func @transform_3(%arg0: i32) -> (i32, i32) {
    %c0_i32 = arith.constant 0 : i32
    %c0_i32_0 = arith.constant 0 : i32
    %c0_i32_1 = arith.constant 0 : i32
    return %c0_i32, %c0_i32_0 : i32, i32
  }
  func.func @transform_4(%arg0: i32) -> (i32, i32) {
    %c0_i32 = arith.constant 0 : i32
    %c0_i32_0 = arith.constant 0 : i32
    %c0_i32_1 = arith.constant 0 : i32
    return %c0_i32, %c0_i32_0 : i32, i32
  }
  func.func @transform_5(%arg0: i32) -> (i32, i32) {
    %c0_i32 = arith.constant 0 : i32
    %c0_i32_0 = arith.constant 0 : i32
    %c0_i32_1 = arith.constant 0 : i32
    return %c0_i32, %c0_i32_0 : i32, i32
  }
  func.func @transform_6(%arg0: i32) -> (i32, i32) {
    %c0_i32 = arith.constant 0 : i32
    %c0_i32_0 = arith.constant 0 : i32
    %c0_i32_1 = arith.constant 0 : i32
    return %c0_i32, %c0_i32_0 : i32, i32
  }
  func.func @transform_7(%arg0: i32) -> (i32, i32) {
    %c0_i32 = arith.constant 0 : i32
    %c0_i32_0 = arith.constant 0 : i32
    %c0_i32_1 = arith.constant 0 : i32
    return %c0_i32, %c0_i32_0 : i32, i32
  }
  func.func @transform_8(%arg0: i32) -> (i32, i32) {
    %c0_i32 = arith.constant 0 : i32
    %c0_i32_0 = arith.constant 0 : i32
    return %arg0, %c0_i32 : i32, i32
  }
  func.func @transform_9(%arg0: i32) -> (i32, i32) {
    %c0_i32 = arith.constant 0 : i32
    %c0_i32_0 = arith.constant 0 : i32
    return %arg0, %c0_i32 : i32, i32
  }
  func.func @transform_10(%arg0: i32) -> (i32, i32) {
    %c0_i32 = arith.constant 0 : i32
    %c0_i32_0 = arith.constant 0 : i32
    return %arg0, %c0_i32 : i32, i32
  }
  func.func @transform_11(%arg0: i32) -> (i32, i32) {
    %c0_i32 = arith.constant 0 : i32
    %c0_i32_0 = arith.constant 0 : i32
    %c0_i32_1 = arith.constant 0 : i32
    return %c0_i32, %c0_i32_0 : i32, i32
  }
}

</mosaic_0001>

<sc_bundles>
// kernel: kernel.10.cloned.1.call-start
scs
__scs_entry_jumppad:
0x0: {  	(pc) =	sbr.rel $0x88, $3  }
0x1: {  	(tag) =	ssettag $0x0;
	lr =	simm.s32 $0x1  }
0x2: {  	[smem:$0x3F92] =	sst lr;
	_ =	strace $0xD0000000  }
0x3: {  	_ = 	snop  }
0x4: {  	_ = 	snop  }
0x5: {  	_ = 	snop  }
0x6: {  	_ = 	snop  }
0x7: {  	_ = 	snop  }
__scs_overlays_trampoline_lowered:
0x8: {  	[smem:$0x3FA1] =	sst s0  }
0x9: {  	[smem:$0x3FA2] =	sst s1  }
0xa: {  	[smem:$0x3FA3] =	sst s2  }
0xb: {  	[smem:$0x3FA4] =	sst s3  }
0xc: {  	[smem:$0x3FA5] =	sst s4  }
0xd: {  	[smem:$0x3FA6] =	sst s5  }
0xe: {  	[smem:$0x3FA7] =	sst s6  }
0xf: {  	[smem:$0x3FA8] =	sst s7  }
0x10: {  	[smem:$0x3FA9] =	sst s8  }
0x11: {  	[smem:$0x3FAA] =	sst s9;
	s0 =	simm.s32 @!p0 $0x0  }
0x12: {  	s1 =	sld [smem:$0x3F90];
	s0 =	simm.s32 @p0 $0x1  }
0x13: {  	[smem:$0x3FAB] =	sst s0;
	s0 =	simm.s32 @!p1 $0x0  }
0x14: {  	s2 =	sld [smem:$0x3F8F];
	s0 =	simm.s32 @p1 $0x1  }
0x15: {  	[smem:$0x3FAC] =	sst s0;
	s0 =	simm.s32 @!p2 $0x0  }
0x16: {  	s3 =	sld [smem:$0x3FDB];
	s0 =	simm.s32 @p2 $0x1  }
0x17: {  	s4 =	simm.s32 $0x1BF5;
	[smem:$0x3FAE] =	sst s0  }
0x18: {  	s0 =	sld [smem:$0x3F91];
	_ =	swait.ge [sflag:s4], $0x0  }
0x19: {  	s7 =	sld [smem:$0x3F92]  }
0x1a: {  	s8 =	sadd.s32 $0xFFFFE003, lr  }
0x1b: {  	s9 =	sadd.s32 $0xFFFFFEF7, lr;
	s5 =	simm.s32 $0xFFFFFFFF;
	p2 =	slt.u32 s8, $0xFFFFF086  }
0x1c: {  	p1 =	slt.u32 s9, $0xF7A;
	s5 =	simm.s32 @!p2 $0x0  }
0x1d: {  	s5 =	simm.s32 @p1 $0x1;
	p0 =	seq.s32 s7, s2  }
0x1e: {  	s7 =	smul.u32 @!p0 $0xF7A, s2;
	p2 =	seq.s32 @!p0 s5, $0x0  }
0x1f: {  	s9 =	smul.u32 $0xF7A, s1;
	s8 =	simm.s32 @!p0 $0x1BF5;
	p2 =	por !p2, p0  }
0x20: {  	[sflag:s8] =	ssyncset.s32 @!p0 $0xFFFFF086;
	s6 =	sadd.s32 @!p0 s3, s7;
	s7 =	simm.s32 @!p0 $0x108  }
0x21: {  	s3 =	sadd.s32 s3, s9;
	s6 =	sadd.s32 @!p0 $0x88, s6;
	s7 =	simm.s32 @p2 $0x1082  }
0x22: {  	[simem:s7], [sflag:s8] =	dma.local @!p0 [hbm:s6], $0xF7A  }
0x23: {  	s9 =	sor.u32 $0xD0000000, s2;
	s6 =	simm.s32 $0x108;
	_ =	swait.ge @!p0 [sflag:s8], $0x0  }
0x24: {  	s3 =	sadd.s32 $0x88, s3;
	s6 =	simm.s32 @!p1 $0x1082;
	[sflag:s4] =	ssyncset.s32 $0xFFFFF086  }
0x25: {  	[simem:s6], [sflag:s4] =	dma.local [hbm:s3], $0xF7A  }
0x26: {  	[smem:$0x3F92] =	sst s1;
	(tag) =	ssettag s2;
	_ =	strace s9  }
0x27: {  	s1 =	sld [smem:$0x3FA2]  }
0x28: {  	s2 =	sld [smem:$0x3FA3]  }
0x29: {  	s4 =	sld [smem:$0x3FA5]  }
0x2a: {  	p0 =	seq.s32 s5, $0x0;
	s5 =	sld [smem:$0x3FA6]  }
0x2b: {  	s6 =	sld [smem:$0x3FA7]  }
0x2c: {  	s7 =	sld [smem:$0x3FA8]  }
0x2d: {  	s3 =	simm.s32 $0x108;
	s8 =	sld [smem:$0x3FA9]  }
0x2e: {  	s3 =	simm.s32 @!p0 $0x1082;
	s9 =	sld [smem:$0x3FAA]  }
0x2f: {  	lr =	sadd.s32 s0, s3;
	s0 =	sld [smem:$0x3FA1]  }
0x30: {  	s3 =	sld [smem:$0x3FA4]  }
0x31: {  	[smem:$0x3FAD] =	sst s10  }
0x32: {  	s10 =	sld [smem:$0x3FAB];
	_ =	sdelay $0x3  }
0x33: {  	p0 =	seq.s32 s10, $0x1;
	s10 =	sld [smem:$0x3FAD];
	_ =	sdelay $0x3  }
0x34: {  	[smem:$0x3FAD] =	sst s10  }
0x35: {  	s10 =	sld [smem:$0x3FAC];
	_ =	sdelay $0x3  }
0x36: {  	p1 =	seq.s32 s10, $0x1;
	s10 =	sld [smem:$0x3FAD];
	_ =	sdelay $0x3  }
0x37: {  	[smem:$0x3FAD] =	sst s10  }
0x38: {  	s10 =	sld [smem:$0x3FAE]  }
0x39: {  	_ = 	snop;
	(pc) =	sbr.ind lr, $3  }
0x3a: {  	_ = 	snop  }
0x3b: {  	_ = 	snop  }
0x3c: {  	p2 =	seq.s32 s10, $0x1;
	s10 =	sld [smem:$0x3FAD]  }
0x3d: {  	_ =	shalt  }
0x3e: {  	_ =	shalt  }
0x3f: {  	_ =	shalt  }
0x40: {  	_ =	shalt  }
0x41: {  	_ =	shalt  }
0x42: {  	_ =	shalt  }
0x43: {  	_ =	shalt  }
0x44: {  	_ =	shalt  }
0x45: {  	_ =	shalt  }
0x46: {  	_ =	shalt  }
0x47: {  	_ =	shalt  }
0x48: {  	_ =	shalt  }
0x49: {  	_ =	shalt  }
0x4a: {  	_ =	shalt  }
0x4b: {  	_ =	shalt  }
0x4c: {  	_ =	shalt  }
0x4d: {  	_ =	shalt  }
0x4e: {  	_ =	shalt  }
0x4f: {  	_ =	shalt  }
0x50: {  	_ =	shalt  }
0x51: {  	_ =	shalt  }
0x52: {  	_ =	shalt  }
0x53: {  	_ =	shalt  }
0x54: {  	_ =	shalt  }
0x55: {  	_ =	shalt  }
0x56: {  	_ =	shalt  }
0x57: {  	_ =	shalt  }
0x58: {  	_ =	shalt  }
0x59: {  	_ =	shalt  }
0x5a: {  	_ =	shalt  }
0x5b: {  	_ =	shalt  }
0x5c: {  	_ =	shalt  }
0x5d: {  	_ =	shalt  }
0x5e: {  	_ =	shalt  }
0x5f: {  	_ =	shalt  }
0x60: {  	_ =	shalt  }
0x61: {  	_ =	shalt  }
0x62: {  	_ =	shalt  }
0x63: {  	_ =	shalt  }
0x64: {  	_ =	shalt  }
0x65: {  	_ =	shalt  }
0x66: {  	_ =	shalt  }
0x67: {  	_ =	shalt  }
0x68: {  	_ =	shalt  }
0x69: {  	_ =	shalt  }
0x6a: {  	_ =	shalt  }
0x6b: {  	_ =	shalt  }
0x6c: {  	_ =	shalt  }
0x6d: {  	_ =	shalt  }
0x6e: {  	_ =	shalt  }
0x6f: {  	_ =	shalt  }
0x70: {  	_ =	shalt  }
0x71: {  	_ =	shalt  }
0x72: {  	_ =	shalt  }
0x73: {  	_ =	shalt  }
0x74: {  	_ =	shalt  }
0x75: {  	_ =	shalt  }
0x76: {  	_ =	shalt  }
0x77: {  	_ =	shalt  }
0x78: {  	_ =	shalt  }
0x79: {  	_ =	shalt  }
0x7a: {  	_ =	shalt  }
0x7b: {  	_ =	shalt  }
0x7c: {  	_ =	shalt  }
0x7d: {  	_ =	shalt  }
0x7e: {  	_ =	shalt  }
0x7f: {  	_ =	shalt  }
0x80: {  	_ =	shalt  }
0x81: {  	_ =	shalt  }
0x82: {  	_ =	shalt  }
0x83: {  	_ =	shalt  }
0x84: {  	_ =	shalt  }
0x85: {  	_ =	shalt  }
0x86: {  	_ =	shalt  }
0x87: {  	_ =	shalt  }
.Lfunc_end0:
.L_simem_size_0:
called_computation.1_lowered:
.L_overlay_start_0:
0x88: {  	s2 =	sld [smem:$0x3FD9]  }
0x89: {  	s3 =	sld [smem:$0x3FFE];
	_ =	sdelay $0x1  }
0x8a: {  	s1 =	srdreg.scid  }
0x8b: {  	s0 =	sand.u32 $0x1, s1  }
0x8c: {  	s17 =	sshll.u32 s0, $0xA;
	s2 =	sadd.s32 s3, s2  }
0x8d: {  	s2 =	sadd.s32 s2, s17  }
0x8e: {  	[smem:$0x3FB9] =	sst s2  }
0x8f: {  	_ = 	snop  }
0x90: {  	s2 =	sld [smem:$0x3FD0];
	(tm) =	ssettm $0x1  }
0x91: {  	s18 =	sld [smem:$0x3FFB];
	_ =	sdelay $0x3  }
0x92: {  	_ =	strace s18  }
0x93: {  	s3 =	sld [smem:$0x3FFC];
	_ =	sdelay $0x3  }
0x94: {  	_ =	strace s3  }
0x95: {  	s3 =	sld [smem:$0x3FFD];
	_ =	sdelay $0x3  }
0x96: {  	_ =	strace s3  }
0x97: {  	_ =	strace $0x8FFFFFFF  }
0x98: {  	s19 =	sld [smem:$0x3FDB];
	_ =	sdelay $0x1  }
0x99: {  	s4 =	simm.s32 $_scs_section_size  }
0x9a: {  	s5 =	simm.s32 $_size__tile_overlayer_lowered;
	s6 =	simm.s32 $_tile_overlayer_lowered  }
0x9b: {  	s22 =	simm.s32 $0x1BFF;
	s21 =	sshll.u32 s6, $0x1;
	s3 =	sadd.s32 s4, s19  }
0x9c: {  	s7 =	simm.s32 $0x0;
	s20 =	sshll.u32 s5, $0x1;
	s5 =	sadd.s32 s21, s3  }
0x9d: {  	[timem:s7], [sflag:s22] =	dma.local [hbm:s5], s20  }
0x9e: {  	_ =	swait.ge [sflag:s22], s20  }
0x9f: {  	s4 =	ssub.s32 $0x0, s20;
	[sflag:s22] =	ssyncset.done $0x0  }
0xa0: {  	[sflag:s22] =	ssyncadd.s32 s4;
	_ =	sdelay $0x1  }
0xa1: {  	s23 =	simm.s32 $0x1B8B  }
0xa2: {  	_ =	swait.ge [sflag:s23], $0x1  }
0xa3: {  	[sflag:s23] =	ssyncset.done $0x0  }
0xa4: {  	s25 =	simm.s32 $0x1B8E;
	s24 =	sld [smem:$0x3FFE];
	[sflag:s23] =	ssyncadd.s32 $0xFFFFFFFF  }
0xa5: {  	s26 =	simm.s32 $execute0_lowered;
	[smem:$0x3FD2] =	sst s25  }
0xa6: {  	s5 =	sshll.u32 s26, $0x1;
	_ =	strace $0x80000049;
	[dreg:$0x1] =	wrdreg $0xFFFFFFFF  }
0xa7: {  	s28 =	simm.s32 $_size_execute0_lowered;
	s3 =	sadd.s32 s3, s5;
	[dreg:$0x0] =	wrdreg $0x0  }
0xa8: {  	s5 =	sshll.u32 s28, $0x1;
	[dreg:$0x2] =	wrdreg s3  }
0xa9: {  	[dreg:$0x3] =	wrdreg s5  }
0xaa: {  	[dreg:$0x4] =	wrdreg $0xC0  }
0xab: {  	_ =	task [dreg:s7], $0x5FFFF  }
0xac: {  	[dreg:$0x1] =	wrdreg $0xFFFFFFFF  }
0xad: {  	[dreg:$0x0] =	wrdreg $0x60  }
0xae: {  	[dreg:$0x2] =	wrdreg s2  }
0xaf: {  	[dreg:$0x3] =	wrdreg s24  }
0xb0: {  	[dreg:$0x4] =	wrdreg $0xBC000  }
0xb1: {  	[dreg:$0x5] =	wrdreg $0x9  }
0xb2: {  	_ =	task.clear_ibuf [dreg:s7], $0x6FFFF;
	_ =	strace $0x90000049  }
0xb3: {  	s29 =	simm.s32 $0x9;
	_ =	strace $0x8000004B  }
0xb4: {  	_ =	swait.ge [sflag:s29], $0x1  }
0xb5: {  	[sflag:s29] =	ssyncadd.s32 $0xFFFFFFFF  }
0xb6: {  	_ =	strace $0x9000004B  }
0xb7: {  	_ =	sfence  }
0xb8: {  	s30 =	sld [smem:$0x0];
	_ =	sdelay $0x2  }
0xb9: {  	s31 =	sshll.u32 s1, $0xD;
	s1 =	sshrl.u32 s1, $0x2  }
0xba: {  	s3 =	sand.u32 $0x4000, s31;
	s1 =	sadd.s32 s1, s30  }
0xbb: {  	s0 =	sor.u32 s3, s0;
	s1 =	sshll.u32 s1, $0x11  }
0xbc: {  	s0 =	sor.u32 s1, s0  }
0xbd: {  	s0 =	sadd.s32 $0x8F2B, s0  }
0xbe: {  	[sflag:s0] =	ssyncadd.remote.s32 $0x1  }
0xbf: {  	_ =	sfence.sel $0xFFFF  }
0xc0: {  	[dreg:$0x0] =	wrdreg $0xFFFFFFFF;
	(pc) =	sbr.abs _section_cstart, $3  }
0xc1: {  	[dreg:$0x1] =	wrdreg $0xFFFFFFFF  }
0xc2: {  	_ =	task.clear_ibuf [dreg:s7], $0x2FFFF;
	_ =	strace $0x9FFFFFFF  }
0xc3: {  	(tm) =	ssettm $0x7FFFFFFF  }
tec
execute0_lowered:
.L_overlay_start_1:
0x0: {  	(tag) =	ssettag $0x1  }
0x1: {  	s1 =	rddreg [dreg:$0x0]  }
0x2: {  	s0 =	rddreg [dreg:$0x1]  }
0x3: {  	s2 =	rddreg [dreg:$0x2];
	s14 =	simm.s32 $0x0;
	s3 =	srdreg.scid  }
0x4: {  	s12 =	stileid.u32;
	[smem:$0x7FF] =	sst s14;
	s4 =	sadd.s32 $0x15000, s0  }
0x5: {  	s3 =	sand.u32 $0x1, s3;
	s22 =	smul.u32 $0x280, s12;
	s5 =	sadd.s32 $0x15600, s0  }
0x6: {  	s7 =	sadd.s32 $0xB000, s0;
	s8 =	sadd.s32 $0x1200, s0;
	s26 =	smul.u32 $0x50000, s12  }
0x7: {  	s9 =	sadd.s32 $0x15C00, s0;
	s25 =	sadd.s32 $0x14E00, s0;
	s11 =	smul.u32 $0xC8, s12  }
0x8: {  	s13 =	smul.u32 $0x72, s12;
	_ =	strace $0x8000004A;
	[dreg:$0x4] =	wrdreg s4  }
0x9: {  	[dreg:$0x5] =	wrdreg s5;
	s23 =	smul.u32 $0x2800, s3;
	s6 =	sshll.u32 s3, $0x4  }
0xa: {  	[dreg:$0x6] =	wrdreg s25;
	p0 =	seq.s32 s3, $0x0;
	s11 =	sadd.s32 $0x720, s11  }
0xb: {  	s10 =	ssub.s32 $0x2, s3;
	s16 =	sshrl.u32 s26, $0x2;
	s11 =	smov.u32 @p0 s13  }
0xc: {  	s6 =	sor.u32 s12, s6;
	s16 =	sadd.s32 s16, s2;
	s17 =	sshll.u32 s11, $0x3  }
0xd: {  	s4 =	sadd.s32 s22, s23;
	[dreg:$0x7] =	wrdreg s16;
	s18 =	sadd.s32 s7, s17  }
0xe: {  	s24 =	smul.u32 $0x4E2, s6;
	s19 =	sadd.s32 s8, s17;
	[dreg:$0x8] =	wrdreg s18  }
0xf: {  	s20 =	sor.u32 $0x8, s17;
	s3 =	sadd.s32 s9, s17;
	[dreg:$0x9] =	wrdreg s19  }
0x10: {  	s4 =	sshll.u32 s4, $0x4;
	[dreg:$0xa] =	wrdreg s3;
	s21 =	sadd.s32 s7, s20  }
0x11: {  	s4 =	sadd.s32 s4, s0;
	s22 =	sadd.s32 s8, s20;
	[dreg:$0xb] =	wrdreg s21  }
0x12: {  	s0 =	sadd.s32 s24, s0;
	s23 =	sadd.s32 s9, s20;
	[dreg:$0xc] =	wrdreg s22  }
0x13: {  	s0 =	sadd.s32 $0x1FA00, s0;
	[dreg:$0xd] =	wrdreg s23  }
0x14: {  	s24 =	sadd.s32 $0x29800, s4;
	[dreg:$0xe] =	wrdreg s0  }
0x15: {  	s28 =	simm.s32 $0x40;
	s25 =	sadd.s32 $0x29C00, s4;
	[dreg:$0xf] =	wrdreg s24  }
0x16: {  	s29 =	simm.s32 $0x2;
	s26 =	sadd.s32 $0x2A000, s4;
	[dreg:$0x10] =	wrdreg s25  }
0x17: {  	s30 =	simm.s32 $0x9A80;
	s3 =	sadd.s32 $0x2A400, s4;
	[dreg:$0x11] =	wrdreg s26  }
0x18: {  	s15 =	sshrl.u32 s10, $0x1;
	s6 =	sadd.s32 $0x2A800, s4;
	[dreg:$0x12] =	wrdreg s3  }
0x19: {  	s5 =	ssub.s32 s10, s15;
	s10 =	sadd.s32 $0x2AC00, s4;
	[dreg:$0x13] =	wrdreg s6  }
0x1a: {  	s31 =	simm.s32 $0x4F00;
	s13 =	sadd.s32 $0x2B000, s4;
	[dreg:$0x14] =	wrdreg s10  }
0x1b: {  	s12 =	simm.s32 $0x72;
	s15 =	sadd.s32 $0x2B400, s4;
	[dreg:$0x15] =	wrdreg s13  }
0x1c: {  	s12 =	simm.s32 @!p0 $0xC8;
	s17 =	sadd.s32 $0x2B800, s4;
	[dreg:$0x16] =	wrdreg s15  }
0x1d: {  	s18 =	sadd.s32 $0x2BC00, s4;
	s19 =	smax.u32 s5, $0x1;
	[dreg:$0x17] =	wrdreg s17  }
0x1e: {  	s20 =	sadd.s32 $0x6000, s16;
	s4 =	simm.s32 $0xBA80;
	[dreg:$0x18] =	wrdreg s18  }
0x1f: {  	s5 =	simm.s32 $0x4;
	[dreg:$0x19] =	wrdreg s19;
	s17 =	sadd.s32 $0x2000, s16  }
0x20: {  	s18 =	sadd.s32 $0x4000, s16;
	[dreg:$0x1c] =	wrdreg s20;
	s21 =	sadd.s32 $0x8000, s16  }
0x21: {  	s22 =	sadd.s32 $0xA000, s16;
	s23 =	sadd.s32 $0xC000, s16;
	[dreg:$0x1d] =	wrdreg s21  }
0x22: {  	s24 =	sadd.s32 $0xE000, s16;
	s25 =	sadd.s32 $0x10000, s16;
	[dreg:$0x1e] =	wrdreg s22  }
0x23: {  	s26 =	sadd.s32 $0x12000, s16;
	s19 =	sshll.u32 s11, $0x6;
	[dreg:$0x1f] =	wrdreg s23  }
0x24: {  	s20 =	sshrl.u32 s12, $0x1;
	s0 =	simm.s32 $0x3;
	[smem:$0x7FB] =	sst s24  }
0x25: {  	v0 =	vlaneseq.u32;
	s6 =	simm.s32 $0xBB00;
	s10 =	simm.s32 $0x0;
	[smem:$0x7FC] =	sst s25  }
0x26: {  	v1 =	vmul.u32 $0xFFFFFFFF, v0;
	[smem:$0x7FD] =	sst s26;
	s21 =	simm.s32 $0x7;
	s22 =	simm.s32 $0x2780  }
0x27: {  	s23 =	simm.s32 $0x7A80;
	s24 =	simm.s32 $0x7680;
	[dreg:$0x1a] =	wrdreg s17  }
0x28: {  	v0 =	vimm.f32 $0.0e+00;
	v1 =	vadd.s32 $0x4E200, v1;
	s25 =	simm.s32 $0x7700;
	s26 =	simm.s32 $0x1;
	[dreg:$0x1b] =	wrdreg s18  }
.LBB2_1:
0x29: {  	[smem:$0x7FA] =	sst s10  }
0x2a: {  	s3 =	rddreg [dreg:$0x4]  }
0x2b: {  	[tilespmem:s14], [sflag:$0x7] =	stream.linear.gather [hbm4b:s3+s14], $0x2780, $0x38;
	[tilespmem:$0x1FC00] =	vst v63  }
0x2c: {  	_ =	swait.ge [sflag:s21], $0x2780  }
0x2d: {  	[sflag:s21] =	ssyncset.done $0x0  }
0x2e: {  	s10 =	rddreg [dreg:$0x5];
	[sflag:s21] =	ssyncadd.s32 $0xFFFFD880  }
0x2f: {  	[tilespmem:s22], [sflag:$0x7] =	stream.linear.gather [hbm4b:s10+s14], $0x2780, $0x38;
	[tilespmem:$0x1FC00] =	vst v63  }
0x30: {  	_ =	swait.ge [sflag:s21], $0x2780  }
0x31: {  	[sflag:s21] =	ssyncset.done $0x0  }
0x32: {  	s15 =	simm.s32 $0xBB80;
	s13 =	rddreg [dreg:$0x6];
	[sflag:s21] =	ssyncadd.s32 $0xFFFFD880  }
0x33: {  	[tilespmem:s15], [sflag:$0x7] =	stream.linear.gather [hbm4b:s13+s14], $0x80, $0x38;
	[tilespmem:$0x1FC00] =	vst v63  }
0x34: {  	_ =	swait.ge [sflag:s21], $0x80  }
0x35: {  	[sflag:s21] =	ssyncset.done $0x0  }
0x36: {  	[sflag:s21] =	ssyncadd.s32 $0xFFFFFF80  }
0x37: {  	s13 =	simm.s32 $0x0;
	v2 =	vld [tilespmem:$0xBB80]  }
.LBB2_2:
0x38: {  	p0 =	sne.s32 s13, $0x9C00  }
.Ltmp0:
0x39: {  	_ = 	snop;
	(pc) =	sbr.rel @p0 .LBB2_2-.Ltmp0, $3  }
0x3a: {  	_ =	sdelay $0x1  }
0x3b: {  	s14 =	sshra.s32 s13, $0x2  }
0x3c: {  	s13 =	sadd.s32 $0x40, s13;
	[tilespmem:s14+$0x4F00] =	vst v0  }
0x3d: {  	s13 =	simm.s32 $0x0;
	s15 =	simm.s32 $0x200  }
.LBB2_4:
0x3e: {  	p0 =	sne.s32 s15, $0x7E00;
	[tilespmem:s13+$0x7AF0] =	vst v0  }
0x3f: {  	[tilespmem:s13+$0x7A80] =	vst v0  }
0x40: {  	[tilespmem:s13+$0x7A90] =	vst v0  }
.Ltmp1:
0x41: {  	[tilespmem:s13+$0x7AA0] =	vst v0;
	(pc) =	sbr.rel @p0 .LBB2_4-.Ltmp1, $4  }
0x42: {  	[tilespmem:s13+$0x7AB0] =	vst v0  }
0x43: {  	[tilespmem:s13+$0x7AC0] =	vst v0  }
0x44: {  	[tilespmem:s13+$0x7AD0] =	vst v0  }
0x45: {  	[tilespmem:s13+$0x7AE0] =	vst v0;
	s13 =	sshra.s32 s15, $0x2;
	s15 =	sadd.s32 $0x200, s15  }
0x46: {  	[tilespmem:s13+$0x7AF0] =	vst v0  }
0x47: {  	[tilespmem:s13+$0x7A80] =	vst v0  }
0x48: {  	[tilespmem:s13+$0x7A90] =	vst v0  }
0x49: {  	[tilespmem:s13+$0x7AA0] =	vst v0  }
0x4a: {  	[tilespmem:s13+$0x7AB0] =	vst v0  }
0x4b: {  	[tilespmem:s13+$0x7AC0] =	vst v0  }
0x4c: {  	[tilespmem:s13+$0x7AD0] =	vst v0  }
0x4d: {  	[tilespmem:s13+$0x7AE0] =	vst v0  }
0x4e: {  	[spmem:s16] =	stream.linear.scatter [tilespmem:s23], [sflag:$0x7], $0x2000, $0x38;
	[tilespmem:$0x1FC00] =	vst v63  }
0x4f: {  	_ =	swait.ge [sflag:s21], $0x2000  }
0x50: {  	[sflag:s21] =	ssyncset.done $0x0  }
0x51: {  	[sflag:s21] =	ssyncadd.s32 $0xFFFFE000  }
0x52: {  	[spmem:s17] =	stream.linear.scatter [tilespmem:s23], [sflag:$0x7], $0x2000, $0x38;
	[tilespmem:$0x1FC00] =	vst v63  }
0x53: {  	_ =	swait.ge [sflag:s21], $0x2000  }
0x54: {  	[sflag:s21] =	ssyncset.done $0x0  }
0x55: {  	[sflag:s21] =	ssyncadd.s32 $0xFFFFE000  }
0x56: {  	[spmem:s18] =	stream.linear.scatter [tilespmem:s23], [sflag:$0x7], $0x2000, $0x38;
	[tilespmem:$0x1FC00] =	vst v63  }
0x57: {  	_ =	swait.ge [sflag:s21], $0x2000  }
0x58: {  	[sflag:s21] =	ssyncset.done $0x0  }
0x59: {  	s3 =	rddreg [dreg:$0x1c];
	[sflag:s21] =	ssyncadd.s32 $0xFFFFE000  }
0x5a: {  	[spmem:s3] =	stream.linear.scatter [tilespmem:s23], [sflag:$0x7], $0x2000, $0x38;
	[tilespmem:$0x1FC00] =	vst v63  }
0x5b: {  	_ =	swait.ge [sflag:s21], $0x2000  }
0x5c: {  	[sflag:s21] =	ssyncset.done $0x0  }
0x5d: {  	s15 =	rddreg [dreg:$0x1d];
	[sflag:s21] =	ssyncadd.s32 $0xFFFFE000  }
0x5e: {  	[spmem:s15] =	stream.linear.scatter [tilespmem:s23], [sflag:$0x7], $0x2000, $0x38;
	[tilespmem:$0x1FC00] =	vst v63  }
0x5f: {  	_ =	swait.ge [sflag:s21], $0x2000  }
0x60: {  	[sflag:s21] =	ssyncset.done $0x0  }
0x61: {  	s16 =	rddreg [dreg:$0x1e];
	[sflag:s21] =	ssyncadd.s32 $0xFFFFE000  }
0x62: {  	[spmem:s16] =	stream.linear.scatter [tilespmem:s23], [sflag:$0x7], $0x2000, $0x38;
	[tilespmem:$0x1FC00] =	vst v63  }
0x63: {  	_ =	swait.ge [sflag:s21], $0x2000  }
0x64: {  	[sflag:s21] =	ssyncset.done $0x0  }
0x65: {  	s17 =	rddreg [dreg:$0x1f];
	[sflag:s21] =	ssyncadd.s32 $0xFFFFE000  }
0x66: {  	[spmem:s17] =	stream.linear.scatter [tilespmem:s23], [sflag:$0x7], $0x2000, $0x38;
	[tilespmem:$0x1FC00] =	vst v63  }
0x67: {  	_ =	swait.ge [sflag:s21], $0x2000  }
0x68: {  	s18 =	sld [smem:$0x7FB]  }
0x69: {  	[sflag:s21] =	ssyncset.done $0x0  }
0x6a: {  	[sflag:s21] =	ssyncadd.s32 $0xFFFFE000  }
0x6b: {  	[spmem:s18] =	stream.linear.scatter [tilespmem:s23], [sflag:$0x7], $0x2000, $0x38;
	[tilespmem:$0x1FC00] =	vst v63  }
0x6c: {  	_ =	swait.ge [sflag:s21], $0x2000  }
0x6d: {  	s10 =	sld [smem:$0x7FC]  }
0x6e: {  	[sflag:s21] =	ssyncset.done $0x0  }
0x6f: {  	[sflag:s21] =	ssyncadd.s32 $0xFFFFE000  }
0x70: {  	[spmem:s10] =	stream.linear.scatter [tilespmem:s23], [sflag:$0x7], $0x2000, $0x38;
	[tilespmem:$0x1FC00] =	vst v63  }
0x71: {  	_ =	swait.ge [sflag:s21], $0x2000  }
0x72: {  	s13 =	sld [smem:$0x7FD]  }
0x73: {  	[sflag:s21] =	ssyncset.done $0x0  }
0x74: {  	[sflag:s21] =	ssyncadd.s32 $0xFFFFE000  }
0x75: {  	[spmem:s13] =	stream.linear.scatter [tilespmem:s23], [sflag:$0x7], $0x2000, $0x38;
	[tilespmem:$0x1FC00] =	vst v63  }
0x76: {  	_ =	swait.ge [sflag:s21], $0x2000  }
0x77: {  	[sflag:s21] =	ssyncset.done $0x0  }
0x78: {  	[sflag:s21] =	ssyncadd.s32 $0xFFFFE000  }
0x79: {  	[bflag:$0x0] =	sbarrier.arrive $0xFFFF  }
0x7a: {  	s15 =	simm.s32 $0x0;
	s14 =	rddreg [dreg:$0x8]  }
0x7b: {  	[tilespmem:s24], [sflag:$0x1] =	stream.linear.gather [hbm4b:s14+s15], $0x40, $0x38;
	[tilespmem:$0x1FC00] =	vst v63  }
0x7c: {  	s10 =	simm.s32 $0x7780;
	s16 =	rddreg [dreg:$0x9]  }
0x7d: {  	[tilespmem:s10], [sflag:$0x1] =	stream.linear.gather [hbm4b:s16+s15], $0x40, $0x38;
	[tilespmem:$0x1FC00] =	vst v63  }
0x7e: {  	s18 =	simm.s32 $0x7880;
	s17 =	rddreg [dreg:$0xa]  }
0x7f: {  	[tilespmem:s18], [sflag:$0x1] =	stream.linear.gather [hbm4b:s17+s15], $0x40, $0x38;
	[tilespmem:$0x1FC00] =	vst v63  }
0x80: {  	s13 =	rddreg [dreg:$0xb]  }
0x81: {  	[tilespmem:s25], [sflag:$0x2] =	stream.linear.gather [hbm4b:s13+s15], $0x40, $0x38;
	[tilespmem:$0x1FC00] =	vst v63  }
0x82: {  	s14 =	rddreg [dreg:$0xc];
	s16 =	simm.s32 $0x7800  }
0x83: {  	[tilespmem:s16], [sflag:$0x2] =	stream.linear.gather [hbm4b:s14+s15], $0x40, $0x38;
	[tilespmem:$0x1FC00] =	vst v63  }
0x84: {  	s17 =	rddreg [dreg:$0xd];
	s18 =	simm.s32 $0x7900;
	s16 =	simm.s32 $0x0  }
0x85: {  	[tilespmem:s18], [sflag:$0x2] =	stream.linear.gather [hbm4b:s17+s15], $0x40, $0x38;
	[tilespmem:$0x1FC00] =	vst v63  }
.LBB2_6:
0x86: {  	_ =	swait.ge [sflag:s26], $0x40  }
0x87: {  	[sflag:s26] =	ssyncset.done $0x0  }
0x88: {  	[sflag:s26] =	ssyncadd.s32 $0xFFFFFFC0  }
0x89: {  	_ =	swait.ge [sflag:s26], $0x40  }
0x8a: {  	[sflag:s26] =	ssyncset.done $0x0  }
0x8b: {  	[sflag:s26] =	ssyncadd.s32 $0xFFFFFFC0  }
0x8c: {  	_ =	swait.ge [sflag:s26], $0x40  }
0x8d: {  	p0 =	seq.s32 s16, $0x0;
	[sflag:s26] =	ssyncset.done $0x0  }
0x8e: {  	s13 =	simm.s32 @!p0 $0x5;
	[sflag:s26] =	ssyncadd.s32 $0xFFFFFFC0  }
0x8f: {  	_ =	swait.ge @!p0 [sflag:s13], $0x2000  }
0x90: {  	[sflag:s13] =	ssyncset.done @!p0 $0x0  }
0x91: {  	[sflag:s13] =	ssyncadd.s32 @!p0 $0xFFFFE000  }
0x92: {  	[tilespmem:s23], [sflag:$0x3] =	stream.indirect.gather [hbm4b:s1+s28], $0x80, s24, s28, $0xb8;
	[tilespmem:$0x1FC00] =	vst v63  }
0x93: {  	_ =	swait.ge [sflag:s29], $0x40  }
0x94: {  	[sflag:s29] =	ssyncset.done $0x0  }
0x95: {  	[sflag:s29] =	ssyncadd.s32 $0xFFFFFFC0  }
0x96: {  	_ =	swait.ge [sflag:s29], $0x40  }
0x97: {  	[sflag:s29] =	ssyncset.done $0x0  }
0x98: {  	[sflag:s29] =	ssyncadd.s32 $0xFFFFFFC0  }
0x99: {  	_ =	swait.ge [sflag:s29], $0x40  }
0x9a: {  	[sflag:s29] =	ssyncset.done $0x0  }
0x9b: {  	s13 =	simm.s32 @!p0 $0x6;
	[sflag:s29] =	ssyncadd.s32 $0xFFFFFFC0  }
0x9c: {  	_ =	swait.ge @!p0 [sflag:s13], $0x2000  }
0x9d: {  	[sflag:s13] =	ssyncset.done @!p0 $0x0  }
0x9e: {  	[sflag:s13] =	ssyncadd.s32 @!p0 $0xFFFFE000  }
0x9f: {  	[tilespmem:s30], [sflag:$0x4] =	stream.indirect.gather [hbm4b:s1+s28], $0x80, s25, s28, $0xb8;
	[tilespmem:$0x1FC00] =	vst v63  }
0xa0: {  	v3 =	vld [tilespmem:$0x7680]  }
0xa1: {  	v4 =	vld [tilespmem:$0x7780]  }
0xa2: {  	v5 =	vld [tilespmem:$0x7690]  }
0xa3: {  	v6 =	vld [tilespmem:$0x7790]  }
0xa4: {  	v8 =	vld [tilespmem:$0x76A0]  }
0xa5: {  	v9 =	vld [tilespmem:$0x77A0]  }
0xa6: {  	v10 =	vld [tilespmem:$0x7880]  }
0xa7: {  	v11 =	vld [tilespmem:$0x76B0]  }
0xa8: {  	v12 =	vld [tilespmem:$0x77B0]  }
0xa9: {  	v14 =	vld [tilespmem:$0x7890]  }
0xaa: {  	v16 =	vld [tilespmem:$0x78A0]  }
0xab: {  	v3 =	vld.idx.msk [tilespmem:v3+s15+$0x0], $0xffff  }
0xac: {  	v7 =	vld.idx.msk [tilespmem:v4+s22+$0x0], $0xffff  }
0xad: {  	v5 =	vld.idx.msk [tilespmem:v5+s15+$0x0], $0xffff  }
0xae: {  	v13 =	vld.idx.msk [tilespmem:v6+s22+$0x0], $0xffff  }
0xaf: {  	v8 =	vld.idx.msk [tilespmem:v8+s15+$0x0], $0xffff  }
0xb0: {  	v15 =	vld.idx.msk [tilespmem:v9+s22+$0x0], $0xffff  }
0xb1: {  	v3 =	vadd.f32 v7, v3;
	v7 =	vmul.f32 v10, v2;
	v10 =	vld.idx.msk [tilespmem:v11+s15+$0x0], $0xffff  }
0xb2: {  	v11 =	vld.idx.msk [tilespmem:v12+s22+$0x0], $0xffff  }
0xb3: {  	v5 =	vadd.f32 v13, v5;
	v13 =	vld [tilespmem:$0x78B0];
	v3 =	vadd.f32 v7, v3;
	v7 =	vmul.f32 v14, v2;
	_ =	sdelay $0x1  }
0xb4: {  	v14 =	vmul.f32 $2.000000030e-01, v3;
	v5 =	vadd.f32 v7, v5  }
0xb5: {  	v7 =	vadd.f32 v15, v8;
	v8 =	vmul.f32 v16, v2  }
0xb6: {  	v3 =	vmax.f32 v3, v14;
	v14 =	vmul.f32 $2.000000030e-01, v5  }
0xb7: {  	v7 =	vadd.f32 v8, v7;
	v8 =	vadd.f32 v11, v10;
	v10 =	vmul.f32 v13, v2  }
0xb8: {  	v3 =	vmul.f32 $1.442695020e+00, v3  }
0xb9: {  	v5 =	vmax.f32 v5, v14;
	v11 =	vmul.f32 $2.000000030e-01, v7;
	v8 =	vadd.f32 v10, v8  }
0xba: {  	(erf) = vpow2.f32 v3;
	v3 =	vmul.f32 $1.442695020e+00, v5  }
0xbb: {  	v5 =	vmax.f32 v7, v11;
	v7 =	vmul.f32 $2.000000030e-01, v8  }
0xbc: {  	(erf) = vpow2.f32 v3;
	v3 =	vmul.f32 $1.442695020e+00, v5  }
0xbd: {  	v5 =	vmax.f32 v8, v7  }
0xbe: {  	(erf) = vpow2.f32 v3;
	v3 =	vmul.f32 $1.442695020e+00, v5;
	_ =	sdelay $0x1  }
0xbf: {  	s18 =	sshll.u32 s16, $0x7;
	(erf) = vpow2.f32 v3  }
0xc0: {  	s14 =	sadd.s32 s19, s18  }
0xc1: {  	v3 =	vmov s14  }
0xc2: {  	s17 =	sor.u32 $0x10, s14;
	vm0 =	vlt.s32 v3, v1;
	v5 =	vpop (erf)  }
0xc3: {  	v3 =	vnsel vm0, $0x0, v5;
	v5 =	vmov s17  }
0xc4: {  	s3 =	sor.u32 $0x20, s14;
	[tilespmem:$0xBA80] =	vst v3;
	v7 =	vpop (erf);
	vm9 =	vlt.s32 v5, v1  }
0xc5: {  	[tilespmem:v4+s31+$0x0] =	vst.idx.add.f32.msk $0xffff, v3;
	v3 =	vnsel vm9, $0x0, v7;
	v4 =	vmov s3  }
0xc6: {  	s14 =	sor.u32 $0x30, s14;
	[tilespmem:$0xBA90] =	vst v3;
	v5 =	vpop (erf);
	vm10 =	vlt.s32 v4, v1  }
0xc7: {  	v4 =	vmov s14;
	[tilespmem:v6+s31+$0x0] =	vst.idx.add.f32.msk $0xffff, v3;
	v3 =	vnsel vm10, $0x0, v5  }
0xc8: {  	vm11 =	vlt.s32 v4, v1;
	[tilespmem:$0xBAA0] =	vst v3;
	v5 =	vpop (erf)  }
0xc9: {  	[tilespmem:v9+s31+$0x0] =	vst.idx.add.f32.msk $0xffff, v3;
	v3 =	vnsel vm11, $0x0, v5  }
0xca: {  	[tilespmem:$0xBAB0] =	vst v3  }
0xcb: {  	[tilespmem:v12+s31+$0x0] =	vst.idx.add.f32.msk $0xffff, v3  }
0xcc: {  	v3 =	vld [tilespmem:$0x7780]  }
0xcd: {  	v4 =	vld [tilespmem:$0x7790]  }
0xce: {  	v5 =	vld [tilespmem:$0x7700]  }
0xcf: {  	v6 =	vld [tilespmem:$0x77A0]  }
0xd0: {  	v7 =	vld [tilespmem:$0x77B0];
	_ =	sdelay $0x1  }
0xd1: {  	v8 =	vld [tilespmem:$0x7800];
	[tilespmem:$0x7980] =	vst v3  }
0xd2: {  	v9 =	vld [tilespmem:$0x7820];
	[tilespmem:$0x7990] =	vst v4  }
0xd3: {  	v10 =	vld [tilespmem:$0x7900];
	[tilespmem:$0x79A0] =	vst v6  }
0xd4: {  	[tilespmem:$0x79B0] =	vst v7;
	v4 =	vld [tilespmem:$0x7710]  }
0xd5: {  	v3 =	vld.idx.msk [tilespmem:v5+s15+$0x0], $0xffff  }
0xd6: {  	v5 =	vld [tilespmem:$0x7810]  }
0xd7: {  	v11 =	vld [tilespmem:$0x7730]  }
0xd8: {  	v7 =	vld [tilespmem:$0x7720]  }
0xd9: {  	v12 =	vld [tilespmem:$0x7830]  }
0xda: {  	v14 =	vld [tilespmem:$0x7910]  }
0xdb: {  	v16 =	vld [tilespmem:$0x7920]  }
0xdc: {  	v6 =	vld.idx.msk [tilespmem:v8+s22+$0x0], $0xffff  }
0xdd: {  	v4 =	vld.idx.msk [tilespmem:v4+s15+$0x0], $0xffff  }
0xde: {  	v13 =	vld.idx.msk [tilespmem:v5+s22+$0x0], $0xffff  }
0xdf: {  	v15 =	vld.idx.msk [tilespmem:v9+s22+$0x0], $0xffff  }
0xe0: {  	v7 =	vld.idx.msk [tilespmem:v7+s15+$0x0], $0xffff  }
0xe1: {  	v3 =	vadd.f32 v6, v3;
	v6 =	vmul.f32 v10, v2;
	v10 =	vld.idx.msk [tilespmem:v11+s15+$0x0], $0xffff  }
0xe2: {  	v11 =	vld.idx.msk [tilespmem:v12+s22+$0x0], $0xffff  }
0xe3: {  	v3 =	vadd.f32 v6, v3;
	v6 =	vmul.f32 v14, v2;
	v4 =	vadd.f32 v13, v4;
	v13 =	vld [tilespmem:$0x7930];
	_ =	sdelay $0x1  }
0xe4: {  	v14 =	vmul.f32 $2.000000030e-01, v3;
	v4 =	vadd.f32 v6, v4  }
0xe5: {  	v6 =	vadd.f32 v15, v7;
	v7 =	vmul.f32 v16, v2  }
0xe6: {  	v3 =	vmax.f32 v3, v14;
	v14 =	vmul.f32 $2.000000030e-01, v4  }
0xe7: {  	v6 =	vadd.f32 v7, v6;
	v7 =	vadd.f32 v11, v10;
	v10 =	vmul.f32 v13, v2  }
0xe8: {  	v3 =	vmul.f32 $1.442695020e+00, v3  }
0xe9: {  	v4 =	vmax.f32 v4, v14;
	v11 =	vmul.f32 $2.000000030e-01, v6;
	v7 =	vadd.f32 v10, v7  }
0xea: {  	(erf) = vpow2.f32 v3;
	v3 =	vmul.f32 $1.442695020e+00, v4  }
0xeb: {  	v4 =	vmax.f32 v6, v11;
	v6 =	vmul.f32 $2.000000030e-01, v7  }
0xec: {  	(erf) = vpow2.f32 v3;
	v3 =	vmul.f32 $1.442695020e+00, v4  }
0xed: {  	v4 =	vmax.f32 v7, v6  }
0xee: {  	(erf) = vpow2.f32 v3;
	v3 =	vmul.f32 $1.442695020e+00, v4;
	_ =	sdelay $0x1  }
0xef: {  	s13 =	sadd.s32 s18, s19;
	(erf) = vpow2.f32 v3  }
0xf0: {  	s13 =	sadd.s32 $0x40, s13  }
0xf1: {  	v3 =	vmov s13  }
0xf2: {  	s10 =	sor.u32 $0x10, s13;
	v4 =	vpop (erf);
	vm12 =	vlt.s32 v3, v1  }
0xf3: {  	v3 =	vnsel vm12, $0x0, v4;
	v4 =	vmov s10  }
0xf4: {  	s17 =	sor.u32 $0x20, s13;
	[tilespmem:$0xBB00] =	vst v3;
	vm13 =	vlt.s32 v4, v1;
	v6 =	vpop (erf)  }
0xf5: {  	v4 =	vmov s17;
	[tilespmem:v8+s31+$0x0] =	vst.idx.add.f32.msk $0xffff, v3;
	v3 =	vnsel vm13, $0x0, v6  }
0xf6: {  	s13 =	sor.u32 $0x30, s13;
	vm14 =	vlt.s32 v4, v1;
	v6 =	vpop (erf);
	[tilespmem:$0xBB10] =	vst v3  }
0xf7: {  	v4 =	vmov s13;
	[tilespmem:v5+s31+$0x0] =	vst.idx.add.f32.msk $0xffff, v3;
	v3 =	vnsel vm14, $0x0, v6  }
0xf8: {  	vm15 =	vlt.s32 v4, v1;
	[tilespmem:$0xBB20] =	vst v3;
	v5 =	vpop (erf)  }
0xf9: {  	[tilespmem:v9+s31+$0x0] =	vst.idx.add.f32.msk $0xffff, v3;
	v3 =	vnsel vm15, $0x0, v5  }
0xfa: {  	[tilespmem:$0xBB30] =	vst v3  }
0xfb: {  	[tilespmem:v12+s31+$0x0] =	vst.idx.add.f32.msk $0xffff, v3  }
0xfc: {  	v3 =	vld [tilespmem:$0x7800]  }
0xfd: {  	v4 =	vld [tilespmem:$0x7810]  }
0xfe: {  	v5 =	vld [tilespmem:$0x7820]  }
0xff: {  	v6 =	vld [tilespmem:$0x7830];
	_ =	sdelay $0x1  }
0x100: {  	[tilespmem:$0x7A00] =	vst v3  }
0x101: {  	[tilespmem:$0x7A10] =	vst v4  }
0x102: {  	[tilespmem:$0x7A20] =	vst v5  }
0x103: {  	[tilespmem:$0x7A30] =	vst v6  }
0x104: {  	_ =	swait.ge [sflag:s0], $0x2000  }
0x105: {  	s18 =	simm.s32 $0x6;
	v7 =	vmov s15;
	[sflag:s0] =	ssyncset.done $0x0  }
0x106: {  	v3 =	vand.u32 $0xFFFFFFF8, v7;
	v7 =	vmov s18;
	s18 =	simm.s32 $0x7C80;
	[sflag:s0] =	ssyncadd.s32 $0xFFFFE000  }
0x107: {  	v6 =	vld [tilespmem:s18+$0x170]  }
0x108: {  	v3 =	vbroadcast v3, $0x0;
	v4 =	vand.u32 $0xFFFFFFFE, v7;
	v7 =	vld [tilespmem:s18+$0xFFFFFE00]  }
0x109: {  	s3 =	simm.s32 $0x1;
	v8 =	vld [tilespmem:s18+$0xFFFFFE10]  }
0x10a: {  	v5 =	vmov s3;
	v9 =	vld [tilespmem:s18+$0xFFFFFE20]  }
0x10b: {  	v5 =	vand.u32 $0xFFFFFFF9, v5;
	v4 =	vbroadcast v4, $0x0;
	v10 =	vld [tilespmem:s18+$0xFFFFFE30]  }
0x10c: {  	v5 =	vbroadcast v5, $0x0;
	v11 =	vld [tilespmem:s18+$0xFFFFFE40]  }
0x10d: {  	v12 =	vld [tilespmem:s18+$0xFFFFFE50]  }
0x10e: {  	v3 =	vld.idx.msk [tilespmem:v3+s4+$0x0], $0xffff  }
0x10f: {  	v13 =	vld [tilespmem:s18+$0xFFFFFE60]  }
0x110: {  	v15 =	vld [tilespmem:s18+$0xFFFFFE80]  }
0x111: {  	v4 =	vld.idx.msk [tilespmem:v4+s4+$0x0], $0xffff  }
0x112: {  	v5 =	vld.idx.msk [tilespmem:v5+s4+$0x0], $0xffff  }
0x113: {  	v14 =	vld [tilespmem:s18+$0xFFFFFE70];
	v7 =	vmul.f32 v7, v3  }
0x114: {  	v16 =	vld [tilespmem:s18+$0xFFFFFE90];
	v8 =	vmul.f32 v8, v3  }
0x115: {  	v17 =	vld [tilespmem:s18+$0xFFFFFEA0];
	v10 =	vmul.f32 v10, v3;
	[tilespmem:s18+$0xFFFFFE00] =	vst v7  }
0x116: {  	v18 =	vld [tilespmem:s18+$0xFFFFFEB0];
	v11 =	vmul.f32 v11, v3;
	[tilespmem:s18+$0xFFFFFE10] =	vst v8  }
0x117: {  	s10 =	simm.s32 $0x2;
	v6 =	vmul.f32 v6, v4;
	v8 =	vmul.f32 v15, v5;
	v15 =	vld [tilespmem:s18+$0xFFFFFED0];
	[tilespmem:s18+$0xFFFFFE30] =	vst v10  }
0x118: {  	v7 =	vmov s10;
	v10 =	vmul.f32 v12, v3;
	v12 =	vld [tilespmem:s18+$0xFFFFFEF0];
	[tilespmem:s18+$0xFFFFFE40] =	vst v11  }
0x119: {  	v11 =	vmul.f32 v13, v3;
	v13 =	vld [tilespmem:s18+$0xFFFFFF00];
	v7 =	vand.u32 $0xFFFFFFFA, v7;
	[tilespmem:s18+$0x170] =	vst v6  }
0x11a: {  	v6 =	vmul.f32 v9, v3;
	v9 =	vld [tilespmem:s18+$0xFFFFFEC0];
	v7 =	vbroadcast v7, $0x0;
	[tilespmem:s18+$0xFFFFFE80] =	vst v8  }
0x11b: {  	v3 =	vmul.f32 v14, v3;
	v14 =	vld [tilespmem:s18+$0xFFFFFF20];
	[tilespmem:s18+$0xFFFFFE50] =	vst v10  }
0x11c: {  	s14 =	simm.s32 $0x3;
	v10 =	vld [tilespmem:s18+$0xFFFFFF10];
	[tilespmem:s18+$0xFFFFFE60] =	vst v11  }
0x11d: {  	v8 =	vmov s14;
	v11 =	vmul.f32 v16, v5;
	v16 =	vld [tilespmem:s18+$0xFFFFFF30];
	[tilespmem:s18+$0xFFFFFE20] =	vst v6  }
0x11e: {  	v6 =	vld [tilespmem:s18+$0xFFFFFEE0];
	v8 =	vand.u32 $0xFFFFFFFB, v8;
	[tilespmem:s18+$0xFFFFFE70] =	vst v3;
	v3 =	vmul.f32 v17, v5  }
0x11f: {  	v17 =	vld [tilespmem:s18+$0xFFFFFF40];
	v8 =	vbroadcast v8, $0x0;
	[tilespmem:s18+$0xFFFFFE90] =	vst v11;
	v11 =	vmul.f32 v18, v5  }
0x120: {  	v15 =	vmul.f32 v15, v5;
	v7 =	vld.idx.msk [tilespmem:v7+s4+$0x0], $0xffff  }
0x121: {  	v9 =	vmul.f32 v9, v5;
	[tilespmem:s18+$0xFFFFFEB0] =	vst v11;
	v11 =	vld [tilespmem:s18+$0xFFFFFF60]  }
0x122: {  	[tilespmem:s18+$0xFFFFFED0] =	vst v15;
	v15 =	vld [tilespmem:s18+$0xFFFFFFB0]  }
0x123: {  	[tilespmem:s18+$0xFFFFFEC0] =	vst v9;
	v6 =	vmul.f32 v6, v5;
	v9 =	vld [tilespmem:s18+$0xFFFFFF70]  }
0x124: {  	[tilespmem:s18+$0xFFFFFEA0] =	vst v3;
	v5 =	vmul.f32 v12, v5;
	v12 =	vld [tilespmem:s18+$0xFFFFFF80]  }
0x125: {  	v8 =	vld.idx.msk [tilespmem:v8+s4+$0x0], $0xffff;
	[tilespmem:s18+$0xFFFFFEE0] =	vst v6;
	v3 =	vmul.f32 v13, v7  }
0x126: {  	[tilespmem:s18+$0xFFFFFEF0] =	vst v5;
	v13 =	vld [tilespmem:s18+$0xFFFFFF50];
	v6 =	vmul.f32 v10, v7  }
0x127: {  	s17 =	simm.s32 $0x4;
	v10 =	vld [tilespmem:s18+$0xFFFFFF90];
	v5 =	vmul.f32 v14, v7;
	[tilespmem:s18+$0xFFFFFF00] =	vst v3  }
0x128: {  	v14 =	vld [tilespmem:s18+$0xFFFFFFA0];
	v11 =	vmul.f32 v11, v7;
	v3 =	vmov s17;
	[tilespmem:s18+$0xFFFFFF10] =	vst v6  }
0x129: {  	v6 =	vmul.f32 v16, v7;
	[tilespmem:s18+$0xFFFFFF20] =	vst v5;
	v16 =	vld [tilespmem:s18+$0xFFFFFFC0];
	v3 =	vand.u32 $0xFFFFFFFC, v3  }
0x12a: {  	v5 =	vmul.f32 v17, v7;
	[tilespmem:s18+$0xFFFFFF60] =	vst v11;
	v11 =	vld [tilespmem:s18+$0x0];
	v3 =	vbroadcast v3, $0x0  }
0x12b: {  	[tilespmem:s18+$0xFFFFFF30] =	vst v6;
	v6 =	vmul.f32 v12, v8;
	v12 =	vld [tilespmem:s18+$0xFFFFFFD0]  }
0x12c: {  	s3 =	simm.s32 $0x5;
	[tilespmem:s18+$0xFFFFFF40] =	vst v5;
	v5 =	vld [tilespmem:s18+$0xFFFFFFE0];
	v13 =	vmul.f32 v13, v7  }
0x12d: {  	v7 =	vmul.f32 v9, v7;
	v9 =	vld [tilespmem:s18+$0xFFFFFFF0];
	[tilespmem:s18+$0xFFFFFF80] =	vst v6;
	v6 =	vmov s3  }
0x12e: {  	v10 =	vmul.f32 v10, v8;
	[tilespmem:s18+$0xFFFFFF50] =	vst v13;
	v6 =	vand.u32 $0xFFFFFFFD, v6;
	v13 =	vld [tilespmem:s18+$0x10]  }
0x12f: {  	[tilespmem:s18+$0xFFFFFF70] =	vst v7;
	v7 =	vmul.f32 v14, v8;
	v14 =	vld [tilespmem:s18+$0x20];
	v6 =	vbroadcast v6, $0x0  }
0x130: {  	[tilespmem:s18+$0xFFFFFF90] =	vst v10;
	v10 =	vmul.f32 v15, v8;
	v3 =	vld.idx.msk [tilespmem:v3+s4+$0x0], $0xffff  }
0x131: {  	v15 =	vld [tilespmem:s18+$0x30];
	[tilespmem:s18+$0xFFFFFFA0] =	vst v7;
	v7 =	vmul.f32 v16, v8  }
0x132: {  	[tilespmem:s18+$0xFFFFFFB0] =	vst v10;
	v10 =	vmul.f32 v12, v8;
	v12 =	vld [tilespmem:s18+$0x40]  }
0x133: {  	v5 =	vmul.f32 v5, v8;
	v16 =	vld [tilespmem:s18+$0x180];
	[tilespmem:s18+$0xFFFFFFC0] =	vst v7  }
0x134: {  	v8 =	vmul.f32 v9, v8;
	[tilespmem:s18+$0xFFFFFFD0] =	vst v10;
	v10 =	vld [tilespmem:s18+$0x60]  }
0x135: {  	[tilespmem:s18+$0xFFFFFFE0] =	vst v5;
	v6 =	vld.idx.msk [tilespmem:v6+s4+$0x0], $0xffff;
	v7 =	vmul.f32 v11, v3  }
0x136: {  	[tilespmem:s18+$0xFFFFFFF0] =	vst v8;
	v11 =	vld [tilespmem:s18+$0x50];
	v8 =	vmul.f32 v14, v3  }
0x137: {  	v5 =	vmul.f32 v13, v3;
	v13 =	vld [tilespmem:s18+$0x90];
	[tilespmem:s18+$0x0] =	vst v7  }
0x138: {  	v9 =	vld [tilespmem:s18+$0x80];
	[tilespmem:s18+$0x20] =	vst v8;
	v8 =	vmul.f32 v12, v3  }
0x139: {  	v7 =	vld [tilespmem:s18+$0x70];
	[tilespmem:s18+$0x10] =	vst v5;
	v5 =	vmul.f32 v15, v3  }
0x13a: {  	v12 =	vld [tilespmem:s18+$0xA0];
	[tilespmem:s18+$0x40] =	vst v8;
	v8 =	vmul.f32 v10, v3  }
0x13b: {  	[tilespmem:s18+$0x30] =	vst v5;
	v10 =	vld [tilespmem:s18+$0xC0];
	v5 =	vmul.f32 v11, v3  }
0x13c: {  	v11 =	vld [tilespmem:s18+$0xB0];
	v13 =	vmul.f32 v13, v6;
	[tilespmem:s18+$0x60] =	vst v8  }
0x13d: {  	s10 =	simm.s32 $0x7;
	v8 =	vld [tilespmem:s18+$0xE0];
	[tilespmem:s18+$0x50] =	vst v5;
	v5 =	vmul.f32 v9, v6  }
0x13e: {  	v14 =	vmov s10;
	v9 =	vld [tilespmem:s18+$0xD0];
	v7 =	vmul.f32 v7, v3;
	[tilespmem:s18+$0x90] =	vst v13  }
0x13f: {  	v13 =	vld [tilespmem:s18+$0x150];
	[tilespmem:s18+$0x80] =	vst v5  }
0x140: {  	[tilespmem:s18+$0x70] =	vst v7;
	v5 =	vmul.f32 v12, v6;
	v7 =	vld [tilespmem:s18+$0xF0]  }
0x141: {  	v12 =	vld [tilespmem:s18+$0x100];
	v11 =	vmul.f32 v11, v6  }
0x142: {  	[tilespmem:s18+$0xA0] =	vst v5;
	v5 =	vmul.f32 v10, v6;
	v10 =	vld [tilespmem:s18+$0x110]  }
0x143: {  	v3 =	vld.idx.msk [tilespmem:v14+s4+$0x0], $0xffff;
	[tilespmem:s18+$0xB0] =	vst v11;
	v9 =	vmul.f32 v9, v6  }
0x144: {  	v11 =	vld [tilespmem:s18+$0x120];
	v13 =	vmul.f32 v13, v4;
	[tilespmem:s18+$0xC0] =	vst v5  }
0x145: {  	s10 =	simm.s32 $0xA;
	v5 =	vmul.f32 v8, v6;
	v8 =	vld [tilespmem:s18+$0x130];
	[tilespmem:s18+$0xD0] =	vst v9;
	v6 =	vmul.f32 v7, v6  }
0x146: {  	v15 =	vmov s10;
	s10 =	simm.s32 $0xC;
	v7 =	vld [tilespmem:s18+$0x140];
	[tilespmem:s18+$0x150] =	vst v13  }
0x147: {  	s14 =	simm.s32 $0x8;
	s3 =	simm.s32 $0x9;
	v17 =	vmov s10;
	v12 =	vmul.f32 v12, v4;
	[tilespmem:s18+$0xF0] =	vst v6;
	v6 =	vmul.f32 v10, v4;
	v10 =	vld [tilespmem:s18+$0x160]  }
0x148: {  	s17 =	simm.s32 $0xF;
	v14 =	vmov s3;
	v16 =	vmul.f32 v16, v3;
	v9 =	vmov s14;
	[tilespmem:s18+$0xE0] =	vst v5  }
0x149: {  	v19 =	vld [tilespmem:s18+$0x190];
	s3 =	simm.s32 $0xB;
	v9 =	vand.u32 $0xFFFFFFF8, v9;
	v5 =	vmov s17;
	[tilespmem:s18+$0x100] =	vst v12;
	v11 =	vmul.f32 v11, v4  }
0x14a: {  	v12 =	vmov s3;
	[tilespmem:s18+$0x110] =	vst v6;
	v18 =	vmul.f32 v8, v4;
	v6 =	vbroadcast v9, $0x0;
	v8 =	vld [tilespmem:s18+$0x1A0]  }
0x14b: {  	v9 =	vld [tilespmem:s18+$0x1B0];
	[tilespmem:s18+$0x120] =	vst v11;
	v11 =	vmul.f32 v7, v4;
	v7 =	vand.u32 $0xFFFFFFF9, v14;
	v14 =	vand.u32 $0xFFFFFFFA, v15  }
0x14c: {  	s17 =	simm.s32 $0xD;
	v15 =	vand.u32 $0xFFFFFFFB, v12;
	[tilespmem:s18+$0x130] =	vst v18;
	v7 =	vbroadcast v7, $0x0;
	v18 =	vmul.f32 v10, v4;
	v10 =	vld [tilespmem:s18+$0x1C0]  }
0x14d: {  	v20 =	vmov s17;
	v12 =	vbroadcast v14, $0x0;
	v14 =	vbroadcast v15, $0x0;
	[tilespmem:s18+$0x140] =	vst v11;
	v11 =	vld [tilespmem:s18+$0x1D0]  }
0x14e: {  	s13 =	simm.s32 $0x10;
	s14 =	simm.s32 $0xE;
	v13 =	vld [tilespmem:s18+$0x1E0];
	s17 =	sshll.u32 s16, $0x1;
	v15 =	vmul.f32 v19, v3;
	v4 =	vand.u32 $0xFFFFFFFC, v17;
	v17 =	vand.u32 $0xFFFFFFFD, v20;
	[tilespmem:s18+$0x160] =	vst v18  }
.LBB2_7:
0x14f: {  	p0 =	slt.u32 s13, $0x38;
	v4 =	vbroadcast v4, $0x0;
	v18 =	vmov s14;
	[tilespmem:s18+$0x180] =	vst v16;
	v8 =	vmul.f32 v8, v3;
	v16 =	vld [tilespmem:s18+$0x1F0]  }
0x150: {  	v17 =	vbroadcast v17, $0x0;
	v18 =	vand.u32 $0xFFFFFFFE, v18;
	v19 =	vld.idx.msk [tilespmem:v5+s4+$0x0], $0xffff;
	[tilespmem:s18+$0x190] =	vst v15;
	v5 =	vmul.f32 v9, v3  }
0x151: {  	v9 =	vld.idx.msk [tilespmem:v6+s4+$0x0], $0xffff;
	v15 =	vbroadcast v18, $0x0;
	[tilespmem:s18+$0x1A0] =	vst v8;
	v6 =	vmul.f32 v10, v3  }
0x152: {  	v8 =	vld.idx.msk [tilespmem:v7+s4+$0x0], $0xffff;
	[tilespmem:s18+$0x1B0] =	vst v5;
	v5 =	vmul.f32 v11, v3  }
0x153: {  	v10 =	vld.idx.msk [tilespmem:v12+s4+$0x0], $0xffff;
	[tilespmem:s18+$0x1C0] =	vst v6;
	v11 =	vmul.f32 v13, v3  }
0x154: {  	v7 =	vld.idx.msk [tilespmem:v14+s4+$0x0], $0xffff;
	[tilespmem:s18+$0x1D0] =	vst v5;
	v12 =	vmul.f32 v16, v3  }
0x155: {  	v6 =	vld.idx.msk [tilespmem:v4+s4+$0x0], $0xffff;
	[tilespmem:s18+$0x1E0] =	vst v11  }
0x156: {  	v3 =	vmov v19;
	v5 =	vld.idx.msk [tilespmem:v17+s4+$0x0], $0xffff;
	[tilespmem:s18+$0x1F0] =	vst v12  }
0x157: {  	s18 =	sadd.s32 $0x400, s18;
	v4 =	vld.idx.msk [tilespmem:v15+s4+$0x0], $0xffff  }
0x158: {  	v11 =	vld [tilespmem:s18+$0x170]  }
0x159: {  	v12 =	vld [tilespmem:s18+$0xFFFFFE00]  }
0x15a: {  	v13 =	vld [tilespmem:s18+$0xFFFFFE10]  }
0x15b: {  	v14 =	vld [tilespmem:s18+$0xFFFFFE20]  }
0x15c: {  	v15 =	vld [tilespmem:s18+$0xFFFFFE30]  }
0x15d: {  	v16 =	vld [tilespmem:s18+$0xFFFFFE40];
	v11 =	vmul.f32 v11, v4  }
0x15e: {  	v12 =	vmul.f32 v12, v9;
	v17 =	vld [tilespmem:s18+$0xFFFFFE50]  }
0x15f: {  	v13 =	vmul.f32 v13, v9;
	v18 =	vld [tilespmem:s18+$0xFFFFFE60];
	[tilespmem:s18+$0x170] =	vst v11  }
0x160: {  	[tilespmem:s18+$0xFFFFFE00] =	vst v12;
	v11 =	vmul.f32 v14, v9;
	v12 =	vld [tilespmem:s18+$0xFFFFFE70]  }
0x161: {  	[tilespmem:s18+$0xFFFFFE10] =	vst v13;
	v13 =	vmul.f32 v15, v9;
	v14 =	vld [tilespmem:s18+$0xFFFFFE80]  }
0x162: {  	[tilespmem:s18+$0xFFFFFE20] =	vst v11;
	v11 =	vmul.f32 v16, v9;
	v15 =	vld [tilespmem:s18+$0xFFFFFE90]  }
0x163: {  	[tilespmem:s18+$0xFFFFFE30] =	vst v13;
	v13 =	vmul.f32 v17, v9;
	v16 =	vld [tilespmem:s18+$0xFFFFFEA0]  }
0x164: {  	[tilespmem:s18+$0xFFFFFE40] =	vst v11;
	v11 =	vmul.f32 v18, v9;
	v17 =	vld [tilespmem:s18+$0xFFFFFEB0]  }
0x165: {  	[tilespmem:s18+$0xFFFFFE50] =	vst v13;
	v9 =	vmul.f32 v12, v9;
	v12 =	vld [tilespmem:s18+$0xFFFFFEC0]  }
0x166: {  	[tilespmem:s18+$0xFFFFFE60] =	vst v11;
	v11 =	vmul.f32 v14, v8;
	v13 =	vld [tilespmem:s18+$0xFFFFFED0]  }
0x167: {  	[tilespmem:s18+$0xFFFFFE70] =	vst v9;
	v9 =	vmul.f32 v15, v8;
	v14 =	vld [tilespmem:s18+$0xFFFFFEE0]  }
0x168: {  	[tilespmem:s18+$0xFFFFFE80] =	vst v11;
	v11 =	vmul.f32 v16, v8;
	v15 =	vld [tilespmem:s18+$0xFFFFFEF0]  }
0x169: {  	[tilespmem:s18+$0xFFFFFE90] =	vst v9;
	v9 =	vmul.f32 v17, v8;
	v16 =	vld [tilespmem:s18+$0xFFFFFF00]  }
0x16a: {  	[tilespmem:s18+$0xFFFFFEA0] =	vst v11;
	v11 =	vmul.f32 v12, v8;
	v12 =	vld [tilespmem:s18+$0xFFFFFF10]  }
0x16b: {  	[tilespmem:s18+$0xFFFFFEB0] =	vst v9;
	v9 =	vmul.f32 v13, v8;
	v13 =	vld [tilespmem:s18+$0xFFFFFF20]  }
0x16c: {  	[tilespmem:s18+$0xFFFFFEC0] =	vst v11;
	v11 =	vmul.f32 v14, v8;
	v14 =	vld [tilespmem:s18+$0xFFFFFF30]  }
0x16d: {  	[tilespmem:s18+$0xFFFFFED0] =	vst v9;
	v8 =	vmul.f32 v15, v8;
	v9 =	vld [tilespmem:s18+$0xFFFFFF40]  }
0x16e: {  	[tilespmem:s18+$0xFFFFFEE0] =	vst v11;
	v11 =	vmul.f32 v16, v10;
	v15 =	vld [tilespmem:s18+$0xFFFFFF50]  }
0x16f: {  	[tilespmem:s18+$0xFFFFFEF0] =	vst v8;
	v8 =	vmul.f32 v12, v10;
	v12 =	vld [tilespmem:s18+$0xFFFFFF60]  }
0x170: {  	[tilespmem:s18+$0xFFFFFF00] =	vst v11;
	v11 =	vmul.f32 v13, v10;
	v13 =	vld [tilespmem:s18+$0xFFFFFF70]  }
0x171: {  	[tilespmem:s18+$0xFFFFFF10] =	vst v8;
	v8 =	vmul.f32 v14, v10;
	v14 =	vld [tilespmem:s18+$0xFFFFFF80]  }
0x172: {  	[tilespmem:s18+$0xFFFFFF20] =	vst v11;
	v9 =	vmul.f32 v9, v10;
	v11 =	vld [tilespmem:s18+$0xFFFFFF90]  }
0x173: {  	[tilespmem:s18+$0xFFFFFF30] =	vst v8;
	v8 =	vmul.f32 v15, v10;
	v15 =	vld [tilespmem:s18+$0xFFFFFFA0]  }
0x174: {  	[tilespmem:s18+$0xFFFFFF40] =	vst v9;
	v9 =	vmul.f32 v12, v10;
	v12 =	vld [tilespmem:s18+$0xFFFFFFB0]  }
0x175: {  	[tilespmem:s18+$0xFFFFFF50] =	vst v8;
	v8 =	vmul.f32 v13, v10;
	v10 =	vld [tilespmem:s18+$0xFFFFFFC0]  }
0x176: {  	[tilespmem:s18+$0xFFFFFF60] =	vst v9;
	v9 =	vmul.f32 v14, v7;
	v13 =	vld [tilespmem:s18+$0xFFFFFFD0]  }
0x177: {  	[tilespmem:s18+$0xFFFFFF70] =	vst v8;
	v8 =	vmul.f32 v11, v7;
	v11 =	vld [tilespmem:s18+$0xFFFFFFE0]  }
0x178: {  	[tilespmem:s18+$0xFFFFFF80] =	vst v9;
	v9 =	vmul.f32 v15, v7;
	v14 =	vld [tilespmem:s18+$0xFFFFFFF0]  }
0x179: {  	[tilespmem:s18+$0xFFFFFF90] =	vst v8;
	v8 =	vmul.f32 v12, v7;
	v12 =	vld [tilespmem:s18+$0x0]  }
0x17a: {  	[tilespmem:s18+$0xFFFFFFA0] =	vst v9;
	v9 =	vmul.f32 v10, v7;
	v10 =	vld [tilespmem:s18+$0x10]  }
0x17b: {  	[tilespmem:s18+$0xFFFFFFB0] =	vst v8;
	v8 =	vmul.f32 v13, v7;
	v13 =	vld [tilespmem:s18+$0x20]  }
0x17c: {  	[tilespmem:s18+$0xFFFFFFC0] =	vst v9;
	v9 =	vmul.f32 v11, v7;
	v11 =	vld [tilespmem:s18+$0x30]  }
0x17d: {  	[tilespmem:s18+$0xFFFFFFD0] =	vst v8;
	v7 =	vmul.f32 v14, v7;
	v8 =	vld [tilespmem:s18+$0x40]  }
0x17e: {  	[tilespmem:s18+$0xFFFFFFE0] =	vst v9;
	v9 =	vmul.f32 v12, v6;
	v12 =	vld [tilespmem:s18+$0x50]  }
0x17f: {  	[tilespmem:s18+$0xFFFFFFF0] =	vst v7;
	v7 =	vmul.f32 v10, v6;
	v10 =	vld [tilespmem:s18+$0x60]  }
0x180: {  	[tilespmem:s18+$0x0] =	vst v9;
	v9 =	vmul.f32 v13, v6;
	v13 =	vld [tilespmem:s18+$0x70]  }
0x181: {  	[tilespmem:s18+$0x10] =	vst v7;
	v7 =	vmul.f32 v11, v6;
	v11 =	vld [tilespmem:s18+$0x80]  }
0x182: {  	[tilespmem:s18+$0x20] =	vst v9;
	v8 =	vmul.f32 v8, v6;
	v9 =	vld [tilespmem:s18+$0x90]  }
0x183: {  	[tilespmem:s18+$0x30] =	vst v7;
	v7 =	vmul.f32 v12, v6;
	v12 =	vld [tilespmem:s18+$0xA0]  }
0x184: {  	[tilespmem:s18+$0x40] =	vst v8;
	v8 =	vmul.f32 v10, v6;
	v10 =	vld [tilespmem:s18+$0xB0]  }
0x185: {  	[tilespmem:s18+$0x50] =	vst v7;
	v6 =	vmul.f32 v13, v6;
	v7 =	vld [tilespmem:s18+$0xC0]  }
0x186: {  	[tilespmem:s18+$0x60] =	vst v8;
	v8 =	vmul.f32 v11, v5;
	v11 =	vld [tilespmem:s18+$0xD0]  }
0x187: {  	[tilespmem:s18+$0x70] =	vst v6;
	v6 =	vmul.f32 v9, v5;
	v9 =	vld [tilespmem:s18+$0xE0]  }
0x188: {  	[tilespmem:s18+$0x80] =	vst v8;
	v8 =	vmul.f32 v12, v5;
	v12 =	vld [tilespmem:s18+$0xF0]  }
0x189: {  	[tilespmem:s18+$0x90] =	vst v6;
	v6 =	vmul.f32 v10, v5;
	v10 =	vld [tilespmem:s18+$0x100]  }
0x18a: {  	[tilespmem:s18+$0xA0] =	vst v8;
	v7 =	vmul.f32 v7, v5;
	v8 =	vld [tilespmem:s18+$0x110]  }
0x18b: {  	[tilespmem:s18+$0xB0] =	vst v6;
	v6 =	vmul.f32 v11, v5;
	v11 =	vld [tilespmem:s18+$0x120]  }
0x18c: {  	[tilespmem:s18+$0xC0] =	vst v7;
	v7 =	vmul.f32 v9, v5;
	v9 =	vld [tilespmem:s18+$0x130]  }
0x18d: {  	[tilespmem:s18+$0xD0] =	vst v6;
	v6 =	vmul.f32 v12, v5;
	v12 =	vld [tilespmem:s18+$0x140]  }
0x18e: {  	s14 =	sadd.s32 $0x7, s13;
	v5 =	vmov s13;
	[tilespmem:s18+$0xE0] =	vst v7;
	v7 =	vmul.f32 v10, v4;
	v10 =	vld [tilespmem:s18+$0x150]  }
0x18f: {  	s3 =	sadd.s32 $0x1, s13;
	s10 =	sadd.s32 $0x2, s13;
	v13 =	vand.u32 $0xFFFFFFF8, v5;
	v5 =	vmov s14;
	[tilespmem:s18+$0xF0] =	vst v6;
	v6 =	vmul.f32 v8, v4;
	v14 =	vld [tilespmem:s18+$0x160]  }
0x190: {  	v16 =	vmov s10;
	s10 =	sadd.s32 $0x4, s13;
	v15 =	vmov s3;
	s3 =	sadd.s32 $0x3, s13;
	[tilespmem:s18+$0x100] =	vst v7;
	v7 =	vmul.f32 v11, v4;
	v11 =	vld [tilespmem:s18+$0x180]  }
0x191: {  	v18 =	vmov s10;
	v17 =	vmov s3;
	s3 =	sadd.s32 $0x5, s13;
	[tilespmem:s18+$0x110] =	vst v6;
	v9 =	vmul.f32 v9, v4;
	v19 =	vld [tilespmem:s18+$0x190]  }
.Ltmp2:
0x192: {  	v6 =	vbroadcast v13, $0x0;
	v13 =	vmov s3;
	[tilespmem:s18+$0x120] =	vst v7;
	v12 =	vmul.f32 v12, v4;
	v8 =	vld [tilespmem:s18+$0x1A0];
	(pc) =	sbr.rel @p0 .LBB2_7-.Ltmp2, $4  }
0x193: {  	v7 =	vand.u32 $0xFFFFFFF9, v15;
	v15 =	vand.u32 $0xFFFFFFFA, v16;
	[tilespmem:s18+$0x130] =	vst v9;
	v16 =	vmul.f32 v10, v4;
	v9 =	vld [tilespmem:s18+$0x1B0]  }
0x194: {  	v17 =	vand.u32 $0xFFFFFFFB, v17;
	v7 =	vbroadcast v7, $0x0;
	[tilespmem:s18+$0x140] =	vst v12;
	v20 =	vmul.f32 v14, v4;
	v10 =	vld [tilespmem:s18+$0x1C0]  }
0x195: {  	v12 =	vbroadcast v15, $0x0;
	v4 =	vand.u32 $0xFFFFFFFC, v18;
	[tilespmem:s18+$0x150] =	vst v16;
	v16 =	vmul.f32 v11, v3;
	v11 =	vld [tilespmem:s18+$0x1D0]  }
0x196: {  	s14 =	sadd.s32 $0x6, s13;
	s13 =	sadd.s32 $0x8, s13;
	v14 =	vbroadcast v17, $0x0;
	v17 =	vand.u32 $0xFFFFFFFD, v13;
	[tilespmem:s18+$0x160] =	vst v20;
	v15 =	vmul.f32 v19, v3;
	v13 =	vld [tilespmem:s18+$0x1E0]  }
0x197: {  	_ =	sdelay $0x2  }
0x198: {  	v18 =	vld [tilespmem:s18+$0x1F0]  }
0x199: {  	v20 =	vld.idx.msk [tilespmem:v6+s4+$0x0], $0xffff  }
0x19a: {  	[tilespmem:s18+$0x180] =	vst v16;
	v16 =	vbroadcast v4, $0x0;
	v4 =	vmov s14;
	v12 =	vld.idx.msk [tilespmem:v12+s4+$0x0], $0xffff  }
0x19b: {  	v19 =	vand.u32 $0xFFFFFFFE, v4;
	v4 =	vld.idx.msk [tilespmem:v5+s4+$0x0], $0xffff  }
0x19c: {  	s13 =	sadd.s32 $0x400, s18;
	v14 =	vld.idx.msk [tilespmem:v14+s4+$0x0], $0xffff  }
0x19d: {  	v17 =	vbroadcast v17, $0x0;
	v8 =	vmul.f32 v8, v3;
	[tilespmem:s18+$0x190] =	vst v15;
	v15 =	vld [tilespmem:s13+$0x170]  }
0x19e: {  	v9 =	vmul.f32 v9, v3;
	v5 =	vbroadcast v19, $0x0;
	v19 =	vld.idx.msk [tilespmem:v7+s4+$0x0], $0xffff  }
0x19f: {  	[tilespmem:s18+$0x1A0] =	vst v8;
	v8 =	vmul.f32 v10, v3;
	v10 =	vld [tilespmem:s13+$0xFFFFFE00]  }
0x1a0: {  	[tilespmem:s18+$0x1B0] =	vst v9;
	v9 =	vmul.f32 v11, v3;
	v11 =	vld [tilespmem:s13+$0xFFFFFE10]  }
0x1a1: {  	[tilespmem:s18+$0x1C0] =	vst v8;
	v8 =	vmul.f32 v13, v3;
	v13 =	vld [tilespmem:s13+$0xFFFFFE20]  }
0x1a2: {  	[tilespmem:s18+$0x1D0] =	vst v9;
	v9 =	vld [tilespmem:s13+$0xFFFFFE30]  }
0x1a3: {  	v7 =	vld.idx.msk [tilespmem:v16+s4+$0x0], $0xffff  }
0x1a4: {  	v3 =	vmul.f32 v18, v3;
	v6 =	vld.idx.msk [tilespmem:v17+s4+$0x0], $0xffff  }
0x1a5: {  	[tilespmem:s18+$0x1E0] =	vst v8;
	v8 =	vld [tilespmem:s13+$0xFFFFFE40]  }
0x1a6: {  	[tilespmem:s18+$0x1F0] =	vst v3;
	v3 =	vmul.f32 v10, v20;
	v5 =	vld.idx.msk [tilespmem:v5+s4+$0x0], $0xffff  }
0x1a7: {  	v10 =	vld [tilespmem:s13+$0xFFFFFE50];
	v11 =	vmul.f32 v11, v20  }
0x1a8: {  	v16 =	vld [tilespmem:s13+$0xFFFFFE60];
	[tilespmem:s13+$0xFFFFFE00] =	vst v3;
	v3 =	vmul.f32 v13, v20  }
0x1a9: {  	v13 =	vld [tilespmem:s13+$0xFFFFFE70];
	[tilespmem:s13+$0xFFFFFE10] =	vst v11;
	v9 =	vmul.f32 v9, v20  }
0x1aa: {  	v11 =	vld [tilespmem:s13+$0xFFFFFE80];
	[tilespmem:s13+$0xFFFFFE20] =	vst v3;
	v3 =	vmul.f32 v8, v20  }
0x1ab: {  	v8 =	vld [tilespmem:s13+$0xFFFFFE90];
	[tilespmem:s13+$0xFFFFFE30] =	vst v9;
	v15 =	vmul.f32 v15, v5  }
0x1ac: {  	v9 =	vmul.f32 v10, v20;
	v10 =	vld [tilespmem:s13+$0xFFFFFEA0];
	[tilespmem:s13+$0xFFFFFE40] =	vst v3  }
0x1ad: {  	v3 =	vmul.f32 v16, v20;
	[tilespmem:s13+$0x170] =	vst v15;
	v15 =	vld [tilespmem:s13+$0xFFFFFEB0]  }
0x1ae: {  	[tilespmem:s13+$0xFFFFFE50] =	vst v9;
	v9 =	vmul.f32 v13, v20;
	v13 =	vld [tilespmem:s13+$0xFFFFFEC0]  }
0x1af: {  	[tilespmem:s13+$0xFFFFFE60] =	vst v3;
	v3 =	vmul.f32 v11, v19;
	v11 =	vld [tilespmem:s13+$0xFFFFFED0]  }
0x1b0: {  	[tilespmem:s13+$0xFFFFFE70] =	vst v9;
	v8 =	vmul.f32 v8, v19;
	v9 =	vld [tilespmem:s13+$0xFFFFFEE0]  }
0x1b1: {  	[tilespmem:s13+$0xFFFFFE80] =	vst v3;
	v3 =	vmul.f32 v10, v19;
	v10 =	vld [tilespmem:s13+$0xFFFFFEF0]  }
0x1b2: {  	[tilespmem:s13+$0xFFFFFE90] =	vst v8;
	v8 =	vmul.f32 v15, v19;
	v15 =	vld [tilespmem:s13+$0xFFFFFF00]  }
0x1b3: {  	[tilespmem:s13+$0xFFFFFEA0] =	vst v3;
	v3 =	vmul.f32 v13, v19;
	v13 =	vld [tilespmem:s13+$0xFFFFFF10]  }
0x1b4: {  	[tilespmem:s13+$0xFFFFFEB0] =	vst v8;
	v8 =	vmul.f32 v11, v19;
	v11 =	vld [tilespmem:s13+$0xFFFFFF20]  }
0x1b5: {  	[tilespmem:s13+$0xFFFFFEC0] =	vst v3;
	v3 =	vmul.f32 v9, v19;
	v9 =	vld [tilespmem:s13+$0xFFFFFF30]  }
0x1b6: {  	[tilespmem:s13+$0xFFFFFED0] =	vst v8;
	v8 =	vmul.f32 v10, v19;
	v10 =	vld [tilespmem:s13+$0xFFFFFF40]  }
0x1b7: {  	[tilespmem:s13+$0xFFFFFEE0] =	vst v3;
	v3 =	vmul.f32 v15, v12;
	v15 =	vld [tilespmem:s13+$0xFFFFFF50]  }
0x1b8: {  	[tilespmem:s13+$0xFFFFFEF0] =	vst v8;
	v8 =	vmul.f32 v13, v12;
	v13 =	vld [tilespmem:s13+$0xFFFFFF60]  }
0x1b9: {  	[tilespmem:s13+$0xFFFFFF00] =	vst v3;
	v3 =	vmul.f32 v11, v12;
	v11 =	vld [tilespmem:s13+$0xFFFFFF70]  }
0x1ba: {  	[tilespmem:s13+$0xFFFFFF10] =	vst v8;
	v8 =	vmul.f32 v9, v12;
	v9 =	vld [tilespmem:s13+$0xFFFFFF80]  }
0x1bb: {  	[tilespmem:s13+$0xFFFFFF20] =	vst v3;
	v3 =	vmul.f32 v10, v12;
	v10 =	vld [tilespmem:s13+$0xFFFFFF90]  }
0x1bc: {  	[tilespmem:s13+$0xFFFFFF30] =	vst v8;
	v8 =	vmul.f32 v15, v12;
	v15 =	vld [tilespmem:s13+$0xFFFFFFA0]  }
0x1bd: {  	[tilespmem:s13+$0xFFFFFF40] =	vst v3;
	v3 =	vmul.f32 v13, v12;
	v13 =	vld [tilespmem:s13+$0xFFFFFFB0]  }
0x1be: {  	[tilespmem:s13+$0xFFFFFF50] =	vst v8;
	v8 =	vmul.f32 v11, v12;
	v11 =	vld [tilespmem:s13+$0xFFFFFFC0]  }
0x1bf: {  	[tilespmem:s13+$0xFFFFFF60] =	vst v3;
	v3 =	vmul.f32 v9, v14;
	v9 =	vld [tilespmem:s13+$0xFFFFFFD0]  }
0x1c0: {  	[tilespmem:s13+$0xFFFFFF70] =	vst v8;
	v8 =	vmul.f32 v10, v14;
	v10 =	vld [tilespmem:s13+$0xFFFFFFE0]  }
0x1c1: {  	v12 =	vld [tilespmem:s13+$0xFFFFFFF0];
	[tilespmem:s13+$0xFFFFFF80] =	vst v3;
	v3 =	vmul.f32 v15, v14  }
0x1c2: {  	[tilespmem:s13+$0xFFFFFF90] =	vst v8;
	v8 =	vmul.f32 v13, v14;
	v13 =	vld [tilespmem:s13+$0x0]  }
0x1c3: {  	[tilespmem:s13+$0xFFFFFFA0] =	vst v3;
	v3 =	vmul.f32 v11, v14;
	v11 =	vld [tilespmem:s13+$0x10]  }
0x1c4: {  	[tilespmem:s13+$0xFFFFFFB0] =	vst v8;
	v8 =	vmul.f32 v9, v14;
	v9 =	vld [tilespmem:s13+$0x20]  }
0x1c5: {  	[tilespmem:s13+$0xFFFFFFC0] =	vst v3;
	v3 =	vmul.f32 v10, v14;
	v10 =	vld [tilespmem:s13+$0x30]  }
0x1c6: {  	[tilespmem:s13+$0xFFFFFFD0] =	vst v8;
	v8 =	vmul.f32 v12, v14;
	v12 =	vld [tilespmem:s13+$0x40]  }
0x1c7: {  	[tilespmem:s13+$0xFFFFFFE0] =	vst v3;
	v3 =	vmul.f32 v13, v7;
	v13 =	vld [tilespmem:s13+$0x50]  }
0x1c8: {  	[tilespmem:s13+$0xFFFFFFF0] =	vst v8;
	v8 =	vmul.f32 v11, v7;
	v11 =	vld [tilespmem:s13+$0x60]  }
0x1c9: {  	[tilespmem:s13+$0x0] =	vst v3;
	v3 =	vmul.f32 v9, v7;
	v9 =	vld [tilespmem:s13+$0x70]  }
0x1ca: {  	[tilespmem:s13+$0x10] =	vst v8;
	v8 =	vmul.f32 v10, v7;
	v10 =	vld [tilespmem:s13+$0x80]  }
0x1cb: {  	[tilespmem:s13+$0x20] =	vst v3;
	v3 =	vmul.f32 v12, v7;
	v12 =	vld [tilespmem:s13+$0x90]  }
0x1cc: {  	[tilespmem:s13+$0x30] =	vst v8;
	v8 =	vmul.f32 v13, v7;
	v13 =	vld [tilespmem:s13+$0xA0]  }
0x1cd: {  	[tilespmem:s13+$0x40] =	vst v3;
	v3 =	vmul.f32 v11, v7;
	v11 =	vld [tilespmem:s13+$0xB0]  }
0x1ce: {  	[tilespmem:s13+$0x50] =	vst v8;
	v7 =	vmul.f32 v9, v7;
	v8 =	vld [tilespmem:s13+$0xC0]  }
0x1cf: {  	v9 =	vld [tilespmem:s13+$0xD0];
	[tilespmem:s13+$0x60] =	vst v3;
	v3 =	vmul.f32 v10, v6  }
0x1d0: {  	v10 =	vld [tilespmem:s13+$0xE0];
	[tilespmem:s13+$0x70] =	vst v7;
	v7 =	vmul.f32 v12, v6  }
0x1d1: {  	v12 =	vld [tilespmem:s13+$0xF0];
	[tilespmem:s13+$0x80] =	vst v3;
	v3 =	vmul.f32 v13, v6  }
0x1d2: {  	[tilespmem:s13+$0x90] =	vst v7;
	v7 =	vmul.f32 v11, v6;
	v11 =	vld [tilespmem:s13+$0x100]  }
0x1d3: {  	[tilespmem:s13+$0xA0] =	vst v3;
	v3 =	vmul.f32 v8, v6;
	v8 =	vld [tilespmem:s13+$0x110]  }
0x1d4: {  	[tilespmem:s13+$0xB0] =	vst v7;
	v7 =	vmul.f32 v9, v6;
	v9 =	vld [tilespmem:s13+$0x120]  }
0x1d5: {  	[tilespmem:s13+$0xC0] =	vst v3;
	v3 =	vmul.f32 v10, v6;
	v10 =	vld [tilespmem:s13+$0x130]  }
0x1d6: {  	v6 =	vmul.f32 v12, v6;
	[tilespmem:s13+$0xD0] =	vst v7;
	v7 =	vld [tilespmem:s13+$0x140]  }
0x1d7: {  	[tilespmem:s13+$0xE0] =	vst v3;
	v3 =	vmul.f32 v11, v5;
	v11 =	vld [tilespmem:s13+$0x150]  }
0x1d8: {  	[tilespmem:s13+$0xF0] =	vst v6;
	v6 =	vmul.f32 v8, v5;
	v8 =	vld [tilespmem:s13+$0x160]  }
0x1d9: {  	[tilespmem:s13+$0x100] =	vst v3;
	v3 =	vmul.f32 v9, v5;
	v9 =	vld [tilespmem:s13+$0x180]  }
0x1da: {  	[tilespmem:s13+$0x110] =	vst v6;
	v6 =	vmul.f32 v10, v5;
	v10 =	vld [tilespmem:s13+$0x190]  }
0x1db: {  	[tilespmem:s13+$0x120] =	vst v3;
	v3 =	vmul.f32 v7, v5;
	v7 =	vld [tilespmem:s13+$0x1A0]  }
0x1dc: {  	[tilespmem:s13+$0x130] =	vst v6;
	v6 =	vmul.f32 v11, v5;
	v11 =	vld [tilespmem:s13+$0x1B0]  }
0x1dd: {  	[tilespmem:s13+$0x140] =	vst v3;
	v3 =	vmul.f32 v8, v5;
	v5 =	vld [tilespmem:s13+$0x1C0]  }
0x1de: {  	v8 =	vld [tilespmem:s13+$0x1D0];
	[tilespmem:s13+$0x150] =	vst v6;
	v6 =	vmul.f32 v9, v4  }
0x1df: {  	v9 =	vld [tilespmem:s13+$0x1E0];
	[tilespmem:s13+$0x160] =	vst v3;
	v3 =	vmul.f32 v10, v4  }
0x1e0: {  	[tilespmem:s13+$0x180] =	vst v6;
	v6 =	vmul.f32 v7, v4;
	v7 =	vld [tilespmem:s13+$0x1F0]  }
0x1e1: {  	[tilespmem:s13+$0x190] =	vst v3;
	v3 =	vmul.f32 v11, v4  }
0x1e2: {  	[tilespmem:s13+$0x1A0] =	vst v6;
	v5 =	vmul.f32 v5, v4  }
0x1e3: {  	[tilespmem:s13+$0x1B0] =	vst v3;
	v3 =	vmul.f32 v8, v4  }
0x1e4: {  	[tilespmem:s13+$0x1C0] =	vst v5;
	v5 =	vmul.f32 v9, v4  }
0x1e5: {  	[tilespmem:s13+$0x1D0] =	vst v3;
	v3 =	vmul.f32 v7, v4  }
0x1e6: {  	[tilespmem:s13+$0x1E0] =	vst v5  }
0x1e7: {  	s3 =	simm.s32 $0x7980;
	[tilespmem:s13+$0x1F0] =	vst v3  }
0x1e8: {  	[spmem:s2] =	stream.indirect.scatter.add.f32 [tilespmem:s23], [sflag:$0x5], $0x80, s3, s28, $0xb8;
	[tilespmem:$0x1FC00] =	vst v63  }
0x1e9: {  	s3 =	sadd.s32 $0x2, s17  }
0x1ea: {  	p0 =	sge.u32 s3, s12  }
0x1eb: {  	s3 =	sadd.s32 @!p0 s11, s3  }
0x1ec: {  	s18 =	simm.s32 $0x6;
	s3 =	sshll.u32 @!p0 s3, $0x3  }
0x1ed: {  	s13 =	simm.s32 @!p0 $0x0;
	s14 =	simm.s32 @!p0 $0x7680;
	s10 =	sadd.s32 @!p0 s7, s3  }
0x1ee: {  	[tilespmem:s14], [sflag:$0x1] =	stream.linear.gather @!p0 [hbm4b:s10+s13], $0x40, $0x38;
	[tilespmem:$0x1FC00] =	vst v63  }
0x1ef: {  	v4 =	vmov s18;
	s14 =	simm.s32 $0x0  }
0x1f0: {  	v4 =	vand.u32 $0xFFFFFFFE, v4;
	s10 =	simm.s32 @!p0 $0x7780;
	v3 =	vmov s14;
	s14 =	sadd.s32 @!p0 s8, s3  }
0x1f1: {  	v4 =	vbroadcast v4, $0x0;
	[tilespmem:s10], [sflag:$0x1] =	stream.linear.gather @!p0 [hbm4b:s14+s13], $0x40, $0x38;
	[tilespmem:$0x1FC00] =	vst v63  }
0x1f2: {  	s3 =	sadd.s32 @!p0 s9, s3;
	s10 =	simm.s32 @!p0 $0x7880  }
0x1f3: {  	[tilespmem:s10], [sflag:$0x1] =	stream.linear.gather @!p0 [hbm4b:s3+s13], $0x40, $0x38;
	[tilespmem:$0x1FC00] =	vst v63  }
0x1f4: {  	_ =	swait.ge [sflag:s5], $0x2000  }
0x1f5: {  	[sflag:s5] =	ssyncset.done $0x0  }
0x1f6: {  	[sflag:s5] =	ssyncadd.s32 $0xFFFFE000  }
0x1f7: {  	s18 =	simm.s32 $0x9C80;
	v4 =	vld.idx.msk [tilespmem:v4+s6+$0x0], $0xffff  }
0x1f8: {  	v3 =	vand.u32 $0xFFFFFFF8, v3;
	v6 =	vld [tilespmem:s18+$0x170]  }
0x1f9: {  	v3 =	vbroadcast v3, $0x0;
	v7 =	vld [tilespmem:s18+$0xFFFFFE00]  }
0x1fa: {  	s14 =	simm.s32 $0x1;
	v8 =	vld [tilespmem:s18+$0xFFFFFE10]  }
0x1fb: {  	v5 =	vmov s14;
	v9 =	vld [tilespmem:s18+$0xFFFFFE20]  }
0x1fc: {  	v5 =	vand.u32 $0xFFFFFFF9, v5;
	v10 =	vld [tilespmem:s18+$0xFFFFFE30]  }
0x1fd: {  	v5 =	vbroadcast v5, $0x0;
	v11 =	vld [tilespmem:s18+$0xFFFFFE40]  }
0x1fe: {  	v12 =	vld [tilespmem:s18+$0xFFFFFE50]  }
0x1ff: {  	v3 =	vld.idx.msk [tilespmem:v3+s6+$0x0], $0xffff  }
0x200: {  	v13 =	vld [tilespmem:s18+$0xFFFFFE60]  }
0x201: {  	v14 =	vld [tilespmem:s18+$0xFFFFFE70]  }
0x202: {  	v15 =	vld [tilespmem:s18+$0xFFFFFE80]  }
0x203: {  	v5 =	vld.idx.msk [tilespmem:v5+s6+$0x0], $0xffff;
	v6 =	vmul.f32 v6, v4  }
0x204: {  	v16 =	vld [tilespmem:s18+$0xFFFFFE90];
	v7 =	vmul.f32 v7, v3  }
0x205: {  	v17 =	vld [tilespmem:s18+$0xFFFFFEA0];
	v8 =	vmul.f32 v8, v3;
	[tilespmem:s18+$0x170] =	vst v6  }
0x206: {  	s10 =	simm.s32 $0x2;
	v18 =	vld [tilespmem:s18+$0xFFFFFEB0];
	v10 =	vmul.f32 v10, v3;
	[tilespmem:s18+$0xFFFFFE00] =	vst v7  }
0x207: {  	v11 =	vmul.f32 v11, v3;
	v6 =	vmul.f32 v9, v3;
	v9 =	vld [tilespmem:s18+$0xFFFFFEC0];
	v7 =	vmov s10;
	[tilespmem:s18+$0xFFFFFE10] =	vst v8  }
0x208: {  	v8 =	vmul.f32 v15, v5;
	v15 =	vld [tilespmem:s18+$0xFFFFFED0];
	[tilespmem:s18+$0xFFFFFE30] =	vst v10;
	v7 =	vand.u32 $0xFFFFFFFA, v7  }
0x209: {  	v10 =	vmul.f32 v12, v3;
	v12 =	vld [tilespmem:s18+$0xFFFFFEF0];
	[tilespmem:s18+$0xFFFFFE40] =	vst v11;
	v7 =	vbroadcast v7, $0x0  }
0x20a: {  	v11 =	vmul.f32 v13, v3;
	v13 =	vld [tilespmem:s18+$0xFFFFFF00];
	[tilespmem:s18+$0xFFFFFE20] =	vst v6  }
0x20b: {  	v3 =	vmul.f32 v14, v3;
	v14 =	vld [tilespmem:s18+$0xFFFFFF20];
	[tilespmem:s18+$0xFFFFFE80] =	vst v8  }
0x20c: {  	s13 =	simm.s32 $0x3;
	v6 =	vld [tilespmem:s18+$0xFFFFFEE0];
	[tilespmem:s18+$0xFFFFFE50] =	vst v10  }
0x20d: {  	v8 =	vmov s13;
	v10 =	vld [tilespmem:s18+$0xFFFFFF10];
	[tilespmem:s18+$0xFFFFFE60] =	vst v11;
	v11 =	vmul.f32 v16, v5  }
0x20e: {  	[tilespmem:s18+$0xFFFFFE70] =	vst v3;
	v3 =	vmul.f32 v17, v5;
	v16 =	vld [tilespmem:s18+$0xFFFFFF30];
	v8 =	vand.u32 $0xFFFFFFFB, v8  }
0x20f: {  	v8 =	vbroadcast v8, $0x0;
	[tilespmem:s18+$0xFFFFFE90] =	vst v11;
	v11 =	vmul.f32 v18, v5;
	v7 =	vld.idx.msk [tilespmem:v7+s6+$0x0], $0xffff  }
0x210: {  	v17 =	vld [tilespmem:s18+$0xFFFFFF40];
	[tilespmem:s18+$0xFFFFFEA0] =	vst v3;
	v9 =	vmul.f32 v9, v5  }
0x211: {  	v15 =	vmul.f32 v15, v5;
	[tilespmem:s18+$0xFFFFFEB0] =	vst v11;
	v11 =	vld [tilespmem:s18+$0xFFFFFF60]  }
0x212: {  	[tilespmem:s18+$0xFFFFFEC0] =	vst v9;
	v6 =	vmul.f32 v6, v5;
	v9 =	vld [tilespmem:s18+$0xFFFFFF70]  }
0x213: {  	v5 =	vmul.f32 v12, v5;
	v12 =	vld [tilespmem:s18+$0xFFFFFF80];
	[tilespmem:s18+$0xFFFFFED0] =	vst v15  }
0x214: {  	v15 =	vld [tilespmem:s18+$0xFFFFFFB0];
	[tilespmem:s18+$0xFFFFFEE0] =	vst v6;
	v3 =	vmul.f32 v13, v7  }
0x215: {  	[tilespmem:s18+$0xFFFFFEF0] =	vst v5;
	v8 =	vld.idx.msk [tilespmem:v8+s6+$0x0], $0xffff;
	v6 =	vmul.f32 v10, v7  }
0x216: {  	s14 =	simm.s32 $0x4;
	v13 =	vld [tilespmem:s18+$0xFFFFFF50];
	v5 =	vmul.f32 v14, v7;
	[tilespmem:s18+$0xFFFFFF00] =	vst v3  }
0x217: {  	v10 =	vld [tilespmem:s18+$0xFFFFFF90];
	v11 =	vmul.f32 v11, v7;
	v3 =	vmov s14;
	[tilespmem:s18+$0xFFFFFF10] =	vst v6  }
0x218: {  	v14 =	vld [tilespmem:s18+$0xFFFFFFA0];
	v6 =	vmul.f32 v16, v7;
	[tilespmem:s18+$0xFFFFFF20] =	vst v5;
	v3 =	vand.u32 $0xFFFFFFFC, v3  }
0x219: {  	v5 =	vmul.f32 v17, v7;
	v16 =	vld [tilespmem:s18+$0xFFFFFFC0];
	[tilespmem:s18+$0xFFFFFF60] =	vst v11;
	v3 =	vbroadcast v3, $0x0  }
0x21a: {  	v11 =	vld [tilespmem:s18+$0x0];
	[tilespmem:s18+$0xFFFFFF30] =	vst v6;
	v6 =	vmul.f32 v12, v8  }
0x21b: {  	s10 =	simm.s32 $0x5;
	v12 =	vld [tilespmem:s18+$0xFFFFFFD0];
	[tilespmem:s18+$0xFFFFFF40] =	vst v5;
	v13 =	vmul.f32 v13, v7  }
0x21c: {  	v5 =	vld [tilespmem:s18+$0xFFFFFFE0];
	v7 =	vmul.f32 v9, v7;
	[tilespmem:s18+$0xFFFFFF80] =	vst v6;
	v6 =	vmov s10  }
0x21d: {  	v9 =	vld [tilespmem:s18+$0xFFFFFFF0];
	v10 =	vmul.f32 v10, v8;
	[tilespmem:s18+$0xFFFFFF50] =	vst v13;
	v6 =	vand.u32 $0xFFFFFFFD, v6  }
0x21e: {  	[tilespmem:s18+$0xFFFFFF70] =	vst v7;
	v7 =	vmul.f32 v14, v8;
	v13 =	vld [tilespmem:s18+$0x10];
	v6 =	vbroadcast v6, $0x0  }
0x21f: {  	[tilespmem:s18+$0xFFFFFF90] =	vst v10;
	v10 =	vmul.f32 v15, v8;
	v3 =	vld.idx.msk [tilespmem:v3+s6+$0x0], $0xffff  }
0x220: {  	v14 =	vld [tilespmem:s18+$0x20];
	[tilespmem:s18+$0xFFFFFFA0] =	vst v7;
	v7 =	vmul.f32 v16, v8  }
0x221: {  	v15 =	vld [tilespmem:s18+$0x30];
	[tilespmem:s18+$0xFFFFFFB0] =	vst v10;
	v10 =	vmul.f32 v12, v8  }
0x222: {  	v12 =	vld [tilespmem:s18+$0x40];
	v5 =	vmul.f32 v5, v8;
	[tilespmem:s18+$0xFFFFFFC0] =	vst v7  }
0x223: {  	v8 =	vmul.f32 v9, v8;
	[tilespmem:s18+$0xFFFFFFD0] =	vst v10;
	v10 =	vld [tilespmem:s18+$0x60]  }
0x224: {  	[tilespmem:s18+$0xFFFFFFE0] =	vst v5;
	v6 =	vld.idx.msk [tilespmem:v6+s6+$0x0], $0xffff;
	v7 =	vmul.f32 v11, v3  }
0x225: {  	[tilespmem:s18+$0xFFFFFFF0] =	vst v8;
	v11 =	vld [tilespmem:s18+$0x50];
	v8 =	vmul.f32 v14, v3  }
0x226: {  	v5 =	vmul.f32 v13, v3;
	v13 =	vld [tilespmem:s18+$0x90];
	[tilespmem:s18+$0x0] =	vst v7  }
0x227: {  	v9 =	vld [tilespmem:s18+$0x80];
	[tilespmem:s18+$0x20] =	vst v8;
	v8 =	vmul.f32 v12, v3  }
0x228: {  	v7 =	vld [tilespmem:s18+$0x70];
	[tilespmem:s18+$0x10] =	vst v5;
	v5 =	vmul.f32 v15, v3  }
0x229: {  	v12 =	vld [tilespmem:s18+$0xA0];
	[tilespmem:s18+$0x40] =	vst v8;
	v8 =	vmul.f32 v10, v3  }
0x22a: {  	[tilespmem:s18+$0x30] =	vst v5;
	v10 =	vld [tilespmem:s18+$0xC0];
	v5 =	vmul.f32 v11, v3  }
0x22b: {  	v11 =	vld [tilespmem:s18+$0xB0];
	v13 =	vmul.f32 v13, v6;
	[tilespmem:s18+$0x60] =	vst v8  }
0x22c: {  	s13 =	simm.s32 $0x7;
	v8 =	vld [tilespmem:s18+$0xE0];
	[tilespmem:s18+$0x50] =	vst v5;
	v5 =	vmul.f32 v9, v6  }
0x22d: {  	v14 =	vmov s13;
	v9 =	vld [tilespmem:s18+$0xD0];
	v7 =	vmul.f32 v7, v3;
	[tilespmem:s18+$0x90] =	vst v13  }
0x22e: {  	v13 =	vld [tilespmem:s18+$0x150];
	[tilespmem:s18+$0x80] =	vst v5  }
0x22f: {  	[tilespmem:s18+$0x70] =	vst v7;
	v5 =	vmul.f32 v12, v6;
	v7 =	vld [tilespmem:s18+$0xF0]  }
0x230: {  	v12 =	vld [tilespmem:s18+$0x100];
	v11 =	vmul.f32 v11, v6  }
0x231: {  	[tilespmem:s18+$0xA0] =	vst v5;
	v5 =	vmul.f32 v10, v6;
	v10 =	vld [tilespmem:s18+$0x110]  }
0x232: {  	v3 =	vld.idx.msk [tilespmem:v14+s6+$0x0], $0xffff;
	[tilespmem:s18+$0xB0] =	vst v11;
	v9 =	vmul.f32 v9, v6  }
0x233: {  	v11 =	vld [tilespmem:s18+$0x120];
	v13 =	vmul.f32 v13, v4;
	[tilespmem:s18+$0xC0] =	vst v5  }
0x234: {  	s13 =	simm.s32 $0x9;
	v5 =	vmul.f32 v8, v6;
	v8 =	vld [tilespmem:s18+$0x130];
	[tilespmem:s18+$0xD0] =	vst v9;
	v6 =	vmul.f32 v7, v6  }
0x235: {  	s14 =	simm.s32 $0x8;
	v14 =	vmov s13;
	v7 =	vld [tilespmem:s18+$0x140];
	[tilespmem:s18+$0x150] =	vst v13  }
0x236: {  	s10 =	simm.s32 $0xF;
	s13 =	simm.s32 $0xC;
	v9 =	vmov s14;
	v12 =	vmul.f32 v12, v4;
	[tilespmem:s18+$0xF0] =	vst v6;
	v6 =	vmul.f32 v10, v4;
	v10 =	vld [tilespmem:s18+$0x160]  }
0x237: {  	v16 =	vld [tilespmem:s18+$0x180];
	v17 =	vmov s13;
	s14 =	simm.s32 $0xA;
	[tilespmem:s18+$0xE0] =	vst v5;
	v9 =	vand.u32 $0xFFFFFFF8, v9;
	v5 =	vmov s10;
	s10 =	simm.s32 $0xB  }
0x238: {  	v19 =	vld [tilespmem:s18+$0x190];
	v15 =	vmov s14;
	s14 =	simm.s32 $0xD;
	[tilespmem:s18+$0x100] =	vst v12;
	v12 =	vmov s10;
	v11 =	vmul.f32 v11, v4  }
0x239: {  	v63 =	vmov s14;
	[tilespmem:s18+$0x110] =	vst v6;
	v18 =	vmul.f32 v8, v4;
	v6 =	vbroadcast v9, $0x0;
	v8 =	vld [tilespmem:s18+$0x1A0]  }
0x23a: {  	v9 =	vld [tilespmem:s18+$0x1B0];
	[tilespmem:s18+$0x120] =	vst v11;
	v11 =	vmul.f32 v7, v4;
	v7 =	vand.u32 $0xFFFFFFF9, v14;
	v14 =	vand.u32 $0xFFFFFFFA, v15  }
0x23b: {  	v15 =	vand.u32 $0xFFFFFFFB, v12;
	[tilespmem:s18+$0x130] =	vst v18;
	v7 =	vbroadcast v7, $0x0;
	v18 =	vmul.f32 v10, v4;
	v10 =	vld [tilespmem:s18+$0x1C0]  }
0x23c: {  	v12 =	vbroadcast v14, $0x0;
	[tilespmem:s18+$0x140] =	vst v11;
	v4 =	vand.u32 $0xFFFFFFFC, v17;
	v17 =	vmul.f32 v16, v3;
	v11 =	vld [tilespmem:s18+$0x1D0]  }
0x23d: {  	s13 =	simm.s32 $0x10;
	v13 =	vld [tilespmem:s18+$0x1E0];
	s14 =	simm.s32 $0xE;
	v14 =	vbroadcast v15, $0x0;
	v15 =	vmul.f32 v19, v3;
	v16 =	vand.u32 $0xFFFFFFFD, v63;
	[tilespmem:s18+$0x160] =	vst v18  }
.LBB2_9:
0x23e: {  	p0 =	slt.u32 s13, $0x38;
	v4 =	vbroadcast v4, $0x0;
	v18 =	vmov s14;
	[tilespmem:s18+$0x180] =	vst v17;
	v8 =	vmul.f32 v8, v3;
	v17 =	vld [tilespmem:s18+$0x1F0]  }
0x23f: {  	v16 =	vbroadcast v16, $0x0;
	v18 =	vand.u32 $0xFFFFFFFE, v18;
	v19 =	vld.idx.msk [tilespmem:v5+s6+$0x0], $0xffff;
	[tilespmem:s18+$0x190] =	vst v15;
	v5 =	vmul.f32 v9, v3  }
0x240: {  	v9 =	vld.idx.msk [tilespmem:v6+s6+$0x0], $0xffff;
	v15 =	vbroadcast v18, $0x0;
	[tilespmem:s18+$0x1A0] =	vst v8;
	v6 =	vmul.f32 v10, v3  }
0x241: {  	v8 =	vld.idx.msk [tilespmem:v7+s6+$0x0], $0xffff;
	[tilespmem:s18+$0x1B0] =	vst v5;
	v5 =	vmul.f32 v11, v3  }
0x242: {  	v10 =	vld.idx.msk [tilespmem:v12+s6+$0x0], $0xffff;
	[tilespmem:s18+$0x1C0] =	vst v6;
	v11 =	vmul.f32 v13, v3  }
0x243: {  	v7 =	vld.idx.msk [tilespmem:v14+s6+$0x0], $0xffff;
	[tilespmem:s18+$0x1D0] =	vst v5;
	v12 =	vmul.f32 v17, v3  }
0x244: {  	v6 =	vld.idx.msk [tilespmem:v4+s6+$0x0], $0xffff;
	[tilespmem:s18+$0x1E0] =	vst v11  }
0x245: {  	v3 =	vmov v19;
	v5 =	vld.idx.msk [tilespmem:v16+s6+$0x0], $0xffff;
	[tilespmem:s18+$0x1F0] =	vst v12  }
0x246: {  	s18 =	sadd.s32 $0x400, s18;
	v4 =	vld.idx.msk [tilespmem:v15+s6+$0x0], $0xffff  }
0x247: {  	v11 =	vld [tilespmem:s18+$0x170]  }
0x248: {  	v12 =	vld [tilespmem:s18+$0xFFFFFE00]  }
0x249: {  	v13 =	vld [tilespmem:s18+$0xFFFFFE10]  }
0x24a: {  	v14 =	vld [tilespmem:s18+$0xFFFFFE20]  }
0x24b: {  	v15 =	vld [tilespmem:s18+$0xFFFFFE30]  }
0x24c: {  	v16 =	vld [tilespmem:s18+$0xFFFFFE40];
	v11 =	vmul.f32 v11, v4  }
0x24d: {  	v12 =	vmul.f32 v12, v9;
	v17 =	vld [tilespmem:s18+$0xFFFFFE50]  }
0x24e: {  	v13 =	vmul.f32 v13, v9;
	v18 =	vld [tilespmem:s18+$0xFFFFFE60];
	[tilespmem:s18+$0x170] =	vst v11  }
0x24f: {  	[tilespmem:s18+$0xFFFFFE00] =	vst v12;
	v11 =	vmul.f32 v14, v9;
	v12 =	vld [tilespmem:s18+$0xFFFFFE70]  }
0x250: {  	[tilespmem:s18+$0xFFFFFE10] =	vst v13;
	v13 =	vmul.f32 v15, v9;
	v14 =	vld [tilespmem:s18+$0xFFFFFE80]  }
0x251: {  	[tilespmem:s18+$0xFFFFFE20] =	vst v11;
	v11 =	vmul.f32 v16, v9;
	v15 =	vld [tilespmem:s18+$0xFFFFFE90]  }
0x252: {  	[tilespmem:s18+$0xFFFFFE30] =	vst v13;
	v13 =	vmul.f32 v17, v9;
	v16 =	vld [tilespmem:s18+$0xFFFFFEA0]  }
0x253: {  	[tilespmem:s18+$0xFFFFFE40] =	vst v11;
	v11 =	vmul.f32 v18, v9;
	v17 =	vld [tilespmem:s18+$0xFFFFFEB0]  }
0x254: {  	[tilespmem:s18+$0xFFFFFE50] =	vst v13;
	v9 =	vmul.f32 v12, v9;
	v12 =	vld [tilespmem:s18+$0xFFFFFEC0]  }
0x255: {  	[tilespmem:s18+$0xFFFFFE60] =	vst v11;
	v11 =	vmul.f32 v14, v8;
	v13 =	vld [tilespmem:s18+$0xFFFFFED0]  }
0x256: {  	[tilespmem:s18+$0xFFFFFE70] =	vst v9;
	v9 =	vmul.f32 v15, v8;
	v14 =	vld [tilespmem:s18+$0xFFFFFEE0]  }
0x257: {  	[tilespmem:s18+$0xFFFFFE80] =	vst v11;
	v11 =	vmul.f32 v16, v8;
	v15 =	vld [tilespmem:s18+$0xFFFFFEF0]  }
0x258: {  	[tilespmem:s18+$0xFFFFFE90] =	vst v9;
	v9 =	vmul.f32 v17, v8;
	v16 =	vld [tilespmem:s18+$0xFFFFFF00]  }
0x259: {  	[tilespmem:s18+$0xFFFFFEA0] =	vst v11;
	v11 =	vmul.f32 v12, v8;
	v12 =	vld [tilespmem:s18+$0xFFFFFF10]  }
0x25a: {  	[tilespmem:s18+$0xFFFFFEB0] =	vst v9;
	v9 =	vmul.f32 v13, v8;
	v13 =	vld [tilespmem:s18+$0xFFFFFF20]  }
0x25b: {  	[tilespmem:s18+$0xFFFFFEC0] =	vst v11;
	v11 =	vmul.f32 v14, v8;
	v14 =	vld [tilespmem:s18+$0xFFFFFF30]  }
0x25c: {  	[tilespmem:s18+$0xFFFFFED0] =	vst v9;
	v8 =	vmul.f32 v15, v8;
	v9 =	vld [tilespmem:s18+$0xFFFFFF40]  }
0x25d: {  	[tilespmem:s18+$0xFFFFFEE0] =	vst v11;
	v11 =	vmul.f32 v16, v10;
	v15 =	vld [tilespmem:s18+$0xFFFFFF50]  }
0x25e: {  	[tilespmem:s18+$0xFFFFFEF0] =	vst v8;
	v8 =	vmul.f32 v12, v10;
	v12 =	vld [tilespmem:s18+$0xFFFFFF60]  }
0x25f: {  	[tilespmem:s18+$0xFFFFFF00] =	vst v11;
	v11 =	vmul.f32 v13, v10;
	v13 =	vld [tilespmem:s18+$0xFFFFFF70]  }
0x260: {  	[tilespmem:s18+$0xFFFFFF10] =	vst v8;
	v8 =	vmul.f32 v14, v10;
	v14 =	vld [tilespmem:s18+$0xFFFFFF80]  }
0x261: {  	[tilespmem:s18+$0xFFFFFF20] =	vst v11;
	v9 =	vmul.f32 v9, v10;
	v11 =	vld [tilespmem:s18+$0xFFFFFF90]  }
0x262: {  	[tilespmem:s18+$0xFFFFFF30] =	vst v8;
	v8 =	vmul.f32 v15, v10;
	v15 =	vld [tilespmem:s18+$0xFFFFFFA0]  }
0x263: {  	[tilespmem:s18+$0xFFFFFF40] =	vst v9;
	v9 =	vmul.f32 v12, v10;
	v12 =	vld [tilespmem:s18+$0xFFFFFFB0]  }
0x264: {  	[tilespmem:s18+$0xFFFFFF50] =	vst v8;
	v8 =	vmul.f32 v13, v10;
	v10 =	vld [tilespmem:s18+$0xFFFFFFC0]  }
0x265: {  	[tilespmem:s18+$0xFFFFFF60] =	vst v9;
	v9 =	vmul.f32 v14, v7;
	v13 =	vld [tilespmem:s18+$0xFFFFFFD0]  }
0x266: {  	[tilespmem:s18+$0xFFFFFF70] =	vst v8;
	v8 =	vmul.f32 v11, v7;
	v11 =	vld [tilespmem:s18+$0xFFFFFFE0]  }
0x267: {  	[tilespmem:s18+$0xFFFFFF80] =	vst v9;
	v9 =	vmul.f32 v15, v7;
	v14 =	vld [tilespmem:s18+$0xFFFFFFF0]  }
0x268: {  	[tilespmem:s18+$0xFFFFFF90] =	vst v8;
	v8 =	vmul.f32 v12, v7;
	v12 =	vld [tilespmem:s18+$0x0]  }
0x269: {  	[tilespmem:s18+$0xFFFFFFA0] =	vst v9;
	v9 =	vmul.f32 v10, v7;
	v10 =	vld [tilespmem:s18+$0x10]  }
0x26a: {  	[tilespmem:s18+$0xFFFFFFB0] =	vst v8;
	v8 =	vmul.f32 v13, v7;
	v13 =	vld [tilespmem:s18+$0x20]  }
0x26b: {  	[tilespmem:s18+$0xFFFFFFC0] =	vst v9;
	v9 =	vmul.f32 v11, v7;
	v11 =	vld [tilespmem:s18+$0x30]  }
0x26c: {  	[tilespmem:s18+$0xFFFFFFD0] =	vst v8;
	v7 =	vmul.f32 v14, v7;
	v8 =	vld [tilespmem:s18+$0x40]  }
0x26d: {  	[tilespmem:s18+$0xFFFFFFE0] =	vst v9;
	v9 =	vmul.f32 v12, v6;
	v12 =	vld [tilespmem:s18+$0x50]  }
0x26e: {  	[tilespmem:s18+$0xFFFFFFF0] =	vst v7;
	v7 =	vmul.f32 v10, v6;
	v10 =	vld [tilespmem:s18+$0x60]  }
0x26f: {  	[tilespmem:s18+$0x0] =	vst v9;
	v9 =	vmul.f32 v13, v6;
	v13 =	vld [tilespmem:s18+$0x70]  }
0x270: {  	[tilespmem:s18+$0x10] =	vst v7;
	v7 =	vmul.f32 v11, v6;
	v11 =	vld [tilespmem:s18+$0x80]  }
0x271: {  	[tilespmem:s18+$0x20] =	vst v9;
	v8 =	vmul.f32 v8, v6;
	v9 =	vld [tilespmem:s18+$0x90]  }
0x272: {  	[tilespmem:s18+$0x30] =	vst v7;
	v7 =	vmul.f32 v12, v6;
	v12 =	vld [tilespmem:s18+$0xA0]  }
0x273: {  	[tilespmem:s18+$0x40] =	vst v8;
	v8 =	vmul.f32 v10, v6;
	v10 =	vld [tilespmem:s18+$0xB0]  }
0x274: {  	[tilespmem:s18+$0x50] =	vst v7;
	v6 =	vmul.f32 v13, v6;
	v7 =	vld [tilespmem:s18+$0xC0]  }
0x275: {  	[tilespmem:s18+$0x60] =	vst v8;
	v8 =	vmul.f32 v11, v5;
	v11 =	vld [tilespmem:s18+$0xD0]  }
0x276: {  	[tilespmem:s18+$0x70] =	vst v6;
	v6 =	vmul.f32 v9, v5;
	v9 =	vld [tilespmem:s18+$0xE0]  }
0x277: {  	[tilespmem:s18+$0x80] =	vst v8;
	v8 =	vmul.f32 v12, v5;
	v12 =	vld [tilespmem:s18+$0xF0]  }
0x278: {  	[tilespmem:s18+$0x90] =	vst v6;
	v6 =	vmul.f32 v10, v5;
	v10 =	vld [tilespmem:s18+$0x100]  }
0x279: {  	[tilespmem:s18+$0xA0] =	vst v8;
	v7 =	vmul.f32 v7, v5;
	v8 =	vld [tilespmem:s18+$0x110]  }
0x27a: {  	[tilespmem:s18+$0xB0] =	vst v6;
	v6 =	vmul.f32 v11, v5;
	v11 =	vld [tilespmem:s18+$0x120]  }
0x27b: {  	[tilespmem:s18+$0xC0] =	vst v7;
	v7 =	vmul.f32 v9, v5;
	v9 =	vld [tilespmem:s18+$0x130]  }
0x27c: {  	[tilespmem:s18+$0xD0] =	vst v6;
	v6 =	vmul.f32 v12, v5;
	v12 =	vld [tilespmem:s18+$0x140]  }
0x27d: {  	s3 =	sadd.s32 $0x7, s13;
	v5 =	vmov s13;
	[tilespmem:s18+$0xE0] =	vst v7;
	v7 =	vmul.f32 v10, v4;
	v10 =	vld [tilespmem:s18+$0x150]  }
0x27e: {  	s10 =	sadd.s32 $0x1, s13;
	s14 =	sadd.s32 $0x2, s13;
	v13 =	vand.u32 $0xFFFFFFF8, v5;
	v5 =	vmov s3;
	[tilespmem:s18+$0xF0] =	vst v6;
	v6 =	vmul.f32 v8, v4;
	v14 =	vld [tilespmem:s18+$0x160]  }
0x27f: {  	v16 =	vmov s14;
	v15 =	vmov s10;
	s10 =	sadd.s32 $0x4, s13;
	s3 =	sadd.s32 $0x3, s13;
	[tilespmem:s18+$0x100] =	vst v7;
	v7 =	vmul.f32 v11, v4;
	v11 =	vld [tilespmem:s18+$0x180]  }
0x280: {  	v18 =	vmov s10;
	v17 =	vmov s3;
	s3 =	sadd.s32 $0x5, s13;
	[tilespmem:s18+$0x110] =	vst v6;
	v9 =	vmul.f32 v9, v4;
	v19 =	vld [tilespmem:s18+$0x190]  }
.Ltmp3:
0x281: {  	v6 =	vbroadcast v13, $0x0;
	v13 =	vmov s3;
	[tilespmem:s18+$0x120] =	vst v7;
	v12 =	vmul.f32 v12, v4;
	v8 =	vld [tilespmem:s18+$0x1A0];
	(pc) =	sbr.rel @p0 .LBB2_9-.Ltmp3, $4  }
0x282: {  	v7 =	vand.u32 $0xFFFFFFF9, v15;
	v15 =	vand.u32 $0xFFFFFFFA, v16;
	[tilespmem:s18+$0x130] =	vst v9;
	v16 =	vmul.f32 v10, v4;
	v9 =	vld [tilespmem:s18+$0x1B0]  }
0x283: {  	v20 =	vand.u32 $0xFFFFFFFB, v17;
	v7 =	vbroadcast v7, $0x0;
	[tilespmem:s18+$0x140] =	vst v12;
	v21 =	vmul.f32 v14, v4;
	v10 =	vld [tilespmem:s18+$0x1C0]  }
0x284: {  	v12 =	vbroadcast v15, $0x0;
	v4 =	vand.u32 $0xFFFFFFFC, v18;
	[tilespmem:s18+$0x150] =	vst v16;
	v17 =	vmul.f32 v11, v3;
	v11 =	vld [tilespmem:s18+$0x1D0]  }
0x285: {  	s14 =	sadd.s32 $0x6, s13;
	s13 =	sadd.s32 $0x8, s13;
	v14 =	vbroadcast v20, $0x0;
	v16 =	vand.u32 $0xFFFFFFFD, v13;
	[tilespmem:s18+$0x160] =	vst v21;
	v15 =	vmul.f32 v19, v3;
	v13 =	vld [tilespmem:s18+$0x1E0]  }
0x286: {  	_ =	sdelay $0x2  }
0x287: {  	v18 =	vld [tilespmem:s18+$0x1F0]  }
0x288: {  	v59 =	vbroadcast v4, $0x0;
	v4 =	vld.idx.msk [tilespmem:v5+s6+$0x0], $0xffff  }
0x289: {  	v20 =	vld.idx.msk [tilespmem:v6+s6+$0x0], $0xffff  }
0x28a: {  	v62 =	vld.idx.msk [tilespmem:v7+s6+$0x0], $0xffff  }
0x28b: {  	v12 =	vld.idx.msk [tilespmem:v12+s6+$0x0], $0xffff  }
0x28c: {  	s13 =	sadd.s32 $0x400, s18;
	v14 =	vld.idx.msk [tilespmem:v14+s6+$0x0], $0xffff  }
0x28d: {  	v63 =	vld [tilespmem:s13+$0x170]  }
0x28e: {  	v22 =	vld [tilespmem:s13+$0xFFFFFE00]  }
0x28f: {  	[tilespmem:s18+$0x180] =	vst v17;
	v8 =	vmul.f32 v8, v3;
	v24 =	vld [tilespmem:s13+$0xFFFFFE10]  }
0x290: {  	[tilespmem:s18+$0x190] =	vst v15;
	v9 =	vmul.f32 v9, v3;
	v26 =	vld [tilespmem:s13+$0xFFFFFE20]  }
0x291: {  	v27 =	vld [tilespmem:s13+$0xFFFFFE30];
	[tilespmem:s18+$0x1A0] =	vst v8;
	v21 =	vmul.f32 v10, v3  }
0x292: {  	v28 =	vld [tilespmem:s13+$0xFFFFFE40];
	[tilespmem:s18+$0x1B0] =	vst v9;
	v23 =	vmul.f32 v11, v3  }
0x293: {  	v29 =	vld [tilespmem:s13+$0xFFFFFE50];
	[tilespmem:s18+$0x1C0] =	vst v21;
	v25 =	vmul.f32 v13, v3  }
0x294: {  	v30 =	vld [tilespmem:s13+$0xFFFFFE60];
	[tilespmem:s18+$0x1D0] =	vst v23;
	v3 =	vmul.f32 v18, v3  }
0x295: {  	v31 =	vld [tilespmem:s13+$0xFFFFFE70];
	[tilespmem:s18+$0x1E0] =	vst v25;
	v11 =	vmul.f32 v24, v20  }
0x296: {  	v32 =	vld [tilespmem:s13+$0xFFFFFE80];
	[tilespmem:s18+$0x1F0] =	vst v3;
	v3 =	vmul.f32 v22, v20  }
0x297: {  	v33 =	vld [tilespmem:s13+$0xFFFFFE90];
	v9 =	vmul.f32 v27, v20;
	[tilespmem:s13+$0xFFFFFE10] =	vst v11  }
0x298: {  	v35 =	vld [tilespmem:s13+$0xFFFFFEA0];
	[tilespmem:s13+$0xFFFFFE00] =	vst v3;
	v3 =	vmul.f32 v26, v20  }
0x299: {  	v36 =	vld [tilespmem:s13+$0xFFFFFEB0];
	v34 =	vmul.f32 v29, v20;
	[tilespmem:s13+$0xFFFFFE30] =	vst v9  }
0x29a: {  	v38 =	vld [tilespmem:s13+$0xFFFFFEC0];
	[tilespmem:s13+$0xFFFFFE20] =	vst v3;
	v3 =	vmul.f32 v28, v20  }
0x29b: {  	v39 =	vld [tilespmem:s13+$0xFFFFFED0];
	v37 =	vmul.f32 v31, v20;
	[tilespmem:s13+$0xFFFFFE50] =	vst v34  }
0x29c: {  	v40 =	vld [tilespmem:s13+$0xFFFFFEE0];
	[tilespmem:s13+$0xFFFFFE40] =	vst v3;
	v3 =	vmul.f32 v30, v20  }
0x29d: {  	v41 =	vld [tilespmem:s13+$0xFFFFFEF0];
	v8 =	vmul.f32 v33, v62;
	[tilespmem:s13+$0xFFFFFE70] =	vst v37  }
0x29e: {  	v43 =	vld [tilespmem:s13+$0xFFFFFF00];
	[tilespmem:s13+$0xFFFFFE60] =	vst v3;
	v3 =	vmul.f32 v32, v62  }
0x29f: {  	v44 =	vld [tilespmem:s13+$0xFFFFFF10];
	v42 =	vmul.f32 v36, v62;
	[tilespmem:s13+$0xFFFFFE90] =	vst v8  }
0x2a0: {  	v46 =	vld [tilespmem:s13+$0xFFFFFF20];
	[tilespmem:s13+$0xFFFFFE80] =	vst v3;
	v3 =	vmul.f32 v35, v62  }
0x2a1: {  	v47 =	vld [tilespmem:s13+$0xFFFFFF30];
	v45 =	vmul.f32 v39, v62;
	[tilespmem:s13+$0xFFFFFEB0] =	vst v42  }
0x2a2: {  	v49 =	vld [tilespmem:s13+$0xFFFFFF40];
	[tilespmem:s13+$0xFFFFFEA0] =	vst v3;
	v3 =	vmul.f32 v38, v62  }
0x2a3: {  	v50 =	vld [tilespmem:s13+$0xFFFFFF50];
	v48 =	vmul.f32 v41, v62;
	[tilespmem:s13+$0xFFFFFED0] =	vst v45  }
0x2a4: {  	v60 =	vmov s14;
	v52 =	vld [tilespmem:s13+$0xFFFFFF60];
	[tilespmem:s13+$0xFFFFFEC0] =	vst v3;
	v3 =	vmul.f32 v40, v62  }
0x2a5: {  	v19 =	vand.u32 $0xFFFFFFFE, v60;
	v53 =	vld [tilespmem:s13+$0xFFFFFF70];
	v51 =	vmul.f32 v44, v12;
	[tilespmem:s13+$0xFFFFFEF0] =	vst v48  }
0x2a6: {  	v55 =	vld [tilespmem:s13+$0xFFFFFF80];
	v61 =	vbroadcast v19, $0x0;
	[tilespmem:s13+$0xFFFFFEE0] =	vst v3;
	v3 =	vmul.f32 v43, v12  }
0x2a7: {  	v56 =	vld [tilespmem:s13+$0xFFFFFF90];
	v54 =	vmul.f32 v47, v12;
	[tilespmem:s13+$0xFFFFFF10] =	vst v51  }
0x2a8: {  	v16 =	vbroadcast v16, $0x0;
	v17 =	vld [tilespmem:s13+$0xFFFFFFF0];
	[tilespmem:s13+$0xFFFFFF00] =	vst v3;
	v3 =	vmul.f32 v46, v12  }
0x2a9: {  	v7 =	vld.idx.msk [tilespmem:v59+s6+$0x0], $0xffff;
	v57 =	vmul.f32 v50, v12;
	[tilespmem:s13+$0xFFFFFF30] =	vst v54  }
0x2aa: {  	v59 =	vld [tilespmem:s13+$0xFFFFFFB0];
	[tilespmem:s13+$0xFFFFFF20] =	vst v3;
	v3 =	vmul.f32 v49, v12  }
0x2ab: {  	v58 =	vld [tilespmem:s13+$0xFFFFFFA0];
	v60 =	vmul.f32 v53, v12;
	[tilespmem:s13+$0xFFFFFF50] =	vst v57  }
0x2ac: {  	v5 =	vld.idx.msk [tilespmem:v61+s6+$0x0], $0xffff;
	[tilespmem:s13+$0xFFFFFF40] =	vst v3;
	v3 =	vmul.f32 v52, v12  }
0x2ad: {  	v24 =	vmul.f32 v17, v14;
	v61 =	vld [tilespmem:s13+$0xFFFFFFC0];
	[tilespmem:s13+$0xFFFFFF70] =	vst v60  }
0x2ae: {  	v6 =	vld.idx.msk [tilespmem:v16+s6+$0x0], $0xffff;
	[tilespmem:s13+$0xFFFFFF60] =	vst v3;
	v3 =	vmul.f32 v55, v14  }
0x2af: {  	v16 =	vld [tilespmem:s13+$0xFFFFFFE0];
	[tilespmem:s13+$0xFFFFFFF0] =	vst v24;
	v18 =	vmul.f32 v59, v14  }
0x2b0: {  	v23 =	vld [tilespmem:s13+$0x30];
	[tilespmem:s13+$0xFFFFFF80] =	vst v3;
	v3 =	vmul.f32 v58, v14  }
0x2b1: {  	v19 =	vld [tilespmem:s13+$0x0];
	v15 =	vmul.f32 v63, v5;
	[tilespmem:s13+$0xFFFFFFB0] =	vst v18  }
0x2b2: {  	v37 =	vld [tilespmem:s13+$0xD0];
	[tilespmem:s13+$0xFFFFFFA0] =	vst v3;
	v3 =	vmul.f32 v61, v14  }
0x2b3: {  	v22 =	vld [tilespmem:s13+$0x20];
	v63 =	vmul.f32 v56, v14;
	[tilespmem:s13+$0x170] =	vst v15  }
0x2b4: {  	v26 =	vld [tilespmem:s13+$0x50];
	[tilespmem:s13+$0xFFFFFFC0] =	vst v3;
	v3 =	vmul.f32 v16, v14  }
0x2b5: {  	v25 =	vld [tilespmem:s13+$0x40];
	v30 =	vmul.f32 v23, v7;
	[tilespmem:s13+$0xFFFFFF90] =	vst v63  }
0x2b6: {  	v60 =	vld [tilespmem:s13+$0x1E0];
	[tilespmem:s13+$0xFFFFFFE0] =	vst v3;
	v3 =	vmul.f32 v19, v7  }
0x2b7: {  	v28 =	vld [tilespmem:s13+$0x60];
	v44 =	vmul.f32 v37, v6;
	[tilespmem:s13+$0x30] =	vst v30  }
0x2b8: {  	v20 =	vld [tilespmem:s13+$0x10];
	[tilespmem:s13+$0x0] =	vst v3;
	v3 =	vmul.f32 v22, v7  }
0x2b9: {  	v31 =	vld [tilespmem:s13+$0x80];
	v33 =	vmul.f32 v26, v7;
	[tilespmem:s13+$0xD0] =	vst v44  }
0x2ba: {  	v32 =	vld [tilespmem:s13+$0x90];
	[tilespmem:s13+$0x20] =	vst v3;
	v3 =	vmul.f32 v25, v7  }
0x2bb: {  	v34 =	vld [tilespmem:s13+$0xA0];
	v63 =	vmul.f32 v60, v4;
	[tilespmem:s13+$0x50] =	vst v33  }
0x2bc: {  	v35 =	vld [tilespmem:s13+$0xB0];
	[tilespmem:s13+$0x40] =	vst v3;
	v3 =	vmul.f32 v28, v7  }
0x2bd: {  	v36 =	vld [tilespmem:s13+$0xC0];
	[tilespmem:s13+$0x1E0] =	vst v63;
	v27 =	vmul.f32 v20, v7  }
0x2be: {  	v62 =	vld [tilespmem:s13+$0xFFFFFFD0];
	[tilespmem:s13+$0x60] =	vst v3;
	v3 =	vmul.f32 v31, v6  }
0x2bf: {  	v39 =	vld [tilespmem:s13+$0xE0];
	[tilespmem:s13+$0x10] =	vst v27;
	v38 =	vmul.f32 v32, v6  }
0x2c0: {  	v43 =	vld [tilespmem:s13+$0x110];
	[tilespmem:s13+$0x80] =	vst v3;
	v3 =	vmul.f32 v34, v6  }
0x2c1: {  	v42 =	vld [tilespmem:s13+$0x100];
	[tilespmem:s13+$0x90] =	vst v38;
	v41 =	vmul.f32 v35, v6  }
0x2c2: {  	v46 =	vld [tilespmem:s13+$0x130];
	[tilespmem:s13+$0xA0] =	vst v3;
	v3 =	vmul.f32 v36, v6  }
0x2c3: {  	v45 =	vld [tilespmem:s13+$0x120];
	[tilespmem:s13+$0xB0] =	vst v41;
	v21 =	vmul.f32 v62, v14  }
0x2c4: {  	v48 =	vld [tilespmem:s13+$0x150];
	[tilespmem:s13+$0xC0] =	vst v3;
	v3 =	vmul.f32 v39, v6  }
0x2c5: {  	v47 =	vld [tilespmem:s13+$0x140];
	[tilespmem:s13+$0xFFFFFFD0] =	vst v21;
	v49 =	vmul.f32 v43, v5  }
0x2c6: {  	v51 =	vld [tilespmem:s13+$0x180];
	[tilespmem:s13+$0xE0] =	vst v3;
	v3 =	vmul.f32 v42, v5  }
0x2c7: {  	v50 =	vld [tilespmem:s13+$0x160];
	[tilespmem:s13+$0x110] =	vst v49;
	v52 =	vmul.f32 v46, v5  }
0x2c8: {  	v54 =	vld [tilespmem:s13+$0x1A0];
	[tilespmem:s13+$0x100] =	vst v3;
	v3 =	vmul.f32 v45, v5  }
0x2c9: {  	v53 =	vld [tilespmem:s13+$0x190];
	v55 =	vmul.f32 v48, v5;
	[tilespmem:s13+$0x130] =	vst v52  }
0x2ca: {  	v29 =	vld [tilespmem:s13+$0x70];
	[tilespmem:s13+$0x120] =	vst v3;
	v3 =	vmul.f32 v47, v5  }
0x2cb: {  	v56 =	vld [tilespmem:s13+$0x1B0];
	[tilespmem:s13+$0x150] =	vst v55;
	v58 =	vmul.f32 v51, v4  }
0x2cc: {  	v40 =	vld [tilespmem:s13+$0xF0];
	[tilespmem:s13+$0x140] =	vst v3;
	v3 =	vmul.f32 v50, v5  }
0x2cd: {  	v59 =	vld [tilespmem:s13+$0x1D0];
	[tilespmem:s13+$0x180] =	vst v58;
	v61 =	vmul.f32 v54, v4  }
0x2ce: {  	v57 =	vld [tilespmem:s13+$0x1C0];
	[tilespmem:s13+$0x160] =	vst v3;
	v3 =	vmul.f32 v53, v4  }
0x2cf: {  	v62 =	vld [tilespmem:s13+$0x1F0];
	[tilespmem:s13+$0x1A0] =	vst v61;
	v7 =	vmul.f32 v29, v7  }
0x2d0: {  	[tilespmem:s13+$0x190] =	vst v3;
	v3 =	vmul.f32 v56, v4  }
0x2d1: {  	[tilespmem:s13+$0x70] =	vst v7;
	v6 =	vmul.f32 v40, v6  }
0x2d2: {  	[tilespmem:s13+$0x1B0] =	vst v3;
	v3 =	vmul.f32 v59, v4  }
0x2d3: {  	[tilespmem:s13+$0xF0] =	vst v6;
	v5 =	vmul.f32 v57, v4  }
0x2d4: {  	[tilespmem:s13+$0x1D0] =	vst v3;
	v3 =	vmul.f32 v62, v4  }
0x2d5: {  	[tilespmem:s13+$0x1C0] =	vst v5  }
0x2d6: {  	s3 =	simm.s32 $0x7A00;
	[tilespmem:s13+$0x1F0] =	vst v3  }
0x2d7: {  	[spmem:s2] =	stream.indirect.scatter.add.f32 [tilespmem:s30], [sflag:$0x6], $0x80, s3, s28, $0xb8;
	[tilespmem:$0x1FC00] =	vst v63  }
0x2d8: {  	s3 =	sadd.s32 $0x3, s17  }
0x2d9: {  	p0 =	sge.u32 s3, s12  }
0x2da: {  	s3 =	sadd.s32 @!p0 s11, s3  }
0x2db: {  	s3 =	sshll.u32 @!p0 s3, $0x3  }
0x2dc: {  	s13 =	simm.s32 @!p0 $0x0;
	s14 =	simm.s32 @!p0 $0x7700;
	s10 =	sadd.s32 @!p0 s7, s3  }
0x2dd: {  	[tilespmem:s14], [sflag:$0x2] =	stream.linear.gather @!p0 [hbm4b:s10+s13], $0x40, $0x38;
	[tilespmem:$0x1FC00] =	vst v63  }
0x2de: {  	s10 =	sadd.s32 @!p0 s8, s3;
	s14 =	simm.s32 @!p0 $0x7800  }
0x2df: {  	[tilespmem:s14], [sflag:$0x2] =	stream.linear.gather @!p0 [hbm4b:s10+s13], $0x40, $0x38;
	[tilespmem:$0x1FC00] =	vst v63  }
0x2e0: {  	s16 =	sadd.s32 $0x1, s16;
	s3 =	sadd.s32 @!p0 s9, s3;
	s10 =	simm.s32 @!p0 $0x7900  }
0x2e1: {  	[tilespmem:s10], [sflag:$0x2] =	stream.linear.gather @!p0 [hbm4b:s3+s13], $0x40, $0x38;
	[tilespmem:$0x1FC00] =	vst v63  }
0x2e2: {  	p0 =	sne.s32 s16, s20  }
.Ltmp4:
0x2e3: {  	_ = 	snop;
	(pc) =	sbr.rel @p0 .LBB2_6-.Ltmp4, $1  }
0x2e4: {  	_ =	sdelay $0x3  }
0x2e5: {  	s3 =	simm.s32 $0x5  }
0x2e6: {  	_ =	swait.ge [sflag:s3], $0x2000  }
0x2e7: {  	[sflag:s3] =	ssyncset.done $0x0  }
0x2e8: {  	s18 =	simm.s32 $0x6;
	[sflag:s3] =	ssyncadd.s32 $0xFFFFE000  }
0x2e9: {  	_ =	swait.ge [sflag:s18], $0x2000  }
0x2ea: {  	[sflag:s18] =	ssyncset.done $0x0  }
0x2eb: {  	s14 =	simm.s32 $0x0;
	s10 =	rddreg [dreg:$0xe];
	[sflag:s18] =	ssyncadd.s32 $0xFFFFE000  }
0x2ec: {  	[hbm4b:s10+s14] =	stream.linear.scatter [tilespmem:s31], [sflag:$0x7], $0x2710, $0x38;
	[tilespmem:$0x1FC00] =	vst v63  }
0x2ed: {  	_ =	swait.ge [sflag:s21], $0x2710  }
0x2ee: {  	[sflag:s21] =	ssyncset.done $0x0  }
0x2ef: {  	[sflag:s21] =	ssyncadd.s32 $0xFFFFD8F0  }
0x2f0: {  	s13 =	stileid.u32;
	[bflag:$0x0] =	sbarrier.arrive $0xFFFF  }
0x2f1: {  	s3 =	sshll.u32 s13, $0x6;
	s16 =	rddreg [dreg:$0x7]  }
0x2f2: {  	s3 =	sor.u32 $0x1C07, s3;
	s13 =	rddreg [dreg:$0xf];
	s10 =	sshrl.u32 s16, $0x3  }
0x2f3: {  	[hbm:s13], [sflag:s3] =	dma.local [spmem:s10], $0x400  }
0x2f4: {  	_ =	swait.ge [sflag:s21], $0x400  }
0x2f5: {  	[sflag:s21] =	ssyncset.done $0x0;
	s17 =	rddreg [dreg:$0x1a]  }
0x2f6: {  	s18 =	rddreg [dreg:$0x10];
	[sflag:s21] =	ssyncadd.s32 $0xFFFFFC00;
	s15 =	sshrl.u32 s17, $0x3  }
0x2f7: {  	[hbm:s18], [sflag:s3] =	dma.local [spmem:s15], $0x400  }
0x2f8: {  	_ =	swait.ge [sflag:s21], $0x400  }
0x2f9: {  	[sflag:s21] =	ssyncset.done $0x0;
	s18 =	rddreg [dreg:$0x1b]  }
0x2fa: {  	s15 =	rddreg [dreg:$0x11];
	[sflag:s21] =	ssyncadd.s32 $0xFFFFFC00;
	s13 =	sshrl.u32 s18, $0x3  }
0x2fb: {  	[hbm:s15], [sflag:s3] =	dma.local [spmem:s13], $0x400  }
0x2fc: {  	_ =	swait.ge [sflag:s21], $0x400  }
0x2fd: {  	[sflag:s21] =	ssyncset.done $0x0;
	s13 =	rddreg [dreg:$0x1c]  }
0x2fe: {  	s15 =	rddreg [dreg:$0x12];
	[sflag:s21] =	ssyncadd.s32 $0xFFFFFC00;
	s10 =	sshrl.u32 s13, $0x3  }
0x2ff: {  	[hbm:s15], [sflag:s3] =	dma.local [spmem:s10], $0x400  }
0x300: {  	_ =	swait.ge [sflag:s21], $0x400  }
0x301: {  	[sflag:s21] =	ssyncset.done $0x0;
	s13 =	rddreg [dreg:$0x1d]  }
0x302: {  	s15 =	rddreg [dreg:$0x13];
	[sflag:s21] =	ssyncadd.s32 $0xFFFFFC00;
	s10 =	sshrl.u32 s13, $0x3  }
0x303: {  	[hbm:s15], [sflag:s3] =	dma.local [spmem:s10], $0x400  }
0x304: {  	_ =	swait.ge [sflag:s21], $0x400  }
0x305: {  	[sflag:s21] =	ssyncset.done $0x0;
	s13 =	rddreg [dreg:$0x1e]  }
0x306: {  	s15 =	rddreg [dreg:$0x14];
	[sflag:s21] =	ssyncadd.s32 $0xFFFFFC00;
	s10 =	sshrl.u32 s13, $0x3  }
0x307: {  	[hbm:s15], [sflag:s3] =	dma.local [spmem:s10], $0x400  }
0x308: {  	_ =	swait.ge [sflag:s21], $0x400  }
0x309: {  	[sflag:s21] =	ssyncset.done $0x0;
	s13 =	rddreg [dreg:$0x1f]  }
0x30a: {  	s15 =	rddreg [dreg:$0x15];
	[sflag:s21] =	ssyncadd.s32 $0xFFFFFC00;
	s10 =	sshrl.u32 s13, $0x3  }
0x30b: {  	[hbm:s15], [sflag:s3] =	dma.local [spmem:s10], $0x400  }
0x30c: {  	_ =	swait.ge [sflag:s21], $0x400  }
0x30d: {  	s13 =	sld [smem:$0x7FB];
	_ =	sdelay $0x1  }
0x30e: {  	[sflag:s21] =	ssyncset.done $0x0  }
0x30f: {  	s15 =	rddreg [dreg:$0x16];
	[sflag:s21] =	ssyncadd.s32 $0xFFFFFC00;
	s10 =	sshrl.u32 s13, $0x3  }
0x310: {  	[hbm:s15], [sflag:s3] =	dma.local [spmem:s10], $0x400  }
0x311: {  	_ =	swait.ge [sflag:s21], $0x400  }
0x312: {  	s13 =	sld [smem:$0x7FC];
	_ =	sdelay $0x1  }
0x313: {  	[sflag:s21] =	ssyncset.done $0x0  }
0x314: {  	s15 =	rddreg [dreg:$0x17];
	[sflag:s21] =	ssyncadd.s32 $0xFFFFFC00;
	s10 =	sshrl.u32 s13, $0x3  }
0x315: {  	[hbm:s15], [sflag:s3] =	dma.local [spmem:s10], $0x400  }
0x316: {  	_ =	swait.ge [sflag:s21], $0x400  }
0x317: {  	s13 =	sld [smem:$0x7FD];
	_ =	sdelay $0x1  }
0x318: {  	[sflag:s21] =	ssyncset.done $0x0  }
0x319: {  	s15 =	rddreg [dreg:$0x18];
	[sflag:s21] =	ssyncadd.s32 $0xFFFFFC00;
	s10 =	sshrl.u32 s13, $0x3  }
0x31a: {  	[hbm:s15], [sflag:s3] =	dma.local [spmem:s10], $0x400  }
0x31b: {  	_ =	swait.ge [sflag:s21], $0x400  }
0x31c: {  	s13 =	sld [smem:$0x7FA];
	_ =	sdelay $0x2  }
0x31d: {  	s15 =	rddreg [dreg:$0x19];
	s10 =	sadd.s32 $0x1, s13  }
0x31e: {  	p0 =	sne.s32 s10, s15  }
.Ltmp5:
0x31f: {  	_ = 	snop;
	(pc) =	sbr.rel @p0 .LBB2_1-.Ltmp5, $3  }
0x320: {  	_ =	sdelay $0x1  }
0x321: {  	[sflag:s21] =	ssyncset.done $0x0  }
0x322: {  	[sflag:s21] =	ssyncadd.s32 $0xFFFFFC00  }
0x323: {  	_ =	sfence.sel $0x180000  }
0x324: {  	[bflag:$0x0] =	sbarrier.arrive $0xFFFF  }
0x325: {  	_ =	strace $0x9000004A  }
0x326: {  	s0 =	stileid.u32;
	[bflag:$0x2] =	sbarrier.arrive $0xFFFF  }
0x327: {  	p0 =	sne.s32 s0, $0x0;
	s0 =	rddreg [dreg:$0x3]  }
0x328: {  	s0 =	sadd.s32 @!p0 $0x100000, s0  }
0x329: {  	[sflag:s0] =	ssyncadd.tile.s32 @!p0 $0x1;
	_ =	shalt  }
.Lfunc_end2:
_tile_overlayer_lowered:
.L_overlay_start_2:
0x32a: {  	(tag) =	ssettag $0x2  }
0x32b: {  	s0 =	rddreg [dreg:$0x0];
	s2 =	stileid.u32  }
0x32c: {  	s1 =	rddreg [dreg:$0x1];
	p0 =	sne.s32 s2, $0x0  }
0x32d: {  	s3 =	rddreg [dreg:$0x2];
	[bflag:$0x3] =	sbarrier.arrive $0xFFFF;
	s2 =	simm.s32 @!p0 $0x1C07  }
0x32e: {  	[timem:s3], [sflag:s2] =	dma.local @!p0 [hbm:s0], s1  }
0x32f: {  	s0 =	simm.s32 @!p0 $0x7  }
0x330: {  	_ =	swait.ge @!p0 [sflag:s0], s1  }
0x331: {  	s1 =	ssub.s32 @!p0 $0x0, s1;
	[sflag:s0] =	ssyncset.done @!p0 $0x0  }
0x332: {  	[sflag:s0] =	ssyncadd.s32 @!p0 s1  }
0x333: {  	[bflag:$0x3] =	sbarrier.arrive $0xFFFF  }
0x334: {  	_ =	shalt  }

// kernel: kernel.7.cloned.1.call-start
scs
__scs_entry_jumppad:
0x0: {  	(pc) =	sbr.rel $0x88, $3  }
0x1: {  	(tag) =	ssettag $0x0;
	lr =	simm.s32 $0x1  }
0x2: {  	[smem:$0x3F92] =	sst lr;
	_ =	strace $0xD0000000  }
0x3: {  	_ = 	snop  }
0x4: {  	_ = 	snop  }
0x5: {  	_ = 	snop  }
0x6: {  	_ = 	snop  }
0x7: {  	_ = 	snop  }
__scs_overlays_trampoline_lowered:
0x8: {  	[smem:$0x3FA1] =	sst s0  }
0x9: {  	[smem:$0x3FA2] =	sst s1  }
0xa: {  	[smem:$0x3FA3] =	sst s2  }
0xb: {  	[smem:$0x3FA4] =	sst s3  }
0xc: {  	[smem:$0x3FA5] =	sst s4  }
0xd: {  	[smem:$0x3FA6] =	sst s5  }
0xe: {  	[smem:$0x3FA7] =	sst s6  }
0xf: {  	[smem:$0x3FA8] =	sst s7  }
0x10: {  	[smem:$0x3FA9] =	sst s8  }
0x11: {  	[smem:$0x3FAA] =	sst s9;
	s0 =	simm.s32 @!p0 $0x0  }
0x12: {  	s1 =	sld [smem:$0x3F90];
	s0 =	simm.s32 @p0 $0x1  }
0x13: {  	[smem:$0x3FAB] =	sst s0;
	s0 =	simm.s32 @!p1 $0x0  }
0x14: {  	s2 =	sld [smem:$0x3F8F];
	s0 =	simm.s32 @p1 $0x1  }
0x15: {  	[smem:$0x3FAC] =	sst s0;
	s0 =	simm.s32 @!p2 $0x0  }
0x16: {  	s3 =	sld [smem:$0x3FDB];
	s0 =	simm.s32 @p2 $0x1  }
0x17: {  	s4 =	simm.s32 $0x1BF5;
	[smem:$0x3FAE] =	sst s0  }
0x18: {  	s0 =	sld [smem:$0x3F91];
	_ =	swait.ge [sflag:s4], $0x0  }
0x19: {  	s7 =	sld [smem:$0x3F92]  }
0x1a: {  	s8 =	sadd.s32 $0xFFFFE003, lr  }
0x1b: {  	s9 =	sadd.s32 $0xFFFFFEF7, lr;
	s5 =	simm.s32 $0xFFFFFFFF;
	p2 =	slt.u32 s8, $0xFFFFF086  }
0x1c: {  	p1 =	slt.u32 s9, $0xF7A;
	s5 =	simm.s32 @!p2 $0x0  }
0x1d: {  	s5 =	simm.s32 @p1 $0x1;
	p0 =	seq.s32 s7, s2  }
0x1e: {  	s7 =	smul.u32 @!p0 $0xF7A, s2;
	p2 =	seq.s32 @!p0 s5, $0x0  }
0x1f: {  	s9 =	smul.u32 $0xF7A, s1;
	s8 =	simm.s32 @!p0 $0x1BF5;
	p2 =	por !p2, p0  }
0x20: {  	[sflag:s8] =	ssyncset.s32 @!p0 $0xFFFFF086;
	s6 =	sadd.s32 @!p0 s3, s7;
	s7 =	simm.s32 @!p0 $0x108  }
0x21: {  	s3 =	sadd.s32 s3, s9;
	s6 =	sadd.s32 @!p0 $0x88, s6;
	s7 =	simm.s32 @p2 $0x1082  }
0x22: {  	[simem:s7], [sflag:s8] =	dma.local @!p0 [hbm:s6], $0xF7A  }
0x23: {  	s9 =	sor.u32 $0xD0000000, s2;
	s6 =	simm.s32 $0x108;
	_ =	swait.ge @!p0 [sflag:s8], $0x0  }
0x24: {  	s3 =	sadd.s32 $0x88, s3;
	s6 =	simm.s32 @!p1 $0x1082;
	[sflag:s4] =	ssyncset.s32 $0xFFFFF086  }
0x25: {  	[simem:s6], [sflag:s4] =	dma.local [hbm:s3], $0xF7A  }
0x26: {  	[smem:$0x3F92] =	sst s1;
	(tag) =	ssettag s2;
	_ =	strace s9  }
0x27: {  	s1 =	sld [smem:$0x3FA2]  }
0x28: {  	s2 =	sld [smem:$0x3FA3]  }
0x29: {  	s4 =	sld [smem:$0x3FA5]  }
0x2a: {  	p0 =	seq.s32 s5, $0x0;
	s5 =	sld [smem:$0x3FA6]  }
0x2b: {  	s6 =	sld [smem:$0x3FA7]  }
0x2c: {  	s7 =	sld [smem:$0x3FA8]  }
0x2d: {  	s3 =	simm.s32 $0x108;
	s8 =	sld [smem:$0x3FA9]  }
0x2e: {  	s3 =	simm.s32 @!p0 $0x1082;
	s9 =	sld [smem:$0x3FAA]  }
0x2f: {  	lr =	sadd.s32 s0, s3;
	s0 =	sld [smem:$0x3FA1]  }
0x30: {  	s3 =	sld [smem:$0x3FA4]  }
0x31: {  	[smem:$0x3FAD] =	sst s10  }
0x32: {  	s10 =	sld [smem:$0x3FAB];
	_ =	sdelay $0x3  }
0x33: {  	p0 =	seq.s32 s10, $0x1;
	s10 =	sld [smem:$0x3FAD];
	_ =	sdelay $0x3  }
0x34: {  	[smem:$0x3FAD] =	sst s10  }
0x35: {  	s10 =	sld [smem:$0x3FAC];
	_ =	sdelay $0x3  }
0x36: {  	p1 =	seq.s32 s10, $0x1;
	s10 =	sld [smem:$0x3FAD];
	_ =	sdelay $0x3  }
0x37: {  	[smem:$0x3FAD] =	sst s10  }
0x38: {  	s10 =	sld [smem:$0x3FAE]  }
0x39: {  	_ = 	snop;
	(pc) =	sbr.ind lr, $3  }
0x3a: {  	_ = 	snop  }
0x3b: {  	_ = 	snop  }
0x3c: {  	p2 =	seq.s32 s10, $0x1;
	s10 =	sld [smem:$0x3FAD]  }
0x3d: {  	_ =	shalt  }
0x3e: {  	_ =	shalt  }
0x3f: {  	_ =	shalt  }
0x40: {  	_ =	shalt  }
0x41: {  	_ =	shalt  }
0x42: {  	_ =	shalt  }
0x43: {  	_ =	shalt  }
0x44: {  	_ =	shalt  }
0x45: {  	_ =	shalt  }
0x46: {  	_ =	shalt  }
0x47: {  	_ =	shalt  }
0x48: {  	_ =	shalt  }
0x49: {  	_ =	shalt  }
0x4a: {  	_ =	shalt  }
0x4b: {  	_ =	shalt  }
0x4c: {  	_ =	shalt  }
0x4d: {  	_ =	shalt  }
0x4e: {  	_ =	shalt  }
0x4f: {  	_ =	shalt  }
0x50: {  	_ =	shalt  }
0x51: {  	_ =	shalt  }
0x52: {  	_ =	shalt  }
0x53: {  	_ =	shalt  }
0x54: {  	_ =	shalt  }
0x55: {  	_ =	shalt  }
0x56: {  	_ =	shalt  }
0x57: {  	_ =	shalt  }
0x58: {  	_ =	shalt  }
0x59: {  	_ =	shalt  }
0x5a: {  	_ =	shalt  }
0x5b: {  	_ =	shalt  }
0x5c: {  	_ =	shalt  }
0x5d: {  	_ =	shalt  }
0x5e: {  	_ =	shalt  }
0x5f: {  	_ =	shalt  }
0x60: {  	_ =	shalt  }
0x61: {  	_ =	shalt  }
0x62: {  	_ =	shalt  }
0x63: {  	_ =	shalt  }
0x64: {  	_ =	shalt  }
0x65: {  	_ =	shalt  }
0x66: {  	_ =	shalt  }
0x67: {  	_ =	shalt  }
0x68: {  	_ =	shalt  }
0x69: {  	_ =	shalt  }
0x6a: {  	_ =	shalt  }
0x6b: {  	_ =	shalt  }
0x6c: {  	_ =	shalt  }
0x6d: {  	_ =	shalt  }
0x6e: {  	_ =	shalt  }
0x6f: {  	_ =	shalt  }
0x70: {  	_ =	shalt  }
0x71: {  	_ =	shalt  }
0x72: {  	_ =	shalt  }
0x73: {  	_ =	shalt  }
0x74: {  	_ =	shalt  }
0x75: {  	_ =	shalt  }
0x76: {  	_ =	shalt  }
0x77: {  	_ =	shalt  }
0x78: {  	_ =	shalt  }
0x79: {  	_ =	shalt  }
0x7a: {  	_ =	shalt  }
0x7b: {  	_ =	shalt  }
0x7c: {  	_ =	shalt  }
0x7d: {  	_ =	shalt  }
0x7e: {  	_ =	shalt  }
0x7f: {  	_ =	shalt  }
0x80: {  	_ =	shalt  }
0x81: {  	_ =	shalt  }
0x82: {  	_ =	shalt  }
0x83: {  	_ =	shalt  }
0x84: {  	_ =	shalt  }
0x85: {  	_ =	shalt  }
0x86: {  	_ =	shalt  }
0x87: {  	_ =	shalt  }
.Lfunc_end0:
.L_simem_size_0:
called_computation_lowered:
.L_overlay_start_0:
0x88: {  	s2 =	sld [smem:$0x3FD9]  }
0x89: {  	s3 =	sld [smem:$0x3FFE];
	_ =	sdelay $0x1  }
0x8a: {  	s1 =	srdreg.scid  }
0x8b: {  	s0 =	sand.u32 $0x1, s1  }
0x8c: {  	s17 =	sshll.u32 s0, $0xA;
	s2 =	sadd.s32 s3, s2  }
0x8d: {  	s2 =	sadd.s32 s2, s17  }
0x8e: {  	[smem:$0x3FB9] =	sst s2  }
0x8f: {  	_ = 	snop  }
0x90: {  	s2 =	sld [smem:$0x3FD0];
	(tm) =	ssettm $0x1  }
0x91: {  	s18 =	sld [smem:$0x3FFB];
	_ =	sdelay $0x3  }
0x92: {  	_ =	strace s18  }
0x93: {  	s3 =	sld [smem:$0x3FFC];
	_ =	sdelay $0x3  }
0x94: {  	_ =	strace s3  }
0x95: {  	s3 =	sld [smem:$0x3FFD];
	_ =	sdelay $0x3  }
0x96: {  	_ =	strace s3  }
0x97: {  	_ =	strace $0x8FFFFFFF  }
0x98: {  	s19 =	sld [smem:$0x3FDB];
	_ =	sdelay $0x1  }
0x99: {  	s4 =	simm.s32 $_scs_section_size  }
0x9a: {  	s5 =	simm.s32 $_size__tile_overlayer_lowered;
	s6 =	simm.s32 $_tile_overlayer_lowered  }
0x9b: {  	s22 =	simm.s32 $0x1BFF;
	s21 =	sshll.u32 s6, $0x1;
	s3 =	sadd.s32 s4, s19  }
0x9c: {  	s7 =	simm.s32 $0x0;
	s20 =	sshll.u32 s5, $0x1;
	s5 =	sadd.s32 s21, s3  }
0x9d: {  	[timem:s7], [sflag:s22] =	dma.local [hbm:s5], s20  }
0x9e: {  	_ =	swait.ge [sflag:s22], s20  }
0x9f: {  	s4 =	ssub.s32 $0x0, s20;
	[sflag:s22] =	ssyncset.done $0x0  }
0xa0: {  	[sflag:s22] =	ssyncadd.s32 s4;
	_ =	sdelay $0x1  }
0xa1: {  	s23 =	simm.s32 $0x1B8B  }
0xa2: {  	_ =	swait.ge [sflag:s23], $0x1  }
0xa3: {  	[sflag:s23] =	ssyncset.done $0x0  }
0xa4: {  	s25 =	simm.s32 $0x1B8E;
	s24 =	sld [smem:$0x3FFE];
	[sflag:s23] =	ssyncadd.s32 $0xFFFFFFFF  }
0xa5: {  	s26 =	simm.s32 $execute0_lowered;
	[smem:$0x3FD2] =	sst s25  }
0xa6: {  	s5 =	sshll.u32 s26, $0x1;
	_ =	strace $0x80000046;
	[dreg:$0x1] =	wrdreg $0xFFFFFFFF  }
0xa7: {  	s28 =	simm.s32 $_size_execute0_lowered;
	s3 =	sadd.s32 s3, s5;
	[dreg:$0x0] =	wrdreg $0x0  }
0xa8: {  	s5 =	sshll.u32 s28, $0x1;
	[dreg:$0x2] =	wrdreg s3  }
0xa9: {  	[dreg:$0x3] =	wrdreg s5  }
0xaa: {  	[dreg:$0x4] =	wrdreg $0xC0  }
0xab: {  	_ =	task [dreg:s7], $0x5FFFF  }
0xac: {  	[dreg:$0x1] =	wrdreg $0xFFFFFFFF  }
0xad: {  	[dreg:$0x0] =	wrdreg $0x60  }
0xae: {  	[dreg:$0x2] =	wrdreg s2  }
0xaf: {  	[dreg:$0x3] =	wrdreg s24  }
0xb0: {  	[dreg:$0x4] =	wrdreg $0xBC000  }
0xb1: {  	[dreg:$0x5] =	wrdreg $0x9  }
0xb2: {  	_ =	task.clear_ibuf [dreg:s7], $0x6FFFF;
	_ =	strace $0x90000046  }
0xb3: {  	s29 =	simm.s32 $0x9;
	_ =	strace $0x80000048  }
0xb4: {  	_ =	swait.ge [sflag:s29], $0x1  }
0xb5: {  	[sflag:s29] =	ssyncadd.s32 $0xFFFFFFFF  }
0xb6: {  	_ =	strace $0x90000048  }
0xb7: {  	_ =	sfence  }
0xb8: {  	s30 =	sld [smem:$0x0];
	_ =	sdelay $0x2  }
0xb9: {  	s31 =	sshll.u32 s1, $0xD;
	s1 =	sshrl.u32 s1, $0x2  }
0xba: {  	s3 =	sand.u32 $0x4000, s31;
	s1 =	sadd.s32 s1, s30  }
0xbb: {  	s0 =	sor.u32 s3, s0;
	s1 =	sshll.u32 s1, $0x11  }
0xbc: {  	s0 =	sor.u32 s1, s0  }
0xbd: {  	s0 =	sadd.s32 $0x8F2B, s0  }
0xbe: {  	[sflag:s0] =	ssyncadd.remote.s32 $0x1  }
0xbf: {  	_ =	sfence.sel $0xFFFF  }
0xc0: {  	[dreg:$0x0] =	wrdreg $0xFFFFFFFF;
	(pc) =	sbr.abs _section_cstart, $3  }
0xc1: {  	[dreg:$0x1] =	wrdreg $0xFFFFFFFF  }
0xc2: {  	_ =	task.clear_ibuf [dreg:s7], $0x2FFFF;
	_ =	strace $0x9FFFFFFF  }
0xc3: {  	(tm) =	ssettm $0x7FFFFFFF  }
tec
execute0_lowered:
.L_overlay_start_1:
0x0: {  	(tag) =	ssettag $0x1  }
0x1: {  	s1 =	rddreg [dreg:$0x0]  }
0x2: {  	s0 =	rddreg [dreg:$0x1]  }
0x3: {  	s2 =	rddreg [dreg:$0x2];
	s14 =	simm.s32 $0x0;
	s3 =	srdreg.scid  }
0x4: {  	s12 =	stileid.u32;
	[smem:$0x7FF] =	sst s14;
	s4 =	sadd.s32 $0x15000, s0  }
0x5: {  	s3 =	sand.u32 $0x1, s3;
	s22 =	smul.u32 $0x280, s12;
	s5 =	sadd.s32 $0x15600, s0  }
0x6: {  	s7 =	sadd.s32 $0xB000, s0;
	s8 =	sadd.s32 $0x1200, s0;
	s26 =	smul.u32 $0x50000, s12  }
0x7: {  	s9 =	sadd.s32 $0x15C00, s0;
	s25 =	sadd.s32 $0x14E00, s0;
	s11 =	smul.u32 $0xC8, s12  }
0x8: {  	s13 =	smul.u32 $0x72, s12;
	_ =	strace $0x80000047;
	[dreg:$0x4] =	wrdreg s4  }
0x9: {  	[dreg:$0x5] =	wrdreg s5;
	s23 =	smul.u32 $0x2800, s3;
	s6 =	sshll.u32 s3, $0x4  }
0xa: {  	[dreg:$0x6] =	wrdreg s25;
	p0 =	seq.s32 s3, $0x0;
	s11 =	sadd.s32 $0x720, s11  }
0xb: {  	s10 =	ssub.s32 $0x2, s3;
	s16 =	sshrl.u32 s26, $0x2;
	s11 =	smov.u32 @p0 s13  }
0xc: {  	s6 =	sor.u32 s12, s6;
	s16 =	sadd.s32 s16, s2;
	s17 =	sshll.u32 s11, $0x3  }
0xd: {  	s4 =	sadd.s32 s22, s23;
	[dreg:$0x7] =	wrdreg s16;
	s18 =	sadd.s32 s7, s17  }
0xe: {  	s24 =	smul.u32 $0x4E2, s6;
	s19 =	sadd.s32 s8, s17;
	[dreg:$0x8] =	wrdreg s18  }
0xf: {  	s20 =	sor.u32 $0x8, s17;
	s3 =	sadd.s32 s9, s17;
	[dreg:$0x9] =	wrdreg s19  }
0x10: {  	s4 =	sshll.u32 s4, $0x4;
	[dreg:$0xa] =	wrdreg s3;
	s21 =	sadd.s32 s7, s20  }
0x11: {  	s4 =	sadd.s32 s4, s0;
	s22 =	sadd.s32 s8, s20;
	[dreg:$0xb] =	wrdreg s21  }
0x12: {  	s0 =	sadd.s32 s24, s0;
	s23 =	sadd.s32 s9, s20;
	[dreg:$0xc] =	wrdreg s22  }
0x13: {  	s0 =	sadd.s32 $0x1FA00, s0;
	[dreg:$0xd] =	wrdreg s23  }
0x14: {  	s24 =	sadd.s32 $0x29800, s4;
	[dreg:$0xe] =	wrdreg s0  }
0x15: {  	s28 =	simm.s32 $0x40;
	s25 =	sadd.s32 $0x29C00, s4;
	[dreg:$0xf] =	wrdreg s24  }
0x16: {  	s29 =	simm.s32 $0x2;
	s26 =	sadd.s32 $0x2A000, s4;
	[dreg:$0x10] =	wrdreg s25  }
0x17: {  	s30 =	simm.s32 $0x9A80;
	s3 =	sadd.s32 $0x2A400, s4;
	[dreg:$0x11] =	wrdreg s26  }
0x18: {  	s15 =	sshrl.u32 s10, $0x1;
	s6 =	sadd.s32 $0x2A800, s4;
	[dreg:$0x12] =	wrdreg s3  }
0x19: {  	s5 =	ssub.s32 s10, s15;
	s10 =	sadd.s32 $0x2AC00, s4;
	[dreg:$0x13] =	wrdreg s6  }
0x1a: {  	s31 =	simm.s32 $0x4F00;
	s13 =	sadd.s32 $0x2B000, s4;
	[dreg:$0x14] =	wrdreg s10  }
0x1b: {  	s12 =	simm.s32 $0x72;
	s15 =	sadd.s32 $0x2B400, s4;
	[dreg:$0x15] =	wrdreg s13  }
0x1c: {  	s12 =	simm.s32 @!p0 $0xC8;
	s17 =	sadd.s32 $0x2B800, s4;
	[dreg:$0x16] =	wrdreg s15  }
0x1d: {  	s18 =	sadd.s32 $0x2BC00, s4;
	s19 =	smax.u32 s5, $0x1;
	[dreg:$0x17] =	wrdreg s17  }
0x1e: {  	s20 =	sadd.s32 $0x6000, s16;
	s4 =	simm.s32 $0xBA80;
	[dreg:$0x18] =	wrdreg s18  }
0x1f: {  	s5 =	simm.s32 $0x4;
	[dreg:$0x19] =	wrdreg s19;
	s17 =	sadd.s32 $0x2000, s16  }
0x20: {  	s18 =	sadd.s32 $0x4000, s16;
	[dreg:$0x1c] =	wrdreg s20;
	s21 =	sadd.s32 $0x8000, s16  }
0x21: {  	s22 =	sadd.s32 $0xA000, s16;
	s23 =	sadd.s32 $0xC000, s16;
	[dreg:$0x1d] =	wrdreg s21  }
0x22: {  	s24 =	sadd.s32 $0xE000, s16;
	s25 =	sadd.s32 $0x10000, s16;
	[dreg:$0x1e] =	wrdreg s22  }
0x23: {  	s26 =	sadd.s32 $0x12000, s16;
	s19 =	sshll.u32 s11, $0x6;
	[dreg:$0x1f] =	wrdreg s23  }
0x24: {  	s20 =	sshrl.u32 s12, $0x1;
	s0 =	simm.s32 $0x3;
	[smem:$0x7FB] =	sst s24  }
0x25: {  	v0 =	vlaneseq.u32;
	s6 =	simm.s32 $0xBB00;
	s10 =	simm.s32 $0x0;
	[smem:$0x7FC] =	sst s25  }
0x26: {  	v1 =	vmul.u32 $0xFFFFFFFF, v0;
	[smem:$0x7FD] =	sst s26;
	s21 =	simm.s32 $0x7;
	s22 =	simm.s32 $0x2780  }
0x27: {  	s23 =	simm.s32 $0x7A80;
	s24 =	simm.s32 $0x7680;
	[dreg:$0x1a] =	wrdreg s17  }
0x28: {  	v0 =	vimm.f32 $0.0e+00;
	v1 =	vadd.s32 $0x4E200, v1;
	s25 =	simm.s32 $0x7700;
	s26 =	simm.s32 $0x1;
	[dreg:$0x1b] =	wrdreg s18  }
.LBB2_1:
0x29: {  	[smem:$0x7FA] =	sst s10  }
0x2a: {  	s3 =	rddreg [dreg:$0x4]  }
0x2b: {  	[tilespmem:s14], [sflag:$0x7] =	stream.linear.gather [hbm4b:s3+s14], $0x2780, $0x38;
	[tilespmem:$0x1FC00] =	vst v63  }
0x2c: {  	_ =	swait.ge [sflag:s21], $0x2780  }
0x2d: {  	[sflag:s21] =	ssyncset.done $0x0  }
0x2e: {  	s10 =	rddreg [dreg:$0x5];
	[sflag:s21] =	ssyncadd.s32 $0xFFFFD880  }
0x2f: {  	[tilespmem:s22], [sflag:$0x7] =	stream.linear.gather [hbm4b:s10+s14], $0x2780, $0x38;
	[tilespmem:$0x1FC00] =	vst v63  }
0x30: {  	_ =	swait.ge [sflag:s21], $0x2780  }
0x31: {  	[sflag:s21] =	ssyncset.done $0x0  }
0x32: {  	s15 =	simm.s32 $0xBB80;
	s13 =	rddreg [dreg:$0x6];
	[sflag:s21] =	ssyncadd.s32 $0xFFFFD880  }
0x33: {  	[tilespmem:s15], [sflag:$0x7] =	stream.linear.gather [hbm4b:s13+s14], $0x80, $0x38;
	[tilespmem:$0x1FC00] =	vst v63  }
0x34: {  	_ =	swait.ge [sflag:s21], $0x80  }
0x35: {  	[sflag:s21] =	ssyncset.done $0x0  }
0x36: {  	[sflag:s21] =	ssyncadd.s32 $0xFFFFFF80  }
0x37: {  	s13 =	simm.s32 $0x0;
	v2 =	vld [tilespmem:$0xBB80]  }
.LBB2_2:
0x38: {  	p0 =	sne.s32 s13, $0x9C00  }
.Ltmp0:
0x39: {  	_ = 	snop;
	(pc) =	sbr.rel @p0 .LBB2_2-.Ltmp0, $3  }
0x3a: {  	_ =	sdelay $0x1  }
0x3b: {  	s14 =	sshra.s32 s13, $0x2  }
0x3c: {  	s13 =	sadd.s32 $0x40, s13;
	[tilespmem:s14+$0x4F00] =	vst v0  }
0x3d: {  	s13 =	simm.s32 $0x0;
	s15 =	simm.s32 $0x200  }
.LBB2_4:
0x3e: {  	p0 =	sne.s32 s15, $0x7E00;
	[tilespmem:s13+$0x7AF0] =	vst v0  }
0x3f: {  	[tilespmem:s13+$0x7A80] =	vst v0  }
0x40: {  	[tilespmem:s13+$0x7A90] =	vst v0  }
.Ltmp1:
0x41: {  	[tilespmem:s13+$0x7AA0] =	vst v0;
	(pc) =	sbr.rel @p0 .LBB2_4-.Ltmp1, $4  }
0x42: {  	[tilespmem:s13+$0x7AB0] =	vst v0  }
0x43: {  	[tilespmem:s13+$0x7AC0] =	vst v0  }
0x44: {  	[tilespmem:s13+$0x7AD0] =	vst v0  }
0x45: {  	[tilespmem:s13+$0x7AE0] =	vst v0;
	s13 =	sshra.s32 s15, $0x2;
	s15 =	sadd.s32 $0x200, s15  }
0x46: {  	[tilespmem:s13+$0x7AF0] =	vst v0  }
0x47: {  	[tilespmem:s13+$0x7A80] =	vst v0  }
0x48: {  	[tilespmem:s13+$0x7A90] =	vst v0  }
0x49: {  	[tilespmem:s13+$0x7AA0] =	vst v0  }
0x4a: {  	[tilespmem:s13+$0x7AB0] =	vst v0  }
0x4b: {  	[tilespmem:s13+$0x7AC0] =	vst v0  }
0x4c: {  	[tilespmem:s13+$0x7AD0] =	vst v0  }
0x4d: {  	[tilespmem:s13+$0x7AE0] =	vst v0  }
0x4e: {  	[spmem:s16] =	stream.linear.scatter [tilespmem:s23], [sflag:$0x7], $0x2000, $0x38;
	[tilespmem:$0x1FC00] =	vst v63  }
0x4f: {  	_ =	swait.ge [sflag:s21], $0x2000  }
0x50: {  	[sflag:s21] =	ssyncset.done $0x0  }
0x51: {  	[sflag:s21] =	ssyncadd.s32 $0xFFFFE000  }
0x52: {  	[spmem:s17] =	stream.linear.scatter [tilespmem:s23], [sflag:$0x7], $0x2000, $0x38;
	[tilespmem:$0x1FC00] =	vst v63  }
0x53: {  	_ =	swait.ge [sflag:s21], $0x2000  }
0x54: {  	[sflag:s21] =	ssyncset.done $0x0  }
0x55: {  	[sflag:s21] =	ssyncadd.s32 $0xFFFFE000  }
0x56: {  	[spmem:s18] =	stream.linear.scatter [tilespmem:s23], [sflag:$0x7], $0x2000, $0x38;
	[tilespmem:$0x1FC00] =	vst v63  }
0x57: {  	_ =	swait.ge [sflag:s21], $0x2000  }
0x58: {  	[sflag:s21] =	ssyncset.done $0x0  }
0x59: {  	s3 =	rddreg [dreg:$0x1c];
	[sflag:s21] =	ssyncadd.s32 $0xFFFFE000  }
0x5a: {  	[spmem:s3] =	stream.linear.scatter [tilespmem:s23], [sflag:$0x7], $0x2000, $0x38;
	[tilespmem:$0x1FC00] =	vst v63  }
0x5b: {  	_ =	swait.ge [sflag:s21], $0x2000  }
0x5c: {  	[sflag:s21] =	ssyncset.done $0x0  }
0x5d: {  	s15 =	rddreg [dreg:$0x1d];
	[sflag:s21] =	ssyncadd.s32 $0xFFFFE000  }
0x5e: {  	[spmem:s15] =	stream.linear.scatter [tilespmem:s23], [sflag:$0x7], $0x2000, $0x38;
	[tilespmem:$0x1FC00] =	vst v63  }
0x5f: {  	_ =	swait.ge [sflag:s21], $0x2000  }
0x60: {  	[sflag:s21] =	ssyncset.done $0x0  }
0x61: {  	s16 =	rddreg [dreg:$0x1e];
	[sflag:s21] =	ssyncadd.s32 $0xFFFFE000  }
0x62: {  	[spmem:s16] =	stream.linear.scatter [tilespmem:s23], [sflag:$0x7], $0x2000, $0x38;
	[tilespmem:$0x1FC00] =	vst v63  }
0x63: {  	_ =	swait.ge [sflag:s21], $0x2000  }
0x64: {  	[sflag:s21] =	ssyncset.done $0x0  }
0x65: {  	s17 =	rddreg [dreg:$0x1f];
	[sflag:s21] =	ssyncadd.s32 $0xFFFFE000  }
0x66: {  	[spmem:s17] =	stream.linear.scatter [tilespmem:s23], [sflag:$0x7], $0x2000, $0x38;
	[tilespmem:$0x1FC00] =	vst v63  }
0x67: {  	_ =	swait.ge [sflag:s21], $0x2000  }
0x68: {  	s18 =	sld [smem:$0x7FB]  }
0x69: {  	[sflag:s21] =	ssyncset.done $0x0  }
0x6a: {  	[sflag:s21] =	ssyncadd.s32 $0xFFFFE000  }
0x6b: {  	[spmem:s18] =	stream.linear.scatter [tilespmem:s23], [sflag:$0x7], $0x2000, $0x38;
	[tilespmem:$0x1FC00] =	vst v63  }
0x6c: {  	_ =	swait.ge [sflag:s21], $0x2000  }
0x6d: {  	s10 =	sld [smem:$0x7FC]  }
0x6e: {  	[sflag:s21] =	ssyncset.done $0x0  }
0x6f: {  	[sflag:s21] =	ssyncadd.s32 $0xFFFFE000  }
0x70: {  	[spmem:s10] =	stream.linear.scatter [tilespmem:s23], [sflag:$0x7], $0x2000, $0x38;
	[tilespmem:$0x1FC00] =	vst v63  }
0x71: {  	_ =	swait.ge [sflag:s21], $0x2000  }
0x72: {  	s13 =	sld [smem:$0x7FD]  }
0x73: {  	[sflag:s21] =	ssyncset.done $0x0  }
0x74: {  	[sflag:s21] =	ssyncadd.s32 $0xFFFFE000  }
0x75: {  	[spmem:s13] =	stream.linear.scatter [tilespmem:s23], [sflag:$0x7], $0x2000, $0x38;
	[tilespmem:$0x1FC00] =	vst v63  }
0x76: {  	_ =	swait.ge [sflag:s21], $0x2000  }
0x77: {  	[sflag:s21] =	ssyncset.done $0x0  }
0x78: {  	[sflag:s21] =	ssyncadd.s32 $0xFFFFE000  }
0x79: {  	[bflag:$0x0] =	sbarrier.arrive $0xFFFF  }
0x7a: {  	s15 =	simm.s32 $0x0;
	s14 =	rddreg [dreg:$0x8]  }
0x7b: {  	[tilespmem:s24], [sflag:$0x1] =	stream.linear.gather [hbm4b:s14+s15], $0x40, $0x38;
	[tilespmem:$0x1FC00] =	vst v63  }
0x7c: {  	s10 =	simm.s32 $0x7780;
	s16 =	rddreg [dreg:$0x9]  }
0x7d: {  	[tilespmem:s10], [sflag:$0x1] =	stream.linear.gather [hbm4b:s16+s15], $0x40, $0x38;
	[tilespmem:$0x1FC00] =	vst v63  }
0x7e: {  	s18 =	simm.s32 $0x7880;
	s17 =	rddreg [dreg:$0xa]  }
0x7f: {  	[tilespmem:s18], [sflag:$0x1] =	stream.linear.gather [hbm4b:s17+s15], $0x40, $0x38;
	[tilespmem:$0x1FC00] =	vst v63  }
0x80: {  	s13 =	rddreg [dreg:$0xb]  }
0x81: {  	[tilespmem:s25], [sflag:$0x2] =	stream.linear.gather [hbm4b:s13+s15], $0x40, $0x38;
	[tilespmem:$0x1FC00] =	vst v63  }
0x82: {  	s14 =	rddreg [dreg:$0xc];
	s16 =	simm.s32 $0x7800  }
0x83: {  	[tilespmem:s16], [sflag:$0x2] =	stream.linear.gather [hbm4b:s14+s15], $0x40, $0x38;
	[tilespmem:$0x1FC00] =	vst v63  }
0x84: {  	s17 =	rddreg [dreg:$0xd];
	s18 =	simm.s32 $0x7900;
	s16 =	simm.s32 $0x0  }
0x85: {  	[tilespmem:s18], [sflag:$0x2] =	stream.linear.gather [hbm4b:s17+s15], $0x40, $0x38;
	[tilespmem:$0x1FC00] =	vst v63  }
.LBB2_6:
0x86: {  	_ =	swait.ge [sflag:s26], $0x40  }
0x87: {  	[sflag:s26] =	ssyncset.done $0x0  }
0x88: {  	[sflag:s26] =	ssyncadd.s32 $0xFFFFFFC0  }
0x89: {  	_ =	swait.ge [sflag:s26], $0x40  }
0x8a: {  	[sflag:s26] =	ssyncset.done $0x0  }
0x8b: {  	[sflag:s26] =	ssyncadd.s32 $0xFFFFFFC0  }
0x8c: {  	_ =	swait.ge [sflag:s26], $0x40  }
0x8d: {  	p0 =	seq.s32 s16, $0x0;
	[sflag:s26] =	ssyncset.done $0x0  }
0x8e: {  	s13 =	simm.s32 @!p0 $0x5;
	[sflag:s26] =	ssyncadd.s32 $0xFFFFFFC0  }
0x8f: {  	_ =	swait.ge @!p0 [sflag:s13], $0x2000  }
0x90: {  	[sflag:s13] =	ssyncset.done @!p0 $0x0  }
0x91: {  	[sflag:s13] =	ssyncadd.s32 @!p0 $0xFFFFE000  }
0x92: {  	[tilespmem:s23], [sflag:$0x3] =	stream.indirect.gather [hbm4b:s1+s28], $0x80, s24, s28, $0xb8;
	[tilespmem:$0x1FC00] =	vst v63  }
0x93: {  	_ =	swait.ge [sflag:s29], $0x40  }
0x94: {  	[sflag:s29] =	ssyncset.done $0x0  }
0x95: {  	[sflag:s29] =	ssyncadd.s32 $0xFFFFFFC0  }
0x96: {  	_ =	swait.ge [sflag:s29], $0x40  }
0x97: {  	[sflag:s29] =	ssyncset.done $0x0  }
0x98: {  	[sflag:s29] =	ssyncadd.s32 $0xFFFFFFC0  }
0x99: {  	_ =	swait.ge [sflag:s29], $0x40  }
0x9a: {  	[sflag:s29] =	ssyncset.done $0x0  }
0x9b: {  	s13 =	simm.s32 @!p0 $0x6;
	[sflag:s29] =	ssyncadd.s32 $0xFFFFFFC0  }
0x9c: {  	_ =	swait.ge @!p0 [sflag:s13], $0x2000  }
0x9d: {  	[sflag:s13] =	ssyncset.done @!p0 $0x0  }
0x9e: {  	[sflag:s13] =	ssyncadd.s32 @!p0 $0xFFFFE000  }
0x9f: {  	[tilespmem:s30], [sflag:$0x4] =	stream.indirect.gather [hbm4b:s1+s28], $0x80, s25, s28, $0xb8;
	[tilespmem:$0x1FC00] =	vst v63  }
0xa0: {  	v3 =	vld [tilespmem:$0x7680]  }
0xa1: {  	v4 =	vld [tilespmem:$0x7780]  }
0xa2: {  	v5 =	vld [tilespmem:$0x7690]  }
0xa3: {  	v6 =	vld [tilespmem:$0x7790]  }
0xa4: {  	v8 =	vld [tilespmem:$0x76A0]  }
0xa5: {  	v9 =	vld [tilespmem:$0x77A0]  }
0xa6: {  	v10 =	vld [tilespmem:$0x7880]  }
0xa7: {  	v11 =	vld [tilespmem:$0x76B0]  }
0xa8: {  	v12 =	vld [tilespmem:$0x77B0]  }
0xa9: {  	v14 =	vld [tilespmem:$0x7890]  }
0xaa: {  	v16 =	vld [tilespmem:$0x78A0]  }
0xab: {  	v3 =	vld.idx.msk [tilespmem:v3+s15+$0x0], $0xffff  }
0xac: {  	v7 =	vld.idx.msk [tilespmem:v4+s22+$0x0], $0xffff  }
0xad: {  	v5 =	vld.idx.msk [tilespmem:v5+s15+$0x0], $0xffff  }
0xae: {  	v13 =	vld.idx.msk [tilespmem:v6+s22+$0x0], $0xffff  }
0xaf: {  	v8 =	vld.idx.msk [tilespmem:v8+s15+$0x0], $0xffff  }
0xb0: {  	v15 =	vld.idx.msk [tilespmem:v9+s22+$0x0], $0xffff  }
0xb1: {  	v3 =	vadd.f32 v7, v3;
	v7 =	vmul.f32 v10, v2;
	v10 =	vld.idx.msk [tilespmem:v11+s15+$0x0], $0xffff  }
0xb2: {  	v11 =	vld.idx.msk [tilespmem:v12+s22+$0x0], $0xffff  }
0xb3: {  	v5 =	vadd.f32 v13, v5;
	v13 =	vld [tilespmem:$0x78B0];
	v3 =	vadd.f32 v7, v3;
	v7 =	vmul.f32 v14, v2;
	_ =	sdelay $0x1  }
0xb4: {  	v14 =	vmul.f32 $2.000000030e-01, v3;
	v5 =	vadd.f32 v7, v5  }
0xb5: {  	v7 =	vadd.f32 v15, v8;
	v8 =	vmul.f32 v16, v2  }
0xb6: {  	v3 =	vmax.f32 v3, v14;
	v14 =	vmul.f32 $2.000000030e-01, v5  }
0xb7: {  	v7 =	vadd.f32 v8, v7;
	v8 =	vadd.f32 v11, v10;
	v10 =	vmul.f32 v13, v2  }
0xb8: {  	v3 =	vmul.f32 $1.442695020e+00, v3  }
0xb9: {  	v5 =	vmax.f32 v5, v14;
	v11 =	vmul.f32 $2.000000030e-01, v7;
	v8 =	vadd.f32 v10, v8  }
0xba: {  	(erf) = vpow2.f32 v3;
	v3 =	vmul.f32 $1.442695020e+00, v5  }
0xbb: {  	v5 =	vmax.f32 v7, v11;
	v7 =	vmul.f32 $2.000000030e-01, v8  }
0xbc: {  	(erf) = vpow2.f32 v3;
	v3 =	vmul.f32 $1.442695020e+00, v5  }
0xbd: {  	v5 =	vmax.f32 v8, v7  }
0xbe: {  	(erf) = vpow2.f32 v3;
	v3 =	vmul.f32 $1.442695020e+00, v5;
	_ =	sdelay $0x1  }
0xbf: {  	s18 =	sshll.u32 s16, $0x7;
	(erf) = vpow2.f32 v3  }
0xc0: {  	s14 =	sadd.s32 s19, s18  }
0xc1: {  	v3 =	vmov s14  }
0xc2: {  	s17 =	sor.u32 $0x10, s14;
	vm0 =	vlt.s32 v3, v1;
	v5 =	vpop (erf)  }
0xc3: {  	v3 =	vnsel vm0, $0x0, v5;
	v5 =	vmov s17  }
0xc4: {  	s3 =	sor.u32 $0x20, s14;
	[tilespmem:$0xBA80] =	vst v3;
	v7 =	vpop (erf);
	vm9 =	vlt.s32 v5, v1  }
0xc5: {  	[tilespmem:v4+s31+$0x0] =	vst.idx.add.f32.msk $0xffff, v3;
	v3 =	vnsel vm9, $0x0, v7;
	v4 =	vmov s3  }
0xc6: {  	s14 =	sor.u32 $0x30, s14;
	[tilespmem:$0xBA90] =	vst v3;
	v5 =	vpop (erf);
	vm10 =	vlt.s32 v4, v1  }
0xc7: {  	v4 =	vmov s14;
	[tilespmem:v6+s31+$0x0] =	vst.idx.add.f32.msk $0xffff, v3;
	v3 =	vnsel vm10, $0x0, v5  }
0xc8: {  	vm11 =	vlt.s32 v4, v1;
	[tilespmem:$0xBAA0] =	vst v3;
	v5 =	vpop (erf)  }
0xc9: {  	[tilespmem:v9+s31+$0x0] =	vst.idx.add.f32.msk $0xffff, v3;
	v3 =	vnsel vm11, $0x0, v5  }
0xca: {  	[tilespmem:$0xBAB0] =	vst v3  }
0xcb: {  	[tilespmem:v12+s31+$0x0] =	vst.idx.add.f32.msk $0xffff, v3  }
0xcc: {  	v3 =	vld [tilespmem:$0x7780]  }
0xcd: {  	v4 =	vld [tilespmem:$0x7790]  }
0xce: {  	v5 =	vld [tilespmem:$0x7700]  }
0xcf: {  	v6 =	vld [tilespmem:$0x77A0]  }
0xd0: {  	v7 =	vld [tilespmem:$0x77B0];
	_ =	sdelay $0x1  }
0xd1: {  	v8 =	vld [tilespmem:$0x7800];
	[tilespmem:$0x7980] =	vst v3  }
0xd2: {  	v9 =	vld [tilespmem:$0x7820];
	[tilespmem:$0x7990] =	vst v4  }
0xd3: {  	v10 =	vld [tilespmem:$0x7900];
	[tilespmem:$0x79A0] =	vst v6  }
0xd4: {  	[tilespmem:$0x79B0] =	vst v7;
	v4 =	vld [tilespmem:$0x7710]  }
0xd5: {  	v3 =	vld.idx.msk [tilespmem:v5+s15+$0x0], $0xffff  }
0xd6: {  	v5 =	vld [tilespmem:$0x7810]  }
0xd7: {  	v11 =	vld [tilespmem:$0x7730]  }
0xd8: {  	v7 =	vld [tilespmem:$0x7720]  }
0xd9: {  	v12 =	vld [tilespmem:$0x7830]  }
0xda: {  	v14 =	vld [tilespmem:$0x7910]  }
0xdb: {  	v16 =	vld [tilespmem:$0x7920]  }
0xdc: {  	v6 =	vld.idx.msk [tilespmem:v8+s22+$0x0], $0xffff  }
0xdd: {  	v4 =	vld.idx.msk [tilespmem:v4+s15+$0x0], $0xffff  }
0xde: {  	v13 =	vld.idx.msk [tilespmem:v5+s22+$0x0], $0xffff  }
0xdf: {  	v15 =	vld.idx.msk [tilespmem:v9+s22+$0x0], $0xffff  }
0xe0: {  	v7 =	vld.idx.msk [tilespmem:v7+s15+$0x0], $0xffff  }
0xe1: {  	v3 =	vadd.f32 v6, v3;
	v6 =	vmul.f32 v10, v2;
	v10 =	vld.idx.msk [tilespmem:v11+s15+$0x0], $0xffff  }
0xe2: {  	v11 =	vld.idx.msk [tilespmem:v12+s22+$0x0], $0xffff  }
0xe3: {  	v3 =	vadd.f32 v6, v3;
	v6 =	vmul.f32 v14, v2;
	v4 =	vadd.f32 v13, v4;
	v13 =	vld [tilespmem:$0x7930];
	_ =	sdelay $0x1  }
0xe4: {  	v14 =	vmul.f32 $2.000000030e-01, v3;
	v4 =	vadd.f32 v6, v4  }
0xe5: {  	v6 =	vadd.f32 v15, v7;
	v7 =	vmul.f32 v16, v2  }
0xe6: {  	v3 =	vmax.f32 v3, v14;
	v14 =	vmul.f32 $2.000000030e-01, v4  }
0xe7: {  	v6 =	vadd.f32 v7, v6;
	v7 =	vadd.f32 v11, v10;
	v10 =	vmul.f32 v13, v2  }
0xe8: {  	v3 =	vmul.f32 $1.442695020e+00, v3  }
0xe9: {  	v4 =	vmax.f32 v4, v14;
	v11 =	vmul.f32 $2.000000030e-01, v6;
	v7 =	vadd.f32 v10, v7  }
0xea: {  	(erf) = vpow2.f32 v3;
	v3 =	vmul.f32 $1.442695020e+00, v4  }
0xeb: {  	v4 =	vmax.f32 v6, v11;
	v6 =	vmul.f32 $2.000000030e-01, v7  }
0xec: {  	(erf) = vpow2.f32 v3;
	v3 =	vmul.f32 $1.442695020e+00, v4  }
0xed: {  	v4 =	vmax.f32 v7, v6  }
0xee: {  	(erf) = vpow2.f32 v3;
	v3 =	vmul.f32 $1.442695020e+00, v4;
	_ =	sdelay $0x1  }
0xef: {  	s13 =	sadd.s32 s18, s19;
	(erf) = vpow2.f32 v3  }
0xf0: {  	s13 =	sadd.s32 $0x40, s13  }
0xf1: {  	v3 =	vmov s13  }
0xf2: {  	s10 =	sor.u32 $0x10, s13;
	v4 =	vpop (erf);
	vm12 =	vlt.s32 v3, v1  }
0xf3: {  	v3 =	vnsel vm12, $0x0, v4;
	v4 =	vmov s10  }
0xf4: {  	s17 =	sor.u32 $0x20, s13;
	[tilespmem:$0xBB00] =	vst v3;
	vm13 =	vlt.s32 v4, v1;
	v6 =	vpop (erf)  }
0xf5: {  	v4 =	vmov s17;
	[tilespmem:v8+s31+$0x0] =	vst.idx.add.f32.msk $0xffff, v3;
	v3 =	vnsel vm13, $0x0, v6  }
0xf6: {  	s13 =	sor.u32 $0x30, s13;
	vm14 =	vlt.s32 v4, v1;
	v6 =	vpop (erf);
	[tilespmem:$0xBB10] =	vst v3  }
0xf7: {  	v4 =	vmov s13;
	[tilespmem:v5+s31+$0x0] =	vst.idx.add.f32.msk $0xffff, v3;
	v3 =	vnsel vm14, $0x0, v6  }
0xf8: {  	vm15 =	vlt.s32 v4, v1;
	[tilespmem:$0xBB20] =	vst v3;
	v5 =	vpop (erf)  }
0xf9: {  	[tilespmem:v9+s31+$0x0] =	vst.idx.add.f32.msk $0xffff, v3;
	v3 =	vnsel vm15, $0x0, v5  }
0xfa: {  	[tilespmem:$0xBB30] =	vst v3  }
0xfb: {  	[tilespmem:v12+s31+$0x0] =	vst.idx.add.f32.msk $0xffff, v3  }
0xfc: {  	v3 =	vld [tilespmem:$0x7800]  }
0xfd: {  	v4 =	vld [tilespmem:$0x7810]  }
0xfe: {  	v5 =	vld [tilespmem:$0x7820]  }
0xff: {  	v6 =	vld [tilespmem:$0x7830];
	_ =	sdelay $0x1  }
0x100: {  	[tilespmem:$0x7A00] =	vst v3  }
0x101: {  	[tilespmem:$0x7A10] =	vst v4  }
0x102: {  	[tilespmem:$0x7A20] =	vst v5  }
0x103: {  	[tilespmem:$0x7A30] =	vst v6  }
0x104: {  	_ =	swait.ge [sflag:s0], $0x2000  }
0x105: {  	s18 =	simm.s32 $0x6;
	v7 =	vmov s15;
	[sflag:s0] =	ssyncset.done $0x0  }
0x106: {  	v3 =	vand.u32 $0xFFFFFFF8, v7;
	v7 =	vmov s18;
	s18 =	simm.s32 $0x7C80;
	[sflag:s0] =	ssyncadd.s32 $0xFFFFE000  }
0x107: {  	v6 =	vld [tilespmem:s18+$0x170]  }
0x108: {  	v3 =	vbroadcast v3, $0x0;
	v4 =	vand.u32 $0xFFFFFFFE, v7;
	v7 =	vld [tilespmem:s18+$0xFFFFFE00]  }
0x109: {  	s3 =	simm.s32 $0x1;
	v8 =	vld [tilespmem:s18+$0xFFFFFE10]  }
0x10a: {  	v5 =	vmov s3;
	v9 =	vld [tilespmem:s18+$0xFFFFFE20]  }
0x10b: {  	v5 =	vand.u32 $0xFFFFFFF9, v5;
	v4 =	vbroadcast v4, $0x0;
	v10 =	vld [tilespmem:s18+$0xFFFFFE30]  }
0x10c: {  	v5 =	vbroadcast v5, $0x0;
	v11 =	vld [tilespmem:s18+$0xFFFFFE40]  }
0x10d: {  	v12 =	vld [tilespmem:s18+$0xFFFFFE50]  }
0x10e: {  	v3 =	vld.idx.msk [tilespmem:v3+s4+$0x0], $0xffff  }
0x10f: {  	v13 =	vld [tilespmem:s18+$0xFFFFFE60]  }
0x110: {  	v15 =	vld [tilespmem:s18+$0xFFFFFE80]  }
0x111: {  	v4 =	vld.idx.msk [tilespmem:v4+s4+$0x0], $0xffff  }
0x112: {  	v5 =	vld.idx.msk [tilespmem:v5+s4+$0x0], $0xffff  }
0x113: {  	v14 =	vld [tilespmem:s18+$0xFFFFFE70];
	v7 =	vmul.f32 v7, v3  }
0x114: {  	v16 =	vld [tilespmem:s18+$0xFFFFFE90];
	v8 =	vmul.f32 v8, v3  }
0x115: {  	v17 =	vld [tilespmem:s18+$0xFFFFFEA0];
	v10 =	vmul.f32 v10, v3;
	[tilespmem:s18+$0xFFFFFE00] =	vst v7  }
0x116: {  	v18 =	vld [tilespmem:s18+$0xFFFFFEB0];
	v11 =	vmul.f32 v11, v3;
	[tilespmem:s18+$0xFFFFFE10] =	vst v8  }
0x117: {  	s10 =	simm.s32 $0x2;
	v6 =	vmul.f32 v6, v4;
	v8 =	vmul.f32 v15, v5;
	v15 =	vld [tilespmem:s18+$0xFFFFFED0];
	[tilespmem:s18+$0xFFFFFE30] =	vst v10  }
0x118: {  	v7 =	vmov s10;
	v10 =	vmul.f32 v12, v3;
	v12 =	vld [tilespmem:s18+$0xFFFFFEF0];
	[tilespmem:s18+$0xFFFFFE40] =	vst v11  }
0x119: {  	v11 =	vmul.f32 v13, v3;
	v13 =	vld [tilespmem:s18+$0xFFFFFF00];
	v7 =	vand.u32 $0xFFFFFFFA, v7;
	[tilespmem:s18+$0x170] =	vst v6  }
0x11a: {  	v6 =	vmul.f32 v9, v3;
	v9 =	vld [tilespmem:s18+$0xFFFFFEC0];
	v7 =	vbroadcast v7, $0x0;
	[tilespmem:s18+$0xFFFFFE80] =	vst v8  }
0x11b: {  	v3 =	vmul.f32 v14, v3;
	v14 =	vld [tilespmem:s18+$0xFFFFFF20];
	[tilespmem:s18+$0xFFFFFE50] =	vst v10  }
0x11c: {  	s14 =	simm.s32 $0x3;
	v10 =	vld [tilespmem:s18+$0xFFFFFF10];
	[tilespmem:s18+$0xFFFFFE60] =	vst v11  }
0x11d: {  	v8 =	vmov s14;
	v11 =	vmul.f32 v16, v5;
	v16 =	vld [tilespmem:s18+$0xFFFFFF30];
	[tilespmem:s18+$0xFFFFFE20] =	vst v6  }
0x11e: {  	v6 =	vld [tilespmem:s18+$0xFFFFFEE0];
	v8 =	vand.u32 $0xFFFFFFFB, v8;
	[tilespmem:s18+$0xFFFFFE70] =	vst v3;
	v3 =	vmul.f32 v17, v5  }
0x11f: {  	v17 =	vld [tilespmem:s18+$0xFFFFFF40];
	v8 =	vbroadcast v8, $0x0;
	[tilespmem:s18+$0xFFFFFE90] =	vst v11;
	v11 =	vmul.f32 v18, v5  }
0x120: {  	v15 =	vmul.f32 v15, v5;
	v7 =	vld.idx.msk [tilespmem:v7+s4+$0x0], $0xffff  }
0x121: {  	v9 =	vmul.f32 v9, v5;
	[tilespmem:s18+$0xFFFFFEB0] =	vst v11;
	v11 =	vld [tilespmem:s18+$0xFFFFFF60]  }
0x122: {  	[tilespmem:s18+$0xFFFFFED0] =	vst v15;
	v15 =	vld [tilespmem:s18+$0xFFFFFFB0]  }
0x123: {  	[tilespmem:s18+$0xFFFFFEC0] =	vst v9;
	v6 =	vmul.f32 v6, v5;
	v9 =	vld [tilespmem:s18+$0xFFFFFF70]  }
0x124: {  	[tilespmem:s18+$0xFFFFFEA0] =	vst v3;
	v5 =	vmul.f32 v12, v5;
	v12 =	vld [tilespmem:s18+$0xFFFFFF80]  }
0x125: {  	v8 =	vld.idx.msk [tilespmem:v8+s4+$0x0], $0xffff;
	[tilespmem:s18+$0xFFFFFEE0] =	vst v6;
	v3 =	vmul.f32 v13, v7  }
0x126: {  	[tilespmem:s18+$0xFFFFFEF0] =	vst v5;
	v13 =	vld [tilespmem:s18+$0xFFFFFF50];
	v6 =	vmul.f32 v10, v7  }
0x127: {  	s17 =	simm.s32 $0x4;
	v10 =	vld [tilespmem:s18+$0xFFFFFF90];
	v5 =	vmul.f32 v14, v7;
	[tilespmem:s18+$0xFFFFFF00] =	vst v3  }
0x128: {  	v14 =	vld [tilespmem:s18+$0xFFFFFFA0];
	v11 =	vmul.f32 v11, v7;
	v3 =	vmov s17;
	[tilespmem:s18+$0xFFFFFF10] =	vst v6  }
0x129: {  	v6 =	vmul.f32 v16, v7;
	[tilespmem:s18+$0xFFFFFF20] =	vst v5;
	v16 =	vld [tilespmem:s18+$0xFFFFFFC0];
	v3 =	vand.u32 $0xFFFFFFFC, v3  }
0x12a: {  	v5 =	vmul.f32 v17, v7;
	[tilespmem:s18+$0xFFFFFF60] =	vst v11;
	v11 =	vld [tilespmem:s18+$0x0];
	v3 =	vbroadcast v3, $0x0  }
0x12b: {  	[tilespmem:s18+$0xFFFFFF30] =	vst v6;
	v6 =	vmul.f32 v12, v8;
	v12 =	vld [tilespmem:s18+$0xFFFFFFD0]  }
0x12c: {  	s3 =	simm.s32 $0x5;
	[tilespmem:s18+$0xFFFFFF40] =	vst v5;
	v5 =	vld [tilespmem:s18+$0xFFFFFFE0];
	v13 =	vmul.f32 v13, v7  }
0x12d: {  	v7 =	vmul.f32 v9, v7;
	v9 =	vld [tilespmem:s18+$0xFFFFFFF0];
	[tilespmem:s18+$0xFFFFFF80] =	vst v6;
	v6 =	vmov s3  }
0x12e: {  	v10 =	vmul.f32 v10, v8;
	[tilespmem:s18+$0xFFFFFF50] =	vst v13;
	v6 =	vand.u32 $0xFFFFFFFD, v6;
	v13 =	vld [tilespmem:s18+$0x10]  }
0x12f: {  	[tilespmem:s18+$0xFFFFFF70] =	vst v7;
	v7 =	vmul.f32 v14, v8;
	v14 =	vld [tilespmem:s18+$0x20];
	v6 =	vbroadcast v6, $0x0  }
0x130: {  	[tilespmem:s18+$0xFFFFFF90] =	vst v10;
	v10 =	vmul.f32 v15, v8;
	v3 =	vld.idx.msk [tilespmem:v3+s4+$0x0], $0xffff  }
0x131: {  	v15 =	vld [tilespmem:s18+$0x30];
	[tilespmem:s18+$0xFFFFFFA0] =	vst v7;
	v7 =	vmul.f32 v16, v8  }
0x132: {  	[tilespmem:s18+$0xFFFFFFB0] =	vst v10;
	v10 =	vmul.f32 v12, v8;
	v12 =	vld [tilespmem:s18+$0x40]  }
0x133: {  	v5 =	vmul.f32 v5, v8;
	v16 =	vld [tilespmem:s18+$0x180];
	[tilespmem:s18+$0xFFFFFFC0] =	vst v7  }
0x134: {  	v8 =	vmul.f32 v9, v8;
	[tilespmem:s18+$0xFFFFFFD0] =	vst v10;
	v10 =	vld [tilespmem:s18+$0x60]  }
0x135: {  	[tilespmem:s18+$0xFFFFFFE0] =	vst v5;
	v6 =	vld.idx.msk [tilespmem:v6+s4+$0x0], $0xffff;
	v7 =	vmul.f32 v11, v3  }
0x136: {  	[tilespmem:s18+$0xFFFFFFF0] =	vst v8;
	v11 =	vld [tilespmem:s18+$0x50];
	v8 =	vmul.f32 v14, v3  }
0x137: {  	v5 =	vmul.f32 v13, v3;
	v13 =	vld [tilespmem:s18+$0x90];
	[tilespmem:s18+$0x0] =	vst v7  }
0x138: {  	v9 =	vld [tilespmem:s18+$0x80];
	[tilespmem:s18+$0x20] =	vst v8;
	v8 =	vmul.f32 v12, v3  }
0x139: {  	v7 =	vld [tilespmem:s18+$0x70];
	[tilespmem:s18+$0x10] =	vst v5;
	v5 =	vmul.f32 v15, v3  }
0x13a: {  	v12 =	vld [tilespmem:s18+$0xA0];
	[tilespmem:s18+$0x40] =	vst v8;
	v8 =	vmul.f32 v10, v3  }
0x13b: {  	[tilespmem:s18+$0x30] =	vst v5;
	v10 =	vld [tilespmem:s18+$0xC0];
	v5 =	vmul.f32 v11, v3  }
0x13c: {  	v11 =	vld [tilespmem:s18+$0xB0];
	v13 =	vmul.f32 v13, v6;
	[tilespmem:s18+$0x60] =	vst v8  }
0x13d: {  	s10 =	simm.s32 $0x7;
	v8 =	vld [tilespmem:s18+$0xE0];
	[tilespmem:s18+$0x50] =	vst v5;
	v5 =	vmul.f32 v9, v6  }
0x13e: {  	v14 =	vmov s10;
	v9 =	vld [tilespmem:s18+$0xD0];
	v7 =	vmul.f32 v7, v3;
	[tilespmem:s18+$0x90] =	vst v13  }
0x13f: {  	v13 =	vld [tilespmem:s18+$0x150];
	[tilespmem:s18+$0x80] =	vst v5  }
0x140: {  	[tilespmem:s18+$0x70] =	vst v7;
	v5 =	vmul.f32 v12, v6;
	v7 =	vld [tilespmem:s18+$0xF0]  }
0x141: {  	v12 =	vld [tilespmem:s18+$0x100];
	v11 =	vmul.f32 v11, v6  }
0x142: {  	[tilespmem:s18+$0xA0] =	vst v5;
	v5 =	vmul.f32 v10, v6;
	v10 =	vld [tilespmem:s18+$0x110]  }
0x143: {  	v3 =	vld.idx.msk [tilespmem:v14+s4+$0x0], $0xffff;
	[tilespmem:s18+$0xB0] =	vst v11;
	v9 =	vmul.f32 v9, v6  }
0x144: {  	v11 =	vld [tilespmem:s18+$0x120];
	v13 =	vmul.f32 v13, v4;
	[tilespmem:s18+$0xC0] =	vst v5  }
0x145: {  	s10 =	simm.s32 $0xA;
	v5 =	vmul.f32 v8, v6;
	v8 =	vld [tilespmem:s18+$0x130];
	[tilespmem:s18+$0xD0] =	vst v9;
	v6 =	vmul.f32 v7, v6  }
0x146: {  	v15 =	vmov s10;
	s10 =	simm.s32 $0xC;
	v7 =	vld [tilespmem:s18+$0x140];
	[tilespmem:s18+$0x150] =	vst v13  }
0x147: {  	s14 =	simm.s32 $0x8;
	s3 =	simm.s32 $0x9;
	v17 =	vmov s10;
	v12 =	vmul.f32 v12, v4;
	[tilespmem:s18+$0xF0] =	vst v6;
	v6 =	vmul.f32 v10, v4;
	v10 =	vld [tilespmem:s18+$0x160]  }
0x148: {  	s17 =	simm.s32 $0xF;
	v14 =	vmov s3;
	v16 =	vmul.f32 v16, v3;
	v9 =	vmov s14;
	[tilespmem:s18+$0xE0] =	vst v5  }
0x149: {  	v19 =	vld [tilespmem:s18+$0x190];
	s3 =	simm.s32 $0xB;
	v9 =	vand.u32 $0xFFFFFFF8, v9;
	v5 =	vmov s17;
	[tilespmem:s18+$0x100] =	vst v12;
	v11 =	vmul.f32 v11, v4  }
0x14a: {  	v12 =	vmov s3;
	[tilespmem:s18+$0x110] =	vst v6;
	v18 =	vmul.f32 v8, v4;
	v6 =	vbroadcast v9, $0x0;
	v8 =	vld [tilespmem:s18+$0x1A0]  }
0x14b: {  	v9 =	vld [tilespmem:s18+$0x1B0];
	[tilespmem:s18+$0x120] =	vst v11;
	v11 =	vmul.f32 v7, v4;
	v7 =	vand.u32 $0xFFFFFFF9, v14;
	v14 =	vand.u32 $0xFFFFFFFA, v15  }
0x14c: {  	s17 =	simm.s32 $0xD;
	v15 =	vand.u32 $0xFFFFFFFB, v12;
	[tilespmem:s18+$0x130] =	vst v18;
	v7 =	vbroadcast v7, $0x0;
	v18 =	vmul.f32 v10, v4;
	v10 =	vld [tilespmem:s18+$0x1C0]  }
0x14d: {  	v20 =	vmov s17;
	v12 =	vbroadcast v14, $0x0;
	v14 =	vbroadcast v15, $0x0;
	[tilespmem:s18+$0x140] =	vst v11;
	v11 =	vld [tilespmem:s18+$0x1D0]  }
0x14e: {  	s13 =	simm.s32 $0x10;
	s14 =	simm.s32 $0xE;
	v13 =	vld [tilespmem:s18+$0x1E0];
	s17 =	sshll.u32 s16, $0x1;
	v15 =	vmul.f32 v19, v3;
	v4 =	vand.u32 $0xFFFFFFFC, v17;
	v17 =	vand.u32 $0xFFFFFFFD, v20;
	[tilespmem:s18+$0x160] =	vst v18  }
.LBB2_7:
0x14f: {  	p0 =	slt.u32 s13, $0x38;
	v4 =	vbroadcast v4, $0x0;
	v18 =	vmov s14;
	[tilespmem:s18+$0x180] =	vst v16;
	v8 =	vmul.f32 v8, v3;
	v16 =	vld [tilespmem:s18+$0x1F0]  }
0x150: {  	v17 =	vbroadcast v17, $0x0;
	v18 =	vand.u32 $0xFFFFFFFE, v18;
	v19 =	vld.idx.msk [tilespmem:v5+s4+$0x0], $0xffff;
	[tilespmem:s18+$0x190] =	vst v15;
	v5 =	vmul.f32 v9, v3  }
0x151: {  	v9 =	vld.idx.msk [tilespmem:v6+s4+$0x0], $0xffff;
	v15 =	vbroadcast v18, $0x0;
	[tilespmem:s18+$0x1A0] =	vst v8;
	v6 =	vmul.f32 v10, v3  }
0x152: {  	v8 =	vld.idx.msk [tilespmem:v7+s4+$0x0], $0xffff;
	[tilespmem:s18+$0x1B0] =	vst v5;
	v5 =	vmul.f32 v11, v3  }
0x153: {  	v10 =	vld.idx.msk [tilespmem:v12+s4+$0x0], $0xffff;
	[tilespmem:s18+$0x1C0] =	vst v6;
	v11 =	vmul.f32 v13, v3  }
0x154: {  	v7 =	vld.idx.msk [tilespmem:v14+s4+$0x0], $0xffff;
	[tilespmem:s18+$0x1D0] =	vst v5;
	v12 =	vmul.f32 v16, v3  }
0x155: {  	v6 =	vld.idx.msk [tilespmem:v4+s4+$0x0], $0xffff;
	[tilespmem:s18+$0x1E0] =	vst v11  }
0x156: {  	v3 =	vmov v19;
	v5 =	vld.idx.msk [tilespmem:v17+s4+$0x0], $0xffff;
	[tilespmem:s18+$0x1F0] =	vst v12  }
0x157: {  	s18 =	sadd.s32 $0x400, s18;
	v4 =	vld.idx.msk [tilespmem:v15+s4+$0x0], $0xffff  }
0x158: {  	v11 =	vld [tilespmem:s18+$0x170]  }
0x159: {  	v12 =	vld [tilespmem:s18+$0xFFFFFE00]  }
0x15a: {  	v13 =	vld [tilespmem:s18+$0xFFFFFE10]  }
0x15b: {  	v14 =	vld [tilespmem:s18+$0xFFFFFE20]  }
0x15c: {  	v15 =	vld [tilespmem:s18+$0xFFFFFE30]  }
0x15d: {  	v16 =	vld [tilespmem:s18+$0xFFFFFE40];
	v11 =	vmul.f32 v11, v4  }
0x15e: {  	v12 =	vmul.f32 v12, v9;
	v17 =	vld [tilespmem:s18+$0xFFFFFE50]  }
0x15f: {  	v13 =	vmul.f32 v13, v9;
	v18 =	vld [tilespmem:s18+$0xFFFFFE60];
	[tilespmem:s18+$0x170] =	vst v11  }
0x160: {  	[tilespmem:s18+$0xFFFFFE00] =	vst v12;
	v11 =	vmul.f32 v14, v9;
	v12 =	vld [tilespmem:s18+$0xFFFFFE70]  }
0x161: {  	[tilespmem:s18+$0xFFFFFE10] =	vst v13;
	v13 =	vmul.f32 v15, v9;
	v14 =	vld [tilespmem:s18+$0xFFFFFE80]  }
0x162: {  	[tilespmem:s18+$0xFFFFFE20] =	vst v11;
	v11 =	vmul.f32 v16, v9;
	v15 =	vld [tilespmem:s18+$0xFFFFFE90]  }
0x163: {  	[tilespmem:s18+$0xFFFFFE30] =	vst v13;
	v13 =	vmul.f32 v17, v9;
	v16 =	vld [tilespmem:s18+$0xFFFFFEA0]  }
0x164: {  	[tilespmem:s18+$0xFFFFFE40] =	vst v11;
	v11 =	vmul.f32 v18, v9;
	v17 =	vld [tilespmem:s18+$0xFFFFFEB0]  }
0x165: {  	[tilespmem:s18+$0xFFFFFE50] =	vst v13;
	v9 =	vmul.f32 v12, v9;
	v12 =	vld [tilespmem:s18+$0xFFFFFEC0]  }
0x166: {  	[tilespmem:s18+$0xFFFFFE60] =	vst v11;
	v11 =	vmul.f32 v14, v8;
	v13 =	vld [tilespmem:s18+$0xFFFFFED0]  }
0x167: {  	[tilespmem:s18+$0xFFFFFE70] =	vst v9;
	v9 =	vmul.f32 v15, v8;
	v14 =	vld [tilespmem:s18+$0xFFFFFEE0]  }
0x168: {  	[tilespmem:s18+$0xFFFFFE80] =	vst v11;
	v11 =	vmul.f32 v16, v8;
	v15 =	vld [tilespmem:s18+$0xFFFFFEF0]  }
0x169: {  	[tilespmem:s18+$0xFFFFFE90] =	vst v9;
	v9 =	vmul.f32 v17, v8;
	v16 =	vld [tilespmem:s18+$0xFFFFFF00]  }
0x16a: {  	[tilespmem:s18+$0xFFFFFEA0] =	vst v11;
	v11 =	vmul.f32 v12, v8;
	v12 =	vld [tilespmem:s18+$0xFFFFFF10]  }
0x16b: {  	[tilespmem:s18+$0xFFFFFEB0] =	vst v9;
	v9 =	vmul.f32 v13, v8;
	v13 =	vld [tilespmem:s18+$0xFFFFFF20]  }
0x16c: {  	[tilespmem:s18+$0xFFFFFEC0] =	vst v11;
	v11 =	vmul.f32 v14, v8;
	v14 =	vld [tilespmem:s18+$0xFFFFFF30]  }
0x16d: {  	[tilespmem:s18+$0xFFFFFED0] =	vst v9;
	v8 =	vmul.f32 v15, v8;
	v9 =	vld [tilespmem:s18+$0xFFFFFF40]  }
0x16e: {  	[tilespmem:s18+$0xFFFFFEE0] =	vst v11;
	v11 =	vmul.f32 v16, v10;
	v15 =	vld [tilespmem:s18+$0xFFFFFF50]  }
0x16f: {  	[tilespmem:s18+$0xFFFFFEF0] =	vst v8;
	v8 =	vmul.f32 v12, v10;
	v12 =	vld [tilespmem:s18+$0xFFFFFF60]  }
0x170: {  	[tilespmem:s18+$0xFFFFFF00] =	vst v11;
	v11 =	vmul.f32 v13, v10;
	v13 =	vld [tilespmem:s18+$0xFFFFFF70]  }
0x171: {  	[tilespmem:s18+$0xFFFFFF10] =	vst v8;
	v8 =	vmul.f32 v14, v10;
	v14 =	vld [tilespmem:s18+$0xFFFFFF80]  }
0x172: {  	[tilespmem:s18+$0xFFFFFF20] =	vst v11;
	v9 =	vmul.f32 v9, v10;
	v11 =	vld [tilespmem:s18+$0xFFFFFF90]  }
0x173: {  	[tilespmem:s18+$0xFFFFFF30] =	vst v8;
	v8 =	vmul.f32 v15, v10;
	v15 =	vld [tilespmem:s18+$0xFFFFFFA0]  }
0x174: {  	[tilespmem:s18+$0xFFFFFF40] =	vst v9;
	v9 =	vmul.f32 v12, v10;
	v12 =	vld [tilespmem:s18+$0xFFFFFFB0]  }
0x175: {  	[tilespmem:s18+$0xFFFFFF50] =	vst v8;
	v8 =	vmul.f32 v13, v10;
	v10 =	vld [tilespmem:s18+$0xFFFFFFC0]  }
0x176: {  	[tilespmem:s18+$0xFFFFFF60] =	vst v9;
	v9 =	vmul.f32 v14, v7;
	v13 =	vld [tilespmem:s18+$0xFFFFFFD0]  }
0x177: {  	[tilespmem:s18+$0xFFFFFF70] =	vst v8;
	v8 =	vmul.f32 v11, v7;
	v11 =	vld [tilespmem:s18+$0xFFFFFFE0]  }
0x178: {  	[tilespmem:s18+$0xFFFFFF80] =	vst v9;
	v9 =	vmul.f32 v15, v7;
	v14 =	vld [tilespmem:s18+$0xFFFFFFF0]  }
0x179: {  	[tilespmem:s18+$0xFFFFFF90] =	vst v8;
	v8 =	vmul.f32 v12, v7;
	v12 =	vld [tilespmem:s18+$0x0]  }
0x17a: {  	[tilespmem:s18+$0xFFFFFFA0] =	vst v9;
	v9 =	vmul.f32 v10, v7;
	v10 =	vld [tilespmem:s18+$0x10]  }
0x17b: {  	[tilespmem:s18+$0xFFFFFFB0] =	vst v8;
	v8 =	vmul.f32 v13, v7;
	v13 =	vld [tilespmem:s18+$0x20]  }
0x17c: {  	[tilespmem:s18+$0xFFFFFFC0] =	vst v9;
	v9 =	vmul.f32 v11, v7;
	v11 =	vld [tilespmem:s18+$0x30]  }
0x17d: {  	[tilespmem:s18+$0xFFFFFFD0] =	vst v8;
	v7 =	vmul.f32 v14, v7;
	v8 =	vld [tilespmem:s18+$0x40]  }
0x17e: {  	[tilespmem:s18+$0xFFFFFFE0] =	vst v9;
	v9 =	vmul.f32 v12, v6;
	v12 =	vld [tilespmem:s18+$0x50]  }
0x17f: {  	[tilespmem:s18+$0xFFFFFFF0] =	vst v7;
	v7 =	vmul.f32 v10, v6;
	v10 =	vld [tilespmem:s18+$0x60]  }
0x180: {  	[tilespmem:s18+$0x0] =	vst v9;
	v9 =	vmul.f32 v13, v6;
	v13 =	vld [tilespmem:s18+$0x70]  }
0x181: {  	[tilespmem:s18+$0x10] =	vst v7;
	v7 =	vmul.f32 v11, v6;
	v11 =	vld [tilespmem:s18+$0x80]  }
0x182: {  	[tilespmem:s18+$0x20] =	vst v9;
	v8 =	vmul.f32 v8, v6;
	v9 =	vld [tilespmem:s18+$0x90]  }
0x183: {  	[tilespmem:s18+$0x30] =	vst v7;
	v7 =	vmul.f32 v12, v6;
	v12 =	vld [tilespmem:s18+$0xA0]  }
0x184: {  	[tilespmem:s18+$0x40] =	vst v8;
	v8 =	vmul.f32 v10, v6;
	v10 =	vld [tilespmem:s18+$0xB0]  }
0x185: {  	[tilespmem:s18+$0x50] =	vst v7;
	v6 =	vmul.f32 v13, v6;
	v7 =	vld [tilespmem:s18+$0xC0]  }
0x186: {  	[tilespmem:s18+$0x60] =	vst v8;
	v8 =	vmul.f32 v11, v5;
	v11 =	vld [tilespmem:s18+$0xD0]  }
0x187: {  	[tilespmem:s18+$0x70] =	vst v6;
	v6 =	vmul.f32 v9, v5;
	v9 =	vld [tilespmem:s18+$0xE0]  }
0x188: {  	[tilespmem:s18+$0x80] =	vst v8;
	v8 =	vmul.f32 v12, v5;
	v12 =	vld [tilespmem:s18+$0xF0]  }
0x189: {  	[tilespmem:s18+$0x90] =	vst v6;
	v6 =	vmul.f32 v10, v5;
	v10 =	vld [tilespmem:s18+$0x100]  }
0x18a: {  	[tilespmem:s18+$0xA0] =	vst v8;
	v7 =	vmul.f32 v7, v5;
	v8 =	vld [tilespmem:s18+$0x110]  }
0x18b: {  	[tilespmem:s18+$0xB0] =	vst v6;
	v6 =	vmul.f32 v11, v5;
	v11 =	vld [tilespmem:s18+$0x120]  }
0x18c: {  	[tilespmem:s18+$0xC0] =	vst v7;
	v7 =	vmul.f32 v9, v5;
	v9 =	vld [tilespmem:s18+$0x130]  }
0x18d: {  	[tilespmem:s18+$0xD0] =	vst v6;
	v6 =	vmul.f32 v12, v5;
	v12 =	vld [tilespmem:s18+$0x140]  }
0x18e: {  	s14 =	sadd.s32 $0x7, s13;
	v5 =	vmov s13;
	[tilespmem:s18+$0xE0] =	vst v7;
	v7 =	vmul.f32 v10, v4;
	v10 =	vld [tilespmem:s18+$0x150]  }
0x18f: {  	s3 =	sadd.s32 $0x1, s13;
	s10 =	sadd.s32 $0x2, s13;
	v13 =	vand.u32 $0xFFFFFFF8, v5;
	v5 =	vmov s14;
	[tilespmem:s18+$0xF0] =	vst v6;
	v6 =	vmul.f32 v8, v4;
	v14 =	vld [tilespmem:s18+$0x160]  }
0x190: {  	v16 =	vmov s10;
	s10 =	sadd.s32 $0x4, s13;
	v15 =	vmov s3;
	s3 =	sadd.s32 $0x3, s13;
	[tilespmem:s18+$0x100] =	vst v7;
	v7 =	vmul.f32 v11, v4;
	v11 =	vld [tilespmem:s18+$0x180]  }
0x191: {  	v18 =	vmov s10;
	v17 =	vmov s3;
	s3 =	sadd.s32 $0x5, s13;
	[tilespmem:s18+$0x110] =	vst v6;
	v9 =	vmul.f32 v9, v4;
	v19 =	vld [tilespmem:s18+$0x190]  }
.Ltmp2:
0x192: {  	v6 =	vbroadcast v13, $0x0;
	v13 =	vmov s3;
	[tilespmem:s18+$0x120] =	vst v7;
	v12 =	vmul.f32 v12, v4;
	v8 =	vld [tilespmem:s18+$0x1A0];
	(pc) =	sbr.rel @p0 .LBB2_7-.Ltmp2, $4  }
0x193: {  	v7 =	vand.u32 $0xFFFFFFF9, v15;
	v15 =	vand.u32 $0xFFFFFFFA, v16;
	[tilespmem:s18+$0x130] =	vst v9;
	v16 =	vmul.f32 v10, v4;
	v9 =	vld [tilespmem:s18+$0x1B0]  }
0x194: {  	v17 =	vand.u32 $0xFFFFFFFB, v17;
	v7 =	vbroadcast v7, $0x0;
	[tilespmem:s18+$0x140] =	vst v12;
	v20 =	vmul.f32 v14, v4;
	v10 =	vld [tilespmem:s18+$0x1C0]  }
0x195: {  	v12 =	vbroadcast v15, $0x0;
	v4 =	vand.u32 $0xFFFFFFFC, v18;
	[tilespmem:s18+$0x150] =	vst v16;
	v16 =	vmul.f32 v11, v3;
	v11 =	vld [tilespmem:s18+$0x1D0]  }
0x196: {  	s14 =	sadd.s32 $0x6, s13;
	s13 =	sadd.s32 $0x8, s13;
	v14 =	vbroadcast v17, $0x0;
	v17 =	vand.u32 $0xFFFFFFFD, v13;
	[tilespmem:s18+$0x160] =	vst v20;
	v15 =	vmul.f32 v19, v3;
	v13 =	vld [tilespmem:s18+$0x1E0]  }
0x197: {  	_ =	sdelay $0x2  }
0x198: {  	v18 =	vld [tilespmem:s18+$0x1F0]  }
0x199: {  	v20 =	vld.idx.msk [tilespmem:v6+s4+$0x0], $0xffff  }
0x19a: {  	[tilespmem:s18+$0x180] =	vst v16;
	v16 =	vbroadcast v4, $0x0;
	v4 =	vmov s14;
	v12 =	vld.idx.msk [tilespmem:v12+s4+$0x0], $0xffff  }
0x19b: {  	v19 =	vand.u32 $0xFFFFFFFE, v4;
	v4 =	vld.idx.msk [tilespmem:v5+s4+$0x0], $0xffff  }
0x19c: {  	s13 =	sadd.s32 $0x400, s18;
	v14 =	vld.idx.msk [tilespmem:v14+s4+$0x0], $0xffff  }
0x19d: {  	v17 =	vbroadcast v17, $0x0;
	v8 =	vmul.f32 v8, v3;
	[tilespmem:s18+$0x190] =	vst v15;
	v15 =	vld [tilespmem:s13+$0x170]  }
0x19e: {  	v9 =	vmul.f32 v9, v3;
	v5 =	vbroadcast v19, $0x0;
	v19 =	vld.idx.msk [tilespmem:v7+s4+$0x0], $0xffff  }
0x19f: {  	[tilespmem:s18+$0x1A0] =	vst v8;
	v8 =	vmul.f32 v10, v3;
	v10 =	vld [tilespmem:s13+$0xFFFFFE00]  }
0x1a0: {  	[tilespmem:s18+$0x1B0] =	vst v9;
	v9 =	vmul.f32 v11, v3;
	v11 =	vld [tilespmem:s13+$0xFFFFFE10]  }
0x1a1: {  	[tilespmem:s18+$0x1C0] =	vst v8;
	v8 =	vmul.f32 v13, v3;
	v13 =	vld [tilespmem:s13+$0xFFFFFE20]  }
0x1a2: {  	[tilespmem:s18+$0x1D0] =	vst v9;
	v9 =	vld [tilespmem:s13+$0xFFFFFE30]  }
0x1a3: {  	v7 =	vld.idx.msk [tilespmem:v16+s4+$0x0], $0xffff  }
0x1a4: {  	v3 =	vmul.f32 v18, v3;
	v6 =	vld.idx.msk [tilespmem:v17+s4+$0x0], $0xffff  }
0x1a5: {  	[tilespmem:s18+$0x1E0] =	vst v8;
	v8 =	vld [tilespmem:s13+$0xFFFFFE40]  }
0x1a6: {  	[tilespmem:s18+$0x1F0] =	vst v3;
	v3 =	vmul.f32 v10, v20;
	v5 =	vld.idx.msk [tilespmem:v5+s4+$0x0], $0xffff  }
0x1a7: {  	v10 =	vld [tilespmem:s13+$0xFFFFFE50];
	v11 =	vmul.f32 v11, v20  }
0x1a8: {  	v16 =	vld [tilespmem:s13+$0xFFFFFE60];
	[tilespmem:s13+$0xFFFFFE00] =	vst v3;
	v3 =	vmul.f32 v13, v20  }
0x1a9: {  	v13 =	vld [tilespmem:s13+$0xFFFFFE70];
	[tilespmem:s13+$0xFFFFFE10] =	vst v11;
	v9 =	vmul.f32 v9, v20  }
0x1aa: {  	v11 =	vld [tilespmem:s13+$0xFFFFFE80];
	[tilespmem:s13+$0xFFFFFE20] =	vst v3;
	v3 =	vmul.f32 v8, v20  }
0x1ab: {  	v8 =	vld [tilespmem:s13+$0xFFFFFE90];
	[tilespmem:s13+$0xFFFFFE30] =	vst v9;
	v15 =	vmul.f32 v15, v5  }
0x1ac: {  	v9 =	vmul.f32 v10, v20;
	v10 =	vld [tilespmem:s13+$0xFFFFFEA0];
	[tilespmem:s13+$0xFFFFFE40] =	vst v3  }
0x1ad: {  	v3 =	vmul.f32 v16, v20;
	[tilespmem:s13+$0x170] =	vst v15;
	v15 =	vld [tilespmem:s13+$0xFFFFFEB0]  }
0x1ae: {  	[tilespmem:s13+$0xFFFFFE50] =	vst v9;
	v9 =	vmul.f32 v13, v20;
	v13 =	vld [tilespmem:s13+$0xFFFFFEC0]  }
0x1af: {  	[tilespmem:s13+$0xFFFFFE60] =	vst v3;
	v3 =	vmul.f32 v11, v19;
	v11 =	vld [tilespmem:s13+$0xFFFFFED0]  }
0x1b0: {  	[tilespmem:s13+$0xFFFFFE70] =	vst v9;
	v8 =	vmul.f32 v8, v19;
	v9 =	vld [tilespmem:s13+$0xFFFFFEE0]  }
0x1b1: {  	[tilespmem:s13+$0xFFFFFE80] =	vst v3;
	v3 =	vmul.f32 v10, v19;
	v10 =	vld [tilespmem:s13+$0xFFFFFEF0]  }
0x1b2: {  	[tilespmem:s13+$0xFFFFFE90] =	vst v8;
	v8 =	vmul.f32 v15, v19;
	v15 =	vld [tilespmem:s13+$0xFFFFFF00]  }
0x1b3: {  	[tilespmem:s13+$0xFFFFFEA0] =	vst v3;
	v3 =	vmul.f32 v13, v19;
	v13 =	vld [tilespmem:s13+$0xFFFFFF10]  }
0x1b4: {  	[tilespmem:s13+$0xFFFFFEB0] =	vst v8;
	v8 =	vmul.f32 v11, v19;
	v11 =	vld [tilespmem:s13+$0xFFFFFF20]  }
0x1b5: {  	[tilespmem:s13+$0xFFFFFEC0] =	vst v3;
	v3 =	vmul.f32 v9, v19;
	v9 =	vld [tilespmem:s13+$0xFFFFFF30]  }
0x1b6: {  	[tilespmem:s13+$0xFFFFFED0] =	vst v8;
	v8 =	vmul.f32 v10, v19;
	v10 =	vld [tilespmem:s13+$0xFFFFFF40]  }
0x1b7: {  	[tilespmem:s13+$0xFFFFFEE0] =	vst v3;
	v3 =	vmul.f32 v15, v12;
	v15 =	vld [tilespmem:s13+$0xFFFFFF50]  }
0x1b8: {  	[tilespmem:s13+$0xFFFFFEF0] =	vst v8;
	v8 =	vmul.f32 v13, v12;
	v13 =	vld [tilespmem:s13+$0xFFFFFF60]  }
0x1b9: {  	[tilespmem:s13+$0xFFFFFF00] =	vst v3;
	v3 =	vmul.f32 v11, v12;
	v11 =	vld [tilespmem:s13+$0xFFFFFF70]  }
0x1ba: {  	[tilespmem:s13+$0xFFFFFF10] =	vst v8;
	v8 =	vmul.f32 v9, v12;
	v9 =	vld [tilespmem:s13+$0xFFFFFF80]  }
0x1bb: {  	[tilespmem:s13+$0xFFFFFF20] =	vst v3;
	v3 =	vmul.f32 v10, v12;
	v10 =	vld [tilespmem:s13+$0xFFFFFF90]  }
0x1bc: {  	[tilespmem:s13+$0xFFFFFF30] =	vst v8;
	v8 =	vmul.f32 v15, v12;
	v15 =	vld [tilespmem:s13+$0xFFFFFFA0]  }
0x1bd: {  	[tilespmem:s13+$0xFFFFFF40] =	vst v3;
	v3 =	vmul.f32 v13, v12;
	v13 =	vld [tilespmem:s13+$0xFFFFFFB0]  }
0x1be: {  	[tilespmem:s13+$0xFFFFFF50] =	vst v8;
	v8 =	vmul.f32 v11, v12;
	v11 =	vld [tilespmem:s13+$0xFFFFFFC0]  }
0x1bf: {  	[tilespmem:s13+$0xFFFFFF60] =	vst v3;
	v3 =	vmul.f32 v9, v14;
	v9 =	vld [tilespmem:s13+$0xFFFFFFD0]  }
0x1c0: {  	[tilespmem:s13+$0xFFFFFF70] =	vst v8;
	v8 =	vmul.f32 v10, v14;
	v10 =	vld [tilespmem:s13+$0xFFFFFFE0]  }
0x1c1: {  	v12 =	vld [tilespmem:s13+$0xFFFFFFF0];
	[tilespmem:s13+$0xFFFFFF80] =	vst v3;
	v3 =	vmul.f32 v15, v14  }
0x1c2: {  	[tilespmem:s13+$0xFFFFFF90] =	vst v8;
	v8 =	vmul.f32 v13, v14;
	v13 =	vld [tilespmem:s13+$0x0]  }
0x1c3: {  	[tilespmem:s13+$0xFFFFFFA0] =	vst v3;
	v3 =	vmul.f32 v11, v14;
	v11 =	vld [tilespmem:s13+$0x10]  }
0x1c4: {  	[tilespmem:s13+$0xFFFFFFB0] =	vst v8;
	v8 =	vmul.f32 v9, v14;
	v9 =	vld [tilespmem:s13+$0x20]  }
0x1c5: {  	[tilespmem:s13+$0xFFFFFFC0] =	vst v3;
	v3 =	vmul.f32 v10, v14;
	v10 =	vld [tilespmem:s13+$0x30]  }
0x1c6: {  	[tilespmem:s13+$0xFFFFFFD0] =	vst v8;
	v8 =	vmul.f32 v12, v14;
	v12 =	vld [tilespmem:s13+$0x40]  }
0x1c7: {  	[tilespmem:s13+$0xFFFFFFE0] =	vst v3;
	v3 =	vmul.f32 v13, v7;
	v13 =	vld [tilespmem:s13+$0x50]  }
0x1c8: {  	[tilespmem:s13+$0xFFFFFFF0] =	vst v8;
	v8 =	vmul.f32 v11, v7;
	v11 =	vld [tilespmem:s13+$0x60]  }
0x1c9: {  	[tilespmem:s13+$0x0] =	vst v3;
	v3 =	vmul.f32 v9, v7;
	v9 =	vld [tilespmem:s13+$0x70]  }
0x1ca: {  	[tilespmem:s13+$0x10] =	vst v8;
	v8 =	vmul.f32 v10, v7;
	v10 =	vld [tilespmem:s13+$0x80]  }
0x1cb: {  	[tilespmem:s13+$0x20] =	vst v3;
	v3 =	vmul.f32 v12, v7;
	v12 =	vld [tilespmem:s13+$0x90]  }
0x1cc: {  	[tilespmem:s13+$0x30] =	vst v8;
	v8 =	vmul.f32 v13, v7;
	v13 =	vld [tilespmem:s13+$0xA0]  }
0x1cd: {  	[tilespmem:s13+$0x40] =	vst v3;
	v3 =	vmul.f32 v11, v7;
	v11 =	vld [tilespmem:s13+$0xB0]  }
0x1ce: {  	[tilespmem:s13+$0x50] =	vst v8;
	v7 =	vmul.f32 v9, v7;
	v8 =	vld [tilespmem:s13+$0xC0]  }
0x1cf: {  	v9 =	vld [tilespmem:s13+$0xD0];
	[tilespmem:s13+$0x60] =	vst v3;
	v3 =	vmul.f32 v10, v6  }
0x1d0: {  	v10 =	vld [tilespmem:s13+$0xE0];
	[tilespmem:s13+$0x70] =	vst v7;
	v7 =	vmul.f32 v12, v6  }
0x1d1: {  	v12 =	vld [tilespmem:s13+$0xF0];
	[tilespmem:s13+$0x80] =	vst v3;
	v3 =	vmul.f32 v13, v6  }
0x1d2: {  	[tilespmem:s13+$0x90] =	vst v7;
	v7 =	vmul.f32 v11, v6;
	v11 =	vld [tilespmem:s13+$0x100]  }
0x1d3: {  	[tilespmem:s13+$0xA0] =	vst v3;
	v3 =	vmul.f32 v8, v6;
	v8 =	vld [tilespmem:s13+$0x110]  }
0x1d4: {  	[tilespmem:s13+$0xB0] =	vst v7;
	v7 =	vmul.f32 v9, v6;
	v9 =	vld [tilespmem:s13+$0x120]  }
0x1d5: {  	[tilespmem:s13+$0xC0] =	vst v3;
	v3 =	vmul.f32 v10, v6;
	v10 =	vld [tilespmem:s13+$0x130]  }
0x1d6: {  	v6 =	vmul.f32 v12, v6;
	[tilespmem:s13+$0xD0] =	vst v7;
	v7 =	vld [tilespmem:s13+$0x140]  }
0x1d7: {  	[tilespmem:s13+$0xE0] =	vst v3;
	v3 =	vmul.f32 v11, v5;
	v11 =	vld [tilespmem:s13+$0x150]  }
0x1d8: {  	[tilespmem:s13+$0xF0] =	vst v6;
	v6 =	vmul.f32 v8, v5;
	v8 =	vld [tilespmem:s13+$0x160]  }
0x1d9: {  	[tilespmem:s13+$0x100] =	vst v3;
	v3 =	vmul.f32 v9, v5;
	v9 =	vld [tilespmem:s13+$0x180]  }
0x1da: {  	[tilespmem:s13+$0x110] =	vst v6;
	v6 =	vmul.f32 v10, v5;
	v10 =	vld [tilespmem:s13+$0x190]  }
0x1db: {  	[tilespmem:s13+$0x120] =	vst v3;
	v3 =	vmul.f32 v7, v5;
	v7 =	vld [tilespmem:s13+$0x1A0]  }
0x1dc: {  	[tilespmem:s13+$0x130] =	vst v6;
	v6 =	vmul.f32 v11, v5;
	v11 =	vld [tilespmem:s13+$0x1B0]  }
0x1dd: {  	[tilespmem:s13+$0x140] =	vst v3;
	v3 =	vmul.f32 v8, v5;
	v5 =	vld [tilespmem:s13+$0x1C0]  }
0x1de: {  	v8 =	vld [tilespmem:s13+$0x1D0];
	[tilespmem:s13+$0x150] =	vst v6;
	v6 =	vmul.f32 v9, v4  }
0x1df: {  	v9 =	vld [tilespmem:s13+$0x1E0];
	[tilespmem:s13+$0x160] =	vst v3;
	v3 =	vmul.f32 v10, v4  }
0x1e0: {  	[tilespmem:s13+$0x180] =	vst v6;
	v6 =	vmul.f32 v7, v4;
	v7 =	vld [tilespmem:s13+$0x1F0]  }
0x1e1: {  	[tilespmem:s13+$0x190] =	vst v3;
	v3 =	vmul.f32 v11, v4  }
0x1e2: {  	[tilespmem:s13+$0x1A0] =	vst v6;
	v5 =	vmul.f32 v5, v4  }
0x1e3: {  	[tilespmem:s13+$0x1B0] =	vst v3;
	v3 =	vmul.f32 v8, v4  }
0x1e4: {  	[tilespmem:s13+$0x1C0] =	vst v5;
	v5 =	vmul.f32 v9, v4  }
0x1e5: {  	[tilespmem:s13+$0x1D0] =	vst v3;
	v3 =	vmul.f32 v7, v4  }
0x1e6: {  	[tilespmem:s13+$0x1E0] =	vst v5  }
0x1e7: {  	s3 =	simm.s32 $0x7980;
	[tilespmem:s13+$0x1F0] =	vst v3  }
0x1e8: {  	[spmem:s2] =	stream.indirect.scatter.add.f32 [tilespmem:s23], [sflag:$0x5], $0x80, s3, s28, $0xb8;
	[tilespmem:$0x1FC00] =	vst v63  }
0x1e9: {  	s3 =	sadd.s32 $0x2, s17  }
0x1ea: {  	p0 =	sge.u32 s3, s12  }
0x1eb: {  	s3 =	sadd.s32 @!p0 s11, s3  }
0x1ec: {  	s18 =	simm.s32 $0x6;
	s3 =	sshll.u32 @!p0 s3, $0x3  }
0x1ed: {  	s13 =	simm.s32 @!p0 $0x0;
	s14 =	simm.s32 @!p0 $0x7680;
	s10 =	sadd.s32 @!p0 s7, s3  }
0x1ee: {  	[tilespmem:s14], [sflag:$0x1] =	stream.linear.gather @!p0 [hbm4b:s10+s13], $0x40, $0x38;
	[tilespmem:$0x1FC00] =	vst v63  }
0x1ef: {  	v4 =	vmov s18;
	s14 =	simm.s32 $0x0  }
0x1f0: {  	v4 =	vand.u32 $0xFFFFFFFE, v4;
	s10 =	simm.s32 @!p0 $0x7780;
	v3 =	vmov s14;
	s14 =	sadd.s32 @!p0 s8, s3  }
0x1f1: {  	v4 =	vbroadcast v4, $0x0;
	[tilespmem:s10], [sflag:$0x1] =	stream.linear.gather @!p0 [hbm4b:s14+s13], $0x40, $0x38;
	[tilespmem:$0x1FC00] =	vst v63  }
0x1f2: {  	s3 =	sadd.s32 @!p0 s9, s3;
	s10 =	simm.s32 @!p0 $0x7880  }
0x1f3: {  	[tilespmem:s10], [sflag:$0x1] =	stream.linear.gather @!p0 [hbm4b:s3+s13], $0x40, $0x38;
	[tilespmem:$0x1FC00] =	vst v63  }
0x1f4: {  	_ =	swait.ge [sflag:s5], $0x2000  }
0x1f5: {  	[sflag:s5] =	ssyncset.done $0x0  }
0x1f6: {  	[sflag:s5] =	ssyncadd.s32 $0xFFFFE000  }
0x1f7: {  	s18 =	simm.s32 $0x9C80;
	v4 =	vld.idx.msk [tilespmem:v4+s6+$0x0], $0xffff  }
0x1f8: {  	v3 =	vand.u32 $0xFFFFFFF8, v3;
	v6 =	vld [tilespmem:s18+$0x170]  }
0x1f9: {  	v3 =	vbroadcast v3, $0x0;
	v7 =	vld [tilespmem:s18+$0xFFFFFE00]  }
0x1fa: {  	s14 =	simm.s32 $0x1;
	v8 =	vld [tilespmem:s18+$0xFFFFFE10]  }
0x1fb: {  	v5 =	vmov s14;
	v9 =	vld [tilespmem:s18+$0xFFFFFE20]  }
0x1fc: {  	v5 =	vand.u32 $0xFFFFFFF9, v5;
	v10 =	vld [tilespmem:s18+$0xFFFFFE30]  }
0x1fd: {  	v5 =	vbroadcast v5, $0x0;
	v11 =	vld [tilespmem:s18+$0xFFFFFE40]  }
0x1fe: {  	v12 =	vld [tilespmem:s18+$0xFFFFFE50]  }
0x1ff: {  	v3 =	vld.idx.msk [tilespmem:v3+s6+$0x0], $0xffff  }
0x200: {  	v13 =	vld [tilespmem:s18+$0xFFFFFE60]  }
0x201: {  	v14 =	vld [tilespmem:s18+$0xFFFFFE70]  }
0x202: {  	v15 =	vld [tilespmem:s18+$0xFFFFFE80]  }
0x203: {  	v5 =	vld.idx.msk [tilespmem:v5+s6+$0x0], $0xffff;
	v6 =	vmul.f32 v6, v4  }
0x204: {  	v16 =	vld [tilespmem:s18+$0xFFFFFE90];
	v7 =	vmul.f32 v7, v3  }
0x205: {  	v17 =	vld [tilespmem:s18+$0xFFFFFEA0];
	v8 =	vmul.f32 v8, v3;
	[tilespmem:s18+$0x170] =	vst v6  }
0x206: {  	s10 =	simm.s32 $0x2;
	v18 =	vld [tilespmem:s18+$0xFFFFFEB0];
	v10 =	vmul.f32 v10, v3;
	[tilespmem:s18+$0xFFFFFE00] =	vst v7  }
0x207: {  	v11 =	vmul.f32 v11, v3;
	v6 =	vmul.f32 v9, v3;
	v9 =	vld [tilespmem:s18+$0xFFFFFEC0];
	v7 =	vmov s10;
	[tilespmem:s18+$0xFFFFFE10] =	vst v8  }
0x208: {  	v8 =	vmul.f32 v15, v5;
	v15 =	vld [tilespmem:s18+$0xFFFFFED0];
	[tilespmem:s18+$0xFFFFFE30] =	vst v10;
	v7 =	vand.u32 $0xFFFFFFFA, v7  }
0x209: {  	v10 =	vmul.f32 v12, v3;
	v12 =	vld [tilespmem:s18+$0xFFFFFEF0];
	[tilespmem:s18+$0xFFFFFE40] =	vst v11;
	v7 =	vbroadcast v7, $0x0  }
0x20a: {  	v11 =	vmul.f32 v13, v3;
	v13 =	vld [tilespmem:s18+$0xFFFFFF00];
	[tilespmem:s18+$0xFFFFFE20] =	vst v6  }
0x20b: {  	v3 =	vmul.f32 v14, v3;
	v14 =	vld [tilespmem:s18+$0xFFFFFF20];
	[tilespmem:s18+$0xFFFFFE80] =	vst v8  }
0x20c: {  	s13 =	simm.s32 $0x3;
	v6 =	vld [tilespmem:s18+$0xFFFFFEE0];
	[tilespmem:s18+$0xFFFFFE50] =	vst v10  }
0x20d: {  	v8 =	vmov s13;
	v10 =	vld [tilespmem:s18+$0xFFFFFF10];
	[tilespmem:s18+$0xFFFFFE60] =	vst v11;
	v11 =	vmul.f32 v16, v5  }
0x20e: {  	[tilespmem:s18+$0xFFFFFE70] =	vst v3;
	v3 =	vmul.f32 v17, v5;
	v16 =	vld [tilespmem:s18+$0xFFFFFF30];
	v8 =	vand.u32 $0xFFFFFFFB, v8  }
0x20f: {  	v8 =	vbroadcast v8, $0x0;
	[tilespmem:s18+$0xFFFFFE90] =	vst v11;
	v11 =	vmul.f32 v18, v5;
	v7 =	vld.idx.msk [tilespmem:v7+s6+$0x0], $0xffff  }
0x210: {  	v17 =	vld [tilespmem:s18+$0xFFFFFF40];
	[tilespmem:s18+$0xFFFFFEA0] =	vst v3;
	v9 =	vmul.f32 v9, v5  }
0x211: {  	v15 =	vmul.f32 v15, v5;
	[tilespmem:s18+$0xFFFFFEB0] =	vst v11;
	v11 =	vld [tilespmem:s18+$0xFFFFFF60]  }
0x212: {  	[tilespmem:s18+$0xFFFFFEC0] =	vst v9;
	v6 =	vmul.f32 v6, v5;
	v9 =	vld [tilespmem:s18+$0xFFFFFF70]  }
0x213: {  	v5 =	vmul.f32 v12, v5;
	v12 =	vld [tilespmem:s18+$0xFFFFFF80];
	[tilespmem:s18+$0xFFFFFED0] =	vst v15  }
0x214: {  	v15 =	vld [tilespmem:s18+$0xFFFFFFB0];
	[tilespmem:s18+$0xFFFFFEE0] =	vst v6;
	v3 =	vmul.f32 v13, v7  }
0x215: {  	[tilespmem:s18+$0xFFFFFEF0] =	vst v5;
	v8 =	vld.idx.msk [tilespmem:v8+s6+$0x0], $0xffff;
	v6 =	vmul.f32 v10, v7  }
0x216: {  	s14 =	simm.s32 $0x4;
	v13 =	vld [tilespmem:s18+$0xFFFFFF50];
	v5 =	vmul.f32 v14, v7;
	[tilespmem:s18+$0xFFFFFF00] =	vst v3  }
0x217: {  	v10 =	vld [tilespmem:s18+$0xFFFFFF90];
	v11 =	vmul.f32 v11, v7;
	v3 =	vmov s14;
	[tilespmem:s18+$0xFFFFFF10] =	vst v6  }
0x218: {  	v14 =	vld [tilespmem:s18+$0xFFFFFFA0];
	v6 =	vmul.f32 v16, v7;
	[tilespmem:s18+$0xFFFFFF20] =	vst v5;
	v3 =	vand.u32 $0xFFFFFFFC, v3  }
0x219: {  	v5 =	vmul.f32 v17, v7;
	v16 =	vld [tilespmem:s18+$0xFFFFFFC0];
	[tilespmem:s18+$0xFFFFFF60] =	vst v11;
	v3 =	vbroadcast v3, $0x0  }
0x21a: {  	v11 =	vld [tilespmem:s18+$0x0];
	[tilespmem:s18+$0xFFFFFF30] =	vst v6;
	v6 =	vmul.f32 v12, v8  }
0x21b: {  	s10 =	simm.s32 $0x5;
	v12 =	vld [tilespmem:s18+$0xFFFFFFD0];
	[tilespmem:s18+$0xFFFFFF40] =	vst v5;
	v13 =	vmul.f32 v13, v7  }
0x21c: {  	v5 =	vld [tilespmem:s18+$0xFFFFFFE0];
	v7 =	vmul.f32 v9, v7;
	[tilespmem:s18+$0xFFFFFF80] =	vst v6;
	v6 =	vmov s10  }
0x21d: {  	v9 =	vld [tilespmem:s18+$0xFFFFFFF0];
	v10 =	vmul.f32 v10, v8;
	[tilespmem:s18+$0xFFFFFF50] =	vst v13;
	v6 =	vand.u32 $0xFFFFFFFD, v6  }
0x21e: {  	[tilespmem:s18+$0xFFFFFF70] =	vst v7;
	v7 =	vmul.f32 v14, v8;
	v13 =	vld [tilespmem:s18+$0x10];
	v6 =	vbroadcast v6, $0x0  }
0x21f: {  	[tilespmem:s18+$0xFFFFFF90] =	vst v10;
	v10 =	vmul.f32 v15, v8;
	v3 =	vld.idx.msk [tilespmem:v3+s6+$0x0], $0xffff  }
0x220: {  	v14 =	vld [tilespmem:s18+$0x20];
	[tilespmem:s18+$0xFFFFFFA0] =	vst v7;
	v7 =	vmul.f32 v16, v8  }
0x221: {  	v15 =	vld [tilespmem:s18+$0x30];
	[tilespmem:s18+$0xFFFFFFB0] =	vst v10;
	v10 =	vmul.f32 v12, v8  }
0x222: {  	v12 =	vld [tilespmem:s18+$0x40];
	v5 =	vmul.f32 v5, v8;
	[tilespmem:s18+$0xFFFFFFC0] =	vst v7  }
0x223: {  	v8 =	vmul.f32 v9, v8;
	[tilespmem:s18+$0xFFFFFFD0] =	vst v10;
	v10 =	vld [tilespmem:s18+$0x60]  }
0x224: {  	[tilespmem:s18+$0xFFFFFFE0] =	vst v5;
	v6 =	vld.idx.msk [tilespmem:v6+s6+$0x0], $0xffff;
	v7 =	vmul.f32 v11, v3  }
0x225: {  	[tilespmem:s18+$0xFFFFFFF0] =	vst v8;
	v11 =	vld [tilespmem:s18+$0x50];
	v8 =	vmul.f32 v14, v3  }
0x226: {  	v5 =	vmul.f32 v13, v3;
	v13 =	vld [tilespmem:s18+$0x90];
	[tilespmem:s18+$0x0] =	vst v7  }
0x227: {  	v9 =	vld [tilespmem:s18+$0x80];
	[tilespmem:s18+$0x20] =	vst v8;
	v8 =	vmul.f32 v12, v3  }
0x228: {  	v7 =	vld [tilespmem:s18+$0x70];
	[tilespmem:s18+$0x10] =	vst v5;
	v5 =	vmul.f32 v15, v3  }
0x229: {  	v12 =	vld [tilespmem:s18+$0xA0];
	[tilespmem:s18+$0x40] =	vst v8;
	v8 =	vmul.f32 v10, v3  }
0x22a: {  	[tilespmem:s18+$0x30] =	vst v5;
	v10 =	vld [tilespmem:s18+$0xC0];
	v5 =	vmul.f32 v11, v3  }
0x22b: {  	v11 =	vld [tilespmem:s18+$0xB0];
	v13 =	vmul.f32 v13, v6;
	[tilespmem:s18+$0x60] =	vst v8  }
0x22c: {  	s13 =	simm.s32 $0x7;
	v8 =	vld [tilespmem:s18+$0xE0];
	[tilespmem:s18+$0x50] =	vst v5;
	v5 =	vmul.f32 v9, v6  }
0x22d: {  	v14 =	vmov s13;
	v9 =	vld [tilespmem:s18+$0xD0];
	v7 =	vmul.f32 v7, v3;
	[tilespmem:s18+$0x90] =	vst v13  }
0x22e: {  	v13 =	vld [tilespmem:s18+$0x150];
	[tilespmem:s18+$0x80] =	vst v5  }
0x22f: {  	[tilespmem:s18+$0x70] =	vst v7;
	v5 =	vmul.f32 v12, v6;
	v7 =	vld [tilespmem:s18+$0xF0]  }
0x230: {  	v12 =	vld [tilespmem:s18+$0x100];
	v11 =	vmul.f32 v11, v6  }
0x231: {  	[tilespmem:s18+$0xA0] =	vst v5;
	v5 =	vmul.f32 v10, v6;
	v10 =	vld [tilespmem:s18+$0x110]  }
0x232: {  	v3 =	vld.idx.msk [tilespmem:v14+s6+$0x0], $0xffff;
	[tilespmem:s18+$0xB0] =	vst v11;
	v9 =	vmul.f32 v9, v6  }
0x233: {  	v11 =	vld [tilespmem:s18+$0x120];
	v13 =	vmul.f32 v13, v4;
	[tilespmem:s18+$0xC0] =	vst v5  }
0x234: {  	s13 =	simm.s32 $0x9;
	v5 =	vmul.f32 v8, v6;
	v8 =	vld [tilespmem:s18+$0x130];
	[tilespmem:s18+$0xD0] =	vst v9;
	v6 =	vmul.f32 v7, v6  }
0x235: {  	s14 =	simm.s32 $0x8;
	v14 =	vmov s13;
	v7 =	vld [tilespmem:s18+$0x140];
	[tilespmem:s18+$0x150] =	vst v13  }
0x236: {  	s10 =	simm.s32 $0xF;
	s13 =	simm.s32 $0xC;
	v9 =	vmov s14;
	v12 =	vmul.f32 v12, v4;
	[tilespmem:s18+$0xF0] =	vst v6;
	v6 =	vmul.f32 v10, v4;
	v10 =	vld [tilespmem:s18+$0x160]  }
0x237: {  	v16 =	vld [tilespmem:s18+$0x180];
	v17 =	vmov s13;
	s14 =	simm.s32 $0xA;
	[tilespmem:s18+$0xE0] =	vst v5;
	v9 =	vand.u32 $0xFFFFFFF8, v9;
	v5 =	vmov s10;
	s10 =	simm.s32 $0xB  }
0x238: {  	v19 =	vld [tilespmem:s18+$0x190];
	v15 =	vmov s14;
	s14 =	simm.s32 $0xD;
	[tilespmem:s18+$0x100] =	vst v12;
	v12 =	vmov s10;
	v11 =	vmul.f32 v11, v4  }
0x239: {  	v63 =	vmov s14;
	[tilespmem:s18+$0x110] =	vst v6;
	v18 =	vmul.f32 v8, v4;
	v6 =	vbroadcast v9, $0x0;
	v8 =	vld [tilespmem:s18+$0x1A0]  }
0x23a: {  	v9 =	vld [tilespmem:s18+$0x1B0];
	[tilespmem:s18+$0x120] =	vst v11;
	v11 =	vmul.f32 v7, v4;
	v7 =	vand.u32 $0xFFFFFFF9, v14;
	v14 =	vand.u32 $0xFFFFFFFA, v15  }
0x23b: {  	v15 =	vand.u32 $0xFFFFFFFB, v12;
	[tilespmem:s18+$0x130] =	vst v18;
	v7 =	vbroadcast v7, $0x0;
	v18 =	vmul.f32 v10, v4;
	v10 =	vld [tilespmem:s18+$0x1C0]  }
0x23c: {  	v12 =	vbroadcast v14, $0x0;
	[tilespmem:s18+$0x140] =	vst v11;
	v4 =	vand.u32 $0xFFFFFFFC, v17;
	v17 =	vmul.f32 v16, v3;
	v11 =	vld [tilespmem:s18+$0x1D0]  }
0x23d: {  	s13 =	simm.s32 $0x10;
	v13 =	vld [tilespmem:s18+$0x1E0];
	s14 =	simm.s32 $0xE;
	v14 =	vbroadcast v15, $0x0;
	v15 =	vmul.f32 v19, v3;
	v16 =	vand.u32 $0xFFFFFFFD, v63;
	[tilespmem:s18+$0x160] =	vst v18  }
.LBB2_9:
0x23e: {  	p0 =	slt.u32 s13, $0x38;
	v4 =	vbroadcast v4, $0x0;
	v18 =	vmov s14;
	[tilespmem:s18+$0x180] =	vst v17;
	v8 =	vmul.f32 v8, v3;
	v17 =	vld [tilespmem:s18+$0x1F0]  }
0x23f: {  	v16 =	vbroadcast v16, $0x0;
	v18 =	vand.u32 $0xFFFFFFFE, v18;
	v19 =	vld.idx.msk [tilespmem:v5+s6+$0x0], $0xffff;
	[tilespmem:s18+$0x190] =	vst v15;
	v5 =	vmul.f32 v9, v3  }
0x240: {  	v9 =	vld.idx.msk [tilespmem:v6+s6+$0x0], $0xffff;
	v15 =	vbroadcast v18, $0x0;
	[tilespmem:s18+$0x1A0] =	vst v8;
	v6 =	vmul.f32 v10, v3  }
0x241: {  	v8 =	vld.idx.msk [tilespmem:v7+s6+$0x0], $0xffff;
	[tilespmem:s18+$0x1B0] =	vst v5;
	v5 =	vmul.f32 v11, v3  }
0x242: {  	v10 =	vld.idx.msk [tilespmem:v12+s6+$0x0], $0xffff;
	[tilespmem:s18+$0x1C0] =	vst v6;
	v11 =	vmul.f32 v13, v3  }
0x243: {  	v7 =	vld.idx.msk [tilespmem:v14+s6+$0x0], $0xffff;
	[tilespmem:s18+$0x1D0] =	vst v5;
	v12 =	vmul.f32 v17, v3  }
0x244: {  	v6 =	vld.idx.msk [tilespmem:v4+s6+$0x0], $0xffff;
	[tilespmem:s18+$0x1E0] =	vst v11  }
0x245: {  	v3 =	vmov v19;
	v5 =	vld.idx.msk [tilespmem:v16+s6+$0x0], $0xffff;
	[tilespmem:s18+$0x1F0] =	vst v12  }
0x246: {  	s18 =	sadd.s32 $0x400, s18;
	v4 =	vld.idx.msk [tilespmem:v15+s6+$0x0], $0xffff  }
0x247: {  	v11 =	vld [tilespmem:s18+$0x170]  }
0x248: {  	v12 =	vld [tilespmem:s18+$0xFFFFFE00]  }
0x249: {  	v13 =	vld [tilespmem:s18+$0xFFFFFE10]  }
0x24a: {  	v14 =	vld [tilespmem:s18+$0xFFFFFE20]  }
0x24b: {  	v15 =	vld [tilespmem:s18+$0xFFFFFE30]  }
0x24c: {  	v16 =	vld [tilespmem:s18+$0xFFFFFE40];
	v11 =	vmul.f32 v11, v4  }
0x24d: {  	v12 =	vmul.f32 v12, v9;
	v17 =	vld [tilespmem:s18+$0xFFFFFE50]  }
0x24e: {  	v13 =	vmul.f32 v13, v9;
	v18 =	vld [tilespmem:s18+$0xFFFFFE60];
	[tilespmem:s18+$0x170] =	vst v11  }
0x24f: {  	[tilespmem:s18+$0xFFFFFE00] =	vst v12;
	v11 =	vmul.f32 v14, v9;
	v12 =	vld [tilespmem:s18+$0xFFFFFE70]  }
0x250: {  	[tilespmem:s18+$0xFFFFFE10] =	vst v13;
	v13 =	vmul.f32 v15, v9;
	v14 =	vld [tilespmem:s18+$0xFFFFFE80]  }
0x251: {  	[tilespmem:s18+$0xFFFFFE20] =	vst v11;
	v11 =	vmul.f32 v16, v9;
	v15 =	vld [tilespmem:s18+$0xFFFFFE90]  }
0x252: {  	[tilespmem:s18+$0xFFFFFE30] =	vst v13;
	v13 =	vmul.f32 v17, v9;
	v16 =	vld [tilespmem:s18+$0xFFFFFEA0]  }
0x253: {  	[tilespmem:s18+$0xFFFFFE40] =	vst v11;
	v11 =	vmul.f32 v18, v9;
	v17 =	vld [tilespmem:s18+$0xFFFFFEB0]  }
0x254: {  	[tilespmem:s18+$0xFFFFFE50] =	vst v13;
	v9 =	vmul.f32 v12, v9;
	v12 =	vld [tilespmem:s18+$0xFFFFFEC0]  }
0x255: {  	[tilespmem:s18+$0xFFFFFE60] =	vst v11;
	v11 =	vmul.f32 v14, v8;
	v13 =	vld [tilespmem:s18+$0xFFFFFED0]  }
0x256: {  	[tilespmem:s18+$0xFFFFFE70] =	vst v9;
	v9 =	vmul.f32 v15, v8;
	v14 =	vld [tilespmem:s18+$0xFFFFFEE0]  }
0x257: {  	[tilespmem:s18+$0xFFFFFE80] =	vst v11;
	v11 =	vmul.f32 v16, v8;
	v15 =	vld [tilespmem:s18+$0xFFFFFEF0]  }
0x258: {  	[tilespmem:s18+$0xFFFFFE90] =	vst v9;
	v9 =	vmul.f32 v17, v8;
	v16 =	vld [tilespmem:s18+$0xFFFFFF00]  }
0x259: {  	[tilespmem:s18+$0xFFFFFEA0] =	vst v11;
	v11 =	vmul.f32 v12, v8;
	v12 =	vld [tilespmem:s18+$0xFFFFFF10]  }
0x25a: {  	[tilespmem:s18+$0xFFFFFEB0] =	vst v9;
	v9 =	vmul.f32 v13, v8;
	v13 =	vld [tilespmem:s18+$0xFFFFFF20]  }
0x25b: {  	[tilespmem:s18+$0xFFFFFEC0] =	vst v11;
	v11 =	vmul.f32 v14, v8;
	v14 =	vld [tilespmem:s18+$0xFFFFFF30]  }
0x25c: {  	[tilespmem:s18+$0xFFFFFED0] =	vst v9;
	v8 =	vmul.f32 v15, v8;
	v9 =	vld [tilespmem:s18+$0xFFFFFF40]  }
0x25d: {  	[tilespmem:s18+$0xFFFFFEE0] =	vst v11;
	v11 =	vmul.f32 v16, v10;
	v15 =	vld [tilespmem:s18+$0xFFFFFF50]  }
0x25e: {  	[tilespmem:s18+$0xFFFFFEF0] =	vst v8;
	v8 =	vmul.f32 v12, v10;
	v12 =	vld [tilespmem:s18+$0xFFFFFF60]  }
0x25f: {  	[tilespmem:s18+$0xFFFFFF00] =	vst v11;
	v11 =	vmul.f32 v13, v10;
	v13 =	vld [tilespmem:s18+$0xFFFFFF70]  }
0x260: {  	[tilespmem:s18+$0xFFFFFF10] =	vst v8;
	v8 =	vmul.f32 v14, v10;
	v14 =	vld [tilespmem:s18+$0xFFFFFF80]  }
0x261: {  	[tilespmem:s18+$0xFFFFFF20] =	vst v11;
	v9 =	vmul.f32 v9, v10;
	v11 =	vld [tilespmem:s18+$0xFFFFFF90]  }
0x262: {  	[tilespmem:s18+$0xFFFFFF30] =	vst v8;
	v8 =	vmul.f32 v15, v10;
	v15 =	vld [tilespmem:s18+$0xFFFFFFA0]  }
0x263: {  	[tilespmem:s18+$0xFFFFFF40] =	vst v9;
	v9 =	vmul.f32 v12, v10;
	v12 =	vld [tilespmem:s18+$0xFFFFFFB0]  }
0x264: {  	[tilespmem:s18+$0xFFFFFF50] =	vst v8;
	v8 =	vmul.f32 v13, v10;
	v10 =	vld [tilespmem:s18+$0xFFFFFFC0]  }
0x265: {  	[tilespmem:s18+$0xFFFFFF60] =	vst v9;
	v9 =	vmul.f32 v14, v7;
	v13 =	vld [tilespmem:s18+$0xFFFFFFD0]  }
0x266: {  	[tilespmem:s18+$0xFFFFFF70] =	vst v8;
	v8 =	vmul.f32 v11, v7;
	v11 =	vld [tilespmem:s18+$0xFFFFFFE0]  }
0x267: {  	[tilespmem:s18+$0xFFFFFF80] =	vst v9;
	v9 =	vmul.f32 v15, v7;
	v14 =	vld [tilespmem:s18+$0xFFFFFFF0]  }
0x268: {  	[tilespmem:s18+$0xFFFFFF90] =	vst v8;
	v8 =	vmul.f32 v12, v7;
	v12 =	vld [tilespmem:s18+$0x0]  }
0x269: {  	[tilespmem:s18+$0xFFFFFFA0] =	vst v9;
	v9 =	vmul.f32 v10, v7;
	v10 =	vld [tilespmem:s18+$0x10]  }
0x26a: {  	[tilespmem:s18+$0xFFFFFFB0] =	vst v8;
	v8 =	vmul.f32 v13, v7;
	v13 =	vld [tilespmem:s18+$0x20]  }
0x26b: {  	[tilespmem:s18+$0xFFFFFFC0] =	vst v9;
	v9 =	vmul.f32 v11, v7;
	v11 =	vld [tilespmem:s18+$0x30]  }
0x26c: {  	[tilespmem:s18+$0xFFFFFFD0] =	vst v8;
	v7 =	vmul.f32 v14, v7;
	v8 =	vld [tilespmem:s18+$0x40]  }
0x26d: {  	[tilespmem:s18+$0xFFFFFFE0] =	vst v9;
	v9 =	vmul.f32 v12, v6;
	v12 =	vld [tilespmem:s18+$0x50]  }
0x26e: {  	[tilespmem:s18+$0xFFFFFFF0] =	vst v7;
	v7 =	vmul.f32 v10, v6;
	v10 =	vld [tilespmem:s18+$0x60]  }
0x26f: {  	[tilespmem:s18+$0x0] =	vst v9;
	v9 =	vmul.f32 v13, v6;
	v13 =	vld [tilespmem:s18+$0x70]  }
0x270: {  	[tilespmem:s18+$0x10] =	vst v7;
	v7 =	vmul.f32 v11, v6;
	v11 =	vld [tilespmem:s18+$0x80]  }
0x271: {  	[tilespmem:s18+$0x20] =	vst v9;
	v8 =	vmul.f32 v8, v6;
	v9 =	vld [tilespmem:s18+$0x90]  }
0x272: {  	[tilespmem:s18+$0x30] =	vst v7;
	v7 =	vmul.f32 v12, v6;
	v12 =	vld [tilespmem:s18+$0xA0]  }
0x273: {  	[tilespmem:s18+$0x40] =	vst v8;
	v8 =	vmul.f32 v10, v6;
	v10 =	vld [tilespmem:s18+$0xB0]  }
0x274: {  	[tilespmem:s18+$0x50] =	vst v7;
	v6 =	vmul.f32 v13, v6;
	v7 =	vld [tilespmem:s18+$0xC0]  }
0x275: {  	[tilespmem:s18+$0x60] =	vst v8;
	v8 =	vmul.f32 v11, v5;
	v11 =	vld [tilespmem:s18+$0xD0]  }
0x276: {  	[tilespmem:s18+$0x70] =	vst v6;
	v6 =	vmul.f32 v9, v5;
	v9 =	vld [tilespmem:s18+$0xE0]  }
0x277: {  	[tilespmem:s18+$0x80] =	vst v8;
	v8 =	vmul.f32 v12, v5;
	v12 =	vld [tilespmem:s18+$0xF0]  }
0x278: {  	[tilespmem:s18+$0x90] =	vst v6;
	v6 =	vmul.f32 v10, v5;
	v10 =	vld [tilespmem:s18+$0x100]  }
0x279: {  	[tilespmem:s18+$0xA0] =	vst v8;
	v7 =	vmul.f32 v7, v5;
	v8 =	vld [tilespmem:s18+$0x110]  }
0x27a: {  	[tilespmem:s18+$0xB0] =	vst v6;
	v6 =	vmul.f32 v11, v5;
	v11 =	vld [tilespmem:s18+$0x120]  }
0x27b: {  	[tilespmem:s18+$0xC0] =	vst v7;
	v7 =	vmul.f32 v9, v5;
	v9 =	vld [tilespmem:s18+$0x130]  }
0x27c: {  	[tilespmem:s18+$0xD0] =	vst v6;
	v6 =	vmul.f32 v12, v5;
	v12 =	vld [tilespmem:s18+$0x140]  }
0x27d: {  	s3 =	sadd.s32 $0x7, s13;
	v5 =	vmov s13;
	[tilespmem:s18+$0xE0] =	vst v7;
	v7 =	vmul.f32 v10, v4;
	v10 =	vld [tilespmem:s18+$0x150]  }
0x27e: {  	s10 =	sadd.s32 $0x1, s13;
	s14 =	sadd.s32 $0x2, s13;
	v13 =	vand.u32 $0xFFFFFFF8, v5;
	v5 =	vmov s3;
	[tilespmem:s18+$0xF0] =	vst v6;
	v6 =	vmul.f32 v8, v4;
	v14 =	vld [tilespmem:s18+$0x160]  }
0x27f: {  	v16 =	vmov s14;
	v15 =	vmov s10;
	s10 =	sadd.s32 $0x4, s13;
	s3 =	sadd.s32 $0x3, s13;
	[tilespmem:s18+$0x100] =	vst v7;
	v7 =	vmul.f32 v11, v4;
	v11 =	vld [tilespmem:s18+$0x180]  }
0x280: {  	v18 =	vmov s10;
	v17 =	vmov s3;
	s3 =	sadd.s32 $0x5, s13;
	[tilespmem:s18+$0x110] =	vst v6;
	v9 =	vmul.f32 v9, v4;
	v19 =	vld [tilespmem:s18+$0x190]  }
.Ltmp3:
0x281: {  	v6 =	vbroadcast v13, $0x0;
	v13 =	vmov s3;
	[tilespmem:s18+$0x120] =	vst v7;
	v12 =	vmul.f32 v12, v4;
	v8 =	vld [tilespmem:s18+$0x1A0];
	(pc) =	sbr.rel @p0 .LBB2_9-.Ltmp3, $4  }
0x282: {  	v7 =	vand.u32 $0xFFFFFFF9, v15;
	v15 =	vand.u32 $0xFFFFFFFA, v16;
	[tilespmem:s18+$0x130] =	vst v9;
	v16 =	vmul.f32 v10, v4;
	v9 =	vld [tilespmem:s18+$0x1B0]  }
0x283: {  	v20 =	vand.u32 $0xFFFFFFFB, v17;
	v7 =	vbroadcast v7, $0x0;
	[tilespmem:s18+$0x140] =	vst v12;
	v21 =	vmul.f32 v14, v4;
	v10 =	vld [tilespmem:s18+$0x1C0]  }
0x284: {  	v12 =	vbroadcast v15, $0x0;
	v4 =	vand.u32 $0xFFFFFFFC, v18;
	[tilespmem:s18+$0x150] =	vst v16;
	v17 =	vmul.f32 v11, v3;
	v11 =	vld [tilespmem:s18+$0x1D0]  }
0x285: {  	s14 =	sadd.s32 $0x6, s13;
	s13 =	sadd.s32 $0x8, s13;
	v14 =	vbroadcast v20, $0x0;
	v16 =	vand.u32 $0xFFFFFFFD, v13;
	[tilespmem:s18+$0x160] =	vst v21;
	v15 =	vmul.f32 v19, v3;
	v13 =	vld [tilespmem:s18+$0x1E0]  }
0x286: {  	_ =	sdelay $0x2  }
0x287: {  	v18 =	vld [tilespmem:s18+$0x1F0]  }
0x288: {  	v59 =	vbroadcast v4, $0x0;
	v4 =	vld.idx.msk [tilespmem:v5+s6+$0x0], $0xffff  }
0x289: {  	v20 =	vld.idx.msk [tilespmem:v6+s6+$0x0], $0xffff  }
0x28a: {  	v62 =	vld.idx.msk [tilespmem:v7+s6+$0x0], $0xffff  }
0x28b: {  	v12 =	vld.idx.msk [tilespmem:v12+s6+$0x0], $0xffff  }
0x28c: {  	s13 =	sadd.s32 $0x400, s18;
	v14 =	vld.idx.msk [tilespmem:v14+s6+$0x0], $0xffff  }
0x28d: {  	v63 =	vld [tilespmem:s13+$0x170]  }
0x28e: {  	v22 =	vld [tilespmem:s13+$0xFFFFFE00]  }
0x28f: {  	[tilespmem:s18+$0x180] =	vst v17;
	v8 =	vmul.f32 v8, v3;
	v24 =	vld [tilespmem:s13+$0xFFFFFE10]  }
0x290: {  	[tilespmem:s18+$0x190] =	vst v15;
	v9 =	vmul.f32 v9, v3;
	v26 =	vld [tilespmem:s13+$0xFFFFFE20]  }
0x291: {  	v27 =	vld [tilespmem:s13+$0xFFFFFE30];
	[tilespmem:s18+$0x1A0] =	vst v8;
	v21 =	vmul.f32 v10, v3  }
0x292: {  	v28 =	vld [tilespmem:s13+$0xFFFFFE40];
	[tilespmem:s18+$0x1B0] =	vst v9;
	v23 =	vmul.f32 v11, v3  }
0x293: {  	v29 =	vld [tilespmem:s13+$0xFFFFFE50];
	[tilespmem:s18+$0x1C0] =	vst v21;
	v25 =	vmul.f32 v13, v3  }
0x294: {  	v30 =	vld [tilespmem:s13+$0xFFFFFE60];
	[tilespmem:s18+$0x1D0] =	vst v23;
	v3 =	vmul.f32 v18, v3  }
0x295: {  	v31 =	vld [tilespmem:s13+$0xFFFFFE70];
	[tilespmem:s18+$0x1E0] =	vst v25;
	v11 =	vmul.f32 v24, v20  }
0x296: {  	v32 =	vld [tilespmem:s13+$0xFFFFFE80];
	[tilespmem:s18+$0x1F0] =	vst v3;
	v3 =	vmul.f32 v22, v20  }
0x297: {  	v33 =	vld [tilespmem:s13+$0xFFFFFE90];
	v9 =	vmul.f32 v27, v20;
	[tilespmem:s13+$0xFFFFFE10] =	vst v11  }
0x298: {  	v35 =	vld [tilespmem:s13+$0xFFFFFEA0];
	[tilespmem:s13+$0xFFFFFE00] =	vst v3;
	v3 =	vmul.f32 v26, v20  }
0x299: {  	v36 =	vld [tilespmem:s13+$0xFFFFFEB0];
	v34 =	vmul.f32 v29, v20;
	[tilespmem:s13+$0xFFFFFE30] =	vst v9  }
0x29a: {  	v38 =	vld [tilespmem:s13+$0xFFFFFEC0];
	[tilespmem:s13+$0xFFFFFE20] =	vst v3;
	v3 =	vmul.f32 v28, v20  }
0x29b: {  	v39 =	vld [tilespmem:s13+$0xFFFFFED0];
	v37 =	vmul.f32 v31, v20;
	[tilespmem:s13+$0xFFFFFE50] =	vst v34  }
0x29c: {  	v40 =	vld [tilespmem:s13+$0xFFFFFEE0];
	[tilespmem:s13+$0xFFFFFE40] =	vst v3;
	v3 =	vmul.f32 v30, v20  }
0x29d: {  	v41 =	vld [tilespmem:s13+$0xFFFFFEF0];
	v8 =	vmul.f32 v33, v62;
	[tilespmem:s13+$0xFFFFFE70] =	vst v37  }
0x29e: {  	v43 =	vld [tilespmem:s13+$0xFFFFFF00];
	[tilespmem:s13+$0xFFFFFE60] =	vst v3;
	v3 =	vmul.f32 v32, v62  }
0x29f: {  	v44 =	vld [tilespmem:s13+$0xFFFFFF10];
	v42 =	vmul.f32 v36, v62;
	[tilespmem:s13+$0xFFFFFE90] =	vst v8  }
0x2a0: {  	v46 =	vld [tilespmem:s13+$0xFFFFFF20];
	[tilespmem:s13+$0xFFFFFE80] =	vst v3;
	v3 =	vmul.f32 v35, v62  }
0x2a1: {  	v47 =	vld [tilespmem:s13+$0xFFFFFF30];
	v45 =	vmul.f32 v39, v62;
	[tilespmem:s13+$0xFFFFFEB0] =	vst v42  }
0x2a2: {  	v49 =	vld [tilespmem:s13+$0xFFFFFF40];
	[tilespmem:s13+$0xFFFFFEA0] =	vst v3;
	v3 =	vmul.f32 v38, v62  }
0x2a3: {  	v50 =	vld [tilespmem:s13+$0xFFFFFF50];
	v48 =	vmul.f32 v41, v62;
	[tilespmem:s13+$0xFFFFFED0] =	vst v45  }
0x2a4: {  	v60 =	vmov s14;
	v52 =	vld [tilespmem:s13+$0xFFFFFF60];
	[tilespmem:s13+$0xFFFFFEC0] =	vst v3;
	v3 =	vmul.f32 v40, v62  }
0x2a5: {  	v19 =	vand.u32 $0xFFFFFFFE, v60;
	v53 =	vld [tilespmem:s13+$0xFFFFFF70];
	v51 =	vmul.f32 v44, v12;
	[tilespmem:s13+$0xFFFFFEF0] =	vst v48  }
0x2a6: {  	v55 =	vld [tilespmem:s13+$0xFFFFFF80];
	v61 =	vbroadcast v19, $0x0;
	[tilespmem:s13+$0xFFFFFEE0] =	vst v3;
	v3 =	vmul.f32 v43, v12  }
0x2a7: {  	v56 =	vld [tilespmem:s13+$0xFFFFFF90];
	v54 =	vmul.f32 v47, v12;
	[tilespmem:s13+$0xFFFFFF10] =	vst v51  }
0x2a8: {  	v16 =	vbroadcast v16, $0x0;
	v17 =	vld [tilespmem:s13+$0xFFFFFFF0];
	[tilespmem:s13+$0xFFFFFF00] =	vst v3;
	v3 =	vmul.f32 v46, v12  }
0x2a9: {  	v7 =	vld.idx.msk [tilespmem:v59+s6+$0x0], $0xffff;
	v57 =	vmul.f32 v50, v12;
	[tilespmem:s13+$0xFFFFFF30] =	vst v54  }
0x2aa: {  	v59 =	vld [tilespmem:s13+$0xFFFFFFB0];
	[tilespmem:s13+$0xFFFFFF20] =	vst v3;
	v3 =	vmul.f32 v49, v12  }
0x2ab: {  	v58 =	vld [tilespmem:s13+$0xFFFFFFA0];
	v60 =	vmul.f32 v53, v12;
	[tilespmem:s13+$0xFFFFFF50] =	vst v57  }
0x2ac: {  	v5 =	vld.idx.msk [tilespmem:v61+s6+$0x0], $0xffff;
	[tilespmem:s13+$0xFFFFFF40] =	vst v3;
	v3 =	vmul.f32 v52, v12  }
0x2ad: {  	v24 =	vmul.f32 v17, v14;
	v61 =	vld [tilespmem:s13+$0xFFFFFFC0];
	[tilespmem:s13+$0xFFFFFF70] =	vst v60  }
0x2ae: {  	v6 =	vld.idx.msk [tilespmem:v16+s6+$0x0], $0xffff;
	[tilespmem:s13+$0xFFFFFF60] =	vst v3;
	v3 =	vmul.f32 v55, v14  }
0x2af: {  	v16 =	vld [tilespmem:s13+$0xFFFFFFE0];
	[tilespmem:s13+$0xFFFFFFF0] =	vst v24;
	v18 =	vmul.f32 v59, v14  }
0x2b0: {  	v23 =	vld [tilespmem:s13+$0x30];
	[tilespmem:s13+$0xFFFFFF80] =	vst v3;
	v3 =	vmul.f32 v58, v14  }
0x2b1: {  	v19 =	vld [tilespmem:s13+$0x0];
	v15 =	vmul.f32 v63, v5;
	[tilespmem:s13+$0xFFFFFFB0] =	vst v18  }
0x2b2: {  	v37 =	vld [tilespmem:s13+$0xD0];
	[tilespmem:s13+$0xFFFFFFA0] =	vst v3;
	v3 =	vmul.f32 v61, v14  }
0x2b3: {  	v22 =	vld [tilespmem:s13+$0x20];
	v63 =	vmul.f32 v56, v14;
	[tilespmem:s13+$0x170] =	vst v15  }
0x2b4: {  	v26 =	vld [tilespmem:s13+$0x50];
	[tilespmem:s13+$0xFFFFFFC0] =	vst v3;
	v3 =	vmul.f32 v16, v14  }
0x2b5: {  	v25 =	vld [tilespmem:s13+$0x40];
	v30 =	vmul.f32 v23, v7;
	[tilespmem:s13+$0xFFFFFF90] =	vst v63  }
0x2b6: {  	v60 =	vld [tilespmem:s13+$0x1E0];
	[tilespmem:s13+$0xFFFFFFE0] =	vst v3;
	v3 =	vmul.f32 v19, v7  }
0x2b7: {  	v28 =	vld [tilespmem:s13+$0x60];
	v44 =	vmul.f32 v37, v6;
	[tilespmem:s13+$0x30] =	vst v30  }
0x2b8: {  	v20 =	vld [tilespmem:s13+$0x10];
	[tilespmem:s13+$0x0] =	vst v3;
	v3 =	vmul.f32 v22, v7  }
0x2b9: {  	v31 =	vld [tilespmem:s13+$0x80];
	v33 =	vmul.f32 v26, v7;
	[tilespmem:s13+$0xD0] =	vst v44  }
0x2ba: {  	v32 =	vld [tilespmem:s13+$0x90];
	[tilespmem:s13+$0x20] =	vst v3;
	v3 =	vmul.f32 v25, v7  }
0x2bb: {  	v34 =	vld [tilespmem:s13+$0xA0];
	v63 =	vmul.f32 v60, v4;
	[tilespmem:s13+$0x50] =	vst v33  }
0x2bc: {  	v35 =	vld [tilespmem:s13+$0xB0];
	[tilespmem:s13+$0x40] =	vst v3;
	v3 =	vmul.f32 v28, v7  }
0x2bd: {  	v36 =	vld [tilespmem:s13+$0xC0];
	[tilespmem:s13+$0x1E0] =	vst v63;
	v27 =	vmul.f32 v20, v7  }
0x2be: {  	v62 =	vld [tilespmem:s13+$0xFFFFFFD0];
	[tilespmem:s13+$0x60] =	vst v3;
	v3 =	vmul.f32 v31, v6  }
0x2bf: {  	v39 =	vld [tilespmem:s13+$0xE0];
	[tilespmem:s13+$0x10] =	vst v27;
	v38 =	vmul.f32 v32, v6  }
0x2c0: {  	v43 =	vld [tilespmem:s13+$0x110];
	[tilespmem:s13+$0x80] =	vst v3;
	v3 =	vmul.f32 v34, v6  }
0x2c1: {  	v42 =	vld [tilespmem:s13+$0x100];
	[tilespmem:s13+$0x90] =	vst v38;
	v41 =	vmul.f32 v35, v6  }
0x2c2: {  	v46 =	vld [tilespmem:s13+$0x130];
	[tilespmem:s13+$0xA0] =	vst v3;
	v3 =	vmul.f32 v36, v6  }
0x2c3: {  	v45 =	vld [tilespmem:s13+$0x120];
	[tilespmem:s13+$0xB0] =	vst v41;
	v21 =	vmul.f32 v62, v14  }
0x2c4: {  	v48 =	vld [tilespmem:s13+$0x150];
	[tilespmem:s13+$0xC0] =	vst v3;
	v3 =	vmul.f32 v39, v6  }
0x2c5: {  	v47 =	vld [tilespmem:s13+$0x140];
	[tilespmem:s13+$0xFFFFFFD0] =	vst v21;
	v49 =	vmul.f32 v43, v5  }
0x2c6: {  	v51 =	vld [tilespmem:s13+$0x180];
	[tilespmem:s13+$0xE0] =	vst v3;
	v3 =	vmul.f32 v42, v5  }
0x2c7: {  	v50 =	vld [tilespmem:s13+$0x160];
	[tilespmem:s13+$0x110] =	vst v49;
	v52 =	vmul.f32 v46, v5  }
0x2c8: {  	v54 =	vld [tilespmem:s13+$0x1A0];
	[tilespmem:s13+$0x100] =	vst v3;
	v3 =	vmul.f32 v45, v5  }
0x2c9: {  	v53 =	vld [tilespmem:s13+$0x190];
	v55 =	vmul.f32 v48, v5;
	[tilespmem:s13+$0x130] =	vst v52  }
0x2ca: {  	v29 =	vld [tilespmem:s13+$0x70];
	[tilespmem:s13+$0x120] =	vst v3;
	v3 =	vmul.f32 v47, v5  }
0x2cb: {  	v56 =	vld [tilespmem:s13+$0x1B0];
	[tilespmem:s13+$0x150] =	vst v55;
	v58 =	vmul.f32 v51, v4  }
0x2cc: {  	v40 =	vld [tilespmem:s13+$0xF0];
	[tilespmem:s13+$0x140] =	vst v3;
	v3 =	vmul.f32 v50, v5  }
0x2cd: {  	v59 =	vld [tilespmem:s13+$0x1D0];
	[tilespmem:s13+$0x180] =	vst v58;
	v61 =	vmul.f32 v54, v4  }
0x2ce: {  	v57 =	vld [tilespmem:s13+$0x1C0];
	[tilespmem:s13+$0x160] =	vst v3;
	v3 =	vmul.f32 v53, v4  }
0x2cf: {  	v62 =	vld [tilespmem:s13+$0x1F0];
	[tilespmem:s13+$0x1A0] =	vst v61;
	v7 =	vmul.f32 v29, v7  }
0x2d0: {  	[tilespmem:s13+$0x190] =	vst v3;
	v3 =	vmul.f32 v56, v4  }
0x2d1: {  	[tilespmem:s13+$0x70] =	vst v7;
	v6 =	vmul.f32 v40, v6  }
0x2d2: {  	[tilespmem:s13+$0x1B0] =	vst v3;
	v3 =	vmul.f32 v59, v4  }
0x2d3: {  	[tilespmem:s13+$0xF0] =	vst v6;
	v5 =	vmul.f32 v57, v4  }
0x2d4: {  	[tilespmem:s13+$0x1D0] =	vst v3;
	v3 =	vmul.f32 v62, v4  }
0x2d5: {  	[tilespmem:s13+$0x1C0] =	vst v5  }
0x2d6: {  	s3 =	simm.s32 $0x7A00;
	[tilespmem:s13+$0x1F0] =	vst v3  }
0x2d7: {  	[spmem:s2] =	stream.indirect.scatter.add.f32 [tilespmem:s30], [sflag:$0x6], $0x80, s3, s28, $0xb8;
	[tilespmem:$0x1FC00] =	vst v63  }
0x2d8: {  	s3 =	sadd.s32 $0x3, s17  }
0x2d9: {  	p0 =	sge.u32 s3, s12  }
0x2da: {  	s3 =	sadd.s32 @!p0 s11, s3  }
0x2db: {  	s3 =	sshll.u32 @!p0 s3, $0x3  }
0x2dc: {  	s13 =	simm.s32 @!p0 $0x0;
	s14 =	simm.s32 @!p0 $0x7700;
	s10 =	sadd.s32 @!p0 s7, s3  }
0x2dd: {  	[tilespmem:s14], [sflag:$0x2] =	stream.linear.gather @!p0 [hbm4b:s10+s13], $0x40, $0x38;
	[tilespmem:$0x1FC00] =	vst v63  }
0x2de: {  	s10 =	sadd.s32 @!p0 s8, s3;
	s14 =	simm.s32 @!p0 $0x7800  }
0x2df: {  	[tilespmem:s14], [sflag:$0x2] =	stream.linear.gather @!p0 [hbm4b:s10+s13], $0x40, $0x38;
	[tilespmem:$0x1FC00] =	vst v63  }
0x2e0: {  	s16 =	sadd.s32 $0x1, s16;
	s3 =	sadd.s32 @!p0 s9, s3;
	s10 =	simm.s32 @!p0 $0x7900  }
0x2e1: {  	[tilespmem:s10], [sflag:$0x2] =	stream.linear.gather @!p0 [hbm4b:s3+s13], $0x40, $0x38;
	[tilespmem:$0x1FC00] =	vst v63  }
0x2e2: {  	p0 =	sne.s32 s16, s20  }
.Ltmp4:
0x2e3: {  	_ = 	snop;
	(pc) =	sbr.rel @p0 .LBB2_6-.Ltmp4, $1  }
0x2e4: {  	_ =	sdelay $0x3  }
0x2e5: {  	s3 =	simm.s32 $0x5  }
0x2e6: {  	_ =	swait.ge [sflag:s3], $0x2000  }
0x2e7: {  	[sflag:s3] =	ssyncset.done $0x0  }
0x2e8: {  	s18 =	simm.s32 $0x6;
	[sflag:s3] =	ssyncadd.s32 $0xFFFFE000  }
0x2e9: {  	_ =	swait.ge [sflag:s18], $0x2000  }
0x2ea: {  	[sflag:s18] =	ssyncset.done $0x0  }
0x2eb: {  	s14 =	simm.s32 $0x0;
	s10 =	rddreg [dreg:$0xe];
	[sflag:s18] =	ssyncadd.s32 $0xFFFFE000  }
0x2ec: {  	[hbm4b:s10+s14] =	stream.linear.scatter [tilespmem:s31], [sflag:$0x7], $0x2710, $0x38;
	[tilespmem:$0x1FC00] =	vst v63  }
0x2ed: {  	_ =	swait.ge [sflag:s21], $0x2710  }
0x2ee: {  	[sflag:s21] =	ssyncset.done $0x0  }
0x2ef: {  	[sflag:s21] =	ssyncadd.s32 $0xFFFFD8F0  }
0x2f0: {  	s13 =	stileid.u32;
	[bflag:$0x0] =	sbarrier.arrive $0xFFFF  }
0x2f1: {  	s3 =	sshll.u32 s13, $0x6;
	s16 =	rddreg [dreg:$0x7]  }
0x2f2: {  	s3 =	sor.u32 $0x1C07, s3;
	s13 =	rddreg [dreg:$0xf];
	s10 =	sshrl.u32 s16, $0x3  }
0x2f3: {  	[hbm:s13], [sflag:s3] =	dma.local [spmem:s10], $0x400  }
0x2f4: {  	_ =	swait.ge [sflag:s21], $0x400  }
0x2f5: {  	[sflag:s21] =	ssyncset.done $0x0;
	s17 =	rddreg [dreg:$0x1a]  }
0x2f6: {  	s18 =	rddreg [dreg:$0x10];
	[sflag:s21] =	ssyncadd.s32 $0xFFFFFC00;
	s15 =	sshrl.u32 s17, $0x3  }
0x2f7: {  	[hbm:s18], [sflag:s3] =	dma.local [spmem:s15], $0x400  }
0x2f8: {  	_ =	swait.ge [sflag:s21], $0x400  }
0x2f9: {  	[sflag:s21] =	ssyncset.done $0x0;
	s18 =	rddreg [dreg:$0x1b]  }
0x2fa: {  	s15 =	rddreg [dreg:$0x11];
	[sflag:s21] =	ssyncadd.s32 $0xFFFFFC00;
	s13 =	sshrl.u32 s18, $0x3  }
0x2fb: {  	[hbm:s15], [sflag:s3] =	dma.local [spmem:s13], $0x400  }
0x2fc: {  	_ =	swait.ge [sflag:s21], $0x400  }
0x2fd: {  	[sflag:s21] =	ssyncset.done $0x0;
	s13 =	rddreg [dreg:$0x1c]  }
0x2fe: {  	s15 =	rddreg [dreg:$0x12];
	[sflag:s21] =	ssyncadd.s32 $0xFFFFFC00;
	s10 =	sshrl.u32 s13, $0x3  }
0x2ff: {  	[hbm:s15], [sflag:s3] =	dma.local [spmem:s10], $0x400  }
0x300: {  	_ =	swait.ge [sflag:s21], $0x400  }
0x301: {  	[sflag:s21] =	ssyncset.done $0x0;
	s13 =	rddreg [dreg:$0x1d]  }
0x302: {  	s15 =	rddreg [dreg:$0x13];
	[sflag:s21] =	ssyncadd.s32 $0xFFFFFC00;
	s10 =	sshrl.u32 s13, $0x3  }
0x303: {  	[hbm:s15], [sflag:s3] =	dma.local [spmem:s10], $0x400  }
0x304: {  	_ =	swait.ge [sflag:s21], $0x400  }
0x305: {  	[sflag:s21] =	ssyncset.done $0x0;
	s13 =	rddreg [dreg:$0x1e]  }
0x306: {  	s15 =	rddreg [dreg:$0x14];
	[sflag:s21] =	ssyncadd.s32 $0xFFFFFC00;
	s10 =	sshrl.u32 s13, $0x3  }
0x307: {  	[hbm:s15], [sflag:s3] =	dma.local [spmem:s10], $0x400  }
0x308: {  	_ =	swait.ge [sflag:s21], $0x400  }
0x309: {  	[sflag:s21] =	ssyncset.done $0x0;
	s13 =	rddreg [dreg:$0x1f]  }
0x30a: {  	s15 =	rddreg [dreg:$0x15];
	[sflag:s21] =	ssyncadd.s32 $0xFFFFFC00;
	s10 =	sshrl.u32 s13, $0x3  }
0x30b: {  	[hbm:s15], [sflag:s3] =	dma.local [spmem:s10], $0x400  }
0x30c: {  	_ =	swait.ge [sflag:s21], $0x400  }
0x30d: {  	s13 =	sld [smem:$0x7FB];
	_ =	sdelay $0x1  }
0x30e: {  	[sflag:s21] =	ssyncset.done $0x0  }
0x30f: {  	s15 =	rddreg [dreg:$0x16];
	[sflag:s21] =	ssyncadd.s32 $0xFFFFFC00;
	s10 =	sshrl.u32 s13, $0x3  }
0x310: {  	[hbm:s15], [sflag:s3] =	dma.local [spmem:s10], $0x400  }
0x311: {  	_ =	swait.ge [sflag:s21], $0x400  }
0x312: {  	s13 =	sld [smem:$0x7FC];
	_ =	sdelay $0x1  }
0x313: {  	[sflag:s21] =	ssyncset.done $0x0  }
0x314: {  	s15 =	rddreg [dreg:$0x17];
	[sflag:s21] =	ssyncadd.s32 $0xFFFFFC00;
	s10 =	sshrl.u32 s13, $0x3  }
0x315: {  	[hbm:s15], [sflag:s3] =	dma.local [spmem:s10], $0x400  }
0x316: {  	_ =	swait.ge [sflag:s21], $0x400  }
0x317: {  	s13 =	sld [smem:$0x7FD];
	_ =	sdelay $0x1  }
0x318: {  	[sflag:s21] =	ssyncset.done $0x0  }
0x319: {  	s15 =	rddreg [dreg:$0x18];
	[sflag:s21] =	ssyncadd.s32 $0xFFFFFC00;
	s10 =	sshrl.u32 s13, $0x3  }
0x31a: {  	[hbm:s15], [sflag:s3] =	dma.local [spmem:s10], $0x400  }
0x31b: {  	_ =	swait.ge [sflag:s21], $0x400  }
0x31c: {  	s13 =	sld [smem:$0x7FA];
	_ =	sdelay $0x2  }
0x31d: {  	s15 =	rddreg [dreg:$0x19];
	s10 =	sadd.s32 $0x1, s13  }
0x31e: {  	p0 =	sne.s32 s10, s15  }
.Ltmp5:
0x31f: {  	_ = 	snop;
	(pc) =	sbr.rel @p0 .LBB2_1-.Ltmp5, $3  }
0x320: {  	_ =	sdelay $0x1  }
0x321: {  	[sflag:s21] =	ssyncset.done $0x0  }
0x322: {  	[sflag:s21] =	ssyncadd.s32 $0xFFFFFC00  }
0x323: {  	_ =	sfence.sel $0x180000  }
0x324: {  	[bflag:$0x0] =	sbarrier.arrive $0xFFFF  }
0x325: {  	_ =	strace $0x90000047  }
0x326: {  	s0 =	stileid.u32;
	[bflag:$0x2] =	sbarrier.arrive $0xFFFF  }
0x327: {  	p0 =	sne.s32 s0, $0x0;
	s0 =	rddreg [dreg:$0x3]  }
0x328: {  	s0 =	sadd.s32 @!p0 $0x100000, s0  }
0x329: {  	[sflag:s0] =	ssyncadd.tile.s32 @!p0 $0x1;
	_ =	shalt  }
.Lfunc_end2:
_tile_overlayer_lowered:
.L_overlay_start_2:
0x32a: {  	(tag) =	ssettag $0x2  }
0x32b: {  	s0 =	rddreg [dreg:$0x0];
	s2 =	stileid.u32  }
0x32c: {  	s1 =	rddreg [dreg:$0x1];
	p0 =	sne.s32 s2, $0x0  }
0x32d: {  	s3 =	rddreg [dreg:$0x2];
	[bflag:$0x3] =	sbarrier.arrive $0xFFFF;
	s2 =	simm.s32 @!p0 $0x1C07  }
0x32e: {  	[timem:s3], [sflag:s2] =	dma.local @!p0 [hbm:s0], s1  }
0x32f: {  	s0 =	simm.s32 @!p0 $0x7  }
0x330: {  	_ =	swait.ge @!p0 [sflag:s0], s1  }
0x331: {  	s1 =	ssub.s32 @!p0 $0x0, s1;
	[sflag:s0] =	ssyncset.done @!p0 $0x0  }
0x332: {  	[sflag:s0] =	ssyncadd.s32 @!p0 s1  }
0x333: {  	[bflag:$0x3] =	sbarrier.arrive $0xFFFF  }
0x334: {  	_ =	shalt  }

</sc_bundles>
